<compile_context>
chip_gen: v7x
topology: tpu7x:2x2x1
jax: 0.10.2.dev20260603
libtpu: 0.0.44.dev20260713+nightly
codegen_flags: <defaults>
</compile_context>

<pallas_src>
import functools

import jax
import jax.numpy as jnp
from jax.experimental import pallas as pl
from jax.experimental.pallas import tpu as pltpu
from jax.experimental.pallas import tpu_sc as plsc

N, C, H, W = 16, 384, 32, 32
HW = H * W
CH = 192
K = HW // 4


def _score_body(x_ref, w1_ref, b1_ref, w2_ref, b2_ref, s_ref):
    X = x_ref[...]
    h = jnp.dot(w1_ref[...], X, preferred_element_type=jnp.float32)
    h = jnp.maximum(h + b1_ref[...], 0.0)
    s = jnp.dot(w2_ref[...], h, preferred_element_type=jnp.float32)
    s_ref[0] = s + b2_ref[...]


def _scores(fmr, W1, b1, W2, b2):
    return pl.pallas_call(
        _score_body,
        grid=(N,),
        in_specs=[
            pl.BlockSpec((C, HW), lambda n: (n, 0)),
            pl.BlockSpec((CH, C), lambda n: (0, 0)),
            pl.BlockSpec((CH, 1), lambda n: (0, 0)),
            pl.BlockSpec((1, CH), lambda n: (0, 0)),
            pl.BlockSpec((1, 1), lambda n: (0, 0)),
        ],
        out_specs=pl.BlockSpec((1, 1, HW), lambda n: (n, 0, 0)),
        out_shape=jax.ShapeDtypeStruct((N, 1, HW), jnp.float32),
    )(fmr, W1, b1.reshape(CH, 1), W2, b2.reshape(1, 1))


def _icumsum(x):
    sh = 1
    while sh < HW:
        x = x + jnp.concatenate(
            [jnp.zeros((x.shape[0], sh), x.dtype), x[:, :-sh]], axis=1)
        sh *= 2
    return x


_HI = jax.lax.Precision.HIGHEST


def _topk_body(p_ref, idx_ref):
    p = p_ref[...]
    b = jax.lax.bitcast_convert_type(p, jnp.int32)
    key = jnp.where(b >= 0, b, jnp.int32(-2147483648) - b)

    lo = jnp.min(key, axis=1, keepdims=True)
    hi = jnp.max(key, axis=1, keepdims=True)

    def bis(_, lh):
        lo, hi = lh
        mid = lo + ((hi - lo + 1) >> 1)
        cnt = jnp.sum((key >= mid).astype(jnp.int32), axis=1, keepdims=True)
        ok = cnt >= K
        return jnp.where(ok, mid, lo), jnp.where(ok, hi, mid - 1)

    lo, hi = jax.lax.fori_loop(0, 31, bis, (lo, hi))
    v = lo
    gt = key > v
    eq = key == v
    ngt = jnp.sum(gt.astype(jnp.int32), axis=1, keepdims=True)
    eqc = _icumsum(eq.astype(jnp.int32))
    sel = gt | (eq & (eqc <= (K - ngt)))
    pos = _icumsum(sel.astype(jnp.int32)) - 1

    riota = jax.lax.broadcasted_iota(jnp.int32, (K, HW), 0)
    iiota = jax.lax.broadcasted_iota(jnp.int32, (1, HW), 1).astype(jnp.float32)
    eyeK = (jax.lax.broadcasted_iota(jnp.int32, (K, K), 0) ==
            jax.lax.broadcasted_iota(jnp.int32, (K, K), 1)).astype(jnp.float32)
    piota = jax.lax.broadcasted_iota(jnp.int32, (1, K), 1)
    dn_t = (((0,), (0,)), ((), ()))

    for bi in range(N):
        pos_b = pos[bi:bi + 1]
        sel_b = sel[bi:bi + 1]
        p_b = p[bi:bi + 1]
        M = ((jnp.broadcast_to(pos_b, (K, HW)) == riota)
             & jnp.broadcast_to(sel_b, (K, HW)))
        prob_c = jnp.sum(jnp.where(M, jnp.broadcast_to(p_b, (K, HW)), 0.0),
                         axis=1, keepdims=True)
        idx_c = jnp.sum(jnp.where(M, jnp.broadcast_to(iiota, (K, HW)), 0.0),
                        axis=1, keepdims=True)
        prob_r = jax.lax.dot_general(prob_c, eyeK, dn_t, precision=_HI)
        idx_r = jax.lax.dot_general(idx_c, eyeK, dn_t, precision=_HI)
        Cm = ((prob_r > prob_c)
              | ((prob_r == prob_c) & (idx_r < idx_c)))
        rank = jnp.sum(Cm.astype(jnp.int32), axis=1, keepdims=True)
        E = (jnp.broadcast_to(rank, (K, K)) == piota).astype(jnp.float32)
        out_r = jax.lax.dot_general(idx_c, E, dn_t, precision=_HI)
        oi = out_r.astype(jnp.int32)
        r0 = (2 * (bi // 8)) * 8 + bi % 8
        idx_ref[r0:r0 + 1, :] = oi[:, :128]
        idx_ref[r0 + 8:r0 + 9, :] = oi[:, 128:]


def _topk(probs):
    return pl.pallas_call(
        _topk_body,
        out_shape=jax.ShapeDtypeStruct((2 * N, 128), jnp.int32),
    )(probs)


_NW = 32
_RPW = (N * C) // _NW
_RB = 32
_NBLK = _RPW // _RB


def _gather_body(fm_ref, idx_ref, out_ref, idxv, idxc,
                 rows0, rows1, outv0, outv1, si0, si1, so0, so1):
    cid = jax.lax.axis_index("c")
    sid = jax.lax.axis_index("s")
    wid = sid * 2 + cid
    n = wid // 2
    half = wid % 2
    base = n * C + half * (C // 2)
    pltpu.sync_copy(idx_ref, idxv)
    for t in range(K // 16):
        irow = (2 * (n // 8) + t // 8) * 8 + n % 8
        idxc[pl.ds(t * 16, 16)] = idxv[irow, pl.ds((t % 8) * 16, 16)]

    rows_b = (rows0, rows1)
    out_b = (outv0, outv1)
    isem = (si0, si1)
    osem = (so0, so1)

    def in_copy(b):
        g0 = base + b * _RB
        return pltpu.make_async_copy(
            fm_ref.at[pl.ds(g0, _RB), :], rows_b[b % 2], isem[b % 2])

    def out_copy(b):
        c0 = half * (C // 2) + b * _RB
        return pltpu.make_async_copy(
            out_b[b % 2], out_ref.at[n].at[pl.ds(c0, _RB), :], osem[b % 2])

    in_copy(0).start()
    for b in range(_NBLK):
        if b + 1 < _NBLK:
            in_copy(b + 1).start()
        in_copy(b).wait()
        if b >= 2:
            out_copy(b - 2).wait()
        rows = rows_b[b % 2]
        outv = out_b[b % 2]

        def row(r, _, rows=rows, outv=outv):
            for t in range(K // 16):
                i16 = idxc[pl.ds(t * 16, 16)]
                r16 = jnp.full((16,), r, jnp.int32)
                outv[r, pl.ds(t * 16, 16)] = plsc.load_gather(
                    rows, [r16, i16])
            return 0

        jax.lax.fori_loop(0, _RB, row, 0)
        out_copy(b).start()
    out_copy(_NBLK - 2).wait()
    out_copy(_NBLK - 1).wait()


@functools.partial(
    pl.kernel,
    mesh=plsc.VectorSubcoreMesh(core_axis_name="c", subcore_axis_name="s"),
    out_type=jax.ShapeDtypeStruct((N, C, K), jnp.float32),
    scratch_types=[
        pltpu.VMEM((2 * N, 128), jnp.int32),
        pltpu.VMEM((K,), jnp.int32),
        pltpu.VMEM((_RB, HW), jnp.float32),
        pltpu.VMEM((_RB, HW), jnp.float32),
        pltpu.VMEM((_RB, K), jnp.float32),
        pltpu.VMEM((_RB, K), jnp.float32),
        pltpu.SemaphoreType.DMA,
        pltpu.SemaphoreType.DMA,
        pltpu.SemaphoreType.DMA,
        pltpu.SemaphoreType.DMA,
    ],
    compiler_params=pltpu.CompilerParams(
        needs_layout_passes=False, use_tc_tiling_on_sc=True),
)
def _sc_gather(fm_ref, idx_ref, out_ref, idxv, idxc,
               rows0, rows1, outv0, outv1, si0, si1, so0, so1):
    _gather_body(fm_ref, idx_ref, out_ref, idxv, idxc,
                 rows0, rows1, outv0, outv1, si0, si1, so0, so1)


def kernel(feature_map, W1, b1, W2, b2):
    fmr = feature_map.reshape(N * C, HW)
    scores = _scores(fmr, W1, b1, W2, b2)
    probs = jax.nn.softplus(scores)
    idxp = _topk(probs.reshape(N, HW))
    out = _sc_gather(fmr, idxp)
    return out.reshape(N, C, K, 1)

# --- scband reference (transcript-rebuilt; emitter-appended) ---
"""Pipeline reference for scband-delf-77695958385296 (READ-ONLY COPY).

The authoritative reference and input builder live on the scoring server;
editing this copy changes nothing except your own understanding.
"""

import jax, jax.numpy as jnp
import numpy as np

REMAIN = 0.25

def setup_inputs(seed: int = 0) -> dict:
    key = jax.random.key(seed)
    k1, k2, k3 = jax.random.split(key, 3)
    feature_map = jax.random.normal(k1, (16, 384, 32, 32), dtype=jnp.float32)
    # conv1: 1x1 conv, in=384 out=192 -> weight [192, 384], bias [192]
    W1 = jax.random.normal(k2, (192, 384), dtype=jnp.float32) * 0.05
    b1 = jnp.zeros((192,), dtype=jnp.float32)
    # conv2: 1x1 conv, in=192 out=1 -> weight [1, 192], bias [1]
    W2 = jax.random.normal(k3, (1, 192), dtype=jnp.float32) * 0.05
    b2 = jnp.zeros((1,), dtype=jnp.float32)
    return {"feature_map": feature_map, "W1": W1, "b1": b1, "W2": W2, "b2": b2}

def reference(feature_map, W1, b1, W2, b2):
    # F.normalize(feature_map, p=2, dim=3) -- faithful (computed, unused downstream as in torch code)
    norm = jnp.sqrt(jnp.sum(feature_map * feature_map, axis=3, keepdims=True))
    attention_feature_map = feature_map / jnp.maximum(norm, 1e-12)
    # conv1 (1x1) + relu
    out = jnp.einsum('nchw,oc->nohw', feature_map, W1) + b1[None, :, None, None]
    out = jax.nn.relu(out)
    # conv2 (1x1)
    attention_score = jnp.einsum('nchw,oc->nohw', out, W2) + b2[None, :, None, None]
    attention_prob = jax.nn.softplus(attention_score)
    N, C1, H, W = attention_prob.shape
    attention_score_flatten = attention_prob.reshape(N, C1, H * W)
    k = int(H * W * REMAIN)
    values, indices = jax.lax.top_k(attention_score_flatten, k)
    Nf, Cf, Hf, Wf = feature_map.shape
    feature_map_flatten = feature_map.reshape(Nf, Cf, Hf * Wf)
    idx = jnp.broadcast_to(indices, (Nf, Cf, k))
    feature_map_filtered = jnp.take_along_axis(feature_map_flatten, idx, axis=2)[..., None]
    return feature_map_filtered

if __name__ == "__main__":
    import jax
    _d = setup_inputs()
    print(jax.jit(kernel)(*tuple(_d.values())))

</pallas_src>

<mosaic_0001>
#map = affine_map<(d0, d1) -> (0, 0)>
#map1 = affine_map<(d0, d1) -> (0, 0, 0)>
module attributes {stable_mosaic.version = 14 : i64} {
  func.func @_sc_gather(%arg0: i32, %arg1: i32, %arg2: memref<6144x1024xf32, #tpu.memory_space<hbm>>, %arg3: memref<32x128xi32, #tpu.memory_space<hbm>>, %arg4: memref<16x384x256xf32, #tpu.memory_space<hbm>>, %arg5: memref<32x128xi32, #tpu.memory_space<vmem>>, %arg6: memref<256xi32, #tpu.memory_space<vmem>>, %arg7: memref<32x1024xf32, #tpu.memory_space<vmem>>, %arg8: memref<32x1024xf32, #tpu.memory_space<vmem>>, %arg9: memref<32x256xf32, #tpu.memory_space<vmem>>, %arg10: memref<32x256xf32, #tpu.memory_space<vmem>>, %arg11: memref<!tpu.dma_semaphore, #tpu.memory_space<semaphore_mem>>, %arg12: memref<!tpu.dma_semaphore, #tpu.memory_space<semaphore_mem>>, %arg13: memref<!tpu.dma_semaphore, #tpu.memory_space<semaphore_mem>>, %arg14: memref<!tpu.dma_semaphore, #tpu.memory_space<semaphore_mem>>) attributes {dimension_semantics = [#tpu.dimension_semantics<core_parallel>, #tpu.dimension_semantics<subcore_parallel>], iteration_bounds = array<i64: 2, 16>, scalar_prefetch = 0 : i64, scratch_operands = 10 : i64, tpu.core_type = #tpu.core_type<sc_vector_subcore>, window_params = [{transform_indices = #map}, {transform_indices = #map}, {transform_indices = #map1}]} {
    %mul3A = arith.constant 2 : i32
    %mul3A_0 = arith.muli %arg1, %mul3A : i32
    %add3A = arith.addi %mul3A_0, %arg0 : i32
    %jit3A = arith.constant 2 : i32
    %div3A = arith.divsi %add3A, %jit3A : i32
    %sign3A = arith.constant 0 : i32
    %sign3A_1 = arith.cmpi sgt, %add3A, %sign3A : i32
    %sign3A_2 = arith.extui %sign3A_1 : i1 to i32
    %sign3A_3 = arith.constant 0 : i32
    %sign3A_4 = arith.cmpi slt, %add3A, %sign3A_3 : i32
    %sign3A_5 = arith.extui %sign3A_4 : i1 to i32
    %sign3A_6 = arith.subi %sign3A_2, %sign3A_5 : i32
    %sign3A_7 = arith.constant 0 : i32
    %sign3A_8 = arith.cmpi sgt, %jit3A, %sign3A_7 : i32
    %sign3A_9 = arith.extui %sign3A_8 : i1 to i32
    %sign3A_10 = arith.constant 0 : i32
    %sign3A_11 = arith.cmpi slt, %jit3A, %sign3A_10 : i32
    %sign3A_12 = arith.extui %sign3A_11 : i1 to i32
    %sign3A_13 = arith.subi %sign3A_9, %sign3A_12 : i32
    %ne3A = arith.cmpi ne, %sign3A_6, %sign3A_13 : i32
    %rem3A = arith.remsi %add3A, %jit3A : i32
    %ne3A_14 = arith.constant 0 : i32
    %ne3A_15 = arith.cmpi ne, %rem3A, %ne3A_14 : i32
    %and3A = arith.andi %ne3A, %ne3A_15 : i1
    %sub3A = arith.constant 1 : i32
    %sub3A_16 = arith.subi %div3A, %sub3A : i32
    %select_n3A = arith.select %and3A, %sub3A_16, %div3A : i32
    %jit3A_17 = arith.constant 2 : i32
    %eq3A = arith.constant 0 : i32
    %eq3A_18 = arith.cmpi eq, %jit3A_17, %eq3A : i32
    %jit3A_19 = arith.constant 1 : i32
    %select_n3A_20 = arith.select %eq3A_18, %jit3A_19, %jit3A_17 : i32
    %rem3A_21 = arith.remsi %add3A, %select_n3A_20 : i32
    %ne3A_22 = arith.constant 0 : i32
    %ne3A_23 = arith.cmpi ne, %rem3A_21, %ne3A_22 : i32
    %lt3A = arith.constant 0 : i32
    %lt3A_24 = arith.cmpi slt, %rem3A_21, %lt3A : i32
    %lt3A_25 = arith.constant 0 : i32
    %lt3A_26 = arith.cmpi slt, %select_n3A_20, %lt3A_25 : i32
    %ne3A_27 = arith.xori %lt3A_24, %lt3A_26 : i1
    %and3A_28 = arith.andi %ne3A_27, %ne3A_23 : i1
    %add3A_29 = arith.addi %rem3A_21, %select_n3A_20 : i32
    %select_n3A_30 = arith.select %and3A_28, %add3A_29, %rem3A_21 : i32
    %mul3A_31 = arith.constant 384 : i32
    %mul3A_32 = arith.muli %select_n3A, %mul3A_31 : i32
    %mul3A_33 = arith.constant 192 : i32
    %mul3A_34 = arith.muli %select_n3A_30, %mul3A_33 : i32
    %add3A_35 = arith.addi %mul3A_32, %mul3A_34 : i32
    "tpu.region"() ({
      %run_scoped3A = tpu.sem_alloc : memref<!tpu.dma_semaphore, #tpu.memory_space<semaphore_mem>>
      tpu.enqueue_dma source(%arg3 : memref<32x128xi32, #tpu.memory_space<hbm>>) target(%arg5 : memref<32x128xi32, #tpu.memory_space<vmem>>) target_semaphore(%run_scoped3A : memref<!tpu.dma_semaphore, #tpu.memory_space<semaphore_mem>>)
      tpu.wait_dma2 semaphore(%run_scoped3A : memref<!tpu.dma_semaphore, #tpu.memory_space<semaphore_mem>>) src(%arg3 : memref<32x128xi32, #tpu.memory_space<hbm>>) dst(%arg5 : memref<32x128xi32, #tpu.memory_space<vmem>>)
      tpu.yield
    }) : () -> ()
    %jit3A_36 = arith.constant 8 : i32
    %div3A_37 = arith.divsi %select_n3A, %jit3A_36 : i32
    %sign3A_38 = arith.constant 0 : i32
    %sign3A_39 = arith.cmpi sgt, %select_n3A, %sign3A_38 : i32
    %sign3A_40 = arith.extui %sign3A_39 : i1 to i32
    %sign3A_41 = arith.constant 0 : i32
    %sign3A_42 = arith.cmpi slt, %select_n3A, %sign3A_41 : i32
    %sign3A_43 = arith.extui %sign3A_42 : i1 to i32
    %sign3A_44 = arith.subi %sign3A_40, %sign3A_43 : i32
    %sign3A_45 = arith.constant 0 : i32
    %sign3A_46 = arith.cmpi sgt, %jit3A_36, %sign3A_45 : i32
    %sign3A_47 = arith.extui %sign3A_46 : i1 to i32
    %sign3A_48 = arith.constant 0 : i32
    %sign3A_49 = arith.cmpi slt, %jit3A_36, %sign3A_48 : i32
    %sign3A_50 = arith.extui %sign3A_49 : i1 to i32
    %sign3A_51 = arith.subi %sign3A_47, %sign3A_50 : i32
    %ne3A_52 = arith.cmpi ne, %sign3A_44, %sign3A_51 : i32
    %rem3A_53 = arith.remsi %select_n3A, %jit3A_36 : i32
    %ne3A_54 = arith.constant 0 : i32
    %ne3A_55 = arith.cmpi ne, %rem3A_53, %ne3A_54 : i32
    %and3A_56 = arith.andi %ne3A_52, %ne3A_55 : i1
    %sub3A_57 = arith.constant 1 : i32
    %sub3A_58 = arith.subi %div3A_37, %sub3A_57 : i32
    %select_n3A_59 = arith.select %and3A_56, %sub3A_58, %div3A_37 : i32
    %mul3A_60 = arith.constant 2 : i32
    %mul3A_61 = arith.muli %mul3A_60, %select_n3A_59 : i32
    %add3A_62 = arith.constant 0 : i32
    %add3A_63 = arith.addi %mul3A_61, %add3A_62 : i32
    %mul3A_64 = arith.constant 8 : i32
    %mul3A_65 = arith.muli %add3A_63, %mul3A_64 : i32
    %jit3A_66 = arith.constant 8 : i32
    %eq3A_67 = arith.constant 0 : i32
    %eq3A_68 = arith.cmpi eq, %jit3A_66, %eq3A_67 : i32
    %jit3A_69 = arith.constant 1 : i32
    %select_n3A_70 = arith.select %eq3A_68, %jit3A_69, %jit3A_66 : i32
    %rem3A_71 = arith.remsi %select_n3A, %select_n3A_70 : i32
    %ne3A_72 = arith.constant 0 : i32
    %ne3A_73 = arith.cmpi ne, %rem3A_71, %ne3A_72 : i32
    %lt3A_74 = arith.constant 0 : i32
    %lt3A_75 = arith.cmpi slt, %rem3A_71, %lt3A_74 : i32
    %lt3A_76 = arith.constant 0 : i32
    %lt3A_77 = arith.cmpi slt, %select_n3A_70, %lt3A_76 : i32
    %ne3A_78 = arith.xori %lt3A_75, %lt3A_77 : i1
    %and3A_79 = arith.andi %ne3A_78, %ne3A_73 : i1
    %add3A_80 = arith.addi %rem3A_71, %select_n3A_70 : i32
    %select_n3A_81 = arith.select %and3A_79, %add3A_80, %rem3A_71 : i32
    %add3A_82 = arith.addi %mul3A_65, %select_n3A_81 : i32
    %get3A = arith.index_cast %add3A_82 : i32 to index
    %get3A_83 = arith.constant 0 : index
    %get3A_84 = tpu.vector_load %arg5[%get3A, %get3A_83] {strides = array<i32>} : memref<32x128xi32, #tpu.memory_space<vmem>>, vector<16xi32>,
    %swap3A = arith.constant 0 : index
    %swap3A_85 = tpu.vector_load %arg6[%swap3A] {strides = array<i32>} : memref<256xi32, #tpu.memory_space<vmem>>, vector<16xi32>,
    tpu.vector_store %arg6[%swap3A], %get3A_84 {strides = array<i32>} : memref<256xi32, #tpu.memory_space<vmem>>, vector<16xi32>,
    %jit3A_86 = arith.constant 8 : i32
    %div3A_87 = arith.divsi %select_n3A, %jit3A_86 : i32
    %sign3A_88 = arith.constant 0 : i32
    %sign3A_89 = arith.cmpi sgt, %select_n3A, %sign3A_88 : i32
    %sign3A_90 = arith.extui %sign3A_89 : i1 to i32
    %sign3A_91 = arith.constant 0 : i32
    %sign3A_92 = arith.cmpi slt, %select_n3A, %sign3A_91 : i32
    %sign3A_93 = arith.extui %sign3A_92 : i1 to i32
    %sign3A_94 = arith.subi %sign3A_90, %sign3A_93 : i32
    %sign3A_95 = arith.constant 0 : i32
    %sign3A_96 = arith.cmpi sgt, %jit3A_86, %sign3A_95 : i32
    %sign3A_97 = arith.extui %sign3A_96 : i1 to i32
    %sign3A_98 = arith.constant 0 : i32
    %sign3A_99 = arith.cmpi slt, %jit3A_86, %sign3A_98 : i32
    %sign3A_100 = arith.extui %sign3A_99 : i1 to i32
    %sign3A_101 = arith.subi %sign3A_97, %sign3A_100 : i32
    %ne3A_102 = arith.cmpi ne, %sign3A_94, %sign3A_101 : i32
    %rem3A_103 = arith.remsi %select_n3A, %jit3A_86 : i32
    %ne3A_104 = arith.constant 0 : i32
    %ne3A_105 = arith.cmpi ne, %rem3A_103, %ne3A_104 : i32
    %and3A_106 = arith.andi %ne3A_102, %ne3A_105 : i1
    %sub3A_107 = arith.constant 1 : i32
    %sub3A_108 = arith.subi %div3A_87, %sub3A_107 : i32
    %select_n3A_109 = arith.select %and3A_106, %sub3A_108, %div3A_87 : i32
    %mul3A_110 = arith.constant 2 : i32
    %mul3A_111 = arith.muli %mul3A_110, %select_n3A_109 : i32
    %add3A_112 = arith.constant 0 : i32
    %add3A_113 = arith.addi %mul3A_111, %add3A_112 : i32
    %mul3A_114 = arith.constant 8 : i32
    %mul3A_115 = arith.muli %add3A_113, %mul3A_114 : i32
    %jit3A_116 = arith.constant 8 : i32
    %eq3A_117 = arith.constant 0 : i32
    %eq3A_118 = arith.cmpi eq, %jit3A_116, %eq3A_117 : i32
    %jit3A_119 = arith.constant 1 : i32
    %select_n3A_120 = arith.select %eq3A_118, %jit3A_119, %jit3A_116 : i32
    %rem3A_121 = arith.remsi %select_n3A, %select_n3A_120 : i32
    %ne3A_122 = arith.constant 0 : i32
    %ne3A_123 = arith.cmpi ne, %rem3A_121, %ne3A_122 : i32
    %lt3A_124 = arith.constant 0 : i32
    %lt3A_125 = arith.cmpi slt, %rem3A_121, %lt3A_124 : i32
    %lt3A_126 = arith.constant 0 : i32
    %lt3A_127 = arith.cmpi slt, %select_n3A_120, %lt3A_126 : i32
    %ne3A_128 = arith.xori %lt3A_125, %lt3A_127 : i1
    %and3A_129 = arith.andi %ne3A_128, %ne3A_123 : i1
    %add3A_130 = arith.addi %rem3A_121, %select_n3A_120 : i32
    %select_n3A_131 = arith.select %and3A_129, %add3A_130, %rem3A_121 : i32
    %add3A_132 = arith.addi %mul3A_115, %select_n3A_131 : i32
    %get3A_133 = arith.index_cast %add3A_132 : i32 to index
    %get3A_134 = arith.constant 16 : index
    %get3A_135 = tpu.vector_load %arg5[%get3A_133, %get3A_134] {strides = array<i32>} : memref<32x128xi32, #tpu.memory_space<vmem>>, vector<16xi32>,
    %swap3A_136 = arith.constant 16 : index
    %swap3A_137 = tpu.vector_load %arg6[%swap3A_136] {strides = array<i32>} : memref<256xi32, #tpu.memory_space<vmem>>, vector<16xi32>,
    tpu.vector_store %arg6[%swap3A_136], %get3A_135 {strides = array<i32>} : memref<256xi32, #tpu.memory_space<vmem>>, vector<16xi32>,
    %jit3A_138 = arith.constant 8 : i32
    %div3A_139 = arith.divsi %select_n3A, %jit3A_138 : i32
    %sign3A_140 = arith.constant 0 : i32
    %sign3A_141 = arith.cmpi sgt, %select_n3A, %sign3A_140 : i32
    %sign3A_142 = arith.extui %sign3A_141 : i1 to i32
    %sign3A_143 = arith.constant 0 : i32
    %sign3A_144 = arith.cmpi slt, %select_n3A, %sign3A_143 : i32
    %sign3A_145 = arith.extui %sign3A_144 : i1 to i32
    %sign3A_146 = arith.subi %sign3A_142, %sign3A_145 : i32
    %sign3A_147 = arith.constant 0 : i32
    %sign3A_148 = arith.cmpi sgt, %jit3A_138, %sign3A_147 : i32
    %sign3A_149 = arith.extui %sign3A_148 : i1 to i32
    %sign3A_150 = arith.constant 0 : i32
    %sign3A_151 = arith.cmpi slt, %jit3A_138, %sign3A_150 : i32
    %sign3A_152 = arith.extui %sign3A_151 : i1 to i32
    %sign3A_153 = arith.subi %sign3A_149, %sign3A_152 : i32
    %ne3A_154 = arith.cmpi ne, %sign3A_146, %sign3A_153 : i32
    %rem3A_155 = arith.remsi %select_n3A, %jit3A_138 : i32
    %ne3A_156 = arith.constant 0 : i32
    %ne3A_157 = arith.cmpi ne, %rem3A_155, %ne3A_156 : i32
    %and3A_158 = arith.andi %ne3A_154, %ne3A_157 : i1
    %sub3A_159 = arith.constant 1 : i32
    %sub3A_160 = arith.subi %div3A_139, %sub3A_159 : i32
    %select_n3A_161 = arith.select %and3A_158, %sub3A_160, %div3A_139 : i32
    %mul3A_162 = arith.constant 2 : i32
    %mul3A_163 = arith.muli %mul3A_162, %select_n3A_161 : i32
    %add3A_164 = arith.constant 0 : i32
    %add3A_165 = arith.addi %mul3A_163, %add3A_164 : i32
    %mul3A_166 = arith.constant 8 : i32
    %mul3A_167 = arith.muli %add3A_165, %mul3A_166 : i32
    %jit3A_168 = arith.constant 8 : i32
    %eq3A_169 = arith.constant 0 : i32
    %eq3A_170 = arith.cmpi eq, %jit3A_168, %eq3A_169 : i32
    %jit3A_171 = arith.constant 1 : i32
    %select_n3A_172 = arith.select %eq3A_170, %jit3A_171, %jit3A_168 : i32
    %rem3A_173 = arith.remsi %select_n3A, %select_n3A_172 : i32
    %ne3A_174 = arith.constant 0 : i32
    %ne3A_175 = arith.cmpi ne, %rem3A_173, %ne3A_174 : i32
    %lt3A_176 = arith.constant 0 : i32
    %lt3A_177 = arith.cmpi slt, %rem3A_173, %lt3A_176 : i32
    %lt3A_178 = arith.constant 0 : i32
    %lt3A_179 = arith.cmpi slt, %select_n3A_172, %lt3A_178 : i32
    %ne3A_180 = arith.xori %lt3A_177, %lt3A_179 : i1
    %and3A_181 = arith.andi %ne3A_180, %ne3A_175 : i1
    %add3A_182 = arith.addi %rem3A_173, %select_n3A_172 : i32
    %select_n3A_183 = arith.select %and3A_181, %add3A_182, %rem3A_173 : i32
    %add3A_184 = arith.addi %mul3A_167, %select_n3A_183 : i32
    %get3A_185 = arith.index_cast %add3A_184 : i32 to index
    %get3A_186 = arith.constant 32 : index
    %get3A_187 = tpu.vector_load %arg5[%get3A_185, %get3A_186] {strides = array<i32>} : memref<32x128xi32, #tpu.memory_space<vmem>>, vector<16xi32>,
    %swap3A_188 = arith.constant 32 : index
    %swap3A_189 = tpu.vector_load %arg6[%swap3A_188] {strides = array<i32>} : memref<256xi32, #tpu.memory_space<vmem>>, vector<16xi32>,
    tpu.vector_store %arg6[%swap3A_188], %get3A_187 {strides = array<i32>} : memref<256xi32, #tpu.memory_space<vmem>>, vector<16xi32>,
    %jit3A_190 = arith.constant 8 : i32
    %div3A_191 = arith.divsi %select_n3A, %jit3A_190 : i32
    %sign3A_192 = arith.constant 0 : i32
    %sign3A_193 = arith.cmpi sgt, %select_n3A, %sign3A_192 : i32
    %sign3A_194 = arith.extui %sign3A_193 : i1 to i32
    %sign3A_195 = arith.constant 0 : i32
    %sign3A_196 = arith.cmpi slt, %select_n3A, %sign3A_195 : i32
    %sign3A_197 = arith.extui %sign3A_196 : i1 to i32
    %sign3A_198 = arith.subi %sign3A_194, %sign3A_197 : i32
    %sign3A_199 = arith.constant 0 : i32
    %sign3A_200 = arith.cmpi sgt, %jit3A_190, %sign3A_199 : i32
    %sign3A_201 = arith.extui %sign3A_200 : i1 to i32
    %sign3A_202 = arith.constant 0 : i32
    %sign3A_203 = arith.cmpi slt, %jit3A_190, %sign3A_202 : i32
    %sign3A_204 = arith.extui %sign3A_203 : i1 to i32
    %sign3A_205 = arith.subi %sign3A_201, %sign3A_204 : i32
    %ne3A_206 = arith.cmpi ne, %sign3A_198, %sign3A_205 : i32
    %rem3A_207 = arith.remsi %select_n3A, %jit3A_190 : i32
    %ne3A_208 = arith.constant 0 : i32
    %ne3A_209 = arith.cmpi ne, %rem3A_207, %ne3A_208 : i32
    %and3A_210 = arith.andi %ne3A_206, %ne3A_209 : i1
    %sub3A_211 = arith.constant 1 : i32
    %sub3A_212 = arith.subi %div3A_191, %sub3A_211 : i32
    %select_n3A_213 = arith.select %and3A_210, %sub3A_212, %div3A_191 : i32
    %mul3A_214 = arith.constant 2 : i32
    %mul3A_215 = arith.muli %mul3A_214, %select_n3A_213 : i32
    %add3A_216 = arith.constant 0 : i32
    %add3A_217 = arith.addi %mul3A_215, %add3A_216 : i32
    %mul3A_218 = arith.constant 8 : i32
    %mul3A_219 = arith.muli %add3A_217, %mul3A_218 : i32
    %jit3A_220 = arith.constant 8 : i32
    %eq3A_221 = arith.constant 0 : i32
    %eq3A_222 = arith.cmpi eq, %jit3A_220, %eq3A_221 : i32
    %jit3A_223 = arith.constant 1 : i32
    %select_n3A_224 = arith.select %eq3A_222, %jit3A_223, %jit3A_220 : i32
    %rem3A_225 = arith.remsi %select_n3A, %select_n3A_224 : i32
    %ne3A_226 = arith.constant 0 : i32
    %ne3A_227 = arith.cmpi ne, %rem3A_225, %ne3A_226 : i32
    %lt3A_228 = arith.constant 0 : i32
    %lt3A_229 = arith.cmpi slt, %rem3A_225, %lt3A_228 : i32
    %lt3A_230 = arith.constant 0 : i32
    %lt3A_231 = arith.cmpi slt, %select_n3A_224, %lt3A_230 : i32
    %ne3A_232 = arith.xori %lt3A_229, %lt3A_231 : i1
    %and3A_233 = arith.andi %ne3A_232, %ne3A_227 : i1
    %add3A_234 = arith.addi %rem3A_225, %select_n3A_224 : i32
    %select_n3A_235 = arith.select %and3A_233, %add3A_234, %rem3A_225 : i32
    %add3A_236 = arith.addi %mul3A_219, %select_n3A_235 : i32
    %get3A_237 = arith.index_cast %add3A_236 : i32 to index
    %get3A_238 = arith.constant 48 : index
    %get3A_239 = tpu.vector_load %arg5[%get3A_237, %get3A_238] {strides = array<i32>} : memref<32x128xi32, #tpu.memory_space<vmem>>, vector<16xi32>,
    %swap3A_240 = arith.constant 48 : index
    %swap3A_241 = tpu.vector_load %arg6[%swap3A_240] {strides = array<i32>} : memref<256xi32, #tpu.memory_space<vmem>>, vector<16xi32>,
    tpu.vector_store %arg6[%swap3A_240], %get3A_239 {strides = array<i32>} : memref<256xi32, #tpu.memory_space<vmem>>, vector<16xi32>,
    %jit3A_242 = arith.constant 8 : i32
    %div3A_243 = arith.divsi %select_n3A, %jit3A_242 : i32
    %sign3A_244 = arith.constant 0 : i32
    %sign3A_245 = arith.cmpi sgt, %select_n3A, %sign3A_244 : i32
    %sign3A_246 = arith.extui %sign3A_245 : i1 to i32
    %sign3A_247 = arith.constant 0 : i32
    %sign3A_248 = arith.cmpi slt, %select_n3A, %sign3A_247 : i32
    %sign3A_249 = arith.extui %sign3A_248 : i1 to i32
    %sign3A_250 = arith.subi %sign3A_246, %sign3A_249 : i32
    %sign3A_251 = arith.constant 0 : i32
    %sign3A_252 = arith.cmpi sgt, %jit3A_242, %sign3A_251 : i32
    %sign3A_253 = arith.extui %sign3A_252 : i1 to i32
    %sign3A_254 = arith.constant 0 : i32
    %sign3A_255 = arith.cmpi slt, %jit3A_242, %sign3A_254 : i32
    %sign3A_256 = arith.extui %sign3A_255 : i1 to i32
    %sign3A_257 = arith.subi %sign3A_253, %sign3A_256 : i32
    %ne3A_258 = arith.cmpi ne, %sign3A_250, %sign3A_257 : i32
    %rem3A_259 = arith.remsi %select_n3A, %jit3A_242 : i32
    %ne3A_260 = arith.constant 0 : i32
    %ne3A_261 = arith.cmpi ne, %rem3A_259, %ne3A_260 : i32
    %and3A_262 = arith.andi %ne3A_258, %ne3A_261 : i1
    %sub3A_263 = arith.constant 1 : i32
    %sub3A_264 = arith.subi %div3A_243, %sub3A_263 : i32
    %select_n3A_265 = arith.select %and3A_262, %sub3A_264, %div3A_243 : i32
    %mul3A_266 = arith.constant 2 : i32
    %mul3A_267 = arith.muli %mul3A_266, %select_n3A_265 : i32
    %add3A_268 = arith.constant 0 : i32
    %add3A_269 = arith.addi %mul3A_267, %add3A_268 : i32
    %mul3A_270 = arith.constant 8 : i32
    %mul3A_271 = arith.muli %add3A_269, %mul3A_270 : i32
    %jit3A_272 = arith.constant 8 : i32
    %eq3A_273 = arith.constant 0 : i32
    %eq3A_274 = arith.cmpi eq, %jit3A_272, %eq3A_273 : i32
    %jit3A_275 = arith.constant 1 : i32
    %select_n3A_276 = arith.select %eq3A_274, %jit3A_275, %jit3A_272 : i32
    %rem3A_277 = arith.remsi %select_n3A, %select_n3A_276 : i32
    %ne3A_278 = arith.constant 0 : i32
    %ne3A_279 = arith.cmpi ne, %rem3A_277, %ne3A_278 : i32
    %lt3A_280 = arith.constant 0 : i32
    %lt3A_281 = arith.cmpi slt, %rem3A_277, %lt3A_280 : i32
    %lt3A_282 = arith.constant 0 : i32
    %lt3A_283 = arith.cmpi slt, %select_n3A_276, %lt3A_282 : i32
    %ne3A_284 = arith.xori %lt3A_281, %lt3A_283 : i1
    %and3A_285 = arith.andi %ne3A_284, %ne3A_279 : i1
    %add3A_286 = arith.addi %rem3A_277, %select_n3A_276 : i32
    %select_n3A_287 = arith.select %and3A_285, %add3A_286, %rem3A_277 : i32
    %add3A_288 = arith.addi %mul3A_271, %select_n3A_287 : i32
    %get3A_289 = arith.index_cast %add3A_288 : i32 to index
    %get3A_290 = arith.constant 64 : index
    %get3A_291 = tpu.vector_load %arg5[%get3A_289, %get3A_290] {strides = array<i32>} : memref<32x128xi32, #tpu.memory_space<vmem>>, vector<16xi32>,
    %swap3A_292 = arith.constant 64 : index
    %swap3A_293 = tpu.vector_load %arg6[%swap3A_292] {strides = array<i32>} : memref<256xi32, #tpu.memory_space<vmem>>, vector<16xi32>,
    tpu.vector_store %arg6[%swap3A_292], %get3A_291 {strides = array<i32>} : memref<256xi32, #tpu.memory_space<vmem>>, vector<16xi32>,
    %jit3A_294 = arith.constant 8 : i32
    %div3A_295 = arith.divsi %select_n3A, %jit3A_294 : i32
    %sign3A_296 = arith.constant 0 : i32
    %sign3A_297 = arith.cmpi sgt, %select_n3A, %sign3A_296 : i32
    %sign3A_298 = arith.extui %sign3A_297 : i1 to i32
    %sign3A_299 = arith.constant 0 : i32
    %sign3A_300 = arith.cmpi slt, %select_n3A, %sign3A_299 : i32
    %sign3A_301 = arith.extui %sign3A_300 : i1 to i32
    %sign3A_302 = arith.subi %sign3A_298, %sign3A_301 : i32
    %sign3A_303 = arith.constant 0 : i32
    %sign3A_304 = arith.cmpi sgt, %jit3A_294, %sign3A_303 : i32
    %sign3A_305 = arith.extui %sign3A_304 : i1 to i32
    %sign3A_306 = arith.constant 0 : i32
    %sign3A_307 = arith.cmpi slt, %jit3A_294, %sign3A_306 : i32
    %sign3A_308 = arith.extui %sign3A_307 : i1 to i32
    %sign3A_309 = arith.subi %sign3A_305, %sign3A_308 : i32
    %ne3A_310 = arith.cmpi ne, %sign3A_302, %sign3A_309 : i32
    %rem3A_311 = arith.remsi %select_n3A, %jit3A_294 : i32
    %ne3A_312 = arith.constant 0 : i32
    %ne3A_313 = arith.cmpi ne, %rem3A_311, %ne3A_312 : i32
    %and3A_314 = arith.andi %ne3A_310, %ne3A_313 : i1
    %sub3A_315 = arith.constant 1 : i32
    %sub3A_316 = arith.subi %div3A_295, %sub3A_315 : i32
    %select_n3A_317 = arith.select %and3A_314, %sub3A_316, %div3A_295 : i32
    %mul3A_318 = arith.constant 2 : i32
    %mul3A_319 = arith.muli %mul3A_318, %select_n3A_317 : i32
    %add3A_320 = arith.constant 0 : i32
    %add3A_321 = arith.addi %mul3A_319, %add3A_320 : i32
    %mul3A_322 = arith.constant 8 : i32
    %mul3A_323 = arith.muli %add3A_321, %mul3A_322 : i32
    %jit3A_324 = arith.constant 8 : i32
    %eq3A_325 = arith.constant 0 : i32
    %eq3A_326 = arith.cmpi eq, %jit3A_324, %eq3A_325 : i32
    %jit3A_327 = arith.constant 1 : i32
    %select_n3A_328 = arith.select %eq3A_326, %jit3A_327, %jit3A_324 : i32
    %rem3A_329 = arith.remsi %select_n3A, %select_n3A_328 : i32
    %ne3A_330 = arith.constant 0 : i32
    %ne3A_331 = arith.cmpi ne, %rem3A_329, %ne3A_330 : i32
    %lt3A_332 = arith.constant 0 : i32
    %lt3A_333 = arith.cmpi slt, %rem3A_329, %lt3A_332 : i32
    %lt3A_334 = arith.constant 0 : i32
    %lt3A_335 = arith.cmpi slt, %select_n3A_328, %lt3A_334 : i32
    %ne3A_336 = arith.xori %lt3A_333, %lt3A_335 : i1
    %and3A_337 = arith.andi %ne3A_336, %ne3A_331 : i1
    %add3A_338 = arith.addi %rem3A_329, %select_n3A_328 : i32
    %select_n3A_339 = arith.select %and3A_337, %add3A_338, %rem3A_329 : i32
    %add3A_340 = arith.addi %mul3A_323, %select_n3A_339 : i32
    %get3A_341 = arith.index_cast %add3A_340 : i32 to index
    %get3A_342 = arith.constant 80 : index
    %get3A_343 = tpu.vector_load %arg5[%get3A_341, %get3A_342] {strides = array<i32>} : memref<32x128xi32, #tpu.memory_space<vmem>>, vector<16xi32>,
    %swap3A_344 = arith.constant 80 : index
    %swap3A_345 = tpu.vector_load %arg6[%swap3A_344] {strides = array<i32>} : memref<256xi32, #tpu.memory_space<vmem>>, vector<16xi32>,
    tpu.vector_store %arg6[%swap3A_344], %get3A_343 {strides = array<i32>} : memref<256xi32, #tpu.memory_space<vmem>>, vector<16xi32>,
    %jit3A_346 = arith.constant 8 : i32
    %div3A_347 = arith.divsi %select_n3A, %jit3A_346 : i32
    %sign3A_348 = arith.constant 0 : i32
    %sign3A_349 = arith.cmpi sgt, %select_n3A, %sign3A_348 : i32
    %sign3A_350 = arith.extui %sign3A_349 : i1 to i32
    %sign3A_351 = arith.constant 0 : i32
    %sign3A_352 = arith.cmpi slt, %select_n3A, %sign3A_351 : i32
    %sign3A_353 = arith.extui %sign3A_352 : i1 to i32
    %sign3A_354 = arith.subi %sign3A_350, %sign3A_353 : i32
    %sign3A_355 = arith.constant 0 : i32
    %sign3A_356 = arith.cmpi sgt, %jit3A_346, %sign3A_355 : i32
    %sign3A_357 = arith.extui %sign3A_356 : i1 to i32
    %sign3A_358 = arith.constant 0 : i32
    %sign3A_359 = arith.cmpi slt, %jit3A_346, %sign3A_358 : i32
    %sign3A_360 = arith.extui %sign3A_359 : i1 to i32
    %sign3A_361 = arith.subi %sign3A_357, %sign3A_360 : i32
    %ne3A_362 = arith.cmpi ne, %sign3A_354, %sign3A_361 : i32
    %rem3A_363 = arith.remsi %select_n3A, %jit3A_346 : i32
    %ne3A_364 = arith.constant 0 : i32
    %ne3A_365 = arith.cmpi ne, %rem3A_363, %ne3A_364 : i32
    %and3A_366 = arith.andi %ne3A_362, %ne3A_365 : i1
    %sub3A_367 = arith.constant 1 : i32
    %sub3A_368 = arith.subi %div3A_347, %sub3A_367 : i32
    %select_n3A_369 = arith.select %and3A_366, %sub3A_368, %div3A_347 : i32
    %mul3A_370 = arith.constant 2 : i32
    %mul3A_371 = arith.muli %mul3A_370, %select_n3A_369 : i32
    %add3A_372 = arith.constant 0 : i32
    %add3A_373 = arith.addi %mul3A_371, %add3A_372 : i32
    %mul3A_374 = arith.constant 8 : i32
    %mul3A_375 = arith.muli %add3A_373, %mul3A_374 : i32
    %jit3A_376 = arith.constant 8 : i32
    %eq3A_377 = arith.constant 0 : i32
    %eq3A_378 = arith.cmpi eq, %jit3A_376, %eq3A_377 : i32
    %jit3A_379 = arith.constant 1 : i32
    %select_n3A_380 = arith.select %eq3A_378, %jit3A_379, %jit3A_376 : i32
    %rem3A_381 = arith.remsi %select_n3A, %select_n3A_380 : i32
    %ne3A_382 = arith.constant 0 : i32
    %ne3A_383 = arith.cmpi ne, %rem3A_381, %ne3A_382 : i32
    %lt3A_384 = arith.constant 0 : i32
    %lt3A_385 = arith.cmpi slt, %rem3A_381, %lt3A_384 : i32
    %lt3A_386 = arith.constant 0 : i32
    %lt3A_387 = arith.cmpi slt, %select_n3A_380, %lt3A_386 : i32
    %ne3A_388 = arith.xori %lt3A_385, %lt3A_387 : i1
    %and3A_389 = arith.andi %ne3A_388, %ne3A_383 : i1
    %add3A_390 = arith.addi %rem3A_381, %select_n3A_380 : i32
    %select_n3A_391 = arith.select %and3A_389, %add3A_390, %rem3A_381 : i32
    %add3A_392 = arith.addi %mul3A_375, %select_n3A_391 : i32
    %get3A_393 = arith.index_cast %add3A_392 : i32 to index
    %get3A_394 = arith.constant 96 : index
    %get3A_395 = tpu.vector_load %arg5[%get3A_393, %get3A_394] {strides = array<i32>} : memref<32x128xi32, #tpu.memory_space<vmem>>, vector<16xi32>,
    %swap3A_396 = arith.constant 96 : index
    %swap3A_397 = tpu.vector_load %arg6[%swap3A_396] {strides = array<i32>} : memref<256xi32, #tpu.memory_space<vmem>>, vector<16xi32>,
    tpu.vector_store %arg6[%swap3A_396], %get3A_395 {strides = array<i32>} : memref<256xi32, #tpu.memory_space<vmem>>, vector<16xi32>,
    %jit3A_398 = arith.constant 8 : i32
    %div3A_399 = arith.divsi %select_n3A, %jit3A_398 : i32
    %sign3A_400 = arith.constant 0 : i32
    %sign3A_401 = arith.cmpi sgt, %select_n3A, %sign3A_400 : i32
    %sign3A_402 = arith.extui %sign3A_401 : i1 to i32
    %sign3A_403 = arith.constant 0 : i32
    %sign3A_404 = arith.cmpi slt, %select_n3A, %sign3A_403 : i32
    %sign3A_405 = arith.extui %sign3A_404 : i1 to i32
    %sign3A_406 = arith.subi %sign3A_402, %sign3A_405 : i32
    %sign3A_407 = arith.constant 0 : i32
    %sign3A_408 = arith.cmpi sgt, %jit3A_398, %sign3A_407 : i32
    %sign3A_409 = arith.extui %sign3A_408 : i1 to i32
    %sign3A_410 = arith.constant 0 : i32
    %sign3A_411 = arith.cmpi slt, %jit3A_398, %sign3A_410 : i32
    %sign3A_412 = arith.extui %sign3A_411 : i1 to i32
    %sign3A_413 = arith.subi %sign3A_409, %sign3A_412 : i32
    %ne3A_414 = arith.cmpi ne, %sign3A_406, %sign3A_413 : i32
    %rem3A_415 = arith.remsi %select_n3A, %jit3A_398 : i32
    %ne3A_416 = arith.constant 0 : i32
    %ne3A_417 = arith.cmpi ne, %rem3A_415, %ne3A_416 : i32
    %and3A_418 = arith.andi %ne3A_414, %ne3A_417 : i1
    %sub3A_419 = arith.constant 1 : i32
    %sub3A_420 = arith.subi %div3A_399, %sub3A_419 : i32
    %select_n3A_421 = arith.select %and3A_418, %sub3A_420, %div3A_399 : i32
    %mul3A_422 = arith.constant 2 : i32
    %mul3A_423 = arith.muli %mul3A_422, %select_n3A_421 : i32
    %add3A_424 = arith.constant 0 : i32
    %add3A_425 = arith.addi %mul3A_423, %add3A_424 : i32
    %mul3A_426 = arith.constant 8 : i32
    %mul3A_427 = arith.muli %add3A_425, %mul3A_426 : i32
    %jit3A_428 = arith.constant 8 : i32
    %eq3A_429 = arith.constant 0 : i32
    %eq3A_430 = arith.cmpi eq, %jit3A_428, %eq3A_429 : i32
    %jit3A_431 = arith.constant 1 : i32
    %select_n3A_432 = arith.select %eq3A_430, %jit3A_431, %jit3A_428 : i32
    %rem3A_433 = arith.remsi %select_n3A, %select_n3A_432 : i32
    %ne3A_434 = arith.constant 0 : i32
    %ne3A_435 = arith.cmpi ne, %rem3A_433, %ne3A_434 : i32
    %lt3A_436 = arith.constant 0 : i32
    %lt3A_437 = arith.cmpi slt, %rem3A_433, %lt3A_436 : i32
    %lt3A_438 = arith.constant 0 : i32
    %lt3A_439 = arith.cmpi slt, %select_n3A_432, %lt3A_438 : i32
    %ne3A_440 = arith.xori %lt3A_437, %lt3A_439 : i1
    %and3A_441 = arith.andi %ne3A_440, %ne3A_435 : i1
    %add3A_442 = arith.addi %rem3A_433, %select_n3A_432 : i32
    %select_n3A_443 = arith.select %and3A_441, %add3A_442, %rem3A_433 : i32
    %add3A_444 = arith.addi %mul3A_427, %select_n3A_443 : i32
    %get3A_445 = arith.index_cast %add3A_444 : i32 to index
    %get3A_446 = arith.constant 112 : index
    %get3A_447 = tpu.vector_load %arg5[%get3A_445, %get3A_446] {strides = array<i32>} : memref<32x128xi32, #tpu.memory_space<vmem>>, vector<16xi32>,
    %swap3A_448 = arith.constant 112 : index
    %swap3A_449 = tpu.vector_load %arg6[%swap3A_448] {strides = array<i32>} : memref<256xi32, #tpu.memory_space<vmem>>, vector<16xi32>,
    tpu.vector_store %arg6[%swap3A_448], %get3A_447 {strides = array<i32>} : memref<256xi32, #tpu.memory_space<vmem>>, vector<16xi32>,
    %jit3A_450 = arith.constant 8 : i32
    %div3A_451 = arith.divsi %select_n3A, %jit3A_450 : i32
    %sign3A_452 = arith.constant 0 : i32
    %sign3A_453 = arith.cmpi sgt, %select_n3A, %sign3A_452 : i32
    %sign3A_454 = arith.extui %sign3A_453 : i1 to i32
    %sign3A_455 = arith.constant 0 : i32
    %sign3A_456 = arith.cmpi slt, %select_n3A, %sign3A_455 : i32
    %sign3A_457 = arith.extui %sign3A_456 : i1 to i32
    %sign3A_458 = arith.subi %sign3A_454, %sign3A_457 : i32
    %sign3A_459 = arith.constant 0 : i32
    %sign3A_460 = arith.cmpi sgt, %jit3A_450, %sign3A_459 : i32
    %sign3A_461 = arith.extui %sign3A_460 : i1 to i32
    %sign3A_462 = arith.constant 0 : i32
    %sign3A_463 = arith.cmpi slt, %jit3A_450, %sign3A_462 : i32
    %sign3A_464 = arith.extui %sign3A_463 : i1 to i32
    %sign3A_465 = arith.subi %sign3A_461, %sign3A_464 : i32
    %ne3A_466 = arith.cmpi ne, %sign3A_458, %sign3A_465 : i32
    %rem3A_467 = arith.remsi %select_n3A, %jit3A_450 : i32
    %ne3A_468 = arith.constant 0 : i32
    %ne3A_469 = arith.cmpi ne, %rem3A_467, %ne3A_468 : i32
    %and3A_470 = arith.andi %ne3A_466, %ne3A_469 : i1
    %sub3A_471 = arith.constant 1 : i32
    %sub3A_472 = arith.subi %div3A_451, %sub3A_471 : i32
    %select_n3A_473 = arith.select %and3A_470, %sub3A_472, %div3A_451 : i32
    %mul3A_474 = arith.constant 2 : i32
    %mul3A_475 = arith.muli %mul3A_474, %select_n3A_473 : i32
    %add3A_476 = arith.constant 1 : i32
    %add3A_477 = arith.addi %mul3A_475, %add3A_476 : i32
    %mul3A_478 = arith.constant 8 : i32
    %mul3A_479 = arith.muli %add3A_477, %mul3A_478 : i32
    %jit3A_480 = arith.constant 8 : i32
    %eq3A_481 = arith.constant 0 : i32
    %eq3A_482 = arith.cmpi eq, %jit3A_480, %eq3A_481 : i32
    %jit3A_483 = arith.constant 1 : i32
    %select_n3A_484 = arith.select %eq3A_482, %jit3A_483, %jit3A_480 : i32
    %rem3A_485 = arith.remsi %select_n3A, %select_n3A_484 : i32
    %ne3A_486 = arith.constant 0 : i32
    %ne3A_487 = arith.cmpi ne, %rem3A_485, %ne3A_486 : i32
    %lt3A_488 = arith.constant 0 : i32
    %lt3A_489 = arith.cmpi slt, %rem3A_485, %lt3A_488 : i32
    %lt3A_490 = arith.constant 0 : i32
    %lt3A_491 = arith.cmpi slt, %select_n3A_484, %lt3A_490 : i32
    %ne3A_492 = arith.xori %lt3A_489, %lt3A_491 : i1
    %and3A_493 = arith.andi %ne3A_492, %ne3A_487 : i1
    %add3A_494 = arith.addi %rem3A_485, %select_n3A_484 : i32
    %select_n3A_495 = arith.select %and3A_493, %add3A_494, %rem3A_485 : i32
    %add3A_496 = arith.addi %mul3A_479, %select_n3A_495 : i32
    %get3A_497 = arith.index_cast %add3A_496 : i32 to index
    %get3A_498 = arith.constant 0 : index
    %get3A_499 = tpu.vector_load %arg5[%get3A_497, %get3A_498] {strides = array<i32>} : memref<32x128xi32, #tpu.memory_space<vmem>>, vector<16xi32>,
    %swap3A_500 = arith.constant 128 : index
    %swap3A_501 = tpu.vector_load %arg6[%swap3A_500] {strides = array<i32>} : memref<256xi32, #tpu.memory_space<vmem>>, vector<16xi32>,
    tpu.vector_store %arg6[%swap3A_500], %get3A_499 {strides = array<i32>} : memref<256xi32, #tpu.memory_space<vmem>>, vector<16xi32>,
    %jit3A_502 = arith.constant 8 : i32
    %div3A_503 = arith.divsi %select_n3A, %jit3A_502 : i32
    %sign3A_504 = arith.constant 0 : i32
    %sign3A_505 = arith.cmpi sgt, %select_n3A, %sign3A_504 : i32
    %sign3A_506 = arith.extui %sign3A_505 : i1 to i32
    %sign3A_507 = arith.constant 0 : i32
    %sign3A_508 = arith.cmpi slt, %select_n3A, %sign3A_507 : i32
    %sign3A_509 = arith.extui %sign3A_508 : i1 to i32
    %sign3A_510 = arith.subi %sign3A_506, %sign3A_509 : i32
    %sign3A_511 = arith.constant 0 : i32
    %sign3A_512 = arith.cmpi sgt, %jit3A_502, %sign3A_511 : i32
    %sign3A_513 = arith.extui %sign3A_512 : i1 to i32
    %sign3A_514 = arith.constant 0 : i32
    %sign3A_515 = arith.cmpi slt, %jit3A_502, %sign3A_514 : i32
    %sign3A_516 = arith.extui %sign3A_515 : i1 to i32
    %sign3A_517 = arith.subi %sign3A_513, %sign3A_516 : i32
    %ne3A_518 = arith.cmpi ne, %sign3A_510, %sign3A_517 : i32
    %rem3A_519 = arith.remsi %select_n3A, %jit3A_502 : i32
    %ne3A_520 = arith.constant 0 : i32
    %ne3A_521 = arith.cmpi ne, %rem3A_519, %ne3A_520 : i32
    %and3A_522 = arith.andi %ne3A_518, %ne3A_521 : i1
    %sub3A_523 = arith.constant 1 : i32
    %sub3A_524 = arith.subi %div3A_503, %sub3A_523 : i32
    %select_n3A_525 = arith.select %and3A_522, %sub3A_524, %div3A_503 : i32
    %mul3A_526 = arith.constant 2 : i32
    %mul3A_527 = arith.muli %mul3A_526, %select_n3A_525 : i32
    %add3A_528 = arith.constant 1 : i32
    %add3A_529 = arith.addi %mul3A_527, %add3A_528 : i32
    %mul3A_530 = arith.constant 8 : i32
    %mul3A_531 = arith.muli %add3A_529, %mul3A_530 : i32
    %jit3A_532 = arith.constant 8 : i32
    %eq3A_533 = arith.constant 0 : i32
    %eq3A_534 = arith.cmpi eq, %jit3A_532, %eq3A_533 : i32
    %jit3A_535 = arith.constant 1 : i32
    %select_n3A_536 = arith.select %eq3A_534, %jit3A_535, %jit3A_532 : i32
    %rem3A_537 = arith.remsi %select_n3A, %select_n3A_536 : i32
    %ne3A_538 = arith.constant 0 : i32
    %ne3A_539 = arith.cmpi ne, %rem3A_537, %ne3A_538 : i32
    %lt3A_540 = arith.constant 0 : i32
    %lt3A_541 = arith.cmpi slt, %rem3A_537, %lt3A_540 : i32
    %lt3A_542 = arith.constant 0 : i32
    %lt3A_543 = arith.cmpi slt, %select_n3A_536, %lt3A_542 : i32
    %ne3A_544 = arith.xori %lt3A_541, %lt3A_543 : i1
    %and3A_545 = arith.andi %ne3A_544, %ne3A_539 : i1
    %add3A_546 = arith.addi %rem3A_537, %select_n3A_536 : i32
    %select_n3A_547 = arith.select %and3A_545, %add3A_546, %rem3A_537 : i32
    %add3A_548 = arith.addi %mul3A_531, %select_n3A_547 : i32
    %get3A_549 = arith.index_cast %add3A_548 : i32 to index
    %get3A_550 = arith.constant 16 : index
    %get3A_551 = tpu.vector_load %arg5[%get3A_549, %get3A_550] {strides = array<i32>} : memref<32x128xi32, #tpu.memory_space<vmem>>, vector<16xi32>,
    %swap3A_552 = arith.constant 144 : index
    %swap3A_553 = tpu.vector_load %arg6[%swap3A_552] {strides = array<i32>} : memref<256xi32, #tpu.memory_space<vmem>>, vector<16xi32>,
    tpu.vector_store %arg6[%swap3A_552], %get3A_551 {strides = array<i32>} : memref<256xi32, #tpu.memory_space<vmem>>, vector<16xi32>,
    %jit3A_554 = arith.constant 8 : i32
    %div3A_555 = arith.divsi %select_n3A, %jit3A_554 : i32
    %sign3A_556 = arith.constant 0 : i32
    %sign3A_557 = arith.cmpi sgt, %select_n3A, %sign3A_556 : i32
    %sign3A_558 = arith.extui %sign3A_557 : i1 to i32
    %sign3A_559 = arith.constant 0 : i32
    %sign3A_560 = arith.cmpi slt, %select_n3A, %sign3A_559 : i32
    %sign3A_561 = arith.extui %sign3A_560 : i1 to i32
    %sign3A_562 = arith.subi %sign3A_558, %sign3A_561 : i32
    %sign3A_563 = arith.constant 0 : i32
    %sign3A_564 = arith.cmpi sgt, %jit3A_554, %sign3A_563 : i32
    %sign3A_565 = arith.extui %sign3A_564 : i1 to i32
    %sign3A_566 = arith.constant 0 : i32
    %sign3A_567 = arith.cmpi slt, %jit3A_554, %sign3A_566 : i32
    %sign3A_568 = arith.extui %sign3A_567 : i1 to i32
    %sign3A_569 = arith.subi %sign3A_565, %sign3A_568 : i32
    %ne3A_570 = arith.cmpi ne, %sign3A_562, %sign3A_569 : i32
    %rem3A_571 = arith.remsi %select_n3A, %jit3A_554 : i32
    %ne3A_572 = arith.constant 0 : i32
    %ne3A_573 = arith.cmpi ne, %rem3A_571, %ne3A_572 : i32
    %and3A_574 = arith.andi %ne3A_570, %ne3A_573 : i1
    %sub3A_575 = arith.constant 1 : i32
    %sub3A_576 = arith.subi %div3A_555, %sub3A_575 : i32
    %select_n3A_577 = arith.select %and3A_574, %sub3A_576, %div3A_555 : i32
    %mul3A_578 = arith.constant 2 : i32
    %mul3A_579 = arith.muli %mul3A_578, %select_n3A_577 : i32
    %add3A_580 = arith.constant 1 : i32
    %add3A_581 = arith.addi %mul3A_579, %add3A_580 : i32
    %mul3A_582 = arith.constant 8 : i32
    %mul3A_583 = arith.muli %add3A_581, %mul3A_582 : i32
    %jit3A_584 = arith.constant 8 : i32
    %eq3A_585 = arith.constant 0 : i32
    %eq3A_586 = arith.cmpi eq, %jit3A_584, %eq3A_585 : i32
    %jit3A_587 = arith.constant 1 : i32
    %select_n3A_588 = arith.select %eq3A_586, %jit3A_587, %jit3A_584 : i32
    %rem3A_589 = arith.remsi %select_n3A, %select_n3A_588 : i32
    %ne3A_590 = arith.constant 0 : i32
    %ne3A_591 = arith.cmpi ne, %rem3A_589, %ne3A_590 : i32
    %lt3A_592 = arith.constant 0 : i32
    %lt3A_593 = arith.cmpi slt, %rem3A_589, %lt3A_592 : i32
    %lt3A_594 = arith.constant 0 : i32
    %lt3A_595 = arith.cmpi slt, %select_n3A_588, %lt3A_594 : i32
    %ne3A_596 = arith.xori %lt3A_593, %lt3A_595 : i1
    %and3A_597 = arith.andi %ne3A_596, %ne3A_591 : i1
    %add3A_598 = arith.addi %rem3A_589, %select_n3A_588 : i32
    %select_n3A_599 = arith.select %and3A_597, %add3A_598, %rem3A_589 : i32
    %add3A_600 = arith.addi %mul3A_583, %select_n3A_599 : i32
    %get3A_601 = arith.index_cast %add3A_600 : i32 to index
    %get3A_602 = arith.constant 32 : index
    %get3A_603 = tpu.vector_load %arg5[%get3A_601, %get3A_602] {strides = array<i32>} : memref<32x128xi32, #tpu.memory_space<vmem>>, vector<16xi32>,
    %swap3A_604 = arith.constant 160 : index
    %swap3A_605 = tpu.vector_load %arg6[%swap3A_604] {strides = array<i32>} : memref<256xi32, #tpu.memory_space<vmem>>, vector<16xi32>,
    tpu.vector_store %arg6[%swap3A_604], %get3A_603 {strides = array<i32>} : memref<256xi32, #tpu.memory_space<vmem>>, vector<16xi32>,
    %jit3A_606 = arith.constant 8 : i32
    %div3A_607 = arith.divsi %select_n3A, %jit3A_606 : i32
    %sign3A_608 = arith.constant 0 : i32
    %sign3A_609 = arith.cmpi sgt, %select_n3A, %sign3A_608 : i32
    %sign3A_610 = arith.extui %sign3A_609 : i1 to i32
    %sign3A_611 = arith.constant 0 : i32
    %sign3A_612 = arith.cmpi slt, %select_n3A, %sign3A_611 : i32
    %sign3A_613 = arith.extui %sign3A_612 : i1 to i32
    %sign3A_614 = arith.subi %sign3A_610, %sign3A_613 : i32
    %sign3A_615 = arith.constant 0 : i32
    %sign3A_616 = arith.cmpi sgt, %jit3A_606, %sign3A_615 : i32
    %sign3A_617 = arith.extui %sign3A_616 : i1 to i32
    %sign3A_618 = arith.constant 0 : i32
    %sign3A_619 = arith.cmpi slt, %jit3A_606, %sign3A_618 : i32
    %sign3A_620 = arith.extui %sign3A_619 : i1 to i32
    %sign3A_621 = arith.subi %sign3A_617, %sign3A_620 : i32
    %ne3A_622 = arith.cmpi ne, %sign3A_614, %sign3A_621 : i32
    %rem3A_623 = arith.remsi %select_n3A, %jit3A_606 : i32
    %ne3A_624 = arith.constant 0 : i32
    %ne3A_625 = arith.cmpi ne, %rem3A_623, %ne3A_624 : i32
    %and3A_626 = arith.andi %ne3A_622, %ne3A_625 : i1
    %sub3A_627 = arith.constant 1 : i32
    %sub3A_628 = arith.subi %div3A_607, %sub3A_627 : i32
    %select_n3A_629 = arith.select %and3A_626, %sub3A_628, %div3A_607 : i32
    %mul3A_630 = arith.constant 2 : i32
    %mul3A_631 = arith.muli %mul3A_630, %select_n3A_629 : i32
    %add3A_632 = arith.constant 1 : i32
    %add3A_633 = arith.addi %mul3A_631, %add3A_632 : i32
    %mul3A_634 = arith.constant 8 : i32
    %mul3A_635 = arith.muli %add3A_633, %mul3A_634 : i32
    %jit3A_636 = arith.constant 8 : i32
    %eq3A_637 = arith.constant 0 : i32
    %eq3A_638 = arith.cmpi eq, %jit3A_636, %eq3A_637 : i32
    %jit3A_639 = arith.constant 1 : i32
    %select_n3A_640 = arith.select %eq3A_638, %jit3A_639, %jit3A_636 : i32
    %rem3A_641 = arith.remsi %select_n3A, %select_n3A_640 : i32
    %ne3A_642 = arith.constant 0 : i32
    %ne3A_643 = arith.cmpi ne, %rem3A_641, %ne3A_642 : i32
    %lt3A_644 = arith.constant 0 : i32
    %lt3A_645 = arith.cmpi slt, %rem3A_641, %lt3A_644 : i32
    %lt3A_646 = arith.constant 0 : i32
    %lt3A_647 = arith.cmpi slt, %select_n3A_640, %lt3A_646 : i32
    %ne3A_648 = arith.xori %lt3A_645, %lt3A_647 : i1
    %and3A_649 = arith.andi %ne3A_648, %ne3A_643 : i1
    %add3A_650 = arith.addi %rem3A_641, %select_n3A_640 : i32
    %select_n3A_651 = arith.select %and3A_649, %add3A_650, %rem3A_641 : i32
    %add3A_652 = arith.addi %mul3A_635, %select_n3A_651 : i32
    %get3A_653 = arith.index_cast %add3A_652 : i32 to index
    %get3A_654 = arith.constant 48 : index
    %get3A_655 = tpu.vector_load %arg5[%get3A_653, %get3A_654] {strides = array<i32>} : memref<32x128xi32, #tpu.memory_space<vmem>>, vector<16xi32>,
    %swap3A_656 = arith.constant 176 : index
    %swap3A_657 = tpu.vector_load %arg6[%swap3A_656] {strides = array<i32>} : memref<256xi32, #tpu.memory_space<vmem>>, vector<16xi32>,
    tpu.vector_store %arg6[%swap3A_656], %get3A_655 {strides = array<i32>} : memref<256xi32, #tpu.memory_space<vmem>>, vector<16xi32>,
    %jit3A_658 = arith.constant 8 : i32
    %div3A_659 = arith.divsi %select_n3A, %jit3A_658 : i32
    %sign3A_660 = arith.constant 0 : i32
    %sign3A_661 = arith.cmpi sgt, %select_n3A, %sign3A_660 : i32
    %sign3A_662 = arith.extui %sign3A_661 : i1 to i32
    %sign3A_663 = arith.constant 0 : i32
    %sign3A_664 = arith.cmpi slt, %select_n3A, %sign3A_663 : i32
    %sign3A_665 = arith.extui %sign3A_664 : i1 to i32
    %sign3A_666 = arith.subi %sign3A_662, %sign3A_665 : i32
    %sign3A_667 = arith.constant 0 : i32
    %sign3A_668 = arith.cmpi sgt, %jit3A_658, %sign3A_667 : i32
    %sign3A_669 = arith.extui %sign3A_668 : i1 to i32
    %sign3A_670 = arith.constant 0 : i32
    %sign3A_671 = arith.cmpi slt, %jit3A_658, %sign3A_670 : i32
    %sign3A_672 = arith.extui %sign3A_671 : i1 to i32
    %sign3A_673 = arith.subi %sign3A_669, %sign3A_672 : i32
    %ne3A_674 = arith.cmpi ne, %sign3A_666, %sign3A_673 : i32
    %rem3A_675 = arith.remsi %select_n3A, %jit3A_658 : i32
    %ne3A_676 = arith.constant 0 : i32
    %ne3A_677 = arith.cmpi ne, %rem3A_675, %ne3A_676 : i32
    %and3A_678 = arith.andi %ne3A_674, %ne3A_677 : i1
    %sub3A_679 = arith.constant 1 : i32
    %sub3A_680 = arith.subi %div3A_659, %sub3A_679 : i32
    %select_n3A_681 = arith.select %and3A_678, %sub3A_680, %div3A_659 : i32
    %mul3A_682 = arith.constant 2 : i32
    %mul3A_683 = arith.muli %mul3A_682, %select_n3A_681 : i32
    %add3A_684 = arith.constant 1 : i32
    %add3A_685 = arith.addi %mul3A_683, %add3A_684 : i32
    %mul3A_686 = arith.constant 8 : i32
    %mul3A_687 = arith.muli %add3A_685, %mul3A_686 : i32
    %jit3A_688 = arith.constant 8 : i32
    %eq3A_689 = arith.constant 0 : i32
    %eq3A_690 = arith.cmpi eq, %jit3A_688, %eq3A_689 : i32
    %jit3A_691 = arith.constant 1 : i32
    %select_n3A_692 = arith.select %eq3A_690, %jit3A_691, %jit3A_688 : i32
    %rem3A_693 = arith.remsi %select_n3A, %select_n3A_692 : i32
    %ne3A_694 = arith.constant 0 : i32
    %ne3A_695 = arith.cmpi ne, %rem3A_693, %ne3A_694 : i32
    %lt3A_696 = arith.constant 0 : i32
    %lt3A_697 = arith.cmpi slt, %rem3A_693, %lt3A_696 : i32
    %lt3A_698 = arith.constant 0 : i32
    %lt3A_699 = arith.cmpi slt, %select_n3A_692, %lt3A_698 : i32
    %ne3A_700 = arith.xori %lt3A_697, %lt3A_699 : i1
    %and3A_701 = arith.andi %ne3A_700, %ne3A_695 : i1
    %add3A_702 = arith.addi %rem3A_693, %select_n3A_692 : i32
    %select_n3A_703 = arith.select %and3A_701, %add3A_702, %rem3A_693 : i32
    %add3A_704 = arith.addi %mul3A_687, %select_n3A_703 : i32
    %get3A_705 = arith.index_cast %add3A_704 : i32 to index
    %get3A_706 = arith.constant 64 : index
    %get3A_707 = tpu.vector_load %arg5[%get3A_705, %get3A_706] {strides = array<i32>} : memref<32x128xi32, #tpu.memory_space<vmem>>, vector<16xi32>,
    %swap3A_708 = arith.constant 192 : index
    %swap3A_709 = tpu.vector_load %arg6[%swap3A_708] {strides = array<i32>} : memref<256xi32, #tpu.memory_space<vmem>>, vector<16xi32>,
    tpu.vector_store %arg6[%swap3A_708], %get3A_707 {strides = array<i32>} : memref<256xi32, #tpu.memory_space<vmem>>, vector<16xi32>,
    %jit3A_710 = arith.constant 8 : i32
    %div3A_711 = arith.divsi %select_n3A, %jit3A_710 : i32
    %sign3A_712 = arith.constant 0 : i32
    %sign3A_713 = arith.cmpi sgt, %select_n3A, %sign3A_712 : i32
    %sign3A_714 = arith.extui %sign3A_713 : i1 to i32
    %sign3A_715 = arith.constant 0 : i32
    %sign3A_716 = arith.cmpi slt, %select_n3A, %sign3A_715 : i32
    %sign3A_717 = arith.extui %sign3A_716 : i1 to i32
    %sign3A_718 = arith.subi %sign3A_714, %sign3A_717 : i32
    %sign3A_719 = arith.constant 0 : i32
    %sign3A_720 = arith.cmpi sgt, %jit3A_710, %sign3A_719 : i32
    %sign3A_721 = arith.extui %sign3A_720 : i1 to i32
    %sign3A_722 = arith.constant 0 : i32
    %sign3A_723 = arith.cmpi slt, %jit3A_710, %sign3A_722 : i32
    %sign3A_724 = arith.extui %sign3A_723 : i1 to i32
    %sign3A_725 = arith.subi %sign3A_721, %sign3A_724 : i32
    %ne3A_726 = arith.cmpi ne, %sign3A_718, %sign3A_725 : i32
    %rem3A_727 = arith.remsi %select_n3A, %jit3A_710 : i32
    %ne3A_728 = arith.constant 0 : i32
    %ne3A_729 = arith.cmpi ne, %rem3A_727, %ne3A_728 : i32
    %and3A_730 = arith.andi %ne3A_726, %ne3A_729 : i1
    %sub3A_731 = arith.constant 1 : i32
    %sub3A_732 = arith.subi %div3A_711, %sub3A_731 : i32
    %select_n3A_733 = arith.select %and3A_730, %sub3A_732, %div3A_711 : i32
    %mul3A_734 = arith.constant 2 : i32
    %mul3A_735 = arith.muli %mul3A_734, %select_n3A_733 : i32
    %add3A_736 = arith.constant 1 : i32
    %add3A_737 = arith.addi %mul3A_735, %add3A_736 : i32
    %mul3A_738 = arith.constant 8 : i32
    %mul3A_739 = arith.muli %add3A_737, %mul3A_738 : i32
    %jit3A_740 = arith.constant 8 : i32
    %eq3A_741 = arith.constant 0 : i32
    %eq3A_742 = arith.cmpi eq, %jit3A_740, %eq3A_741 : i32
    %jit3A_743 = arith.constant 1 : i32
    %select_n3A_744 = arith.select %eq3A_742, %jit3A_743, %jit3A_740 : i32
    %rem3A_745 = arith.remsi %select_n3A, %select_n3A_744 : i32
    %ne3A_746 = arith.constant 0 : i32
    %ne3A_747 = arith.cmpi ne, %rem3A_745, %ne3A_746 : i32
    %lt3A_748 = arith.constant 0 : i32
    %lt3A_749 = arith.cmpi slt, %rem3A_745, %lt3A_748 : i32
    %lt3A_750 = arith.constant 0 : i32
    %lt3A_751 = arith.cmpi slt, %select_n3A_744, %lt3A_750 : i32
    %ne3A_752 = arith.xori %lt3A_749, %lt3A_751 : i1
    %and3A_753 = arith.andi %ne3A_752, %ne3A_747 : i1
    %add3A_754 = arith.addi %rem3A_745, %select_n3A_744 : i32
    %select_n3A_755 = arith.select %and3A_753, %add3A_754, %rem3A_745 : i32
    %add3A_756 = arith.addi %mul3A_739, %select_n3A_755 : i32
    %get3A_757 = arith.index_cast %add3A_756 : i32 to index
    %get3A_758 = arith.constant 80 : index
    %get3A_759 = tpu.vector_load %arg5[%get3A_757, %get3A_758] {strides = array<i32>} : memref<32x128xi32, #tpu.memory_space<vmem>>, vector<16xi32>,
    %swap3A_760 = arith.constant 208 : index
    %swap3A_761 = tpu.vector_load %arg6[%swap3A_760] {strides = array<i32>} : memref<256xi32, #tpu.memory_space<vmem>>, vector<16xi32>,
    tpu.vector_store %arg6[%swap3A_760], %get3A_759 {strides = array<i32>} : memref<256xi32, #tpu.memory_space<vmem>>, vector<16xi32>,
    %jit3A_762 = arith.constant 8 : i32
    %div3A_763 = arith.divsi %select_n3A, %jit3A_762 : i32
    %sign3A_764 = arith.constant 0 : i32
    %sign3A_765 = arith.cmpi sgt, %select_n3A, %sign3A_764 : i32
    %sign3A_766 = arith.extui %sign3A_765 : i1 to i32
    %sign3A_767 = arith.constant 0 : i32
    %sign3A_768 = arith.cmpi slt, %select_n3A, %sign3A_767 : i32
    %sign3A_769 = arith.extui %sign3A_768 : i1 to i32
    %sign3A_770 = arith.subi %sign3A_766, %sign3A_769 : i32
    %sign3A_771 = arith.constant 0 : i32
    %sign3A_772 = arith.cmpi sgt, %jit3A_762, %sign3A_771 : i32
    %sign3A_773 = arith.extui %sign3A_772 : i1 to i32
    %sign3A_774 = arith.constant 0 : i32
    %sign3A_775 = arith.cmpi slt, %jit3A_762, %sign3A_774 : i32
    %sign3A_776 = arith.extui %sign3A_775 : i1 to i32
    %sign3A_777 = arith.subi %sign3A_773, %sign3A_776 : i32
    %ne3A_778 = arith.cmpi ne, %sign3A_770, %sign3A_777 : i32
    %rem3A_779 = arith.remsi %select_n3A, %jit3A_762 : i32
    %ne3A_780 = arith.constant 0 : i32
    %ne3A_781 = arith.cmpi ne, %rem3A_779, %ne3A_780 : i32
    %and3A_782 = arith.andi %ne3A_778, %ne3A_781 : i1
    %sub3A_783 = arith.constant 1 : i32
    %sub3A_784 = arith.subi %div3A_763, %sub3A_783 : i32
    %select_n3A_785 = arith.select %and3A_782, %sub3A_784, %div3A_763 : i32
    %mul3A_786 = arith.constant 2 : i32
    %mul3A_787 = arith.muli %mul3A_786, %select_n3A_785 : i32
    %add3A_788 = arith.constant 1 : i32
    %add3A_789 = arith.addi %mul3A_787, %add3A_788 : i32
    %mul3A_790 = arith.constant 8 : i32
    %mul3A_791 = arith.muli %add3A_789, %mul3A_790 : i32
    %jit3A_792 = arith.constant 8 : i32
    %eq3A_793 = arith.constant 0 : i32
    %eq3A_794 = arith.cmpi eq, %jit3A_792, %eq3A_793 : i32
    %jit3A_795 = arith.constant 1 : i32
    %select_n3A_796 = arith.select %eq3A_794, %jit3A_795, %jit3A_792 : i32
    %rem3A_797 = arith.remsi %select_n3A, %select_n3A_796 : i32
    %ne3A_798 = arith.constant 0 : i32
    %ne3A_799 = arith.cmpi ne, %rem3A_797, %ne3A_798 : i32
    %lt3A_800 = arith.constant 0 : i32
    %lt3A_801 = arith.cmpi slt, %rem3A_797, %lt3A_800 : i32
    %lt3A_802 = arith.constant 0 : i32
    %lt3A_803 = arith.cmpi slt, %select_n3A_796, %lt3A_802 : i32
    %ne3A_804 = arith.xori %lt3A_801, %lt3A_803 : i1
    %and3A_805 = arith.andi %ne3A_804, %ne3A_799 : i1
    %add3A_806 = arith.addi %rem3A_797, %select_n3A_796 : i32
    %select_n3A_807 = arith.select %and3A_805, %add3A_806, %rem3A_797 : i32
    %add3A_808 = arith.addi %mul3A_791, %select_n3A_807 : i32
    %get3A_809 = arith.index_cast %add3A_808 : i32 to index
    %get3A_810 = arith.constant 96 : index
    %get3A_811 = tpu.vector_load %arg5[%get3A_809, %get3A_810] {strides = array<i32>} : memref<32x128xi32, #tpu.memory_space<vmem>>, vector<16xi32>,
    %swap3A_812 = arith.constant 224 : index
    %swap3A_813 = tpu.vector_load %arg6[%swap3A_812] {strides = array<i32>} : memref<256xi32, #tpu.memory_space<vmem>>, vector<16xi32>,
    tpu.vector_store %arg6[%swap3A_812], %get3A_811 {strides = array<i32>} : memref<256xi32, #tpu.memory_space<vmem>>, vector<16xi32>,
    %jit3A_814 = arith.constant 8 : i32
    %div3A_815 = arith.divsi %select_n3A, %jit3A_814 : i32
    %sign3A_816 = arith.constant 0 : i32
    %sign3A_817 = arith.cmpi sgt, %select_n3A, %sign3A_816 : i32
    %sign3A_818 = arith.extui %sign3A_817 : i1 to i32
    %sign3A_819 = arith.constant 0 : i32
    %sign3A_820 = arith.cmpi slt, %select_n3A, %sign3A_819 : i32
    %sign3A_821 = arith.extui %sign3A_820 : i1 to i32
    %sign3A_822 = arith.subi %sign3A_818, %sign3A_821 : i32
    %sign3A_823 = arith.constant 0 : i32
    %sign3A_824 = arith.cmpi sgt, %jit3A_814, %sign3A_823 : i32
    %sign3A_825 = arith.extui %sign3A_824 : i1 to i32
    %sign3A_826 = arith.constant 0 : i32
    %sign3A_827 = arith.cmpi slt, %jit3A_814, %sign3A_826 : i32
    %sign3A_828 = arith.extui %sign3A_827 : i1 to i32
    %sign3A_829 = arith.subi %sign3A_825, %sign3A_828 : i32
    %ne3A_830 = arith.cmpi ne, %sign3A_822, %sign3A_829 : i32
    %rem3A_831 = arith.remsi %select_n3A, %jit3A_814 : i32
    %ne3A_832 = arith.constant 0 : i32
    %ne3A_833 = arith.cmpi ne, %rem3A_831, %ne3A_832 : i32
    %and3A_834 = arith.andi %ne3A_830, %ne3A_833 : i1
    %sub3A_835 = arith.constant 1 : i32
    %sub3A_836 = arith.subi %div3A_815, %sub3A_835 : i32
    %select_n3A_837 = arith.select %and3A_834, %sub3A_836, %div3A_815 : i32
    %mul3A_838 = arith.constant 2 : i32
    %mul3A_839 = arith.muli %mul3A_838, %select_n3A_837 : i32
    %add3A_840 = arith.constant 1 : i32
    %add3A_841 = arith.addi %mul3A_839, %add3A_840 : i32
    %mul3A_842 = arith.constant 8 : i32
    %mul3A_843 = arith.muli %add3A_841, %mul3A_842 : i32
    %jit3A_844 = arith.constant 8 : i32
    %eq3A_845 = arith.constant 0 : i32
    %eq3A_846 = arith.cmpi eq, %jit3A_844, %eq3A_845 : i32
    %jit3A_847 = arith.constant 1 : i32
    %select_n3A_848 = arith.select %eq3A_846, %jit3A_847, %jit3A_844 : i32
    %rem3A_849 = arith.remsi %select_n3A, %select_n3A_848 : i32
    %ne3A_850 = arith.constant 0 : i32
    %ne3A_851 = arith.cmpi ne, %rem3A_849, %ne3A_850 : i32
    %lt3A_852 = arith.constant 0 : i32
    %lt3A_853 = arith.cmpi slt, %rem3A_849, %lt3A_852 : i32
    %lt3A_854 = arith.constant 0 : i32
    %lt3A_855 = arith.cmpi slt, %select_n3A_848, %lt3A_854 : i32
    %ne3A_856 = arith.xori %lt3A_853, %lt3A_855 : i1
    %and3A_857 = arith.andi %ne3A_856, %ne3A_851 : i1
    %add3A_858 = arith.addi %rem3A_849, %select_n3A_848 : i32
    %select_n3A_859 = arith.select %and3A_857, %add3A_858, %rem3A_849 : i32
    %add3A_860 = arith.addi %mul3A_843, %select_n3A_859 : i32
    %get3A_861 = arith.index_cast %add3A_860 : i32 to index
    %get3A_862 = arith.constant 112 : index
    %get3A_863 = tpu.vector_load %arg5[%get3A_861, %get3A_862] {strides = array<i32>} : memref<32x128xi32, #tpu.memory_space<vmem>>, vector<16xi32>,
    %swap3A_864 = arith.constant 240 : index
    %swap3A_865 = tpu.vector_load %arg6[%swap3A_864] {strides = array<i32>} : memref<256xi32, #tpu.memory_space<vmem>>, vector<16xi32>,
    tpu.vector_store %arg6[%swap3A_864], %get3A_863 {strides = array<i32>} : memref<256xi32, #tpu.memory_space<vmem>>, vector<16xi32>,
    %add3A_866 = arith.constant 0 : i32
    %add3A_867 = arith.addi %add3A_35, %add3A_866 : i32
    %dma_start3A = arith.constant 0 : i32
    %dma_start3A_868 = tpu.memref_slice %arg2[%add3A_867, %dma_start3A] : memref<6144x1024xf32, #tpu.memory_space<hbm>> -> memref<32x1024xf32, #tpu.memory_space<hbm>>
    %dma_start3A_869 = arith.constant 0 : i32
    %dma_start3A_870 = tpu.memref_slice %arg2[%add3A_867, %dma_start3A_869] : memref<6144x1024xf32, #tpu.memory_space<hbm>> -> memref<32x1024xf32, #tpu.memory_space<hbm>>
    tpu.enqueue_dma source(%dma_start3A_870 : memref<32x1024xf32, #tpu.memory_space<hbm>>) target(%arg7 : memref<32x1024xf32, #tpu.memory_space<vmem>>) target_semaphore(%arg11 : memref<!tpu.dma_semaphore, #tpu.memory_space<semaphore_mem>>)
    %add3A_871 = arith.constant 32 : i32
    %add3A_872 = arith.addi %add3A_35, %add3A_871 : i32
    %dma_start3A_873 = arith.constant 0 : i32
    %dma_start3A_874 = tpu.memref_slice %arg2[%add3A_872, %dma_start3A_873] : memref<6144x1024xf32, #tpu.memory_space<hbm>> -> memref<32x1024xf32, #tpu.memory_space<hbm>>
    %dma_start3A_875 = arith.constant 0 : i32
    %dma_start3A_876 = tpu.memref_slice %arg2[%add3A_872, %dma_start3A_875] : memref<6144x1024xf32, #tpu.memory_space<hbm>> -> memref<32x1024xf32, #tpu.memory_space<hbm>>
    tpu.enqueue_dma source(%dma_start3A_876 : memref<32x1024xf32, #tpu.memory_space<hbm>>) target(%arg8 : memref<32x1024xf32, #tpu.memory_space<vmem>>) target_semaphore(%arg12 : memref<!tpu.dma_semaphore, #tpu.memory_space<semaphore_mem>>)
    %add3A_877 = arith.constant 0 : i32
    %add3A_878 = arith.addi %add3A_35, %add3A_877 : i32
    %dma_wait3A = arith.constant 0 : i32
    %dma_wait3A_879 = tpu.memref_slice %arg2[%add3A_878, %dma_wait3A] : memref<6144x1024xf32, #tpu.memory_space<hbm>> -> memref<32x1024xf32, #tpu.memory_space<hbm>>
    %dma_wait3A_880 = arith.constant 0 : i32
    %dma_wait3A_881 = tpu.memref_slice %arg2[%add3A_878, %dma_wait3A_880] : memref<6144x1024xf32, #tpu.memory_space<hbm>> -> memref<32x1024xf32, #tpu.memory_space<hbm>>
    tpu.wait_dma2 semaphore(%arg11 : memref<!tpu.dma_semaphore, #tpu.memory_space<semaphore_mem>>) src(%dma_wait3A_881 : memref<32x1024xf32, #tpu.memory_space<hbm>>) dst(%arg7 : memref<32x1024xf32, #tpu.memory_space<vmem>>)
    %scan3A = arith.constant 0 : i32
    %scan3A_882 = arith.constant 0 : i32
    %scan3A_883 = arith.constant 32 : i32
    %scan3A_884 = arith.addi %scan3A_882, %scan3A_883 : i32
    %scan3A_885 = arith.constant 1 : i32
    %scan3A_886 = scf.for %scan3A_1169 = %scan3A_882 to %scan3A_884 step %scan3A_885 iter_args(%scan3A_1170 = %scan3A) -> (i32)  : i32 {
      %get3A_1171 = arith.constant 0 : index
      %get3A_1172 = tpu.vector_load %arg6[%get3A_1171] {strides = array<i32>} : memref<256xi32, #tpu.memory_space<vmem>>, vector<16xi32>,
      %broadcast_in_dim3A = vector.broadcast %scan3A_1169 : i32 to vector<16xi32>
      %gather3A = tpu.vector_load_idx %arg7[%broadcast_in_dim3A, %get3A_1172] : memref<32x1024xf32, #tpu.memory_space<vmem>>[vector<16xi32>, vector<16xi32>], vector<16xf32>,
      %swap3A_1173 = arith.index_cast %scan3A_1169 : i32 to index
      %swap3A_1174 = arith.constant 0 : index
      %swap3A_1175 = tpu.vector_load %arg9[%swap3A_1173, %swap3A_1174] {strides = array<i32>} : memref<32x256xf32, #tpu.memory_space<vmem>>, vector<16xf32>,
      tpu.vector_store %arg9[%swap3A_1173, %swap3A_1174], %gather3A {strides = array<i32>} : memref<32x256xf32, #tpu.memory_space<vmem>>, vector<16xf32>,
      %get3A_1176 = arith.constant 16 : index
      %get3A_1177 = tpu.vector_load %arg6[%get3A_1176] {strides = array<i32>} : memref<256xi32, #tpu.memory_space<vmem>>, vector<16xi32>,
      %broadcast_in_dim3A_1178 = vector.broadcast %scan3A_1169 : i32 to vector<16xi32>
      %gather3A_1179 = tpu.vector_load_idx %arg7[%broadcast_in_dim3A_1178, %get3A_1177] : memref<32x1024xf32, #tpu.memory_space<vmem>>[vector<16xi32>, vector<16xi32>], vector<16xf32>,
      %swap3A_1180 = arith.index_cast %scan3A_1169 : i32 to index
      %swap3A_1181 = arith.constant 16 : index
      %swap3A_1182 = tpu.vector_load %arg9[%swap3A_1180, %swap3A_1181] {strides = array<i32>} : memref<32x256xf32, #tpu.memory_space<vmem>>, vector<16xf32>,
      tpu.vector_store %arg9[%swap3A_1180, %swap3A_1181], %gather3A_1179 {strides = array<i32>} : memref<32x256xf32, #tpu.memory_space<vmem>>, vector<16xf32>,
      %get3A_1183 = arith.constant 32 : index
      %get3A_1184 = tpu.vector_load %arg6[%get3A_1183] {strides = array<i32>} : memref<256xi32, #tpu.memory_space<vmem>>, vector<16xi32>,
      %broadcast_in_dim3A_1185 = vector.broadcast %scan3A_1169 : i32 to vector<16xi32>
      %gather3A_1186 = tpu.vector_load_idx %arg7[%broadcast_in_dim3A_1185, %get3A_1184] : memref<32x1024xf32, #tpu.memory_space<vmem>>[vector<16xi32>, vector<16xi32>], vector<16xf32>,
      %swap3A_1187 = arith.index_cast %scan3A_1169 : i32 to index
      %swap3A_1188 = arith.constant 32 : index
      %swap3A_1189 = tpu.vector_load %arg9[%swap3A_1187, %swap3A_1188] {strides = array<i32>} : memref<32x256xf32, #tpu.memory_space<vmem>>, vector<16xf32>,
      tpu.vector_store %arg9[%swap3A_1187, %swap3A_1188], %gather3A_1186 {strides = array<i32>} : memref<32x256xf32, #tpu.memory_space<vmem>>, vector<16xf32>,
      %get3A_1190 = arith.constant 48 : index
      %get3A_1191 = tpu.vector_load %arg6[%get3A_1190] {strides = array<i32>} : memref<256xi32, #tpu.memory_space<vmem>>, vector<16xi32>,
      %broadcast_in_dim3A_1192 = vector.broadcast %scan3A_1169 : i32 to vector<16xi32>
      %gather3A_1193 = tpu.vector_load_idx %arg7[%broadcast_in_dim3A_1192, %get3A_1191] : memref<32x1024xf32, #tpu.memory_space<vmem>>[vector<16xi32>, vector<16xi32>], vector<16xf32>,
      %swap3A_1194 = arith.index_cast %scan3A_1169 : i32 to index
      %swap3A_1195 = arith.constant 48 : index
      %swap3A_1196 = tpu.vector_load %arg9[%swap3A_1194, %swap3A_1195] {strides = array<i32>} : memref<32x256xf32, #tpu.memory_space<vmem>>, vector<16xf32>,
      tpu.vector_store %arg9[%swap3A_1194, %swap3A_1195], %gather3A_1193 {strides = array<i32>} : memref<32x256xf32, #tpu.memory_space<vmem>>, vector<16xf32>,
      %get3A_1197 = arith.constant 64 : index
      %get3A_1198 = tpu.vector_load %arg6[%get3A_1197] {strides = array<i32>} : memref<256xi32, #tpu.memory_space<vmem>>, vector<16xi32>,
      %broadcast_in_dim3A_1199 = vector.broadcast %scan3A_1169 : i32 to vector<16xi32>
      %gather3A_1200 = tpu.vector_load_idx %arg7[%broadcast_in_dim3A_1199, %get3A_1198] : memref<32x1024xf32, #tpu.memory_space<vmem>>[vector<16xi32>, vector<16xi32>], vector<16xf32>,
      %swap3A_1201 = arith.index_cast %scan3A_1169 : i32 to index
      %swap3A_1202 = arith.constant 64 : index
      %swap3A_1203 = tpu.vector_load %arg9[%swap3A_1201, %swap3A_1202] {strides = array<i32>} : memref<32x256xf32, #tpu.memory_space<vmem>>, vector<16xf32>,
      tpu.vector_store %arg9[%swap3A_1201, %swap3A_1202], %gather3A_1200 {strides = array<i32>} : memref<32x256xf32, #tpu.memory_space<vmem>>, vector<16xf32>,
      %get3A_1204 = arith.constant 80 : index
      %get3A_1205 = tpu.vector_load %arg6[%get3A_1204] {strides = array<i32>} : memref<256xi32, #tpu.memory_space<vmem>>, vector<16xi32>,
      %broadcast_in_dim3A_1206 = vector.broadcast %scan3A_1169 : i32 to vector<16xi32>
      %gather3A_1207 = tpu.vector_load_idx %arg7[%broadcast_in_dim3A_1206, %get3A_1205] : memref<32x1024xf32, #tpu.memory_space<vmem>>[vector<16xi32>, vector<16xi32>], vector<16xf32>,
      %swap3A_1208 = arith.index_cast %scan3A_1169 : i32 to index
      %swap3A_1209 = arith.constant 80 : index
      %swap3A_1210 = tpu.vector_load %arg9[%swap3A_1208, %swap3A_1209] {strides = array<i32>} : memref<32x256xf32, #tpu.memory_space<vmem>>, vector<16xf32>,
      tpu.vector_store %arg9[%swap3A_1208, %swap3A_1209], %gather3A_1207 {strides = array<i32>} : memref<32x256xf32, #tpu.memory_space<vmem>>, vector<16xf32>,
      %get3A_1211 = arith.constant 96 : index
      %get3A_1212 = tpu.vector_load %arg6[%get3A_1211] {strides = array<i32>} : memref<256xi32, #tpu.memory_space<vmem>>, vector<16xi32>,
      %broadcast_in_dim3A_1213 = vector.broadcast %scan3A_1169 : i32 to vector<16xi32>
      %gather3A_1214 = tpu.vector_load_idx %arg7[%broadcast_in_dim3A_1213, %get3A_1212] : memref<32x1024xf32, #tpu.memory_space<vmem>>[vector<16xi32>, vector<16xi32>], vector<16xf32>,
      %swap3A_1215 = arith.index_cast %scan3A_1169 : i32 to index
      %swap3A_1216 = arith.constant 96 : index
      %swap3A_1217 = tpu.vector_load %arg9[%swap3A_1215, %swap3A_1216] {strides = array<i32>} : memref<32x256xf32, #tpu.memory_space<vmem>>, vector<16xf32>,
      tpu.vector_store %arg9[%swap3A_1215, %swap3A_1216], %gather3A_1214 {strides = array<i32>} : memref<32x256xf32, #tpu.memory_space<vmem>>, vector<16xf32>,
      %get3A_1218 = arith.constant 112 : index
      %get3A_1219 = tpu.vector_load %arg6[%get3A_1218] {strides = array<i32>} : memref<256xi32, #tpu.memory_space<vmem>>, vector<16xi32>,
      %broadcast_in_dim3A_1220 = vector.broadcast %scan3A_1169 : i32 to vector<16xi32>
      %gather3A_1221 = tpu.vector_load_idx %arg7[%broadcast_in_dim3A_1220, %get3A_1219] : memref<32x1024xf32, #tpu.memory_space<vmem>>[vector<16xi32>, vector<16xi32>], vector<16xf32>,
      %swap3A_1222 = arith.index_cast %scan3A_1169 : i32 to index
      %swap3A_1223 = arith.constant 112 : index
      %swap3A_1224 = tpu.vector_load %arg9[%swap3A_1222, %swap3A_1223] {strides = array<i32>} : memref<32x256xf32, #tpu.memory_space<vmem>>, vector<16xf32>,
      tpu.vector_store %arg9[%swap3A_1222, %swap3A_1223], %gather3A_1221 {strides = array<i32>} : memref<32x256xf32, #tpu.memory_space<vmem>>, vector<16xf32>,
      %get3A_1225 = arith.constant 128 : index
      %get3A_1226 = tpu.vector_load %arg6[%get3A_1225] {strides = array<i32>} : memref<256xi32, #tpu.memory_space<vmem>>, vector<16xi32>,
      %broadcast_in_dim3A_1227 = vector.broadcast %scan3A_1169 : i32 to vector<16xi32>
      %gather3A_1228 = tpu.vector_load_idx %arg7[%broadcast_in_dim3A_1227, %get3A_1226] : memref<32x1024xf32, #tpu.memory_space<vmem>>[vector<16xi32>, vector<16xi32>], vector<16xf32>,
      %swap3A_1229 = arith.index_cast %scan3A_1169 : i32 to index
      %swap3A_1230 = arith.constant 128 : index
      %swap3A_1231 = tpu.vector_load %arg9[%swap3A_1229, %swap3A_1230] {strides = array<i32>} : memref<32x256xf32, #tpu.memory_space<vmem>>, vector<16xf32>,
      tpu.vector_store %arg9[%swap3A_1229, %swap3A_1230], %gather3A_1228 {strides = array<i32>} : memref<32x256xf32, #tpu.memory_space<vmem>>, vector<16xf32>,
      %get3A_1232 = arith.constant 144 : index
      %get3A_1233 = tpu.vector_load %arg6[%get3A_1232] {strides = array<i32>} : memref<256xi32, #tpu.memory_space<vmem>>, vector<16xi32>,
      %broadcast_in_dim3A_1234 = vector.broadcast %scan3A_1169 : i32 to vector<16xi32>
      %gather3A_1235 = tpu.vector_load_idx %arg7[%broadcast_in_dim3A_1234, %get3A_1233] : memref<32x1024xf32, #tpu.memory_space<vmem>>[vector<16xi32>, vector<16xi32>], vector<16xf32>,
      %swap3A_1236 = arith.index_cast %scan3A_1169 : i32 to index
      %swap3A_1237 = arith.constant 144 : index
      %swap3A_1238 = tpu.vector_load %arg9[%swap3A_1236, %swap3A_1237] {strides = array<i32>} : memref<32x256xf32, #tpu.memory_space<vmem>>, vector<16xf32>,
      tpu.vector_store %arg9[%swap3A_1236, %swap3A_1237], %gather3A_1235 {strides = array<i32>} : memref<32x256xf32, #tpu.memory_space<vmem>>, vector<16xf32>,
      %get3A_1239 = arith.constant 160 : index
      %get3A_1240 = tpu.vector_load %arg6[%get3A_1239] {strides = array<i32>} : memref<256xi32, #tpu.memory_space<vmem>>, vector<16xi32>,
      %broadcast_in_dim3A_1241 = vector.broadcast %scan3A_1169 : i32 to vector<16xi32>
      %gather3A_1242 = tpu.vector_load_idx %arg7[%broadcast_in_dim3A_1241, %get3A_1240] : memref<32x1024xf32, #tpu.memory_space<vmem>>[vector<16xi32>, vector<16xi32>], vector<16xf32>,
      %swap3A_1243 = arith.index_cast %scan3A_1169 : i32 to index
      %swap3A_1244 = arith.constant 160 : index
      %swap3A_1245 = tpu.vector_load %arg9[%swap3A_1243, %swap3A_1244] {strides = array<i32>} : memref<32x256xf32, #tpu.memory_space<vmem>>, vector<16xf32>,
      tpu.vector_store %arg9[%swap3A_1243, %swap3A_1244], %gather3A_1242 {strides = array<i32>} : memref<32x256xf32, #tpu.memory_space<vmem>>, vector<16xf32>,
      %get3A_1246 = arith.constant 176 : index
      %get3A_1247 = tpu.vector_load %arg6[%get3A_1246] {strides = array<i32>} : memref<256xi32, #tpu.memory_space<vmem>>, vector<16xi32>,
      %broadcast_in_dim3A_1248 = vector.broadcast %scan3A_1169 : i32 to vector<16xi32>
      %gather3A_1249 = tpu.vector_load_idx %arg7[%broadcast_in_dim3A_1248, %get3A_1247] : memref<32x1024xf32, #tpu.memory_space<vmem>>[vector<16xi32>, vector<16xi32>], vector<16xf32>,
      %swap3A_1250 = arith.index_cast %scan3A_1169 : i32 to index
      %swap3A_1251 = arith.constant 176 : index
      %swap3A_1252 = tpu.vector_load %arg9[%swap3A_1250, %swap3A_1251] {strides = array<i32>} : memref<32x256xf32, #tpu.memory_space<vmem>>, vector<16xf32>,
      tpu.vector_store %arg9[%swap3A_1250, %swap3A_1251], %gather3A_1249 {strides = array<i32>} : memref<32x256xf32, #tpu.memory_space<vmem>>, vector<16xf32>,
      %get3A_1253 = arith.constant 192 : index
      %get3A_1254 = tpu.vector_load %arg6[%get3A_1253] {strides = array<i32>} : memref<256xi32, #tpu.memory_space<vmem>>, vector<16xi32>,
      %broadcast_in_dim3A_1255 = vector.broadcast %scan3A_1169 : i32 to vector<16xi32>
      %gather3A_1256 = tpu.vector_load_idx %arg7[%broadcast_in_dim3A_1255, %get3A_1254] : memref<32x1024xf32, #tpu.memory_space<vmem>>[vector<16xi32>, vector<16xi32>], vector<16xf32>,
      %swap3A_1257 = arith.index_cast %scan3A_1169 : i32 to index
      %swap3A_1258 = arith.constant 192 : index
      %swap3A_1259 = tpu.vector_load %arg9[%swap3A_1257, %swap3A_1258] {strides = array<i32>} : memref<32x256xf32, #tpu.memory_space<vmem>>, vector<16xf32>,
      tpu.vector_store %arg9[%swap3A_1257, %swap3A_1258], %gather3A_1256 {strides = array<i32>} : memref<32x256xf32, #tpu.memory_space<vmem>>, vector<16xf32>,
      %get3A_1260 = arith.constant 208 : index
      %get3A_1261 = tpu.vector_load %arg6[%get3A_1260] {strides = array<i32>} : memref<256xi32, #tpu.memory_space<vmem>>, vector<16xi32>,
      %broadcast_in_dim3A_1262 = vector.broadcast %scan3A_1169 : i32 to vector<16xi32>
      %gather3A_1263 = tpu.vector_load_idx %arg7[%broadcast_in_dim3A_1262, %get3A_1261] : memref<32x1024xf32, #tpu.memory_space<vmem>>[vector<16xi32>, vector<16xi32>], vector<16xf32>,
      %swap3A_1264 = arith.index_cast %scan3A_1169 : i32 to index
      %swap3A_1265 = arith.constant 208 : index
      %swap3A_1266 = tpu.vector_load %arg9[%swap3A_1264, %swap3A_1265] {strides = array<i32>} : memref<32x256xf32, #tpu.memory_space<vmem>>, vector<16xf32>,
      tpu.vector_store %arg9[%swap3A_1264, %swap3A_1265], %gather3A_1263 {strides = array<i32>} : memref<32x256xf32, #tpu.memory_space<vmem>>, vector<16xf32>,
      %get3A_1267 = arith.constant 224 : index
      %get3A_1268 = tpu.vector_load %arg6[%get3A_1267] {strides = array<i32>} : memref<256xi32, #tpu.memory_space<vmem>>, vector<16xi32>,
      %broadcast_in_dim3A_1269 = vector.broadcast %scan3A_1169 : i32 to vector<16xi32>
      %gather3A_1270 = tpu.vector_load_idx %arg7[%broadcast_in_dim3A_1269, %get3A_1268] : memref<32x1024xf32, #tpu.memory_space<vmem>>[vector<16xi32>, vector<16xi32>], vector<16xf32>,
      %swap3A_1271 = arith.index_cast %scan3A_1169 : i32 to index
      %swap3A_1272 = arith.constant 224 : index
      %swap3A_1273 = tpu.vector_load %arg9[%swap3A_1271, %swap3A_1272] {strides = array<i32>} : memref<32x256xf32, #tpu.memory_space<vmem>>, vector<16xf32>,
      tpu.vector_store %arg9[%swap3A_1271, %swap3A_1272], %gather3A_1270 {strides = array<i32>} : memref<32x256xf32, #tpu.memory_space<vmem>>, vector<16xf32>,
      %get3A_1274 = arith.constant 240 : index
      %get3A_1275 = tpu.vector_load %arg6[%get3A_1274] {strides = array<i32>} : memref<256xi32, #tpu.memory_space<vmem>>, vector<16xi32>,
      %broadcast_in_dim3A_1276 = vector.broadcast %scan3A_1169 : i32 to vector<16xi32>
      %gather3A_1277 = tpu.vector_load_idx %arg7[%broadcast_in_dim3A_1276, %get3A_1275] : memref<32x1024xf32, #tpu.memory_space<vmem>>[vector<16xi32>, vector<16xi32>], vector<16xf32>,
      %swap3A_1278 = arith.index_cast %scan3A_1169 : i32 to index
      %swap3A_1279 = arith.constant 240 : index
      %swap3A_1280 = tpu.vector_load %arg9[%swap3A_1278, %swap3A_1279] {strides = array<i32>} : memref<32x256xf32, #tpu.memory_space<vmem>>, vector<16xf32>,
      tpu.vector_store %arg9[%swap3A_1278, %swap3A_1279], %gather3A_1277 {strides = array<i32>} : memref<32x256xf32, #tpu.memory_space<vmem>>, vector<16xf32>,
      %scan3A_1281 = arith.constant 0 : i32
      scf.yield %scan3A_1281 : i32
    }
    %scan3A_887 = arith.constant 32 : i32
    %mul3A_888 = arith.constant 192 : i32
    %mul3A_889 = arith.muli %select_n3A_30, %mul3A_888 : i32
    %add3A_890 = arith.constant 0 : i32
    %add3A_891 = arith.addi %mul3A_889, %add3A_890 : i32
    %dma_start3A_892 = arith.constant 0 : i32
    %dma_start3A_893 = arith.constant 0 : i32
    %dma_start3A_894 = tpu.memref_slice %arg4[%select_n3A, %dma_start3A_892, %dma_start3A_893] : memref<16x384x256xf32, #tpu.memory_space<hbm>> -> memref<1x384x256xf32, #tpu.memory_space<hbm>>
    %dma_start3A_895 = tpu.memref_squeeze %dma_start3A_894 : memref<1x384x256xf32, #tpu.memory_space<hbm>> -> memref<384x256xf32, #tpu.memory_space<hbm>>
    %dma_start3A_896 = arith.constant 0 : i32
    %dma_start3A_897 = tpu.memref_slice %dma_start3A_895[%add3A_891, %dma_start3A_896] : memref<384x256xf32, #tpu.memory_space<hbm>> -> memref<32x256xf32, #tpu.memory_space<hbm>>
    %dma_start3A_898 = arith.constant 0 : i32
    %dma_start3A_899 = arith.constant 0 : i32
    %dma_start3A_900 = tpu.memref_slice %arg4[%select_n3A, %dma_start3A_898, %dma_start3A_899] : memref<16x384x256xf32, #tpu.memory_space<hbm>> -> memref<1x384x256xf32, #tpu.memory_space<hbm>>
    %dma_start3A_901 = tpu.memref_squeeze %dma_start3A_900 : memref<1x384x256xf32, #tpu.memory_space<hbm>> -> memref<384x256xf32, #tpu.memory_space<hbm>>
    %dma_start3A_902 = arith.constant 0 : i32
    %dma_start3A_903 = tpu.memref_slice %dma_start3A_901[%add3A_891, %dma_start3A_902] : memref<384x256xf32, #tpu.memory_space<hbm>> -> memref<32x256xf32, #tpu.memory_space<hbm>>
    tpu.enqueue_dma source(%arg9 : memref<32x256xf32, #tpu.memory_space<vmem>>) target(%dma_start3A_903 : memref<32x256xf32, #tpu.memory_space<hbm>>) target_semaphore(%arg13 : memref<!tpu.dma_semaphore, #tpu.memory_space<semaphore_mem>>)
    %add3A_904 = arith.constant 64 : i32
    %add3A_905 = arith.addi %add3A_35, %add3A_904 : i32
    %dma_start3A_906 = arith.constant 0 : i32
    %dma_start3A_907 = tpu.memref_slice %arg2[%add3A_905, %dma_start3A_906] : memref<6144x1024xf32, #tpu.memory_space<hbm>> -> memref<32x1024xf32, #tpu.memory_space<hbm>>
    %dma_start3A_908 = arith.constant 0 : i32
    %dma_start3A_909 = tpu.memref_slice %arg2[%add3A_905, %dma_start3A_908] : memref<6144x1024xf32, #tpu.memory_space<hbm>> -> memref<32x1024xf32, #tpu.memory_space<hbm>>
    tpu.enqueue_dma source(%dma_start3A_909 : memref<32x1024xf32, #tpu.memory_space<hbm>>) target(%arg7 : memref<32x1024xf32, #tpu.memory_space<vmem>>) target_semaphore(%arg11 : memref<!tpu.dma_semaphore, #tpu.memory_space<semaphore_mem>>)
    %add3A_910 = arith.constant 32 : i32
    %add3A_911 = arith.addi %add3A_35, %add3A_910 : i32
    %dma_wait3A_912 = arith.constant 0 : i32
    %dma_wait3A_913 = tpu.memref_slice %arg2[%add3A_911, %dma_wait3A_912] : memref<6144x1024xf32, #tpu.memory_space<hbm>> -> memref<32x1024xf32, #tpu.memory_space<hbm>>
    %dma_wait3A_914 = arith.constant 0 : i32
    %dma_wait3A_915 = tpu.memref_slice %arg2[%add3A_911, %dma_wait3A_914] : memref<6144x1024xf32, #tpu.memory_space<hbm>> -> memref<32x1024xf32, #tpu.memory_space<hbm>>
    tpu.wait_dma2 semaphore(%arg12 : memref<!tpu.dma_semaphore, #tpu.memory_space<semaphore_mem>>) src(%dma_wait3A_915 : memref<32x1024xf32, #tpu.memory_space<hbm>>) dst(%arg8 : memref<32x1024xf32, #tpu.memory_space<vmem>>)
    %scan3A_916 = arith.constant 0 : i32
    %scan3A_917 = arith.constant 0 : i32
    %scan3A_918 = arith.constant 32 : i32
    %scan3A_919 = arith.addi %scan3A_917, %scan3A_918 : i32
    %scan3A_920 = arith.constant 1 : i32
    %scan3A_921 = scf.for %scan3A_1169 = %scan3A_917 to %scan3A_919 step %scan3A_920 iter_args(%scan3A_1170 = %scan3A_916) -> (i32)  : i32 {
      %get3A_1171 = arith.constant 0 : index
      %get3A_1172 = tpu.vector_load %arg6[%get3A_1171] {strides = array<i32>} : memref<256xi32, #tpu.memory_space<vmem>>, vector<16xi32>,
      %broadcast_in_dim3A = vector.broadcast %scan3A_1169 : i32 to vector<16xi32>
      %gather3A = tpu.vector_load_idx %arg8[%broadcast_in_dim3A, %get3A_1172] : memref<32x1024xf32, #tpu.memory_space<vmem>>[vector<16xi32>, vector<16xi32>], vector<16xf32>,
      %swap3A_1173 = arith.index_cast %scan3A_1169 : i32 to index
      %swap3A_1174 = arith.constant 0 : index
      %swap3A_1175 = tpu.vector_load %arg10[%swap3A_1173, %swap3A_1174] {strides = array<i32>} : memref<32x256xf32, #tpu.memory_space<vmem>>, vector<16xf32>,
      tpu.vector_store %arg10[%swap3A_1173, %swap3A_1174], %gather3A {strides = array<i32>} : memref<32x256xf32, #tpu.memory_space<vmem>>, vector<16xf32>,
      %get3A_1176 = arith.constant 16 : index
      %get3A_1177 = tpu.vector_load %arg6[%get3A_1176] {strides = array<i32>} : memref<256xi32, #tpu.memory_space<vmem>>, vector<16xi32>,
      %broadcast_in_dim3A_1178 = vector.broadcast %scan3A_1169 : i32 to vector<16xi32>
      %gather3A_1179 = tpu.vector_load_idx %arg8[%broadcast_in_dim3A_1178, %get3A_1177] : memref<32x1024xf32, #tpu.memory_space<vmem>>[vector<16xi32>, vector<16xi32>], vector<16xf32>,
      %swap3A_1180 = arith.index_cast %scan3A_1169 : i32 to index
      %swap3A_1181 = arith.constant 16 : index
      %swap3A_1182 = tpu.vector_load %arg10[%swap3A_1180, %swap3A_1181] {strides = array<i32>} : memref<32x256xf32, #tpu.memory_space<vmem>>, vector<16xf32>,
      tpu.vector_store %arg10[%swap3A_1180, %swap3A_1181], %gather3A_1179 {strides = array<i32>} : memref<32x256xf32, #tpu.memory_space<vmem>>, vector<16xf32>,
      %get3A_1183 = arith.constant 32 : index
      %get3A_1184 = tpu.vector_load %arg6[%get3A_1183] {strides = array<i32>} : memref<256xi32, #tpu.memory_space<vmem>>, vector<16xi32>,
      %broadcast_in_dim3A_1185 = vector.broadcast %scan3A_1169 : i32 to vector<16xi32>
      %gather3A_1186 = tpu.vector_load_idx %arg8[%broadcast_in_dim3A_1185, %get3A_1184] : memref<32x1024xf32, #tpu.memory_space<vmem>>[vector<16xi32>, vector<16xi32>], vector<16xf32>,
      %swap3A_1187 = arith.index_cast %scan3A_1169 : i32 to index
      %swap3A_1188 = arith.constant 32 : index
      %swap3A_1189 = tpu.vector_load %arg10[%swap3A_1187, %swap3A_1188] {strides = array<i32>} : memref<32x256xf32, #tpu.memory_space<vmem>>, vector<16xf32>,
      tpu.vector_store %arg10[%swap3A_1187, %swap3A_1188], %gather3A_1186 {strides = array<i32>} : memref<32x256xf32, #tpu.memory_space<vmem>>, vector<16xf32>,
      %get3A_1190 = arith.constant 48 : index
      %get3A_1191 = tpu.vector_load %arg6[%get3A_1190] {strides = array<i32>} : memref<256xi32, #tpu.memory_space<vmem>>, vector<16xi32>,
      %broadcast_in_dim3A_1192 = vector.broadcast %scan3A_1169 : i32 to vector<16xi32>
      %gather3A_1193 = tpu.vector_load_idx %arg8[%broadcast_in_dim3A_1192, %get3A_1191] : memref<32x1024xf32, #tpu.memory_space<vmem>>[vector<16xi32>, vector<16xi32>], vector<16xf32>,
      %swap3A_1194 = arith.index_cast %scan3A_1169 : i32 to index
      %swap3A_1195 = arith.constant 48 : index
      %swap3A_1196 = tpu.vector_load %arg10[%swap3A_1194, %swap3A_1195] {strides = array<i32>} : memref<32x256xf32, #tpu.memory_space<vmem>>, vector<16xf32>,
      tpu.vector_store %arg10[%swap3A_1194, %swap3A_1195], %gather3A_1193 {strides = array<i32>} : memref<32x256xf32, #tpu.memory_space<vmem>>, vector<16xf32>,
      %get3A_1197 = arith.constant 64 : index
      %get3A_1198 = tpu.vector_load %arg6[%get3A_1197] {strides = array<i32>} : memref<256xi32, #tpu.memory_space<vmem>>, vector<16xi32>,
      %broadcast_in_dim3A_1199 = vector.broadcast %scan3A_1169 : i32 to vector<16xi32>
      %gather3A_1200 = tpu.vector_load_idx %arg8[%broadcast_in_dim3A_1199, %get3A_1198] : memref<32x1024xf32, #tpu.memory_space<vmem>>[vector<16xi32>, vector<16xi32>], vector<16xf32>,
      %swap3A_1201 = arith.index_cast %scan3A_1169 : i32 to index
      %swap3A_1202 = arith.constant 64 : index
      %swap3A_1203 = tpu.vector_load %arg10[%swap3A_1201, %swap3A_1202] {strides = array<i32>} : memref<32x256xf32, #tpu.memory_space<vmem>>, vector<16xf32>,
      tpu.vector_store %arg10[%swap3A_1201, %swap3A_1202], %gather3A_1200 {strides = array<i32>} : memref<32x256xf32, #tpu.memory_space<vmem>>, vector<16xf32>,
      %get3A_1204 = arith.constant 80 : index
      %get3A_1205 = tpu.vector_load %arg6[%get3A_1204] {strides = array<i32>} : memref<256xi32, #tpu.memory_space<vmem>>, vector<16xi32>,
      %broadcast_in_dim3A_1206 = vector.broadcast %scan3A_1169 : i32 to vector<16xi32>
      %gather3A_1207 = tpu.vector_load_idx %arg8[%broadcast_in_dim3A_1206, %get3A_1205] : memref<32x1024xf32, #tpu.memory_space<vmem>>[vector<16xi32>, vector<16xi32>], vector<16xf32>,
      %swap3A_1208 = arith.index_cast %scan3A_1169 : i32 to index
      %swap3A_1209 = arith.constant 80 : index
      %swap3A_1210 = tpu.vector_load %arg10[%swap3A_1208, %swap3A_1209] {strides = array<i32>} : memref<32x256xf32, #tpu.memory_space<vmem>>, vector<16xf32>,
      tpu.vector_store %arg10[%swap3A_1208, %swap3A_1209], %gather3A_1207 {strides = array<i32>} : memref<32x256xf32, #tpu.memory_space<vmem>>, vector<16xf32>,
      %get3A_1211 = arith.constant 96 : index
      %get3A_1212 = tpu.vector_load %arg6[%get3A_1211] {strides = array<i32>} : memref<256xi32, #tpu.memory_space<vmem>>, vector<16xi32>,
      %broadcast_in_dim3A_1213 = vector.broadcast %scan3A_1169 : i32 to vector<16xi32>
      %gather3A_1214 = tpu.vector_load_idx %arg8[%broadcast_in_dim3A_1213, %get3A_1212] : memref<32x1024xf32, #tpu.memory_space<vmem>>[vector<16xi32>, vector<16xi32>], vector<16xf32>,
      %swap3A_1215 = arith.index_cast %scan3A_1169 : i32 to index
      %swap3A_1216 = arith.constant 96 : index
      %swap3A_1217 = tpu.vector_load %arg10[%swap3A_1215, %swap3A_1216] {strides = array<i32>} : memref<32x256xf32, #tpu.memory_space<vmem>>, vector<16xf32>,
      tpu.vector_store %arg10[%swap3A_1215, %swap3A_1216], %gather3A_1214 {strides = array<i32>} : memref<32x256xf32, #tpu.memory_space<vmem>>, vector<16xf32>,
      %get3A_1218 = arith.constant 112 : index
      %get3A_1219 = tpu.vector_load %arg6[%get3A_1218] {strides = array<i32>} : memref<256xi32, #tpu.memory_space<vmem>>, vector<16xi32>,
      %broadcast_in_dim3A_1220 = vector.broadcast %scan3A_1169 : i32 to vector<16xi32>
      %gather3A_1221 = tpu.vector_load_idx %arg8[%broadcast_in_dim3A_1220, %get3A_1219] : memref<32x1024xf32, #tpu.memory_space<vmem>>[vector<16xi32>, vector<16xi32>], vector<16xf32>,
      %swap3A_1222 = arith.index_cast %scan3A_1169 : i32 to index
      %swap3A_1223 = arith.constant 112 : index
      %swap3A_1224 = tpu.vector_load %arg10[%swap3A_1222, %swap3A_1223] {strides = array<i32>} : memref<32x256xf32, #tpu.memory_space<vmem>>, vector<16xf32>,
      tpu.vector_store %arg10[%swap3A_1222, %swap3A_1223], %gather3A_1221 {strides = array<i32>} : memref<32x256xf32, #tpu.memory_space<vmem>>, vector<16xf32>,
      %get3A_1225 = arith.constant 128 : index
      %get3A_1226 = tpu.vector_load %arg6[%get3A_1225] {strides = array<i32>} : memref<256xi32, #tpu.memory_space<vmem>>, vector<16xi32>,
      %broadcast_in_dim3A_1227 = vector.broadcast %scan3A_1169 : i32 to vector<16xi32>
      %gather3A_1228 = tpu.vector_load_idx %arg8[%broadcast_in_dim3A_1227, %get3A_1226] : memref<32x1024xf32, #tpu.memory_space<vmem>>[vector<16xi32>, vector<16xi32>], vector<16xf32>,
      %swap3A_1229 = arith.index_cast %scan3A_1169 : i32 to index
      %swap3A_1230 = arith.constant 128 : index
      %swap3A_1231 = tpu.vector_load %arg10[%swap3A_1229, %swap3A_1230] {strides = array<i32>} : memref<32x256xf32, #tpu.memory_space<vmem>>, vector<16xf32>,
      tpu.vector_store %arg10[%swap3A_1229, %swap3A_1230], %gather3A_1228 {strides = array<i32>} : memref<32x256xf32, #tpu.memory_space<vmem>>, vector<16xf32>,
      %get3A_1232 = arith.constant 144 : index
      %get3A_1233 = tpu.vector_load %arg6[%get3A_1232] {strides = array<i32>} : memref<256xi32, #tpu.memory_space<vmem>>, vector<16xi32>,
      %broadcast_in_dim3A_1234 = vector.broadcast %scan3A_1169 : i32 to vector<16xi32>
      %gather3A_1235 = tpu.vector_load_idx %arg8[%broadcast_in_dim3A_1234, %get3A_1233] : memref<32x1024xf32, #tpu.memory_space<vmem>>[vector<16xi32>, vector<16xi32>], vector<16xf32>,
      %swap3A_1236 = arith.index_cast %scan3A_1169 : i32 to index
      %swap3A_1237 = arith.constant 144 : index
      %swap3A_1238 = tpu.vector_load %arg10[%swap3A_1236, %swap3A_1237] {strides = array<i32>} : memref<32x256xf32, #tpu.memory_space<vmem>>, vector<16xf32>,
      tpu.vector_store %arg10[%swap3A_1236, %swap3A_1237], %gather3A_1235 {strides = array<i32>} : memref<32x256xf32, #tpu.memory_space<vmem>>, vector<16xf32>,
      %get3A_1239 = arith.constant 160 : index
      %get3A_1240 = tpu.vector_load %arg6[%get3A_1239] {strides = array<i32>} : memref<256xi32, #tpu.memory_space<vmem>>, vector<16xi32>,
      %broadcast_in_dim3A_1241 = vector.broadcast %scan3A_1169 : i32 to vector<16xi32>
      %gather3A_1242 = tpu.vector_load_idx %arg8[%broadcast_in_dim3A_1241, %get3A_1240] : memref<32x1024xf32, #tpu.memory_space<vmem>>[vector<16xi32>, vector<16xi32>], vector<16xf32>,
      %swap3A_1243 = arith.index_cast %scan3A_1169 : i32 to index
      %swap3A_1244 = arith.constant 160 : index
      %swap3A_1245 = tpu.vector_load %arg10[%swap3A_1243, %swap3A_1244] {strides = array<i32>} : memref<32x256xf32, #tpu.memory_space<vmem>>, vector<16xf32>,
      tpu.vector_store %arg10[%swap3A_1243, %swap3A_1244], %gather3A_1242 {strides = array<i32>} : memref<32x256xf32, #tpu.memory_space<vmem>>, vector<16xf32>,
      %get3A_1246 = arith.constant 176 : index
      %get3A_1247 = tpu.vector_load %arg6[%get3A_1246] {strides = array<i32>} : memref<256xi32, #tpu.memory_space<vmem>>, vector<16xi32>,
      %broadcast_in_dim3A_1248 = vector.broadcast %scan3A_1169 : i32 to vector<16xi32>
      %gather3A_1249 = tpu.vector_load_idx %arg8[%broadcast_in_dim3A_1248, %get3A_1247] : memref<32x1024xf32, #tpu.memory_space<vmem>>[vector<16xi32>, vector<16xi32>], vector<16xf32>,
      %swap3A_1250 = arith.index_cast %scan3A_1169 : i32 to index
      %swap3A_1251 = arith.constant 176 : index
      %swap3A_1252 = tpu.vector_load %arg10[%swap3A_1250, %swap3A_1251] {strides = array<i32>} : memref<32x256xf32, #tpu.memory_space<vmem>>, vector<16xf32>,
      tpu.vector_store %arg10[%swap3A_1250, %swap3A_1251], %gather3A_1249 {strides = array<i32>} : memref<32x256xf32, #tpu.memory_space<vmem>>, vector<16xf32>,
      %get3A_1253 = arith.constant 192 : index
      %get3A_1254 = tpu.vector_load %arg6[%get3A_1253] {strides = array<i32>} : memref<256xi32, #tpu.memory_space<vmem>>, vector<16xi32>,
      %broadcast_in_dim3A_1255 = vector.broadcast %scan3A_1169 : i32 to vector<16xi32>
      %gather3A_1256 = tpu.vector_load_idx %arg8[%broadcast_in_dim3A_1255, %get3A_1254] : memref<32x1024xf32, #tpu.memory_space<vmem>>[vector<16xi32>, vector<16xi32>], vector<16xf32>,
      %swap3A_1257 = arith.index_cast %scan3A_1169 : i32 to index
      %swap3A_1258 = arith.constant 192 : index
      %swap3A_1259 = tpu.vector_load %arg10[%swap3A_1257, %swap3A_1258] {strides = array<i32>} : memref<32x256xf32, #tpu.memory_space<vmem>>, vector<16xf32>,
      tpu.vector_store %arg10[%swap3A_1257, %swap3A_1258], %gather3A_1256 {strides = array<i32>} : memref<32x256xf32, #tpu.memory_space<vmem>>, vector<16xf32>,
      %get3A_1260 = arith.constant 208 : index
      %get3A_1261 = tpu.vector_load %arg6[%get3A_1260] {strides = array<i32>} : memref<256xi32, #tpu.memory_space<vmem>>, vector<16xi32>,
      %broadcast_in_dim3A_1262 = vector.broadcast %scan3A_1169 : i32 to vector<16xi32>
      %gather3A_1263 = tpu.vector_load_idx %arg8[%broadcast_in_dim3A_1262, %get3A_1261] : memref<32x1024xf32, #tpu.memory_space<vmem>>[vector<16xi32>, vector<16xi32>], vector<16xf32>,
      %swap3A_1264 = arith.index_cast %scan3A_1169 : i32 to index
      %swap3A_1265 = arith.constant 208 : index
      %swap3A_1266 = tpu.vector_load %arg10[%swap3A_1264, %swap3A_1265] {strides = array<i32>} : memref<32x256xf32, #tpu.memory_space<vmem>>, vector<16xf32>,
      tpu.vector_store %arg10[%swap3A_1264, %swap3A_1265], %gather3A_1263 {strides = array<i32>} : memref<32x256xf32, #tpu.memory_space<vmem>>, vector<16xf32>,
      %get3A_1267 = arith.constant 224 : index
      %get3A_1268 = tpu.vector_load %arg6[%get3A_1267] {strides = array<i32>} : memref<256xi32, #tpu.memory_space<vmem>>, vector<16xi32>,
      %broadcast_in_dim3A_1269 = vector.broadcast %scan3A_1169 : i32 to vector<16xi32>
      %gather3A_1270 = tpu.vector_load_idx %arg8[%broadcast_in_dim3A_1269, %get3A_1268] : memref<32x1024xf32, #tpu.memory_space<vmem>>[vector<16xi32>, vector<16xi32>], vector<16xf32>,
      %swap3A_1271 = arith.index_cast %scan3A_1169 : i32 to index
      %swap3A_1272 = arith.constant 224 : index
      %swap3A_1273 = tpu.vector_load %arg10[%swap3A_1271, %swap3A_1272] {strides = array<i32>} : memref<32x256xf32, #tpu.memory_space<vmem>>, vector<16xf32>,
      tpu.vector_store %arg10[%swap3A_1271, %swap3A_1272], %gather3A_1270 {strides = array<i32>} : memref<32x256xf32, #tpu.memory_space<vmem>>, vector<16xf32>,
      %get3A_1274 = arith.constant 240 : index
      %get3A_1275 = tpu.vector_load %arg6[%get3A_1274] {strides = array<i32>} : memref<256xi32, #tpu.memory_space<vmem>>, vector<16xi32>,
      %broadcast_in_dim3A_1276 = vector.broadcast %scan3A_1169 : i32 to vector<16xi32>
      %gather3A_1277 = tpu.vector_load_idx %arg8[%broadcast_in_dim3A_1276, %get3A_1275] : memref<32x1024xf32, #tpu.memory_space<vmem>>[vector<16xi32>, vector<16xi32>], vector<16xf32>,
      %swap3A_1278 = arith.index_cast %scan3A_1169 : i32 to index
      %swap3A_1279 = arith.constant 240 : index
      %swap3A_1280 = tpu.vector_load %arg10[%swap3A_1278, %swap3A_1279] {strides = array<i32>} : memref<32x256xf32, #tpu.memory_space<vmem>>, vector<16xf32>,
      tpu.vector_store %arg10[%swap3A_1278, %swap3A_1279], %gather3A_1277 {strides = array<i32>} : memref<32x256xf32, #tpu.memory_space<vmem>>, vector<16xf32>,
      %scan3A_1281 = arith.constant 0 : i32
      scf.yield %scan3A_1281 : i32
    }
    %scan3A_922 = arith.constant 32 : i32
    %mul3A_923 = arith.constant 192 : i32
    %mul3A_924 = arith.muli %select_n3A_30, %mul3A_923 : i32
    %add3A_925 = arith.constant 32 : i32
    %add3A_926 = arith.addi %mul3A_924, %add3A_925 : i32
    %dma_start3A_927 = arith.constant 0 : i32
    %dma_start3A_928 = arith.constant 0 : i32
    %dma_start3A_929 = tpu.memref_slice %arg4[%select_n3A, %dma_start3A_927, %dma_start3A_928] : memref<16x384x256xf32, #tpu.memory_space<hbm>> -> memref<1x384x256xf32, #tpu.memory_space<hbm>>
    %dma_start3A_930 = tpu.memref_squeeze %dma_start3A_929 : memref<1x384x256xf32, #tpu.memory_space<hbm>> -> memref<384x256xf32, #tpu.memory_space<hbm>>
    %dma_start3A_931 = arith.constant 0 : i32
    %dma_start3A_932 = tpu.memref_slice %dma_start3A_930[%add3A_926, %dma_start3A_931] : memref<384x256xf32, #tpu.memory_space<hbm>> -> memref<32x256xf32, #tpu.memory_space<hbm>>
    %dma_start3A_933 = arith.constant 0 : i32
    %dma_start3A_934 = arith.constant 0 : i32
    %dma_start3A_935 = tpu.memref_slice %arg4[%select_n3A, %dma_start3A_933, %dma_start3A_934] : memref<16x384x256xf32, #tpu.memory_space<hbm>> -> memref<1x384x256xf32, #tpu.memory_space<hbm>>
    %dma_start3A_936 = tpu.memref_squeeze %dma_start3A_935 : memref<1x384x256xf32, #tpu.memory_space<hbm>> -> memref<384x256xf32, #tpu.memory_space<hbm>>
    %dma_start3A_937 = arith.constant 0 : i32
    %dma_start3A_938 = tpu.memref_slice %dma_start3A_936[%add3A_926, %dma_start3A_937] : memref<384x256xf32, #tpu.memory_space<hbm>> -> memref<32x256xf32, #tpu.memory_space<hbm>>
    tpu.enqueue_dma source(%arg10 : memref<32x256xf32, #tpu.memory_space<vmem>>) target(%dma_start3A_938 : memref<32x256xf32, #tpu.memory_space<hbm>>) target_semaphore(%arg14 : memref<!tpu.dma_semaphore, #tpu.memory_space<semaphore_mem>>)
    %add3A_939 = arith.constant 96 : i32
    %add3A_940 = arith.addi %add3A_35, %add3A_939 : i32
    %dma_start3A_941 = arith.constant 0 : i32
    %dma_start3A_942 = tpu.memref_slice %arg2[%add3A_940, %dma_start3A_941] : memref<6144x1024xf32, #tpu.memory_space<hbm>> -> memref<32x1024xf32, #tpu.memory_space<hbm>>
    %dma_start3A_943 = arith.constant 0 : i32
    %dma_start3A_944 = tpu.memref_slice %arg2[%add3A_940, %dma_start3A_943] : memref<6144x1024xf32, #tpu.memory_space<hbm>> -> memref<32x1024xf32, #tpu.memory_space<hbm>>
    tpu.enqueue_dma source(%dma_start3A_944 : memref<32x1024xf32, #tpu.memory_space<hbm>>) target(%arg8 : memref<32x1024xf32, #tpu.memory_space<vmem>>) target_semaphore(%arg12 : memref<!tpu.dma_semaphore, #tpu.memory_space<semaphore_mem>>)
    %add3A_945 = arith.constant 64 : i32
    %add3A_946 = arith.addi %add3A_35, %add3A_945 : i32
    %dma_wait3A_947 = arith.constant 0 : i32
    %dma_wait3A_948 = tpu.memref_slice %arg2[%add3A_946, %dma_wait3A_947] : memref<6144x1024xf32, #tpu.memory_space<hbm>> -> memref<32x1024xf32, #tpu.memory_space<hbm>>
    %dma_wait3A_949 = arith.constant 0 : i32
    %dma_wait3A_950 = tpu.memref_slice %arg2[%add3A_946, %dma_wait3A_949] : memref<6144x1024xf32, #tpu.memory_space<hbm>> -> memref<32x1024xf32, #tpu.memory_space<hbm>>
    tpu.wait_dma2 semaphore(%arg11 : memref<!tpu.dma_semaphore, #tpu.memory_space<semaphore_mem>>) src(%dma_wait3A_950 : memref<32x1024xf32, #tpu.memory_space<hbm>>) dst(%arg7 : memref<32x1024xf32, #tpu.memory_space<vmem>>)
    %mul3A_951 = arith.constant 192 : i32
    %mul3A_952 = arith.muli %select_n3A_30, %mul3A_951 : i32
    %add3A_953 = arith.constant 0 : i32
    %add3A_954 = arith.addi %mul3A_952, %add3A_953 : i32
    %dma_wait3A_955 = arith.constant 0 : i32
    %dma_wait3A_956 = arith.constant 0 : i32
    %dma_wait3A_957 = tpu.memref_slice %arg4[%select_n3A, %dma_wait3A_955, %dma_wait3A_956] : memref<16x384x256xf32, #tpu.memory_space<hbm>> -> memref<1x384x256xf32, #tpu.memory_space<hbm>>
    %dma_wait3A_958 = tpu.memref_squeeze %dma_wait3A_957 : memref<1x384x256xf32, #tpu.memory_space<hbm>> -> memref<384x256xf32, #tpu.memory_space<hbm>>
    %dma_wait3A_959 = arith.constant 0 : i32
    %dma_wait3A_960 = tpu.memref_slice %dma_wait3A_958[%add3A_954, %dma_wait3A_959] : memref<384x256xf32, #tpu.memory_space<hbm>> -> memref<32x256xf32, #tpu.memory_space<hbm>>
    %dma_wait3A_961 = arith.constant 0 : i32
    %dma_wait3A_962 = arith.constant 0 : i32
    %dma_wait3A_963 = tpu.memref_slice %arg4[%select_n3A, %dma_wait3A_961, %dma_wait3A_962] : memref<16x384x256xf32, #tpu.memory_space<hbm>> -> memref<1x384x256xf32, #tpu.memory_space<hbm>>
    %dma_wait3A_964 = tpu.memref_squeeze %dma_wait3A_963 : memref<1x384x256xf32, #tpu.memory_space<hbm>> -> memref<384x256xf32, #tpu.memory_space<hbm>>
    %dma_wait3A_965 = arith.constant 0 : i32
    %dma_wait3A_966 = tpu.memref_slice %dma_wait3A_964[%add3A_954, %dma_wait3A_965] : memref<384x256xf32, #tpu.memory_space<hbm>> -> memref<32x256xf32, #tpu.memory_space<hbm>>
    tpu.wait_dma2 semaphore(%arg13 : memref<!tpu.dma_semaphore, #tpu.memory_space<semaphore_mem>>) src(%arg9 : memref<32x256xf32, #tpu.memory_space<vmem>>) dst(%dma_wait3A_966 : memref<32x256xf32, #tpu.memory_space<hbm>>)
    %scan3A_967 = arith.constant 0 : i32
    %scan3A_968 = arith.constant 0 : i32
    %scan3A_969 = arith.constant 32 : i32
    %scan3A_970 = arith.addi %scan3A_968, %scan3A_969 : i32
    %scan3A_971 = arith.constant 1 : i32
    %scan3A_972 = scf.for %scan3A_1169 = %scan3A_968 to %scan3A_970 step %scan3A_971 iter_args(%scan3A_1170 = %scan3A_967) -> (i32)  : i32 {
      %get3A_1171 = arith.constant 0 : index
      %get3A_1172 = tpu.vector_load %arg6[%get3A_1171] {strides = array<i32>} : memref<256xi32, #tpu.memory_space<vmem>>, vector<16xi32>,
      %broadcast_in_dim3A = vector.broadcast %scan3A_1169 : i32 to vector<16xi32>
      %gather3A = tpu.vector_load_idx %arg7[%broadcast_in_dim3A, %get3A_1172] : memref<32x1024xf32, #tpu.memory_space<vmem>>[vector<16xi32>, vector<16xi32>], vector<16xf32>,
      %swap3A_1173 = arith.index_cast %scan3A_1169 : i32 to index
      %swap3A_1174 = arith.constant 0 : index
      %swap3A_1175 = tpu.vector_load %arg9[%swap3A_1173, %swap3A_1174] {strides = array<i32>} : memref<32x256xf32, #tpu.memory_space<vmem>>, vector<16xf32>,
      tpu.vector_store %arg9[%swap3A_1173, %swap3A_1174], %gather3A {strides = array<i32>} : memref<32x256xf32, #tpu.memory_space<vmem>>, vector<16xf32>,
      %get3A_1176 = arith.constant 16 : index
      %get3A_1177 = tpu.vector_load %arg6[%get3A_1176] {strides = array<i32>} : memref<256xi32, #tpu.memory_space<vmem>>, vector<16xi32>,
      %broadcast_in_dim3A_1178 = vector.broadcast %scan3A_1169 : i32 to vector<16xi32>
      %gather3A_1179 = tpu.vector_load_idx %arg7[%broadcast_in_dim3A_1178, %get3A_1177] : memref<32x1024xf32, #tpu.memory_space<vmem>>[vector<16xi32>, vector<16xi32>], vector<16xf32>,
      %swap3A_1180 = arith.index_cast %scan3A_1169 : i32 to index
      %swap3A_1181 = arith.constant 16 : index
      %swap3A_1182 = tpu.vector_load %arg9[%swap3A_1180, %swap3A_1181] {strides = array<i32>} : memref<32x256xf32, #tpu.memory_space<vmem>>, vector<16xf32>,
      tpu.vector_store %arg9[%swap3A_1180, %swap3A_1181], %gather3A_1179 {strides = array<i32>} : memref<32x256xf32, #tpu.memory_space<vmem>>, vector<16xf32>,
      %get3A_1183 = arith.constant 32 : index
      %get3A_1184 = tpu.vector_load %arg6[%get3A_1183] {strides = array<i32>} : memref<256xi32, #tpu.memory_space<vmem>>, vector<16xi32>,
      %broadcast_in_dim3A_1185 = vector.broadcast %scan3A_1169 : i32 to vector<16xi32>
      %gather3A_1186 = tpu.vector_load_idx %arg7[%broadcast_in_dim3A_1185, %get3A_1184] : memref<32x1024xf32, #tpu.memory_space<vmem>>[vector<16xi32>, vector<16xi32>], vector<16xf32>,
      %swap3A_1187 = arith.index_cast %scan3A_1169 : i32 to index
      %swap3A_1188 = arith.constant 32 : index
      %swap3A_1189 = tpu.vector_load %arg9[%swap3A_1187, %swap3A_1188] {strides = array<i32>} : memref<32x256xf32, #tpu.memory_space<vmem>>, vector<16xf32>,
      tpu.vector_store %arg9[%swap3A_1187, %swap3A_1188], %gather3A_1186 {strides = array<i32>} : memref<32x256xf32, #tpu.memory_space<vmem>>, vector<16xf32>,
      %get3A_1190 = arith.constant 48 : index
      %get3A_1191 = tpu.vector_load %arg6[%get3A_1190] {strides = array<i32>} : memref<256xi32, #tpu.memory_space<vmem>>, vector<16xi32>,
      %broadcast_in_dim3A_1192 = vector.broadcast %scan3A_1169 : i32 to vector<16xi32>
      %gather3A_1193 = tpu.vector_load_idx %arg7[%broadcast_in_dim3A_1192, %get3A_1191] : memref<32x1024xf32, #tpu.memory_space<vmem>>[vector<16xi32>, vector<16xi32>], vector<16xf32>,
      %swap3A_1194 = arith.index_cast %scan3A_1169 : i32 to index
      %swap3A_1195 = arith.constant 48 : index
      %swap3A_1196 = tpu.vector_load %arg9[%swap3A_1194, %swap3A_1195] {strides = array<i32>} : memref<32x256xf32, #tpu.memory_space<vmem>>, vector<16xf32>,
      tpu.vector_store %arg9[%swap3A_1194, %swap3A_1195], %gather3A_1193 {strides = array<i32>} : memref<32x256xf32, #tpu.memory_space<vmem>>, vector<16xf32>,
      %get3A_1197 = arith.constant 64 : index
      %get3A_1198 = tpu.vector_load %arg6[%get3A_1197] {strides = array<i32>} : memref<256xi32, #tpu.memory_space<vmem>>, vector<16xi32>,
      %broadcast_in_dim3A_1199 = vector.broadcast %scan3A_1169 : i32 to vector<16xi32>
      %gather3A_1200 = tpu.vector_load_idx %arg7[%broadcast_in_dim3A_1199, %get3A_1198] : memref<32x1024xf32, #tpu.memory_space<vmem>>[vector<16xi32>, vector<16xi32>], vector<16xf32>,
      %swap3A_1201 = arith.index_cast %scan3A_1169 : i32 to index
      %swap3A_1202 = arith.constant 64 : index
      %swap3A_1203 = tpu.vector_load %arg9[%swap3A_1201, %swap3A_1202] {strides = array<i32>} : memref<32x256xf32, #tpu.memory_space<vmem>>, vector<16xf32>,
      tpu.vector_store %arg9[%swap3A_1201, %swap3A_1202], %gather3A_1200 {strides = array<i32>} : memref<32x256xf32, #tpu.memory_space<vmem>>, vector<16xf32>,
      %get3A_1204 = arith.constant 80 : index
      %get3A_1205 = tpu.vector_load %arg6[%get3A_1204] {strides = array<i32>} : memref<256xi32, #tpu.memory_space<vmem>>, vector<16xi32>,
      %broadcast_in_dim3A_1206 = vector.broadcast %scan3A_1169 : i32 to vector<16xi32>
      %gather3A_1207 = tpu.vector_load_idx %arg7[%broadcast_in_dim3A_1206, %get3A_1205] : memref<32x1024xf32, #tpu.memory_space<vmem>>[vector<16xi32>, vector<16xi32>], vector<16xf32>,
      %swap3A_1208 = arith.index_cast %scan3A_1169 : i32 to index
      %swap3A_1209 = arith.constant 80 : index
      %swap3A_1210 = tpu.vector_load %arg9[%swap3A_1208, %swap3A_1209] {strides = array<i32>} : memref<32x256xf32, #tpu.memory_space<vmem>>, vector<16xf32>,
      tpu.vector_store %arg9[%swap3A_1208, %swap3A_1209], %gather3A_1207 {strides = array<i32>} : memref<32x256xf32, #tpu.memory_space<vmem>>, vector<16xf32>,
      %get3A_1211 = arith.constant 96 : index
      %get3A_1212 = tpu.vector_load %arg6[%get3A_1211] {strides = array<i32>} : memref<256xi32, #tpu.memory_space<vmem>>, vector<16xi32>,
      %broadcast_in_dim3A_1213 = vector.broadcast %scan3A_1169 : i32 to vector<16xi32>
      %gather3A_1214 = tpu.vector_load_idx %arg7[%broadcast_in_dim3A_1213, %get3A_1212] : memref<32x1024xf32, #tpu.memory_space<vmem>>[vector<16xi32>, vector<16xi32>], vector<16xf32>,
      %swap3A_1215 = arith.index_cast %scan3A_1169 : i32 to index
      %swap3A_1216 = arith.constant 96 : index
      %swap3A_1217 = tpu.vector_load %arg9[%swap3A_1215, %swap3A_1216] {strides = array<i32>} : memref<32x256xf32, #tpu.memory_space<vmem>>, vector<16xf32>,
      tpu.vector_store %arg9[%swap3A_1215, %swap3A_1216], %gather3A_1214 {strides = array<i32>} : memref<32x256xf32, #tpu.memory_space<vmem>>, vector<16xf32>,
      %get3A_1218 = arith.constant 112 : index
      %get3A_1219 = tpu.vector_load %arg6[%get3A_1218] {strides = array<i32>} : memref<256xi32, #tpu.memory_space<vmem>>, vector<16xi32>,
      %broadcast_in_dim3A_1220 = vector.broadcast %scan3A_1169 : i32 to vector<16xi32>
      %gather3A_1221 = tpu.vector_load_idx %arg7[%broadcast_in_dim3A_1220, %get3A_1219] : memref<32x1024xf32, #tpu.memory_space<vmem>>[vector<16xi32>, vector<16xi32>], vector<16xf32>,
      %swap3A_1222 = arith.index_cast %scan3A_1169 : i32 to index
      %swap3A_1223 = arith.constant 112 : index
      %swap3A_1224 = tpu.vector_load %arg9[%swap3A_1222, %swap3A_1223] {strides = array<i32>} : memref<32x256xf32, #tpu.memory_space<vmem>>, vector<16xf32>,
      tpu.vector_store %arg9[%swap3A_1222, %swap3A_1223], %gather3A_1221 {strides = array<i32>} : memref<32x256xf32, #tpu.memory_space<vmem>>, vector<16xf32>,
      %get3A_1225 = arith.constant 128 : index
      %get3A_1226 = tpu.vector_load %arg6[%get3A_1225] {strides = array<i32>} : memref<256xi32, #tpu.memory_space<vmem>>, vector<16xi32>,
      %broadcast_in_dim3A_1227 = vector.broadcast %scan3A_1169 : i32 to vector<16xi32>
      %gather3A_1228 = tpu.vector_load_idx %arg7[%broadcast_in_dim3A_1227, %get3A_1226] : memref<32x1024xf32, #tpu.memory_space<vmem>>[vector<16xi32>, vector<16xi32>], vector<16xf32>,
      %swap3A_1229 = arith.index_cast %scan3A_1169 : i32 to index
      %swap3A_1230 = arith.constant 128 : index
      %swap3A_1231 = tpu.vector_load %arg9[%swap3A_1229, %swap3A_1230] {strides = array<i32>} : memref<32x256xf32, #tpu.memory_space<vmem>>, vector<16xf32>,
      tpu.vector_store %arg9[%swap3A_1229, %swap3A_1230], %gather3A_1228 {strides = array<i32>} : memref<32x256xf32, #tpu.memory_space<vmem>>, vector<16xf32>,
      %get3A_1232 = arith.constant 144 : index
      %get3A_1233 = tpu.vector_load %arg6[%get3A_1232] {strides = array<i32>} : memref<256xi32, #tpu.memory_space<vmem>>, vector<16xi32>,
      %broadcast_in_dim3A_1234 = vector.broadcast %scan3A_1169 : i32 to vector<16xi32>
      %gather3A_1235 = tpu.vector_load_idx %arg7[%broadcast_in_dim3A_1234, %get3A_1233] : memref<32x1024xf32, #tpu.memory_space<vmem>>[vector<16xi32>, vector<16xi32>], vector<16xf32>,
      %swap3A_1236 = arith.index_cast %scan3A_1169 : i32 to index
      %swap3A_1237 = arith.constant 144 : index
      %swap3A_1238 = tpu.vector_load %arg9[%swap3A_1236, %swap3A_1237] {strides = array<i32>} : memref<32x256xf32, #tpu.memory_space<vmem>>, vector<16xf32>,
      tpu.vector_store %arg9[%swap3A_1236, %swap3A_1237], %gather3A_1235 {strides = array<i32>} : memref<32x256xf32, #tpu.memory_space<vmem>>, vector<16xf32>,
      %get3A_1239 = arith.constant 160 : index
      %get3A_1240 = tpu.vector_load %arg6[%get3A_1239] {strides = array<i32>} : memref<256xi32, #tpu.memory_space<vmem>>, vector<16xi32>,
      %broadcast_in_dim3A_1241 = vector.broadcast %scan3A_1169 : i32 to vector<16xi32>
      %gather3A_1242 = tpu.vector_load_idx %arg7[%broadcast_in_dim3A_1241, %get3A_1240] : memref<32x1024xf32, #tpu.memory_space<vmem>>[vector<16xi32>, vector<16xi32>], vector<16xf32>,
      %swap3A_1243 = arith.index_cast %scan3A_1169 : i32 to index
      %swap3A_1244 = arith.constant 160 : index
      %swap3A_1245 = tpu.vector_load %arg9[%swap3A_1243, %swap3A_1244] {strides = array<i32>} : memref<32x256xf32, #tpu.memory_space<vmem>>, vector<16xf32>,
      tpu.vector_store %arg9[%swap3A_1243, %swap3A_1244], %gather3A_1242 {strides = array<i32>} : memref<32x256xf32, #tpu.memory_space<vmem>>, vector<16xf32>,
      %get3A_1246 = arith.constant 176 : index
      %get3A_1247 = tpu.vector_load %arg6[%get3A_1246] {strides = array<i32>} : memref<256xi32, #tpu.memory_space<vmem>>, vector<16xi32>,
      %broadcast_in_dim3A_1248 = vector.broadcast %scan3A_1169 : i32 to vector<16xi32>
      %gather3A_1249 = tpu.vector_load_idx %arg7[%broadcast_in_dim3A_1248, %get3A_1247] : memref<32x1024xf32, #tpu.memory_space<vmem>>[vector<16xi32>, vector<16xi32>], vector<16xf32>,
      %swap3A_1250 = arith.index_cast %scan3A_1169 : i32 to index
      %swap3A_1251 = arith.constant 176 : index
      %swap3A_1252 = tpu.vector_load %arg9[%swap3A_1250, %swap3A_1251] {strides = array<i32>} : memref<32x256xf32, #tpu.memory_space<vmem>>, vector<16xf32>,
      tpu.vector_store %arg9[%swap3A_1250, %swap3A_1251], %gather3A_1249 {strides = array<i32>} : memref<32x256xf32, #tpu.memory_space<vmem>>, vector<16xf32>,
      %get3A_1253 = arith.constant 192 : index
      %get3A_1254 = tpu.vector_load %arg6[%get3A_1253] {strides = array<i32>} : memref<256xi32, #tpu.memory_space<vmem>>, vector<16xi32>,
      %broadcast_in_dim3A_1255 = vector.broadcast %scan3A_1169 : i32 to vector<16xi32>
      %gather3A_1256 = tpu.vector_load_idx %arg7[%broadcast_in_dim3A_1255, %get3A_1254] : memref<32x1024xf32, #tpu.memory_space<vmem>>[vector<16xi32>, vector<16xi32>], vector<16xf32>,
      %swap3A_1257 = arith.index_cast %scan3A_1169 : i32 to index
      %swap3A_1258 = arith.constant 192 : index
      %swap3A_1259 = tpu.vector_load %arg9[%swap3A_1257, %swap3A_1258] {strides = array<i32>} : memref<32x256xf32, #tpu.memory_space<vmem>>, vector<16xf32>,
      tpu.vector_store %arg9[%swap3A_1257, %swap3A_1258], %gather3A_1256 {strides = array<i32>} : memref<32x256xf32, #tpu.memory_space<vmem>>, vector<16xf32>,
      %get3A_1260 = arith.constant 208 : index
      %get3A_1261 = tpu.vector_load %arg6[%get3A_1260] {strides = array<i32>} : memref<256xi32, #tpu.memory_space<vmem>>, vector<16xi32>,
      %broadcast_in_dim3A_1262 = vector.broadcast %scan3A_1169 : i32 to vector<16xi32>
      %gather3A_1263 = tpu.vector_load_idx %arg7[%broadcast_in_dim3A_1262, %get3A_1261] : memref<32x1024xf32, #tpu.memory_space<vmem>>[vector<16xi32>, vector<16xi32>], vector<16xf32>,
      %swap3A_1264 = arith.index_cast %scan3A_1169 : i32 to index
      %swap3A_1265 = arith.constant 208 : index
      %swap3A_1266 = tpu.vector_load %arg9[%swap3A_1264, %swap3A_1265] {strides = array<i32>} : memref<32x256xf32, #tpu.memory_space<vmem>>, vector<16xf32>,
      tpu.vector_store %arg9[%swap3A_1264, %swap3A_1265], %gather3A_1263 {strides = array<i32>} : memref<32x256xf32, #tpu.memory_space<vmem>>, vector<16xf32>,
      %get3A_1267 = arith.constant 224 : index
      %get3A_1268 = tpu.vector_load %arg6[%get3A_1267] {strides = array<i32>} : memref<256xi32, #tpu.memory_space<vmem>>, vector<16xi32>,
      %broadcast_in_dim3A_1269 = vector.broadcast %scan3A_1169 : i32 to vector<16xi32>
      %gather3A_1270 = tpu.vector_load_idx %arg7[%broadcast_in_dim3A_1269, %get3A_1268] : memref<32x1024xf32, #tpu.memory_space<vmem>>[vector<16xi32>, vector<16xi32>], vector<16xf32>,
      %swap3A_1271 = arith.index_cast %scan3A_1169 : i32 to index
      %swap3A_1272 = arith.constant 224 : index
      %swap3A_1273 = tpu.vector_load %arg9[%swap3A_1271, %swap3A_1272] {strides = array<i32>} : memref<32x256xf32, #tpu.memory_space<vmem>>, vector<16xf32>,
      tpu.vector_store %arg9[%swap3A_1271, %swap3A_1272], %gather3A_1270 {strides = array<i32>} : memref<32x256xf32, #tpu.memory_space<vmem>>, vector<16xf32>,
      %get3A_1274 = arith.constant 240 : index
      %get3A_1275 = tpu.vector_load %arg6[%get3A_1274] {strides = array<i32>} : memref<256xi32, #tpu.memory_space<vmem>>, vector<16xi32>,
      %broadcast_in_dim3A_1276 = vector.broadcast %scan3A_1169 : i32 to vector<16xi32>
      %gather3A_1277 = tpu.vector_load_idx %arg7[%broadcast_in_dim3A_1276, %get3A_1275] : memref<32x1024xf32, #tpu.memory_space<vmem>>[vector<16xi32>, vector<16xi32>], vector<16xf32>,
      %swap3A_1278 = arith.index_cast %scan3A_1169 : i32 to index
      %swap3A_1279 = arith.constant 240 : index
      %swap3A_1280 = tpu.vector_load %arg9[%swap3A_1278, %swap3A_1279] {strides = array<i32>} : memref<32x256xf32, #tpu.memory_space<vmem>>, vector<16xf32>,
      tpu.vector_store %arg9[%swap3A_1278, %swap3A_1279], %gather3A_1277 {strides = array<i32>} : memref<32x256xf32, #tpu.memory_space<vmem>>, vector<16xf32>,
      %scan3A_1281 = arith.constant 0 : i32
      scf.yield %scan3A_1281 : i32
    }
    %scan3A_973 = arith.constant 32 : i32
    %mul3A_974 = arith.constant 192 : i32
    %mul3A_975 = arith.muli %select_n3A_30, %mul3A_974 : i32
    %add3A_976 = arith.constant 64 : i32
    %add3A_977 = arith.addi %mul3A_975, %add3A_976 : i32
    %dma_start3A_978 = arith.constant 0 : i32
    %dma_start3A_979 = arith.constant 0 : i32
    %dma_start3A_980 = tpu.memref_slice %arg4[%select_n3A, %dma_start3A_978, %dma_start3A_979] : memref<16x384x256xf32, #tpu.memory_space<hbm>> -> memref<1x384x256xf32, #tpu.memory_space<hbm>>
    %dma_start3A_981 = tpu.memref_squeeze %dma_start3A_980 : memref<1x384x256xf32, #tpu.memory_space<hbm>> -> memref<384x256xf32, #tpu.memory_space<hbm>>
    %dma_start3A_982 = arith.constant 0 : i32
    %dma_start3A_983 = tpu.memref_slice %dma_start3A_981[%add3A_977, %dma_start3A_982] : memref<384x256xf32, #tpu.memory_space<hbm>> -> memref<32x256xf32, #tpu.memory_space<hbm>>
    %dma_start3A_984 = arith.constant 0 : i32
    %dma_start3A_985 = arith.constant 0 : i32
    %dma_start3A_986 = tpu.memref_slice %arg4[%select_n3A, %dma_start3A_984, %dma_start3A_985] : memref<16x384x256xf32, #tpu.memory_space<hbm>> -> memref<1x384x256xf32, #tpu.memory_space<hbm>>
    %dma_start3A_987 = tpu.memref_squeeze %dma_start3A_986 : memref<1x384x256xf32, #tpu.memory_space<hbm>> -> memref<384x256xf32, #tpu.memory_space<hbm>>
    %dma_start3A_988 = arith.constant 0 : i32
    %dma_start3A_989 = tpu.memref_slice %dma_start3A_987[%add3A_977, %dma_start3A_988] : memref<384x256xf32, #tpu.memory_space<hbm>> -> memref<32x256xf32, #tpu.memory_space<hbm>>
    tpu.enqueue_dma source(%arg9 : memref<32x256xf32, #tpu.memory_space<vmem>>) target(%dma_start3A_989 : memref<32x256xf32, #tpu.memory_space<hbm>>) target_semaphore(%arg13 : memref<!tpu.dma_semaphore, #tpu.memory_space<semaphore_mem>>)
    %add3A_990 = arith.constant 128 : i32
    %add3A_991 = arith.addi %add3A_35, %add3A_990 : i32
    %dma_start3A_992 = arith.constant 0 : i32
    %dma_start3A_993 = tpu.memref_slice %arg2[%add3A_991, %dma_start3A_992] : memref<6144x1024xf32, #tpu.memory_space<hbm>> -> memref<32x1024xf32, #tpu.memory_space<hbm>>
    %dma_start3A_994 = arith.constant 0 : i32
    %dma_start3A_995 = tpu.memref_slice %arg2[%add3A_991, %dma_start3A_994] : memref<6144x1024xf32, #tpu.memory_space<hbm>> -> memref<32x1024xf32, #tpu.memory_space<hbm>>
    tpu.enqueue_dma source(%dma_start3A_995 : memref<32x1024xf32, #tpu.memory_space<hbm>>) target(%arg7 : memref<32x1024xf32, #tpu.memory_space<vmem>>) target_semaphore(%arg11 : memref<!tpu.dma_semaphore, #tpu.memory_space<semaphore_mem>>)
    %add3A_996 = arith.constant 96 : i32
    %add3A_997 = arith.addi %add3A_35, %add3A_996 : i32
    %dma_wait3A_998 = arith.constant 0 : i32
    %dma_wait3A_999 = tpu.memref_slice %arg2[%add3A_997, %dma_wait3A_998] : memref<6144x1024xf32, #tpu.memory_space<hbm>> -> memref<32x1024xf32, #tpu.memory_space<hbm>>
    %dma_wait3A_1000 = arith.constant 0 : i32
    %dma_wait3A_1001 = tpu.memref_slice %arg2[%add3A_997, %dma_wait3A_1000] : memref<6144x1024xf32, #tpu.memory_space<hbm>> -> memref<32x1024xf32, #tpu.memory_space<hbm>>
    tpu.wait_dma2 semaphore(%arg12 : memref<!tpu.dma_semaphore, #tpu.memory_space<semaphore_mem>>) src(%dma_wait3A_1001 : memref<32x1024xf32, #tpu.memory_space<hbm>>) dst(%arg8 : memref<32x1024xf32, #tpu.memory_space<vmem>>)
    %mul3A_1002 = arith.constant 192 : i32
    %mul3A_1003 = arith.muli %select_n3A_30, %mul3A_1002 : i32
    %add3A_1004 = arith.constant 32 : i32
    %add3A_1005 = arith.addi %mul3A_1003, %add3A_1004 : i32
    %dma_wait3A_1006 = arith.constant 0 : i32
    %dma_wait3A_1007 = arith.constant 0 : i32
    %dma_wait3A_1008 = tpu.memref_slice %arg4[%select_n3A, %dma_wait3A_1006, %dma_wait3A_1007] : memref<16x384x256xf32, #tpu.memory_space<hbm>> -> memref<1x384x256xf32, #tpu.memory_space<hbm>>
    %dma_wait3A_1009 = tpu.memref_squeeze %dma_wait3A_1008 : memref<1x384x256xf32, #tpu.memory_space<hbm>> -> memref<384x256xf32, #tpu.memory_space<hbm>>
    %dma_wait3A_1010 = arith.constant 0 : i32
    %dma_wait3A_1011 = tpu.memref_slice %dma_wait3A_1009[%add3A_1005, %dma_wait3A_1010] : memref<384x256xf32, #tpu.memory_space<hbm>> -> memref<32x256xf32, #tpu.memory_space<hbm>>
    %dma_wait3A_1012 = arith.constant 0 : i32
    %dma_wait3A_1013 = arith.constant 0 : i32
    %dma_wait3A_1014 = tpu.memref_slice %arg4[%select_n3A, %dma_wait3A_1012, %dma_wait3A_1013] : memref<16x384x256xf32, #tpu.memory_space<hbm>> -> memref<1x384x256xf32, #tpu.memory_space<hbm>>
    %dma_wait3A_1015 = tpu.memref_squeeze %dma_wait3A_1014 : memref<1x384x256xf32, #tpu.memory_space<hbm>> -> memref<384x256xf32, #tpu.memory_space<hbm>>
    %dma_wait3A_1016 = arith.constant 0 : i32
    %dma_wait3A_1017 = tpu.memref_slice %dma_wait3A_1015[%add3A_1005, %dma_wait3A_1016] : memref<384x256xf32, #tpu.memory_space<hbm>> -> memref<32x256xf32, #tpu.memory_space<hbm>>
    tpu.wait_dma2 semaphore(%arg14 : memref<!tpu.dma_semaphore, #tpu.memory_space<semaphore_mem>>) src(%arg10 : memref<32x256xf32, #tpu.memory_space<vmem>>) dst(%dma_wait3A_1017 : memref<32x256xf32, #tpu.memory_space<hbm>>)
    %scan3A_1018 = arith.constant 0 : i32
    %scan3A_1019 = arith.constant 0 : i32
    %scan3A_1020 = arith.constant 32 : i32
    %scan3A_1021 = arith.addi %scan3A_1019, %scan3A_1020 : i32
    %scan3A_1022 = arith.constant 1 : i32
    %scan3A_1023 = scf.for %scan3A_1169 = %scan3A_1019 to %scan3A_1021 step %scan3A_1022 iter_args(%scan3A_1170 = %scan3A_1018) -> (i32)  : i32 {
      %get3A_1171 = arith.constant 0 : index
      %get3A_1172 = tpu.vector_load %arg6[%get3A_1171] {strides = array<i32>} : memref<256xi32, #tpu.memory_space<vmem>>, vector<16xi32>,
      %broadcast_in_dim3A = vector.broadcast %scan3A_1169 : i32 to vector<16xi32>
      %gather3A = tpu.vector_load_idx %arg8[%broadcast_in_dim3A, %get3A_1172] : memref<32x1024xf32, #tpu.memory_space<vmem>>[vector<16xi32>, vector<16xi32>], vector<16xf32>,
      %swap3A_1173 = arith.index_cast %scan3A_1169 : i32 to index
      %swap3A_1174 = arith.constant 0 : index
      %swap3A_1175 = tpu.vector_load %arg10[%swap3A_1173, %swap3A_1174] {strides = array<i32>} : memref<32x256xf32, #tpu.memory_space<vmem>>, vector<16xf32>,
      tpu.vector_store %arg10[%swap3A_1173, %swap3A_1174], %gather3A {strides = array<i32>} : memref<32x256xf32, #tpu.memory_space<vmem>>, vector<16xf32>,
      %get3A_1176 = arith.constant 16 : index
      %get3A_1177 = tpu.vector_load %arg6[%get3A_1176] {strides = array<i32>} : memref<256xi32, #tpu.memory_space<vmem>>, vector<16xi32>,
      %broadcast_in_dim3A_1178 = vector.broadcast %scan3A_1169 : i32 to vector<16xi32>
      %gather3A_1179 = tpu.vector_load_idx %arg8[%broadcast_in_dim3A_1178, %get3A_1177] : memref<32x1024xf32, #tpu.memory_space<vmem>>[vector<16xi32>, vector<16xi32>], vector<16xf32>,
      %swap3A_1180 = arith.index_cast %scan3A_1169 : i32 to index
      %swap3A_1181 = arith.constant 16 : index
      %swap3A_1182 = tpu.vector_load %arg10[%swap3A_1180, %swap3A_1181] {strides = array<i32>} : memref<32x256xf32, #tpu.memory_space<vmem>>, vector<16xf32>,
      tpu.vector_store %arg10[%swap3A_1180, %swap3A_1181], %gather3A_1179 {strides = array<i32>} : memref<32x256xf32, #tpu.memory_space<vmem>>, vector<16xf32>,
      %get3A_1183 = arith.constant 32 : index
      %get3A_1184 = tpu.vector_load %arg6[%get3A_1183] {strides = array<i32>} : memref<256xi32, #tpu.memory_space<vmem>>, vector<16xi32>,
      %broadcast_in_dim3A_1185 = vector.broadcast %scan3A_1169 : i32 to vector<16xi32>
      %gather3A_1186 = tpu.vector_load_idx %arg8[%broadcast_in_dim3A_1185, %get3A_1184] : memref<32x1024xf32, #tpu.memory_space<vmem>>[vector<16xi32>, vector<16xi32>], vector<16xf32>,
      %swap3A_1187 = arith.index_cast %scan3A_1169 : i32 to index
      %swap3A_1188 = arith.constant 32 : index
      %swap3A_1189 = tpu.vector_load %arg10[%swap3A_1187, %swap3A_1188] {strides = array<i32>} : memref<32x256xf32, #tpu.memory_space<vmem>>, vector<16xf32>,
      tpu.vector_store %arg10[%swap3A_1187, %swap3A_1188], %gather3A_1186 {strides = array<i32>} : memref<32x256xf32, #tpu.memory_space<vmem>>, vector<16xf32>,
      %get3A_1190 = arith.constant 48 : index
      %get3A_1191 = tpu.vector_load %arg6[%get3A_1190] {strides = array<i32>} : memref<256xi32, #tpu.memory_space<vmem>>, vector<16xi32>,
      %broadcast_in_dim3A_1192 = vector.broadcast %scan3A_1169 : i32 to vector<16xi32>
      %gather3A_1193 = tpu.vector_load_idx %arg8[%broadcast_in_dim3A_1192, %get3A_1191] : memref<32x1024xf32, #tpu.memory_space<vmem>>[vector<16xi32>, vector<16xi32>], vector<16xf32>,
      %swap3A_1194 = arith.index_cast %scan3A_1169 : i32 to index
      %swap3A_1195 = arith.constant 48 : index
      %swap3A_1196 = tpu.vector_load %arg10[%swap3A_1194, %swap3A_1195] {strides = array<i32>} : memref<32x256xf32, #tpu.memory_space<vmem>>, vector<16xf32>,
      tpu.vector_store %arg10[%swap3A_1194, %swap3A_1195], %gather3A_1193 {strides = array<i32>} : memref<32x256xf32, #tpu.memory_space<vmem>>, vector<16xf32>,
      %get3A_1197 = arith.constant 64 : index
      %get3A_1198 = tpu.vector_load %arg6[%get3A_1197] {strides = array<i32>} : memref<256xi32, #tpu.memory_space<vmem>>, vector<16xi32>,
      %broadcast_in_dim3A_1199 = vector.broadcast %scan3A_1169 : i32 to vector<16xi32>
      %gather3A_1200 = tpu.vector_load_idx %arg8[%broadcast_in_dim3A_1199, %get3A_1198] : memref<32x1024xf32, #tpu.memory_space<vmem>>[vector<16xi32>, vector<16xi32>], vector<16xf32>,
      %swap3A_1201 = arith.index_cast %scan3A_1169 : i32 to index
      %swap3A_1202 = arith.constant 64 : index
      %swap3A_1203 = tpu.vector_load %arg10[%swap3A_1201, %swap3A_1202] {strides = array<i32>} : memref<32x256xf32, #tpu.memory_space<vmem>>, vector<16xf32>,
      tpu.vector_store %arg10[%swap3A_1201, %swap3A_1202], %gather3A_1200 {strides = array<i32>} : memref<32x256xf32, #tpu.memory_space<vmem>>, vector<16xf32>,
      %get3A_1204 = arith.constant 80 : index
      %get3A_1205 = tpu.vector_load %arg6[%get3A_1204] {strides = array<i32>} : memref<256xi32, #tpu.memory_space<vmem>>, vector<16xi32>,
      %broadcast_in_dim3A_1206 = vector.broadcast %scan3A_1169 : i32 to vector<16xi32>
      %gather3A_1207 = tpu.vector_load_idx %arg8[%broadcast_in_dim3A_1206, %get3A_1205] : memref<32x1024xf32, #tpu.memory_space<vmem>>[vector<16xi32>, vector<16xi32>], vector<16xf32>,
      %swap3A_1208 = arith.index_cast %scan3A_1169 : i32 to index
      %swap3A_1209 = arith.constant 80 : index
      %swap3A_1210 = tpu.vector_load %arg10[%swap3A_1208, %swap3A_1209] {strides = array<i32>} : memref<32x256xf32, #tpu.memory_space<vmem>>, vector<16xf32>,
      tpu.vector_store %arg10[%swap3A_1208, %swap3A_1209], %gather3A_1207 {strides = array<i32>} : memref<32x256xf32, #tpu.memory_space<vmem>>, vector<16xf32>,
      %get3A_1211 = arith.constant 96 : index
      %get3A_1212 = tpu.vector_load %arg6[%get3A_1211] {strides = array<i32>} : memref<256xi32, #tpu.memory_space<vmem>>, vector<16xi32>,
      %broadcast_in_dim3A_1213 = vector.broadcast %scan3A_1169 : i32 to vector<16xi32>
      %gather3A_1214 = tpu.vector_load_idx %arg8[%broadcast_in_dim3A_1213, %get3A_1212] : memref<32x1024xf32, #tpu.memory_space<vmem>>[vector<16xi32>, vector<16xi32>], vector<16xf32>,
      %swap3A_1215 = arith.index_cast %scan3A_1169 : i32 to index
      %swap3A_1216 = arith.constant 96 : index
      %swap3A_1217 = tpu.vector_load %arg10[%swap3A_1215, %swap3A_1216] {strides = array<i32>} : memref<32x256xf32, #tpu.memory_space<vmem>>, vector<16xf32>,
      tpu.vector_store %arg10[%swap3A_1215, %swap3A_1216], %gather3A_1214 {strides = array<i32>} : memref<32x256xf32, #tpu.memory_space<vmem>>, vector<16xf32>,
      %get3A_1218 = arith.constant 112 : index
      %get3A_1219 = tpu.vector_load %arg6[%get3A_1218] {strides = array<i32>} : memref<256xi32, #tpu.memory_space<vmem>>, vector<16xi32>,
      %broadcast_in_dim3A_1220 = vector.broadcast %scan3A_1169 : i32 to vector<16xi32>
      %gather3A_1221 = tpu.vector_load_idx %arg8[%broadcast_in_dim3A_1220, %get3A_1219] : memref<32x1024xf32, #tpu.memory_space<vmem>>[vector<16xi32>, vector<16xi32>], vector<16xf32>,
      %swap3A_1222 = arith.index_cast %scan3A_1169 : i32 to index
      %swap3A_1223 = arith.constant 112 : index
      %swap3A_1224 = tpu.vector_load %arg10[%swap3A_1222, %swap3A_1223] {strides = array<i32>} : memref<32x256xf32, #tpu.memory_space<vmem>>, vector<16xf32>,
      tpu.vector_store %arg10[%swap3A_1222, %swap3A_1223], %gather3A_1221 {strides = array<i32>} : memref<32x256xf32, #tpu.memory_space<vmem>>, vector<16xf32>,
      %get3A_1225 = arith.constant 128 : index
      %get3A_1226 = tpu.vector_load %arg6[%get3A_1225] {strides = array<i32>} : memref<256xi32, #tpu.memory_space<vmem>>, vector<16xi32>,
      %broadcast_in_dim3A_1227 = vector.broadcast %scan3A_1169 : i32 to vector<16xi32>
      %gather3A_1228 = tpu.vector_load_idx %arg8[%broadcast_in_dim3A_1227, %get3A_1226] : memref<32x1024xf32, #tpu.memory_space<vmem>>[vector<16xi32>, vector<16xi32>], vector<16xf32>,
      %swap3A_1229 = arith.index_cast %scan3A_1169 : i32 to index
      %swap3A_1230 = arith.constant 128 : index
      %swap3A_1231 = tpu.vector_load %arg10[%swap3A_1229, %swap3A_1230] {strides = array<i32>} : memref<32x256xf32, #tpu.memory_space<vmem>>, vector<16xf32>,
      tpu.vector_store %arg10[%swap3A_1229, %swap3A_1230], %gather3A_1228 {strides = array<i32>} : memref<32x256xf32, #tpu.memory_space<vmem>>, vector<16xf32>,
      %get3A_1232 = arith.constant 144 : index
      %get3A_1233 = tpu.vector_load %arg6[%get3A_1232] {strides = array<i32>} : memref<256xi32, #tpu.memory_space<vmem>>, vector<16xi32>,
      %broadcast_in_dim3A_1234 = vector.broadcast %scan3A_1169 : i32 to vector<16xi32>
      %gather3A_1235 = tpu.vector_load_idx %arg8[%broadcast_in_dim3A_1234, %get3A_1233] : memref<32x1024xf32, #tpu.memory_space<vmem>>[vector<16xi32>, vector<16xi32>], vector<16xf32>,
      %swap3A_1236 = arith.index_cast %scan3A_1169 : i32 to index
      %swap3A_1237 = arith.constant 144 : index
      %swap3A_1238 = tpu.vector_load %arg10[%swap3A_1236, %swap3A_1237] {strides = array<i32>} : memref<32x256xf32, #tpu.memory_space<vmem>>, vector<16xf32>,
      tpu.vector_store %arg10[%swap3A_1236, %swap3A_1237], %gather3A_1235 {strides = array<i32>} : memref<32x256xf32, #tpu.memory_space<vmem>>, vector<16xf32>,
      %get3A_1239 = arith.constant 160 : index
      %get3A_1240 = tpu.vector_load %arg6[%get3A_1239] {strides = array<i32>} : memref<256xi32, #tpu.memory_space<vmem>>, vector<16xi32>,
      %broadcast_in_dim3A_1241 = vector.broadcast %scan3A_1169 : i32 to vector<16xi32>
      %gather3A_1242 = tpu.vector_load_idx %arg8[%broadcast_in_dim3A_1241, %get3A_1240] : memref<32x1024xf32, #tpu.memory_space<vmem>>[vector<16xi32>, vector<16xi32>], vector<16xf32>,
      %swap3A_1243 = arith.index_cast %scan3A_1169 : i32 to index
      %swap3A_1244 = arith.constant 160 : index
      %swap3A_1245 = tpu.vector_load %arg10[%swap3A_1243, %swap3A_1244] {strides = array<i32>} : memref<32x256xf32, #tpu.memory_space<vmem>>, vector<16xf32>,
      tpu.vector_store %arg10[%swap3A_1243, %swap3A_1244], %gather3A_1242 {strides = array<i32>} : memref<32x256xf32, #tpu.memory_space<vmem>>, vector<16xf32>,
      %get3A_1246 = arith.constant 176 : index
      %get3A_1247 = tpu.vector_load %arg6[%get3A_1246] {strides = array<i32>} : memref<256xi32, #tpu.memory_space<vmem>>, vector<16xi32>,
      %broadcast_in_dim3A_1248 = vector.broadcast %scan3A_1169 : i32 to vector<16xi32>
      %gather3A_1249 = tpu.vector_load_idx %arg8[%broadcast_in_dim3A_1248, %get3A_1247] : memref<32x1024xf32, #tpu.memory_space<vmem>>[vector<16xi32>, vector<16xi32>], vector<16xf32>,
      %swap3A_1250 = arith.index_cast %scan3A_1169 : i32 to index
      %swap3A_1251 = arith.constant 176 : index
      %swap3A_1252 = tpu.vector_load %arg10[%swap3A_1250, %swap3A_1251] {strides = array<i32>} : memref<32x256xf32, #tpu.memory_space<vmem>>, vector<16xf32>,
      tpu.vector_store %arg10[%swap3A_1250, %swap3A_1251], %gather3A_1249 {strides = array<i32>} : memref<32x256xf32, #tpu.memory_space<vmem>>, vector<16xf32>,
      %get3A_1253 = arith.constant 192 : index
      %get3A_1254 = tpu.vector_load %arg6[%get3A_1253] {strides = array<i32>} : memref<256xi32, #tpu.memory_space<vmem>>, vector<16xi32>,
      %broadcast_in_dim3A_1255 = vector.broadcast %scan3A_1169 : i32 to vector<16xi32>
      %gather3A_1256 = tpu.vector_load_idx %arg8[%broadcast_in_dim3A_1255, %get3A_1254] : memref<32x1024xf32, #tpu.memory_space<vmem>>[vector<16xi32>, vector<16xi32>], vector<16xf32>,
      %swap3A_1257 = arith.index_cast %scan3A_1169 : i32 to index
      %swap3A_1258 = arith.constant 192 : index
      %swap3A_1259 = tpu.vector_load %arg10[%swap3A_1257, %swap3A_1258] {strides = array<i32>} : memref<32x256xf32, #tpu.memory_space<vmem>>, vector<16xf32>,
      tpu.vector_store %arg10[%swap3A_1257, %swap3A_1258], %gather3A_1256 {strides = array<i32>} : memref<32x256xf32, #tpu.memory_space<vmem>>, vector<16xf32>,
      %get3A_1260 = arith.constant 208 : index
      %get3A_1261 = tpu.vector_load %arg6[%get3A_1260] {strides = array<i32>} : memref<256xi32, #tpu.memory_space<vmem>>, vector<16xi32>,
      %broadcast_in_dim3A_1262 = vector.broadcast %scan3A_1169 : i32 to vector<16xi32>
      %gather3A_1263 = tpu.vector_load_idx %arg8[%broadcast_in_dim3A_1262, %get3A_1261] : memref<32x1024xf32, #tpu.memory_space<vmem>>[vector<16xi32>, vector<16xi32>], vector<16xf32>,
      %swap3A_1264 = arith.index_cast %scan3A_1169 : i32 to index
      %swap3A_1265 = arith.constant 208 : index
      %swap3A_1266 = tpu.vector_load %arg10[%swap3A_1264, %swap3A_1265] {strides = array<i32>} : memref<32x256xf32, #tpu.memory_space<vmem>>, vector<16xf32>,
      tpu.vector_store %arg10[%swap3A_1264, %swap3A_1265], %gather3A_1263 {strides = array<i32>} : memref<32x256xf32, #tpu.memory_space<vmem>>, vector<16xf32>,
      %get3A_1267 = arith.constant 224 : index
      %get3A_1268 = tpu.vector_load %arg6[%get3A_1267] {strides = array<i32>} : memref<256xi32, #tpu.memory_space<vmem>>, vector<16xi32>,
      %broadcast_in_dim3A_1269 = vector.broadcast %scan3A_1169 : i32 to vector<16xi32>
      %gather3A_1270 = tpu.vector_load_idx %arg8[%broadcast_in_dim3A_1269, %get3A_1268] : memref<32x1024xf32, #tpu.memory_space<vmem>>[vector<16xi32>, vector<16xi32>], vector<16xf32>,
      %swap3A_1271 = arith.index_cast %scan3A_1169 : i32 to index
      %swap3A_1272 = arith.constant 224 : index
      %swap3A_1273 = tpu.vector_load %arg10[%swap3A_1271, %swap3A_1272] {strides = array<i32>} : memref<32x256xf32, #tpu.memory_space<vmem>>, vector<16xf32>,
      tpu.vector_store %arg10[%swap3A_1271, %swap3A_1272], %gather3A_1270 {strides = array<i32>} : memref<32x256xf32, #tpu.memory_space<vmem>>, vector<16xf32>,
      %get3A_1274 = arith.constant 240 : index
      %get3A_1275 = tpu.vector_load %arg6[%get3A_1274] {strides = array<i32>} : memref<256xi32, #tpu.memory_space<vmem>>, vector<16xi32>,
      %broadcast_in_dim3A_1276 = vector.broadcast %scan3A_1169 : i32 to vector<16xi32>
      %gather3A_1277 = tpu.vector_load_idx %arg8[%broadcast_in_dim3A_1276, %get3A_1275] : memref<32x1024xf32, #tpu.memory_space<vmem>>[vector<16xi32>, vector<16xi32>], vector<16xf32>,
      %swap3A_1278 = arith.index_cast %scan3A_1169 : i32 to index
      %swap3A_1279 = arith.constant 240 : index
      %swap3A_1280 = tpu.vector_load %arg10[%swap3A_1278, %swap3A_1279] {strides = array<i32>} : memref<32x256xf32, #tpu.memory_space<vmem>>, vector<16xf32>,
      tpu.vector_store %arg10[%swap3A_1278, %swap3A_1279], %gather3A_1277 {strides = array<i32>} : memref<32x256xf32, #tpu.memory_space<vmem>>, vector<16xf32>,
      %scan3A_1281 = arith.constant 0 : i32
      scf.yield %scan3A_1281 : i32
    }
    %scan3A_1024 = arith.constant 32 : i32
    %mul3A_1025 = arith.constant 192 : i32
    %mul3A_1026 = arith.muli %select_n3A_30, %mul3A_1025 : i32
    %add3A_1027 = arith.constant 96 : i32
    %add3A_1028 = arith.addi %mul3A_1026, %add3A_1027 : i32
    %dma_start3A_1029 = arith.constant 0 : i32
    %dma_start3A_1030 = arith.constant 0 : i32
    %dma_start3A_1031 = tpu.memref_slice %arg4[%select_n3A, %dma_start3A_1029, %dma_start3A_1030] : memref<16x384x256xf32, #tpu.memory_space<hbm>> -> memref<1x384x256xf32, #tpu.memory_space<hbm>>
    %dma_start3A_1032 = tpu.memref_squeeze %dma_start3A_1031 : memref<1x384x256xf32, #tpu.memory_space<hbm>> -> memref<384x256xf32, #tpu.memory_space<hbm>>
    %dma_start3A_1033 = arith.constant 0 : i32
    %dma_start3A_1034 = tpu.memref_slice %dma_start3A_1032[%add3A_1028, %dma_start3A_1033] : memref<384x256xf32, #tpu.memory_space<hbm>> -> memref<32x256xf32, #tpu.memory_space<hbm>>
    %dma_start3A_1035 = arith.constant 0 : i32
    %dma_start3A_1036 = arith.constant 0 : i32
    %dma_start3A_1037 = tpu.memref_slice %arg4[%select_n3A, %dma_start3A_1035, %dma_start3A_1036] : memref<16x384x256xf32, #tpu.memory_space<hbm>> -> memref<1x384x256xf32, #tpu.memory_space<hbm>>
    %dma_start3A_1038 = tpu.memref_squeeze %dma_start3A_1037 : memref<1x384x256xf32, #tpu.memory_space<hbm>> -> memref<384x256xf32, #tpu.memory_space<hbm>>
    %dma_start3A_1039 = arith.constant 0 : i32
    %dma_start3A_1040 = tpu.memref_slice %dma_start3A_1038[%add3A_1028, %dma_start3A_1039] : memref<384x256xf32, #tpu.memory_space<hbm>> -> memref<32x256xf32, #tpu.memory_space<hbm>>
    tpu.enqueue_dma source(%arg10 : memref<32x256xf32, #tpu.memory_space<vmem>>) target(%dma_start3A_1040 : memref<32x256xf32, #tpu.memory_space<hbm>>) target_semaphore(%arg14 : memref<!tpu.dma_semaphore, #tpu.memory_space<semaphore_mem>>)
    %add3A_1041 = arith.constant 160 : i32
    %add3A_1042 = arith.addi %add3A_35, %add3A_1041 : i32
    %dma_start3A_1043 = arith.constant 0 : i32
    %dma_start3A_1044 = tpu.memref_slice %arg2[%add3A_1042, %dma_start3A_1043] : memref<6144x1024xf32, #tpu.memory_space<hbm>> -> memref<32x1024xf32, #tpu.memory_space<hbm>>
    %dma_start3A_1045 = arith.constant 0 : i32
    %dma_start3A_1046 = tpu.memref_slice %arg2[%add3A_1042, %dma_start3A_1045] : memref<6144x1024xf32, #tpu.memory_space<hbm>> -> memref<32x1024xf32, #tpu.memory_space<hbm>>
    tpu.enqueue_dma source(%dma_start3A_1046 : memref<32x1024xf32, #tpu.memory_space<hbm>>) target(%arg8 : memref<32x1024xf32, #tpu.memory_space<vmem>>) target_semaphore(%arg12 : memref<!tpu.dma_semaphore, #tpu.memory_space<semaphore_mem>>)
    %add3A_1047 = arith.constant 128 : i32
    %add3A_1048 = arith.addi %add3A_35, %add3A_1047 : i32
    %dma_wait3A_1049 = arith.constant 0 : i32
    %dma_wait3A_1050 = tpu.memref_slice %arg2[%add3A_1048, %dma_wait3A_1049] : memref<6144x1024xf32, #tpu.memory_space<hbm>> -> memref<32x1024xf32, #tpu.memory_space<hbm>>
    %dma_wait3A_1051 = arith.constant 0 : i32
    %dma_wait3A_1052 = tpu.memref_slice %arg2[%add3A_1048, %dma_wait3A_1051] : memref<6144x1024xf32, #tpu.memory_space<hbm>> -> memref<32x1024xf32, #tpu.memory_space<hbm>>
    tpu.wait_dma2 semaphore(%arg11 : memref<!tpu.dma_semaphore, #tpu.memory_space<semaphore_mem>>) src(%dma_wait3A_1052 : memref<32x1024xf32, #tpu.memory_space<hbm>>) dst(%arg7 : memref<32x1024xf32, #tpu.memory_space<vmem>>)
    %mul3A_1053 = arith.constant 192 : i32
    %mul3A_1054 = arith.muli %select_n3A_30, %mul3A_1053 : i32
    %add3A_1055 = arith.constant 64 : i32
    %add3A_1056 = arith.addi %mul3A_1054, %add3A_1055 : i32
    %dma_wait3A_1057 = arith.constant 0 : i32
    %dma_wait3A_1058 = arith.constant 0 : i32
    %dma_wait3A_1059 = tpu.memref_slice %arg4[%select_n3A, %dma_wait3A_1057, %dma_wait3A_1058] : memref<16x384x256xf32, #tpu.memory_space<hbm>> -> memref<1x384x256xf32, #tpu.memory_space<hbm>>
    %dma_wait3A_1060 = tpu.memref_squeeze %dma_wait3A_1059 : memref<1x384x256xf32, #tpu.memory_space<hbm>> -> memref<384x256xf32, #tpu.memory_space<hbm>>
    %dma_wait3A_1061 = arith.constant 0 : i32
    %dma_wait3A_1062 = tpu.memref_slice %dma_wait3A_1060[%add3A_1056, %dma_wait3A_1061] : memref<384x256xf32, #tpu.memory_space<hbm>> -> memref<32x256xf32, #tpu.memory_space<hbm>>
    %dma_wait3A_1063 = arith.constant 0 : i32
    %dma_wait3A_1064 = arith.constant 0 : i32
    %dma_wait3A_1065 = tpu.memref_slice %arg4[%select_n3A, %dma_wait3A_1063, %dma_wait3A_1064] : memref<16x384x256xf32, #tpu.memory_space<hbm>> -> memref<1x384x256xf32, #tpu.memory_space<hbm>>
    %dma_wait3A_1066 = tpu.memref_squeeze %dma_wait3A_1065 : memref<1x384x256xf32, #tpu.memory_space<hbm>> -> memref<384x256xf32, #tpu.memory_space<hbm>>
    %dma_wait3A_1067 = arith.constant 0 : i32
    %dma_wait3A_1068 = tpu.memref_slice %dma_wait3A_1066[%add3A_1056, %dma_wait3A_1067] : memref<384x256xf32, #tpu.memory_space<hbm>> -> memref<32x256xf32, #tpu.memory_space<hbm>>
    tpu.wait_dma2 semaphore(%arg13 : memref<!tpu.dma_semaphore, #tpu.memory_space<semaphore_mem>>) src(%arg9 : memref<32x256xf32, #tpu.memory_space<vmem>>) dst(%dma_wait3A_1068 : memref<32x256xf32, #tpu.memory_space<hbm>>)
    %scan3A_1069 = arith.constant 0 : i32
    %scan3A_1070 = arith.constant 0 : i32
    %scan3A_1071 = arith.constant 32 : i32
    %scan3A_1072 = arith.addi %scan3A_1070, %scan3A_1071 : i32
    %scan3A_1073 = arith.constant 1 : i32
    %scan3A_1074 = scf.for %scan3A_1169 = %scan3A_1070 to %scan3A_1072 step %scan3A_1073 iter_args(%scan3A_1170 = %scan3A_1069) -> (i32)  : i32 {
      %get3A_1171 = arith.constant 0 : index
      %get3A_1172 = tpu.vector_load %arg6[%get3A_1171] {strides = array<i32>} : memref<256xi32, #tpu.memory_space<vmem>>, vector<16xi32>,
      %broadcast_in_dim3A = vector.broadcast %scan3A_1169 : i32 to vector<16xi32>
      %gather3A = tpu.vector_load_idx %arg7[%broadcast_in_dim3A, %get3A_1172] : memref<32x1024xf32, #tpu.memory_space<vmem>>[vector<16xi32>, vector<16xi32>], vector<16xf32>,
      %swap3A_1173 = arith.index_cast %scan3A_1169 : i32 to index
      %swap3A_1174 = arith.constant 0 : index
      %swap3A_1175 = tpu.vector_load %arg9[%swap3A_1173, %swap3A_1174] {strides = array<i32>} : memref<32x256xf32, #tpu.memory_space<vmem>>, vector<16xf32>,
      tpu.vector_store %arg9[%swap3A_1173, %swap3A_1174], %gather3A {strides = array<i32>} : memref<32x256xf32, #tpu.memory_space<vmem>>, vector<16xf32>,
      %get3A_1176 = arith.constant 16 : index
      %get3A_1177 = tpu.vector_load %arg6[%get3A_1176] {strides = array<i32>} : memref<256xi32, #tpu.memory_space<vmem>>, vector<16xi32>,
      %broadcast_in_dim3A_1178 = vector.broadcast %scan3A_1169 : i32 to vector<16xi32>
      %gather3A_1179 = tpu.vector_load_idx %arg7[%broadcast_in_dim3A_1178, %get3A_1177] : memref<32x1024xf32, #tpu.memory_space<vmem>>[vector<16xi32>, vector<16xi32>], vector<16xf32>,
      %swap3A_1180 = arith.index_cast %scan3A_1169 : i32 to index
      %swap3A_1181 = arith.constant 16 : index
      %swap3A_1182 = tpu.vector_load %arg9[%swap3A_1180, %swap3A_1181] {strides = array<i32>} : memref<32x256xf32, #tpu.memory_space<vmem>>, vector<16xf32>,
      tpu.vector_store %arg9[%swap3A_1180, %swap3A_1181], %gather3A_1179 {strides = array<i32>} : memref<32x256xf32, #tpu.memory_space<vmem>>, vector<16xf32>,
      %get3A_1183 = arith.constant 32 : index
      %get3A_1184 = tpu.vector_load %arg6[%get3A_1183] {strides = array<i32>} : memref<256xi32, #tpu.memory_space<vmem>>, vector<16xi32>,
      %broadcast_in_dim3A_1185 = vector.broadcast %scan3A_1169 : i32 to vector<16xi32>
      %gather3A_1186 = tpu.vector_load_idx %arg7[%broadcast_in_dim3A_1185, %get3A_1184] : memref<32x1024xf32, #tpu.memory_space<vmem>>[vector<16xi32>, vector<16xi32>], vector<16xf32>,
      %swap3A_1187 = arith.index_cast %scan3A_1169 : i32 to index
      %swap3A_1188 = arith.constant 32 : index
      %swap3A_1189 = tpu.vector_load %arg9[%swap3A_1187, %swap3A_1188] {strides = array<i32>} : memref<32x256xf32, #tpu.memory_space<vmem>>, vector<16xf32>,
      tpu.vector_store %arg9[%swap3A_1187, %swap3A_1188], %gather3A_1186 {strides = array<i32>} : memref<32x256xf32, #tpu.memory_space<vmem>>, vector<16xf32>,
      %get3A_1190 = arith.constant 48 : index
      %get3A_1191 = tpu.vector_load %arg6[%get3A_1190] {strides = array<i32>} : memref<256xi32, #tpu.memory_space<vmem>>, vector<16xi32>,
      %broadcast_in_dim3A_1192 = vector.broadcast %scan3A_1169 : i32 to vector<16xi32>
      %gather3A_1193 = tpu.vector_load_idx %arg7[%broadcast_in_dim3A_1192, %get3A_1191] : memref<32x1024xf32, #tpu.memory_space<vmem>>[vector<16xi32>, vector<16xi32>], vector<16xf32>,
      %swap3A_1194 = arith.index_cast %scan3A_1169 : i32 to index
      %swap3A_1195 = arith.constant 48 : index
      %swap3A_1196 = tpu.vector_load %arg9[%swap3A_1194, %swap3A_1195] {strides = array<i32>} : memref<32x256xf32, #tpu.memory_space<vmem>>, vector<16xf32>,
      tpu.vector_store %arg9[%swap3A_1194, %swap3A_1195], %gather3A_1193 {strides = array<i32>} : memref<32x256xf32, #tpu.memory_space<vmem>>, vector<16xf32>,
      %get3A_1197 = arith.constant 64 : index
      %get3A_1198 = tpu.vector_load %arg6[%get3A_1197] {strides = array<i32>} : memref<256xi32, #tpu.memory_space<vmem>>, vector<16xi32>,
      %broadcast_in_dim3A_1199 = vector.broadcast %scan3A_1169 : i32 to vector<16xi32>
      %gather3A_1200 = tpu.vector_load_idx %arg7[%broadcast_in_dim3A_1199, %get3A_1198] : memref<32x1024xf32, #tpu.memory_space<vmem>>[vector<16xi32>, vector<16xi32>], vector<16xf32>,
      %swap3A_1201 = arith.index_cast %scan3A_1169 : i32 to index
      %swap3A_1202 = arith.constant 64 : index
      %swap3A_1203 = tpu.vector_load %arg9[%swap3A_1201, %swap3A_1202] {strides = array<i32>} : memref<32x256xf32, #tpu.memory_space<vmem>>, vector<16xf32>,
      tpu.vector_store %arg9[%swap3A_1201, %swap3A_1202], %gather3A_1200 {strides = array<i32>} : memref<32x256xf32, #tpu.memory_space<vmem>>, vector<16xf32>,
      %get3A_1204 = arith.constant 80 : index
      %get3A_1205 = tpu.vector_load %arg6[%get3A_1204] {strides = array<i32>} : memref<256xi32, #tpu.memory_space<vmem>>, vector<16xi32>,
      %broadcast_in_dim3A_1206 = vector.broadcast %scan3A_1169 : i32 to vector<16xi32>
      %gather3A_1207 = tpu.vector_load_idx %arg7[%broadcast_in_dim3A_1206, %get3A_1205] : memref<32x1024xf32, #tpu.memory_space<vmem>>[vector<16xi32>, vector<16xi32>], vector<16xf32>,
      %swap3A_1208 = arith.index_cast %scan3A_1169 : i32 to index
      %swap3A_1209 = arith.constant 80 : index
      %swap3A_1210 = tpu.vector_load %arg9[%swap3A_1208, %swap3A_1209] {strides = array<i32>} : memref<32x256xf32, #tpu.memory_space<vmem>>, vector<16xf32>,
      tpu.vector_store %arg9[%swap3A_1208, %swap3A_1209], %gather3A_1207 {strides = array<i32>} : memref<32x256xf32, #tpu.memory_space<vmem>>, vector<16xf32>,
      %get3A_1211 = arith.constant 96 : index
      %get3A_1212 = tpu.vector_load %arg6[%get3A_1211] {strides = array<i32>} : memref<256xi32, #tpu.memory_space<vmem>>, vector<16xi32>,
      %broadcast_in_dim3A_1213 = vector.broadcast %scan3A_1169 : i32 to vector<16xi32>
      %gather3A_1214 = tpu.vector_load_idx %arg7[%broadcast_in_dim3A_1213, %get3A_1212] : memref<32x1024xf32, #tpu.memory_space<vmem>>[vector<16xi32>, vector<16xi32>], vector<16xf32>,
      %swap3A_1215 = arith.index_cast %scan3A_1169 : i32 to index
      %swap3A_1216 = arith.constant 96 : index
      %swap3A_1217 = tpu.vector_load %arg9[%swap3A_1215, %swap3A_1216] {strides = array<i32>} : memref<32x256xf32, #tpu.memory_space<vmem>>, vector<16xf32>,
      tpu.vector_store %arg9[%swap3A_1215, %swap3A_1216], %gather3A_1214 {strides = array<i32>} : memref<32x256xf32, #tpu.memory_space<vmem>>, vector<16xf32>,
      %get3A_1218 = arith.constant 112 : index
      %get3A_1219 = tpu.vector_load %arg6[%get3A_1218] {strides = array<i32>} : memref<256xi32, #tpu.memory_space<vmem>>, vector<16xi32>,
      %broadcast_in_dim3A_1220 = vector.broadcast %scan3A_1169 : i32 to vector<16xi32>
      %gather3A_1221 = tpu.vector_load_idx %arg7[%broadcast_in_dim3A_1220, %get3A_1219] : memref<32x1024xf32, #tpu.memory_space<vmem>>[vector<16xi32>, vector<16xi32>], vector<16xf32>,
      %swap3A_1222 = arith.index_cast %scan3A_1169 : i32 to index
      %swap3A_1223 = arith.constant 112 : index
      %swap3A_1224 = tpu.vector_load %arg9[%swap3A_1222, %swap3A_1223] {strides = array<i32>} : memref<32x256xf32, #tpu.memory_space<vmem>>, vector<16xf32>,
      tpu.vector_store %arg9[%swap3A_1222, %swap3A_1223], %gather3A_1221 {strides = array<i32>} : memref<32x256xf32, #tpu.memory_space<vmem>>, vector<16xf32>,
      %get3A_1225 = arith.constant 128 : index
      %get3A_1226 = tpu.vector_load %arg6[%get3A_1225] {strides = array<i32>} : memref<256xi32, #tpu.memory_space<vmem>>, vector<16xi32>,
      %broadcast_in_dim3A_1227 = vector.broadcast %scan3A_1169 : i32 to vector<16xi32>
      %gather3A_1228 = tpu.vector_load_idx %arg7[%broadcast_in_dim3A_1227, %get3A_1226] : memref<32x1024xf32, #tpu.memory_space<vmem>>[vector<16xi32>, vector<16xi32>], vector<16xf32>,
      %swap3A_1229 = arith.index_cast %scan3A_1169 : i32 to index
      %swap3A_1230 = arith.constant 128 : index
      %swap3A_1231 = tpu.vector_load %arg9[%swap3A_1229, %swap3A_1230] {strides = array<i32>} : memref<32x256xf32, #tpu.memory_space<vmem>>, vector<16xf32>,
      tpu.vector_store %arg9[%swap3A_1229, %swap3A_1230], %gather3A_1228 {strides = array<i32>} : memref<32x256xf32, #tpu.memory_space<vmem>>, vector<16xf32>,
      %get3A_1232 = arith.constant 144 : index
      %get3A_1233 = tpu.vector_load %arg6[%get3A_1232] {strides = array<i32>} : memref<256xi32, #tpu.memory_space<vmem>>, vector<16xi32>,
      %broadcast_in_dim3A_1234 = vector.broadcast %scan3A_1169 : i32 to vector<16xi32>
      %gather3A_1235 = tpu.vector_load_idx %arg7[%broadcast_in_dim3A_1234, %get3A_1233] : memref<32x1024xf32, #tpu.memory_space<vmem>>[vector<16xi32>, vector<16xi32>], vector<16xf32>,
      %swap3A_1236 = arith.index_cast %scan3A_1169 : i32 to index
      %swap3A_1237 = arith.constant 144 : index
      %swap3A_1238 = tpu.vector_load %arg9[%swap3A_1236, %swap3A_1237] {strides = array<i32>} : memref<32x256xf32, #tpu.memory_space<vmem>>, vector<16xf32>,
      tpu.vector_store %arg9[%swap3A_1236, %swap3A_1237], %gather3A_1235 {strides = array<i32>} : memref<32x256xf32, #tpu.memory_space<vmem>>, vector<16xf32>,
      %get3A_1239 = arith.constant 160 : index
      %get3A_1240 = tpu.vector_load %arg6[%get3A_1239] {strides = array<i32>} : memref<256xi32, #tpu.memory_space<vmem>>, vector<16xi32>,
      %broadcast_in_dim3A_1241 = vector.broadcast %scan3A_1169 : i32 to vector<16xi32>
      %gather3A_1242 = tpu.vector_load_idx %arg7[%broadcast_in_dim3A_1241, %get3A_1240] : memref<32x1024xf32, #tpu.memory_space<vmem>>[vector<16xi32>, vector<16xi32>], vector<16xf32>,
      %swap3A_1243 = arith.index_cast %scan3A_1169 : i32 to index
      %swap3A_1244 = arith.constant 160 : index
      %swap3A_1245 = tpu.vector_load %arg9[%swap3A_1243, %swap3A_1244] {strides = array<i32>} : memref<32x256xf32, #tpu.memory_space<vmem>>, vector<16xf32>,
      tpu.vector_store %arg9[%swap3A_1243, %swap3A_1244], %gather3A_1242 {strides = array<i32>} : memref<32x256xf32, #tpu.memory_space<vmem>>, vector<16xf32>,
      %get3A_1246 = arith.constant 176 : index
      %get3A_1247 = tpu.vector_load %arg6[%get3A_1246] {strides = array<i32>} : memref<256xi32, #tpu.memory_space<vmem>>, vector<16xi32>,
      %broadcast_in_dim3A_1248 = vector.broadcast %scan3A_1169 : i32 to vector<16xi32>
      %gather3A_1249 = tpu.vector_load_idx %arg7[%broadcast_in_dim3A_1248, %get3A_1247] : memref<32x1024xf32, #tpu.memory_space<vmem>>[vector<16xi32>, vector<16xi32>], vector<16xf32>,
      %swap3A_1250 = arith.index_cast %scan3A_1169 : i32 to index
      %swap3A_1251 = arith.constant 176 : index
      %swap3A_1252 = tpu.vector_load %arg9[%swap3A_1250, %swap3A_1251] {strides = array<i32>} : memref<32x256xf32, #tpu.memory_space<vmem>>, vector<16xf32>,
      tpu.vector_store %arg9[%swap3A_1250, %swap3A_1251], %gather3A_1249 {strides = array<i32>} : memref<32x256xf32, #tpu.memory_space<vmem>>, vector<16xf32>,
      %get3A_1253 = arith.constant 192 : index
      %get3A_1254 = tpu.vector_load %arg6[%get3A_1253] {strides = array<i32>} : memref<256xi32, #tpu.memory_space<vmem>>, vector<16xi32>,
      %broadcast_in_dim3A_1255 = vector.broadcast %scan3A_1169 : i32 to vector<16xi32>
      %gather3A_1256 = tpu.vector_load_idx %arg7[%broadcast_in_dim3A_1255, %get3A_1254] : memref<32x1024xf32, #tpu.memory_space<vmem>>[vector<16xi32>, vector<16xi32>], vector<16xf32>,
      %swap3A_1257 = arith.index_cast %scan3A_1169 : i32 to index
      %swap3A_1258 = arith.constant 192 : index
      %swap3A_1259 = tpu.vector_load %arg9[%swap3A_1257, %swap3A_1258] {strides = array<i32>} : memref<32x256xf32, #tpu.memory_space<vmem>>, vector<16xf32>,
      tpu.vector_store %arg9[%swap3A_1257, %swap3A_1258], %gather3A_1256 {strides = array<i32>} : memref<32x256xf32, #tpu.memory_space<vmem>>, vector<16xf32>,
      %get3A_1260 = arith.constant 208 : index
      %get3A_1261 = tpu.vector_load %arg6[%get3A_1260] {strides = array<i32>} : memref<256xi32, #tpu.memory_space<vmem>>, vector<16xi32>,
      %broadcast_in_dim3A_1262 = vector.broadcast %scan3A_1169 : i32 to vector<16xi32>
      %gather3A_1263 = tpu.vector_load_idx %arg7[%broadcast_in_dim3A_1262, %get3A_1261] : memref<32x1024xf32, #tpu.memory_space<vmem>>[vector<16xi32>, vector<16xi32>], vector<16xf32>,
      %swap3A_1264 = arith.index_cast %scan3A_1169 : i32 to index
      %swap3A_1265 = arith.constant 208 : index
      %swap3A_1266 = tpu.vector_load %arg9[%swap3A_1264, %swap3A_1265] {strides = array<i32>} : memref<32x256xf32, #tpu.memory_space<vmem>>, vector<16xf32>,
      tpu.vector_store %arg9[%swap3A_1264, %swap3A_1265], %gather3A_1263 {strides = array<i32>} : memref<32x256xf32, #tpu.memory_space<vmem>>, vector<16xf32>,
      %get3A_1267 = arith.constant 224 : index
      %get3A_1268 = tpu.vector_load %arg6[%get3A_1267] {strides = array<i32>} : memref<256xi32, #tpu.memory_space<vmem>>, vector<16xi32>,
      %broadcast_in_dim3A_1269 = vector.broadcast %scan3A_1169 : i32 to vector<16xi32>
      %gather3A_1270 = tpu.vector_load_idx %arg7[%broadcast_in_dim3A_1269, %get3A_1268] : memref<32x1024xf32, #tpu.memory_space<vmem>>[vector<16xi32>, vector<16xi32>], vector<16xf32>,
      %swap3A_1271 = arith.index_cast %scan3A_1169 : i32 to index
      %swap3A_1272 = arith.constant 224 : index
      %swap3A_1273 = tpu.vector_load %arg9[%swap3A_1271, %swap3A_1272] {strides = array<i32>} : memref<32x256xf32, #tpu.memory_space<vmem>>, vector<16xf32>,
      tpu.vector_store %arg9[%swap3A_1271, %swap3A_1272], %gather3A_1270 {strides = array<i32>} : memref<32x256xf32, #tpu.memory_space<vmem>>, vector<16xf32>,
      %get3A_1274 = arith.constant 240 : index
      %get3A_1275 = tpu.vector_load %arg6[%get3A_1274] {strides = array<i32>} : memref<256xi32, #tpu.memory_space<vmem>>, vector<16xi32>,
      %broadcast_in_dim3A_1276 = vector.broadcast %scan3A_1169 : i32 to vector<16xi32>
      %gather3A_1277 = tpu.vector_load_idx %arg7[%broadcast_in_dim3A_1276, %get3A_1275] : memref<32x1024xf32, #tpu.memory_space<vmem>>[vector<16xi32>, vector<16xi32>], vector<16xf32>,
      %swap3A_1278 = arith.index_cast %scan3A_1169 : i32 to index
      %swap3A_1279 = arith.constant 240 : index
      %swap3A_1280 = tpu.vector_load %arg9[%swap3A_1278, %swap3A_1279] {strides = array<i32>} : memref<32x256xf32, #tpu.memory_space<vmem>>, vector<16xf32>,
      tpu.vector_store %arg9[%swap3A_1278, %swap3A_1279], %gather3A_1277 {strides = array<i32>} : memref<32x256xf32, #tpu.memory_space<vmem>>, vector<16xf32>,
      %scan3A_1281 = arith.constant 0 : i32
      scf.yield %scan3A_1281 : i32
    }
    %scan3A_1075 = arith.constant 32 : i32
    %mul3A_1076 = arith.constant 192 : i32
    %mul3A_1077 = arith.muli %select_n3A_30, %mul3A_1076 : i32
    %add3A_1078 = arith.constant 128 : i32
    %add3A_1079 = arith.addi %mul3A_1077, %add3A_1078 : i32
    %dma_start3A_1080 = arith.constant 0 : i32
    %dma_start3A_1081 = arith.constant 0 : i32
    %dma_start3A_1082 = tpu.memref_slice %arg4[%select_n3A, %dma_start3A_1080, %dma_start3A_1081] : memref<16x384x256xf32, #tpu.memory_space<hbm>> -> memref<1x384x256xf32, #tpu.memory_space<hbm>>
    %dma_start3A_1083 = tpu.memref_squeeze %dma_start3A_1082 : memref<1x384x256xf32, #tpu.memory_space<hbm>> -> memref<384x256xf32, #tpu.memory_space<hbm>>
    %dma_start3A_1084 = arith.constant 0 : i32
    %dma_start3A_1085 = tpu.memref_slice %dma_start3A_1083[%add3A_1079, %dma_start3A_1084] : memref<384x256xf32, #tpu.memory_space<hbm>> -> memref<32x256xf32, #tpu.memory_space<hbm>>
    %dma_start3A_1086 = arith.constant 0 : i32
    %dma_start3A_1087 = arith.constant 0 : i32
    %dma_start3A_1088 = tpu.memref_slice %arg4[%select_n3A, %dma_start3A_1086, %dma_start3A_1087] : memref<16x384x256xf32, #tpu.memory_space<hbm>> -> memref<1x384x256xf32, #tpu.memory_space<hbm>>
    %dma_start3A_1089 = tpu.memref_squeeze %dma_start3A_1088 : memref<1x384x256xf32, #tpu.memory_space<hbm>> -> memref<384x256xf32, #tpu.memory_space<hbm>>
    %dma_start3A_1090 = arith.constant 0 : i32
    %dma_start3A_1091 = tpu.memref_slice %dma_start3A_1089[%add3A_1079, %dma_start3A_1090] : memref<384x256xf32, #tpu.memory_space<hbm>> -> memref<32x256xf32, #tpu.memory_space<hbm>>
    tpu.enqueue_dma source(%arg9 : memref<32x256xf32, #tpu.memory_space<vmem>>) target(%dma_start3A_1091 : memref<32x256xf32, #tpu.memory_space<hbm>>) target_semaphore(%arg13 : memref<!tpu.dma_semaphore, #tpu.memory_space<semaphore_mem>>)
    %add3A_1092 = arith.constant 160 : i32
    %add3A_1093 = arith.addi %add3A_35, %add3A_1092 : i32
    %dma_wait3A_1094 = arith.constant 0 : i32
    %dma_wait3A_1095 = tpu.memref_slice %arg2[%add3A_1093, %dma_wait3A_1094] : memref<6144x1024xf32, #tpu.memory_space<hbm>> -> memref<32x1024xf32, #tpu.memory_space<hbm>>
    %dma_wait3A_1096 = arith.constant 0 : i32
    %dma_wait3A_1097 = tpu.memref_slice %arg2[%add3A_1093, %dma_wait3A_1096] : memref<6144x1024xf32, #tpu.memory_space<hbm>> -> memref<32x1024xf32, #tpu.memory_space<hbm>>
    tpu.wait_dma2 semaphore(%arg12 : memref<!tpu.dma_semaphore, #tpu.memory_space<semaphore_mem>>) src(%dma_wait3A_1097 : memref<32x1024xf32, #tpu.memory_space<hbm>>) dst(%arg8 : memref<32x1024xf32, #tpu.memory_space<vmem>>)
    %mul3A_1098 = arith.constant 192 : i32
    %mul3A_1099 = arith.muli %select_n3A_30, %mul3A_1098 : i32
    %add3A_1100 = arith.constant 96 : i32
    %add3A_1101 = arith.addi %mul3A_1099, %add3A_1100 : i32
    %dma_wait3A_1102 = arith.constant 0 : i32
    %dma_wait3A_1103 = arith.constant 0 : i32
    %dma_wait3A_1104 = tpu.memref_slice %arg4[%select_n3A, %dma_wait3A_1102, %dma_wait3A_1103] : memref<16x384x256xf32, #tpu.memory_space<hbm>> -> memref<1x384x256xf32, #tpu.memory_space<hbm>>
    %dma_wait3A_1105 = tpu.memref_squeeze %dma_wait3A_1104 : memref<1x384x256xf32, #tpu.memory_space<hbm>> -> memref<384x256xf32, #tpu.memory_space<hbm>>
    %dma_wait3A_1106 = arith.constant 0 : i32
    %dma_wait3A_1107 = tpu.memref_slice %dma_wait3A_1105[%add3A_1101, %dma_wait3A_1106] : memref<384x256xf32, #tpu.memory_space<hbm>> -> memref<32x256xf32, #tpu.memory_space<hbm>>
    %dma_wait3A_1108 = arith.constant 0 : i32
    %dma_wait3A_1109 = arith.constant 0 : i32
    %dma_wait3A_1110 = tpu.memref_slice %arg4[%select_n3A, %dma_wait3A_1108, %dma_wait3A_1109] : memref<16x384x256xf32, #tpu.memory_space<hbm>> -> memref<1x384x256xf32, #tpu.memory_space<hbm>>
    %dma_wait3A_1111 = tpu.memref_squeeze %dma_wait3A_1110 : memref<1x384x256xf32, #tpu.memory_space<hbm>> -> memref<384x256xf32, #tpu.memory_space<hbm>>
    %dma_wait3A_1112 = arith.constant 0 : i32
    %dma_wait3A_1113 = tpu.memref_slice %dma_wait3A_1111[%add3A_1101, %dma_wait3A_1112] : memref<384x256xf32, #tpu.memory_space<hbm>> -> memref<32x256xf32, #tpu.memory_space<hbm>>
    tpu.wait_dma2 semaphore(%arg14 : memref<!tpu.dma_semaphore, #tpu.memory_space<semaphore_mem>>) src(%arg10 : memref<32x256xf32, #tpu.memory_space<vmem>>) dst(%dma_wait3A_1113 : memref<32x256xf32, #tpu.memory_space<hbm>>)
    %scan3A_1114 = arith.constant 0 : i32
    %scan3A_1115 = arith.constant 0 : i32
    %scan3A_1116 = arith.constant 32 : i32
    %scan3A_1117 = arith.addi %scan3A_1115, %scan3A_1116 : i32
    %scan3A_1118 = arith.constant 1 : i32
    %scan3A_1119 = scf.for %scan3A_1169 = %scan3A_1115 to %scan3A_1117 step %scan3A_1118 iter_args(%scan3A_1170 = %scan3A_1114) -> (i32)  : i32 {
      %get3A_1171 = arith.constant 0 : index
      %get3A_1172 = tpu.vector_load %arg6[%get3A_1171] {strides = array<i32>} : memref<256xi32, #tpu.memory_space<vmem>>, vector<16xi32>,
      %broadcast_in_dim3A = vector.broadcast %scan3A_1169 : i32 to vector<16xi32>
      %gather3A = tpu.vector_load_idx %arg8[%broadcast_in_dim3A, %get3A_1172] : memref<32x1024xf32, #tpu.memory_space<vmem>>[vector<16xi32>, vector<16xi32>], vector<16xf32>,
      %swap3A_1173 = arith.index_cast %scan3A_1169 : i32 to index
      %swap3A_1174 = arith.constant 0 : index
      %swap3A_1175 = tpu.vector_load %arg10[%swap3A_1173, %swap3A_1174] {strides = array<i32>} : memref<32x256xf32, #tpu.memory_space<vmem>>, vector<16xf32>,
      tpu.vector_store %arg10[%swap3A_1173, %swap3A_1174], %gather3A {strides = array<i32>} : memref<32x256xf32, #tpu.memory_space<vmem>>, vector<16xf32>,
      %get3A_1176 = arith.constant 16 : index
      %get3A_1177 = tpu.vector_load %arg6[%get3A_1176] {strides = array<i32>} : memref<256xi32, #tpu.memory_space<vmem>>, vector<16xi32>,
      %broadcast_in_dim3A_1178 = vector.broadcast %scan3A_1169 : i32 to vector<16xi32>
      %gather3A_1179 = tpu.vector_load_idx %arg8[%broadcast_in_dim3A_1178, %get3A_1177] : memref<32x1024xf32, #tpu.memory_space<vmem>>[vector<16xi32>, vector<16xi32>], vector<16xf32>,
      %swap3A_1180 = arith.index_cast %scan3A_1169 : i32 to index
      %swap3A_1181 = arith.constant 16 : index
      %swap3A_1182 = tpu.vector_load %arg10[%swap3A_1180, %swap3A_1181] {strides = array<i32>} : memref<32x256xf32, #tpu.memory_space<vmem>>, vector<16xf32>,
      tpu.vector_store %arg10[%swap3A_1180, %swap3A_1181], %gather3A_1179 {strides = array<i32>} : memref<32x256xf32, #tpu.memory_space<vmem>>, vector<16xf32>,
      %get3A_1183 = arith.constant 32 : index
      %get3A_1184 = tpu.vector_load %arg6[%get3A_1183] {strides = array<i32>} : memref<256xi32, #tpu.memory_space<vmem>>, vector<16xi32>,
      %broadcast_in_dim3A_1185 = vector.broadcast %scan3A_1169 : i32 to vector<16xi32>
      %gather3A_1186 = tpu.vector_load_idx %arg8[%broadcast_in_dim3A_1185, %get3A_1184] : memref<32x1024xf32, #tpu.memory_space<vmem>>[vector<16xi32>, vector<16xi32>], vector<16xf32>,
      %swap3A_1187 = arith.index_cast %scan3A_1169 : i32 to index
      %swap3A_1188 = arith.constant 32 : index
      %swap3A_1189 = tpu.vector_load %arg10[%swap3A_1187, %swap3A_1188] {strides = array<i32>} : memref<32x256xf32, #tpu.memory_space<vmem>>, vector<16xf32>,
      tpu.vector_store %arg10[%swap3A_1187, %swap3A_1188], %gather3A_1186 {strides = array<i32>} : memref<32x256xf32, #tpu.memory_space<vmem>>, vector<16xf32>,
      %get3A_1190 = arith.constant 48 : index
      %get3A_1191 = tpu.vector_load %arg6[%get3A_1190] {strides = array<i32>} : memref<256xi32, #tpu.memory_space<vmem>>, vector<16xi32>,
      %broadcast_in_dim3A_1192 = vector.broadcast %scan3A_1169 : i32 to vector<16xi32>
      %gather3A_1193 = tpu.vector_load_idx %arg8[%broadcast_in_dim3A_1192, %get3A_1191] : memref<32x1024xf32, #tpu.memory_space<vmem>>[vector<16xi32>, vector<16xi32>], vector<16xf32>,
      %swap3A_1194 = arith.index_cast %scan3A_1169 : i32 to index
      %swap3A_1195 = arith.constant 48 : index
      %swap3A_1196 = tpu.vector_load %arg10[%swap3A_1194, %swap3A_1195] {strides = array<i32>} : memref<32x256xf32, #tpu.memory_space<vmem>>, vector<16xf32>,
      tpu.vector_store %arg10[%swap3A_1194, %swap3A_1195], %gather3A_1193 {strides = array<i32>} : memref<32x256xf32, #tpu.memory_space<vmem>>, vector<16xf32>,
      %get3A_1197 = arith.constant 64 : index
      %get3A_1198 = tpu.vector_load %arg6[%get3A_1197] {strides = array<i32>} : memref<256xi32, #tpu.memory_space<vmem>>, vector<16xi32>,
      %broadcast_in_dim3A_1199 = vector.broadcast %scan3A_1169 : i32 to vector<16xi32>
      %gather3A_1200 = tpu.vector_load_idx %arg8[%broadcast_in_dim3A_1199, %get3A_1198] : memref<32x1024xf32, #tpu.memory_space<vmem>>[vector<16xi32>, vector<16xi32>], vector<16xf32>,
      %swap3A_1201 = arith.index_cast %scan3A_1169 : i32 to index
      %swap3A_1202 = arith.constant 64 : index
      %swap3A_1203 = tpu.vector_load %arg10[%swap3A_1201, %swap3A_1202] {strides = array<i32>} : memref<32x256xf32, #tpu.memory_space<vmem>>, vector<16xf32>,
      tpu.vector_store %arg10[%swap3A_1201, %swap3A_1202], %gather3A_1200 {strides = array<i32>} : memref<32x256xf32, #tpu.memory_space<vmem>>, vector<16xf32>,
      %get3A_1204 = arith.constant 80 : index
      %get3A_1205 = tpu.vector_load %arg6[%get3A_1204] {strides = array<i32>} : memref<256xi32, #tpu.memory_space<vmem>>, vector<16xi32>,
      %broadcast_in_dim3A_1206 = vector.broadcast %scan3A_1169 : i32 to vector<16xi32>
      %gather3A_1207 = tpu.vector_load_idx %arg8[%broadcast_in_dim3A_1206, %get3A_1205] : memref<32x1024xf32, #tpu.memory_space<vmem>>[vector<16xi32>, vector<16xi32>], vector<16xf32>,
      %swap3A_1208 = arith.index_cast %scan3A_1169 : i32 to index
      %swap3A_1209 = arith.constant 80 : index
      %swap3A_1210 = tpu.vector_load %arg10[%swap3A_1208, %swap3A_1209] {strides = array<i32>} : memref<32x256xf32, #tpu.memory_space<vmem>>, vector<16xf32>,
      tpu.vector_store %arg10[%swap3A_1208, %swap3A_1209], %gather3A_1207 {strides = array<i32>} : memref<32x256xf32, #tpu.memory_space<vmem>>, vector<16xf32>,
      %get3A_1211 = arith.constant 96 : index
      %get3A_1212 = tpu.vector_load %arg6[%get3A_1211] {strides = array<i32>} : memref<256xi32, #tpu.memory_space<vmem>>, vector<16xi32>,
      %broadcast_in_dim3A_1213 = vector.broadcast %scan3A_1169 : i32 to vector<16xi32>
      %gather3A_1214 = tpu.vector_load_idx %arg8[%broadcast_in_dim3A_1213, %get3A_1212] : memref<32x1024xf32, #tpu.memory_space<vmem>>[vector<16xi32>, vector<16xi32>], vector<16xf32>,
      %swap3A_1215 = arith.index_cast %scan3A_1169 : i32 to index
      %swap3A_1216 = arith.constant 96 : index
      %swap3A_1217 = tpu.vector_load %arg10[%swap3A_1215, %swap3A_1216] {strides = array<i32>} : memref<32x256xf32, #tpu.memory_space<vmem>>, vector<16xf32>,
      tpu.vector_store %arg10[%swap3A_1215, %swap3A_1216], %gather3A_1214 {strides = array<i32>} : memref<32x256xf32, #tpu.memory_space<vmem>>, vector<16xf32>,
      %get3A_1218 = arith.constant 112 : index
      %get3A_1219 = tpu.vector_load %arg6[%get3A_1218] {strides = array<i32>} : memref<256xi32, #tpu.memory_space<vmem>>, vector<16xi32>,
      %broadcast_in_dim3A_1220 = vector.broadcast %scan3A_1169 : i32 to vector<16xi32>
      %gather3A_1221 = tpu.vector_load_idx %arg8[%broadcast_in_dim3A_1220, %get3A_1219] : memref<32x1024xf32, #tpu.memory_space<vmem>>[vector<16xi32>, vector<16xi32>], vector<16xf32>,
      %swap3A_1222 = arith.index_cast %scan3A_1169 : i32 to index
      %swap3A_1223 = arith.constant 112 : index
      %swap3A_1224 = tpu.vector_load %arg10[%swap3A_1222, %swap3A_1223] {strides = array<i32>} : memref<32x256xf32, #tpu.memory_space<vmem>>, vector<16xf32>,
      tpu.vector_store %arg10[%swap3A_1222, %swap3A_1223], %gather3A_1221 {strides = array<i32>} : memref<32x256xf32, #tpu.memory_space<vmem>>, vector<16xf32>,
      %get3A_1225 = arith.constant 128 : index
      %get3A_1226 = tpu.vector_load %arg6[%get3A_1225] {strides = array<i32>} : memref<256xi32, #tpu.memory_space<vmem>>, vector<16xi32>,
      %broadcast_in_dim3A_1227 = vector.broadcast %scan3A_1169 : i32 to vector<16xi32>
      %gather3A_1228 = tpu.vector_load_idx %arg8[%broadcast_in_dim3A_1227, %get3A_1226] : memref<32x1024xf32, #tpu.memory_space<vmem>>[vector<16xi32>, vector<16xi32>], vector<16xf32>,
      %swap3A_1229 = arith.index_cast %scan3A_1169 : i32 to index
      %swap3A_1230 = arith.constant 128 : index
      %swap3A_1231 = tpu.vector_load %arg10[%swap3A_1229, %swap3A_1230] {strides = array<i32>} : memref<32x256xf32, #tpu.memory_space<vmem>>, vector<16xf32>,
      tpu.vector_store %arg10[%swap3A_1229, %swap3A_1230], %gather3A_1228 {strides = array<i32>} : memref<32x256xf32, #tpu.memory_space<vmem>>, vector<16xf32>,
      %get3A_1232 = arith.constant 144 : index
      %get3A_1233 = tpu.vector_load %arg6[%get3A_1232] {strides = array<i32>} : memref<256xi32, #tpu.memory_space<vmem>>, vector<16xi32>,
      %broadcast_in_dim3A_1234 = vector.broadcast %scan3A_1169 : i32 to vector<16xi32>
      %gather3A_1235 = tpu.vector_load_idx %arg8[%broadcast_in_dim3A_1234, %get3A_1233] : memref<32x1024xf32, #tpu.memory_space<vmem>>[vector<16xi32>, vector<16xi32>], vector<16xf32>,
      %swap3A_1236 = arith.index_cast %scan3A_1169 : i32 to index
      %swap3A_1237 = arith.constant 144 : index
      %swap3A_1238 = tpu.vector_load %arg10[%swap3A_1236, %swap3A_1237] {strides = array<i32>} : memref<32x256xf32, #tpu.memory_space<vmem>>, vector<16xf32>,
      tpu.vector_store %arg10[%swap3A_1236, %swap3A_1237], %gather3A_1235 {strides = array<i32>} : memref<32x256xf32, #tpu.memory_space<vmem>>, vector<16xf32>,
      %get3A_1239 = arith.constant 160 : index
      %get3A_1240 = tpu.vector_load %arg6[%get3A_1239] {strides = array<i32>} : memref<256xi32, #tpu.memory_space<vmem>>, vector<16xi32>,
      %broadcast_in_dim3A_1241 = vector.broadcast %scan3A_1169 : i32 to vector<16xi32>
      %gather3A_1242 = tpu.vector_load_idx %arg8[%broadcast_in_dim3A_1241, %get3A_1240] : memref<32x1024xf32, #tpu.memory_space<vmem>>[vector<16xi32>, vector<16xi32>], vector<16xf32>,
      %swap3A_1243 = arith.index_cast %scan3A_1169 : i32 to index
      %swap3A_1244 = arith.constant 160 : index
      %swap3A_1245 = tpu.vector_load %arg10[%swap3A_1243, %swap3A_1244] {strides = array<i32>} : memref<32x256xf32, #tpu.memory_space<vmem>>, vector<16xf32>,
      tpu.vector_store %arg10[%swap3A_1243, %swap3A_1244], %gather3A_1242 {strides = array<i32>} : memref<32x256xf32, #tpu.memory_space<vmem>>, vector<16xf32>,
      %get3A_1246 = arith.constant 176 : index
      %get3A_1247 = tpu.vector_load %arg6[%get3A_1246] {strides = array<i32>} : memref<256xi32, #tpu.memory_space<vmem>>, vector<16xi32>,
      %broadcast_in_dim3A_1248 = vector.broadcast %scan3A_1169 : i32 to vector<16xi32>
      %gather3A_1249 = tpu.vector_load_idx %arg8[%broadcast_in_dim3A_1248, %get3A_1247] : memref<32x1024xf32, #tpu.memory_space<vmem>>[vector<16xi32>, vector<16xi32>], vector<16xf32>,
      %swap3A_1250 = arith.index_cast %scan3A_1169 : i32 to index
      %swap3A_1251 = arith.constant 176 : index
      %swap3A_1252 = tpu.vector_load %arg10[%swap3A_1250, %swap3A_1251] {strides = array<i32>} : memref<32x256xf32, #tpu.memory_space<vmem>>, vector<16xf32>,
      tpu.vector_store %arg10[%swap3A_1250, %swap3A_1251], %gather3A_1249 {strides = array<i32>} : memref<32x256xf32, #tpu.memory_space<vmem>>, vector<16xf32>,
      %get3A_1253 = arith.constant 192 : index
      %get3A_1254 = tpu.vector_load %arg6[%get3A_1253] {strides = array<i32>} : memref<256xi32, #tpu.memory_space<vmem>>, vector<16xi32>,
      %broadcast_in_dim3A_1255 = vector.broadcast %scan3A_1169 : i32 to vector<16xi32>
      %gather3A_1256 = tpu.vector_load_idx %arg8[%broadcast_in_dim3A_1255, %get3A_1254] : memref<32x1024xf32, #tpu.memory_space<vmem>>[vector<16xi32>, vector<16xi32>], vector<16xf32>,
      %swap3A_1257 = arith.index_cast %scan3A_1169 : i32 to index
      %swap3A_1258 = arith.constant 192 : index
      %swap3A_1259 = tpu.vector_load %arg10[%swap3A_1257, %swap3A_1258] {strides = array<i32>} : memref<32x256xf32, #tpu.memory_space<vmem>>, vector<16xf32>,
      tpu.vector_store %arg10[%swap3A_1257, %swap3A_1258], %gather3A_1256 {strides = array<i32>} : memref<32x256xf32, #tpu.memory_space<vmem>>, vector<16xf32>,
      %get3A_1260 = arith.constant 208 : index
      %get3A_1261 = tpu.vector_load %arg6[%get3A_1260] {strides = array<i32>} : memref<256xi32, #tpu.memory_space<vmem>>, vector<16xi32>,
      %broadcast_in_dim3A_1262 = vector.broadcast %scan3A_1169 : i32 to vector<16xi32>
      %gather3A_1263 = tpu.vector_load_idx %arg8[%broadcast_in_dim3A_1262, %get3A_1261] : memref<32x1024xf32, #tpu.memory_space<vmem>>[vector<16xi32>, vector<16xi32>], vector<16xf32>,
      %swap3A_1264 = arith.index_cast %scan3A_1169 : i32 to index
      %swap3A_1265 = arith.constant 208 : index
      %swap3A_1266 = tpu.vector_load %arg10[%swap3A_1264, %swap3A_1265] {strides = array<i32>} : memref<32x256xf32, #tpu.memory_space<vmem>>, vector<16xf32>,
      tpu.vector_store %arg10[%swap3A_1264, %swap3A_1265], %gather3A_1263 {strides = array<i32>} : memref<32x256xf32, #tpu.memory_space<vmem>>, vector<16xf32>,
      %get3A_1267 = arith.constant 224 : index
      %get3A_1268 = tpu.vector_load %arg6[%get3A_1267] {strides = array<i32>} : memref<256xi32, #tpu.memory_space<vmem>>, vector<16xi32>,
      %broadcast_in_dim3A_1269 = vector.broadcast %scan3A_1169 : i32 to vector<16xi32>
      %gather3A_1270 = tpu.vector_load_idx %arg8[%broadcast_in_dim3A_1269, %get3A_1268] : memref<32x1024xf32, #tpu.memory_space<vmem>>[vector<16xi32>, vector<16xi32>], vector<16xf32>,
      %swap3A_1271 = arith.index_cast %scan3A_1169 : i32 to index
      %swap3A_1272 = arith.constant 224 : index
      %swap3A_1273 = tpu.vector_load %arg10[%swap3A_1271, %swap3A_1272] {strides = array<i32>} : memref<32x256xf32, #tpu.memory_space<vmem>>, vector<16xf32>,
      tpu.vector_store %arg10[%swap3A_1271, %swap3A_1272], %gather3A_1270 {strides = array<i32>} : memref<32x256xf32, #tpu.memory_space<vmem>>, vector<16xf32>,
      %get3A_1274 = arith.constant 240 : index
      %get3A_1275 = tpu.vector_load %arg6[%get3A_1274] {strides = array<i32>} : memref<256xi32, #tpu.memory_space<vmem>>, vector<16xi32>,
      %broadcast_in_dim3A_1276 = vector.broadcast %scan3A_1169 : i32 to vector<16xi32>
      %gather3A_1277 = tpu.vector_load_idx %arg8[%broadcast_in_dim3A_1276, %get3A_1275] : memref<32x1024xf32, #tpu.memory_space<vmem>>[vector<16xi32>, vector<16xi32>], vector<16xf32>,
      %swap3A_1278 = arith.index_cast %scan3A_1169 : i32 to index
      %swap3A_1279 = arith.constant 240 : index
      %swap3A_1280 = tpu.vector_load %arg10[%swap3A_1278, %swap3A_1279] {strides = array<i32>} : memref<32x256xf32, #tpu.memory_space<vmem>>, vector<16xf32>,
      tpu.vector_store %arg10[%swap3A_1278, %swap3A_1279], %gather3A_1277 {strides = array<i32>} : memref<32x256xf32, #tpu.memory_space<vmem>>, vector<16xf32>,
      %scan3A_1281 = arith.constant 0 : i32
      scf.yield %scan3A_1281 : i32
    }
    %scan3A_1120 = arith.constant 32 : i32
    %mul3A_1121 = arith.constant 192 : i32
    %mul3A_1122 = arith.muli %select_n3A_30, %mul3A_1121 : i32
    %add3A_1123 = arith.constant 160 : i32
    %add3A_1124 = arith.addi %mul3A_1122, %add3A_1123 : i32
    %dma_start3A_1125 = arith.constant 0 : i32
    %dma_start3A_1126 = arith.constant 0 : i32
    %dma_start3A_1127 = tpu.memref_slice %arg4[%select_n3A, %dma_start3A_1125, %dma_start3A_1126] : memref<16x384x256xf32, #tpu.memory_space<hbm>> -> memref<1x384x256xf32, #tpu.memory_space<hbm>>
    %dma_start3A_1128 = tpu.memref_squeeze %dma_start3A_1127 : memref<1x384x256xf32, #tpu.memory_space<hbm>> -> memref<384x256xf32, #tpu.memory_space<hbm>>
    %dma_start3A_1129 = arith.constant 0 : i32
    %dma_start3A_1130 = tpu.memref_slice %dma_start3A_1128[%add3A_1124, %dma_start3A_1129] : memref<384x256xf32, #tpu.memory_space<hbm>> -> memref<32x256xf32, #tpu.memory_space<hbm>>
    %dma_start3A_1131 = arith.constant 0 : i32
    %dma_start3A_1132 = arith.constant 0 : i32
    %dma_start3A_1133 = tpu.memref_slice %arg4[%select_n3A, %dma_start3A_1131, %dma_start3A_1132] : memref<16x384x256xf32, #tpu.memory_space<hbm>> -> memref<1x384x256xf32, #tpu.memory_space<hbm>>
    %dma_start3A_1134 = tpu.memref_squeeze %dma_start3A_1133 : memref<1x384x256xf32, #tpu.memory_space<hbm>> -> memref<384x256xf32, #tpu.memory_space<hbm>>
    %dma_start3A_1135 = arith.constant 0 : i32
    %dma_start3A_1136 = tpu.memref_slice %dma_start3A_1134[%add3A_1124, %dma_start3A_1135] : memref<384x256xf32, #tpu.memory_space<hbm>> -> memref<32x256xf32, #tpu.memory_space<hbm>>
    tpu.enqueue_dma source(%arg10 : memref<32x256xf32, #tpu.memory_space<vmem>>) target(%dma_start3A_1136 : memref<32x256xf32, #tpu.memory_space<hbm>>) target_semaphore(%arg14 : memref<!tpu.dma_semaphore, #tpu.memory_space<semaphore_mem>>)
    %mul3A_1137 = arith.constant 192 : i32
    %mul3A_1138 = arith.muli %select_n3A_30, %mul3A_1137 : i32
    %add3A_1139 = arith.constant 128 : i32
    %add3A_1140 = arith.addi %mul3A_1138, %add3A_1139 : i32
    %dma_wait3A_1141 = arith.constant 0 : i32
    %dma_wait3A_1142 = arith.constant 0 : i32
    %dma_wait3A_1143 = tpu.memref_slice %arg4[%select_n3A, %dma_wait3A_1141, %dma_wait3A_1142] : memref<16x384x256xf32, #tpu.memory_space<hbm>> -> memref<1x384x256xf32, #tpu.memory_space<hbm>>
    %dma_wait3A_1144 = tpu.memref_squeeze %dma_wait3A_1143 : memref<1x384x256xf32, #tpu.memory_space<hbm>> -> memref<384x256xf32, #tpu.memory_space<hbm>>
    %dma_wait3A_1145 = arith.constant 0 : i32
    %dma_wait3A_1146 = tpu.memref_slice %dma_wait3A_1144[%add3A_1140, %dma_wait3A_1145] : memref<384x256xf32, #tpu.memory_space<hbm>> -> memref<32x256xf32, #tpu.memory_space<hbm>>
    %dma_wait3A_1147 = arith.constant 0 : i32
    %dma_wait3A_1148 = arith.constant 0 : i32
    %dma_wait3A_1149 = tpu.memref_slice %arg4[%select_n3A, %dma_wait3A_1147, %dma_wait3A_1148] : memref<16x384x256xf32, #tpu.memory_space<hbm>> -> memref<1x384x256xf32, #tpu.memory_space<hbm>>
    %dma_wait3A_1150 = tpu.memref_squeeze %dma_wait3A_1149 : memref<1x384x256xf32, #tpu.memory_space<hbm>> -> memref<384x256xf32, #tpu.memory_space<hbm>>
    %dma_wait3A_1151 = arith.constant 0 : i32
    %dma_wait3A_1152 = tpu.memref_slice %dma_wait3A_1150[%add3A_1140, %dma_wait3A_1151] : memref<384x256xf32, #tpu.memory_space<hbm>> -> memref<32x256xf32, #tpu.memory_space<hbm>>
    tpu.wait_dma2 semaphore(%arg13 : memref<!tpu.dma_semaphore, #tpu.memory_space<semaphore_mem>>) src(%arg9 : memref<32x256xf32, #tpu.memory_space<vmem>>) dst(%dma_wait3A_1152 : memref<32x256xf32, #tpu.memory_space<hbm>>)
    %mul3A_1153 = arith.constant 192 : i32
    %mul3A_1154 = arith.muli %select_n3A_30, %mul3A_1153 : i32
    %add3A_1155 = arith.constant 160 : i32
    %add3A_1156 = arith.addi %mul3A_1154, %add3A_1155 : i32
    %dma_wait3A_1157 = arith.constant 0 : i32
    %dma_wait3A_1158 = arith.constant 0 : i32
    %dma_wait3A_1159 = tpu.memref_slice %arg4[%select_n3A, %dma_wait3A_1157, %dma_wait3A_1158] : memref<16x384x256xf32, #tpu.memory_space<hbm>> -> memref<1x384x256xf32, #tpu.memory_space<hbm>>
    %dma_wait3A_1160 = tpu.memref_squeeze %dma_wait3A_1159 : memref<1x384x256xf32, #tpu.memory_space<hbm>> -> memref<384x256xf32, #tpu.memory_space<hbm>>
    %dma_wait3A_1161 = arith.constant 0 : i32
    %dma_wait3A_1162 = tpu.memref_slice %dma_wait3A_1160[%add3A_1156, %dma_wait3A_1161] : memref<384x256xf32, #tpu.memory_space<hbm>> -> memref<32x256xf32, #tpu.memory_space<hbm>>
    %dma_wait3A_1163 = arith.constant 0 : i32
    %dma_wait3A_1164 = arith.constant 0 : i32
    %dma_wait3A_1165 = tpu.memref_slice %arg4[%select_n3A, %dma_wait3A_1163, %dma_wait3A_1164] : memref<16x384x256xf32, #tpu.memory_space<hbm>> -> memref<1x384x256xf32, #tpu.memory_space<hbm>>
    %dma_wait3A_1166 = tpu.memref_squeeze %dma_wait3A_1165 : memref<1x384x256xf32, #tpu.memory_space<hbm>> -> memref<384x256xf32, #tpu.memory_space<hbm>>
    %dma_wait3A_1167 = arith.constant 0 : i32
    %dma_wait3A_1168 = tpu.memref_slice %dma_wait3A_1166[%add3A_1156, %dma_wait3A_1167] : memref<384x256xf32, #tpu.memory_space<hbm>> -> memref<32x256xf32, #tpu.memory_space<hbm>>
    tpu.wait_dma2 semaphore(%arg14 : memref<!tpu.dma_semaphore, #tpu.memory_space<semaphore_mem>>) src(%arg10 : memref<32x256xf32, #tpu.memory_space<vmem>>) dst(%dma_wait3A_1168 : memref<32x256xf32, #tpu.memory_space<hbm>>)
    return
  }
}

module attributes {stable_mosaic.version = 14 : i64} {
  func.func @_score_body(%arg0: i32, %arg1: memref<384x1024xf32, #tpu.memory_space<vmem>>, %arg2: memref<192x384xf32, #tpu.memory_space<vmem>>, %arg3: memref<192x1xf32, #tpu.memory_space<vmem>>, %arg4: memref<1x192xf32, #tpu.memory_space<vmem>>, %arg5: memref<1x1xf32, #tpu.memory_space<vmem>>, %arg6: memref<1x1x1024xf32, #tpu.memory_space<vmem>>) attributes {dimension_semantics = [#tpu.dimension_semantics<arbitrary>], iteration_bounds = array<i64: 16>, scalar_prefetch = 0 : i64, scratch_operands = 0 : i64, tpu.core_type = #tpu.core_type<tc>, window_params = [{transform_indices = @transform_0, window_bounds = array<i64: 384, 1024>}, {pipeline_mode = #tpu.pipeline_mode<synchronous>, transform_indices = @transform_1, window_bounds = array<i64: 192, 384>}, {pipeline_mode = #tpu.pipeline_mode<synchronous>, transform_indices = @transform_2, window_bounds = array<i64: 192, 1>}, {pipeline_mode = #tpu.pipeline_mode<synchronous>, transform_indices = @transform_3, window_bounds = array<i64: 1, 192>}, {pipeline_mode = #tpu.pipeline_mode<synchronous>, transform_indices = @transform_4, window_bounds = array<i64: 1, 1>}, {transform_indices = @transform_5, window_bounds = array<i64: 1, 1, 1024>}]} {
    %get3A = arith.constant 0 : index
    %get3A_0 = arith.constant 0 : index
    %get3A_1 = vector.load %arg1[%get3A, %get3A_0] : memref<384x1024xf32, #tpu.memory_space<vmem>>, vector<384x1024xf32>
    %get3A_2 = arith.constant 0 : index
    %get3A_3 = arith.constant 0 : index
    %get3A_4 = vector.load %arg2[%get3A_2, %get3A_3] : memref<192x384xf32, #tpu.memory_space<vmem>>, vector<192x384xf32>
    %dot_general3A = arith.constant dense<0.000000e+00> : vector<192x1024xf32>
    %dot_general3A_5 = tpu.matmul %get3A_4, %get3A_1, %dot_general3A {dimension_numbers = #tpu.dot_dimension_numbers<[1], [0], [0], [1], [0, 0, 1, 1], [], []>, transpose_lhs_hint = false} : vector<192x384xf32>, vector<384x1024xf32>, vector<192x1024xf32> -> vector<192x1024xf32>
    %get3A_6 = arith.constant 0 : index
    %get3A_7 = arith.constant 0 : index
    %get3A_8 = vector.load %arg3[%get3A_6, %get3A_7] : memref<192x1xf32, #tpu.memory_space<vmem>>, vector<192x1xf32>
    %add3A = vector.broadcast %get3A_8 : vector<192x1xf32> to vector<192x1024xf32>
    %add3A_9 = arith.addf %dot_general3A_5, %add3A : vector<192x1024xf32>
    %max3A = arith.constant 0.000000e+00 : f32
    %max3A_10 = vector.broadcast %max3A : f32 to vector<192x1024xf32>
    %max3A_11 = arith.maximumf %add3A_9, %max3A_10 : vector<192x1024xf32>
    %get3A_12 = arith.constant 0 : index
    %get3A_13 = arith.constant 0 : index
    %get3A_14 = vector.load %arg4[%get3A_12, %get3A_13] : memref<1x192xf32, #tpu.memory_space<vmem>>, vector<1x192xf32>
    %dot_general3A_15 = arith.constant dense<0.000000e+00> : vector<1x1024xf32>
    %dot_general3A_16 = tpu.matmul %get3A_14, %max3A_11, %dot_general3A_15 {dimension_numbers = #tpu.dot_dimension_numbers<[1], [0], [0], [1], [0, 0, 1, 1], [], []>, transpose_lhs_hint = false} : vector<1x192xf32>, vector<192x1024xf32>, vector<1x1024xf32> -> vector<1x1024xf32>
    %get3A_17 = arith.constant 0 : index
    %get3A_18 = arith.constant 0 : index
    %get3A_19 = vector.load %arg5[%get3A_17, %get3A_18] : memref<1x1xf32, #tpu.memory_space<vmem>>, vector<1x1xf32>
    %add3A_20 = vector.broadcast %get3A_19 : vector<1x1xf32> to vector<1x1024xf32>
    %add3A_21 = arith.addf %dot_general3A_16, %add3A_20 : vector<1x1024xf32>
    %swap3A = arith.constant 0 : index
    %swap3A_22 = arith.constant 0 : index
    %swap3A_23 = arith.constant 0 : index
    %swap3A_24 = vector.load %arg6[%swap3A, %swap3A_22, %swap3A_23] : memref<1x1x1024xf32, #tpu.memory_space<vmem>>, vector<1x1x1024xf32>
    %swap3A_25 = vector.shape_cast %swap3A_24 : vector<1x1x1024xf32> to vector<1x1024xf32>
    %swap3A_26 = vector.shape_cast %add3A_21 : vector<1x1024xf32> to vector<1x1x1024xf32>
    tpu.vector_store %arg6[%swap3A, %swap3A_22, %swap3A_23], %swap3A_26 {strides = array<i32>} : memref<1x1x1024xf32, #tpu.memory_space<vmem>>, vector<1x1x1024xf32>,
    return
  }
  func.func @transform_0(%arg0: i32) -> (i32, i32) {
    %c0_i32 = arith.constant 0 : i32
    %c0_i32_0 = arith.constant 0 : i32
    return %arg0, %c0_i32 : i32, i32
  }
  func.func @transform_1(%arg0: i32) -> (i32, i32) {
    %c0_i32 = arith.constant 0 : i32
    %c0_i32_0 = arith.constant 0 : i32
    %c0_i32_1 = arith.constant 0 : i32
    return %c0_i32, %c0_i32_0 : i32, i32
  }
  func.func @transform_2(%arg0: i32) -> (i32, i32) {
    %c0_i32 = arith.constant 0 : i32
    %c0_i32_0 = arith.constant 0 : i32
    %c0_i32_1 = arith.constant 0 : i32
    return %c0_i32, %c0_i32_0 : i32, i32
  }
  func.func @transform_3(%arg0: i32) -> (i32, i32) {
    %c0_i32 = arith.constant 0 : i32
    %c0_i32_0 = arith.constant 0 : i32
    %c0_i32_1 = arith.constant 0 : i32
    return %c0_i32, %c0_i32_0 : i32, i32
  }
  func.func @transform_4(%arg0: i32) -> (i32, i32) {
    %c0_i32 = arith.constant 0 : i32
    %c0_i32_0 = arith.constant 0 : i32
    %c0_i32_1 = arith.constant 0 : i32
    return %c0_i32, %c0_i32_0 : i32, i32
  }
  func.func @transform_5(%arg0: i32) -> (i32, i32, i32) {
    %c0_i32 = arith.constant 0 : i32
    %c0_i32_0 = arith.constant 0 : i32
    %c0_i32_1 = arith.constant 0 : i32
    return %arg0, %c0_i32, %c0_i32_0 : i32, i32, i32
  }
}

module attributes {stable_mosaic.version = 14 : i64} {
  func.func @_topk_body(%arg0: memref<16x1024xf32, #tpu.memory_space<vmem>>, %arg1: memref<32x128xi32, #tpu.memory_space<vmem>>) attributes {dimension_semantics = [], scalar_prefetch = 0 : i64, scratch_operands = 0 : i64, tpu.core_type = #tpu.core_type<tc>} {
    %get3A = arith.constant 0 : index
    %get3A_0 = arith.constant 0 : index
    %get3A_1 = vector.load %arg0[%get3A, %get3A_0] : memref<16x1024xf32, #tpu.memory_space<vmem>>, vector<16x1024xf32>
    %bitcast_convert_type3A = tpu.bitcast %get3A_1 : vector<16x1024xf32> -> vector<16x1024xi32>
    %ge3A = arith.constant 0 : i32
    %ge3A_2 = vector.broadcast %ge3A : i32 to vector<16x1024xi32>
    %ge3A_3 = arith.cmpi sge, %bitcast_convert_type3A, %ge3A_2 : vector<16x1024xi32>
    %sub3A = arith.constant -2147483648 : i32
    %sub3A_4 = vector.broadcast %sub3A : i32 to vector<16x1024xi32>
    %sub3A_5 = arith.subi %sub3A_4, %bitcast_convert_type3A : vector<16x1024xi32>
    %select_n3A = arith.select %ge3A_3, %bitcast_convert_type3A, %sub3A_5 : vector<16x1024xi1>, vector<16x1024xi32>
    %reduce_min3A = arith.constant dense<2147483647> : vector<16xi32>
    %reduce_min3A_6 = vector.multi_reduction <minsi>, %select_n3A, %reduce_min3A [1] : vector<16x1024xi32> to vector<16xi32>
    %broadcast_in_dim3A = vector.shape_cast %reduce_min3A_6 : vector<16xi32> to vector<16x1xi32>
    %reduce_max3A = arith.constant dense<-2147483648> : vector<16xi32>
    %reduce_max3A_7 = vector.multi_reduction <maxsi>, %select_n3A, %reduce_max3A [1] : vector<16x1024xi32> to vector<16xi32>
    %broadcast_in_dim3A_8 = vector.shape_cast %reduce_max3A_7 : vector<16xi32> to vector<16x1xi32>
    %scan3A = arith.constant 0 : i32
    %scan3A_9 = arith.constant 31 : i32
    %scan3A_10 = arith.addi %scan3A, %scan3A_9 : i32
    %scan3A_11 = arith.constant 1 : i32
    %scan3A_12:2 = scf.for %scan3A_1103 = %scan3A to %scan3A_10 step %scan3A_11 iter_args(%scan3A_1104 = %broadcast_in_dim3A, %scan3A_1105 = %broadcast_in_dim3A_8) -> (vector<16x1xi32>, vector<16x1xi32>)  : i32 {
      %sub3A_1106 = arith.subi %scan3A_1105, %scan3A_1104 : vector<16x1xi32>
      %add3A_1107 = arith.constant 1 : i32
      %add3A_1108 = vector.broadcast %add3A_1107 : i32 to vector<16x1xi32>
      %add3A_1109 = arith.addi %sub3A_1106, %add3A_1108 : vector<16x1xi32>
      %shift_right_arithmetic3A = arith.constant 1 : i32
      %shift_right_arithmetic3A_1110 = vector.broadcast %shift_right_arithmetic3A : i32 to vector<16x1xi32>
      %shift_right_arithmetic3A_1111 = arith.shrsi %add3A_1109, %shift_right_arithmetic3A_1110 : vector<16x1xi32>
      %add3A_1112 = arith.addi %scan3A_1104, %shift_right_arithmetic3A_1111 : vector<16x1xi32>
      %ge3A_1113 = vector.broadcast %add3A_1112 : vector<16x1xi32> to vector<16x1024xi32>
      %ge3A_1114 = arith.cmpi sge, %select_n3A, %ge3A_1113 : vector<16x1024xi32>
      %convert_element_type3A_1115 = arith.extui %ge3A_1114 : vector<16x1024xi1> to vector<16x1024xi32>
      %reduce_sum3A_1116 = arith.constant dense<0> : vector<16xi32>
      %reduce_sum3A_1117 = vector.multi_reduction <add>, %convert_element_type3A_1115, %reduce_sum3A_1116 [1] : vector<16x1024xi32> to vector<16xi32>
      %broadcast_in_dim3A_1118 = vector.shape_cast %reduce_sum3A_1117 : vector<16xi32> to vector<16x1xi32>
      %ge3A_1119 = arith.constant 256 : i32
      %ge3A_1120 = vector.broadcast %ge3A_1119 : i32 to vector<16x1xi32>
      %ge3A_1121 = arith.cmpi sge, %broadcast_in_dim3A_1118, %ge3A_1120 : vector<16x1xi32>
      %select_n3A_1122 = arith.select %ge3A_1121, %add3A_1112, %scan3A_1104 : vector<16x1xi1>, vector<16x1xi32>
      %sub3A_1123 = arith.constant 1 : i32
      %sub3A_1124 = vector.broadcast %sub3A_1123 : i32 to vector<16x1xi32>
      %sub3A_1125 = arith.subi %add3A_1112, %sub3A_1124 : vector<16x1xi32>
      %select_n3A_1126 = arith.select %ge3A_1121, %scan3A_1105, %sub3A_1125 : vector<16x1xi1>, vector<16x1xi32>
      scf.yield %select_n3A_1122, %select_n3A_1126 : vector<16x1xi32>, vector<16x1xi32>
    }
    %gt3A = vector.broadcast %scan3A_12#0 : vector<16x1xi32> to vector<16x1024xi32>
    %gt3A_13 = arith.cmpi sgt, %select_n3A, %gt3A : vector<16x1024xi32>
    %eq3A = vector.broadcast %scan3A_12#0 : vector<16x1xi32> to vector<16x1024xi32>
    %eq3A_14 = arith.cmpi eq, %select_n3A, %eq3A : vector<16x1024xi32>
    %convert_element_type3A = arith.extui %gt3A_13 : vector<16x1024xi1> to vector<16x1024xi32>
    %reduce_sum3A = arith.constant dense<0> : vector<16xi32>
    %reduce_sum3A_15 = vector.multi_reduction <add>, %convert_element_type3A, %reduce_sum3A [1] : vector<16x1024xi32> to vector<16xi32>
    %broadcast_in_dim3A_16 = vector.shape_cast %reduce_sum3A_15 : vector<16xi32> to vector<16x1xi32>
    %convert_element_type3A_17 = arith.extui %eq3A_14 : vector<16x1024xi1> to vector<16x1024xi32>
    %broadcast_in_dim3A_18 = arith.constant 0 : i32
    %broadcast_in_dim3A_19 = vector.broadcast %broadcast_in_dim3A_18 : i32 to vector<16x1xi32>
    %slice3A = vector.extract_strided_slice %convert_element_type3A_17 {offsets = [0, 0], sizes = [16, 1023], strides = [1, 1]} : vector<16x1024xi32> to vector<16x1023xi32>
    %concatenate3A = tpu.concatenate %broadcast_in_dim3A_19, %slice3A in 1 : vector<16x1xi32>, vector<16x1023xi32> -> vector<16x1024xi32>
    %add3A = arith.addi %convert_element_type3A_17, %concatenate3A : vector<16x1024xi32>
    %broadcast_in_dim3A_20 = arith.constant 0 : i32
    %broadcast_in_dim3A_21 = vector.broadcast %broadcast_in_dim3A_20 : i32 to vector<16x2xi32>
    %slice3A_22 = vector.extract_strided_slice %add3A {offsets = [0, 0], sizes = [16, 1022], strides = [1, 1]} : vector<16x1024xi32> to vector<16x1022xi32>
    %concatenate3A_23 = tpu.concatenate %broadcast_in_dim3A_21, %slice3A_22 in 1 : vector<16x2xi32>, vector<16x1022xi32> -> vector<16x1024xi32>
    %add3A_24 = arith.addi %add3A, %concatenate3A_23 : vector<16x1024xi32>
    %broadcast_in_dim3A_25 = arith.constant 0 : i32
    %broadcast_in_dim3A_26 = vector.broadcast %broadcast_in_dim3A_25 : i32 to vector<16x4xi32>
    %slice3A_27 = vector.extract_strided_slice %add3A_24 {offsets = [0, 0], sizes = [16, 1020], strides = [1, 1]} : vector<16x1024xi32> to vector<16x1020xi32>
    %concatenate3A_28 = tpu.concatenate %broadcast_in_dim3A_26, %slice3A_27 in 1 : vector<16x4xi32>, vector<16x1020xi32> -> vector<16x1024xi32>
    %add3A_29 = arith.addi %add3A_24, %concatenate3A_28 : vector<16x1024xi32>
    %broadcast_in_dim3A_30 = arith.constant 0 : i32
    %broadcast_in_dim3A_31 = vector.broadcast %broadcast_in_dim3A_30 : i32 to vector<16x8xi32>
    %slice3A_32 = vector.extract_strided_slice %add3A_29 {offsets = [0, 0], sizes = [16, 1016], strides = [1, 1]} : vector<16x1024xi32> to vector<16x1016xi32>
    %concatenate3A_33 = tpu.concatenate %broadcast_in_dim3A_31, %slice3A_32 in 1 : vector<16x8xi32>, vector<16x1016xi32> -> vector<16x1024xi32>
    %add3A_34 = arith.addi %add3A_29, %concatenate3A_33 : vector<16x1024xi32>
    %broadcast_in_dim3A_35 = arith.constant 0 : i32
    %broadcast_in_dim3A_36 = vector.broadcast %broadcast_in_dim3A_35 : i32 to vector<16x16xi32>
    %slice3A_37 = vector.extract_strided_slice %add3A_34 {offsets = [0, 0], sizes = [16, 1008], strides = [1, 1]} : vector<16x1024xi32> to vector<16x1008xi32>
    %concatenate3A_38 = tpu.concatenate %broadcast_in_dim3A_36, %slice3A_37 in 1 : vector<16x16xi32>, vector<16x1008xi32> -> vector<16x1024xi32>
    %add3A_39 = arith.addi %add3A_34, %concatenate3A_38 : vector<16x1024xi32>
    %broadcast_in_dim3A_40 = arith.constant 0 : i32
    %broadcast_in_dim3A_41 = vector.broadcast %broadcast_in_dim3A_40 : i32 to vector<16x32xi32>
    %slice3A_42 = vector.extract_strided_slice %add3A_39 {offsets = [0, 0], sizes = [16, 992], strides = [1, 1]} : vector<16x1024xi32> to vector<16x992xi32>
    %concatenate3A_43 = tpu.concatenate %broadcast_in_dim3A_41, %slice3A_42 in 1 : vector<16x32xi32>, vector<16x992xi32> -> vector<16x1024xi32>
    %add3A_44 = arith.addi %add3A_39, %concatenate3A_43 : vector<16x1024xi32>
    %broadcast_in_dim3A_45 = arith.constant 0 : i32
    %broadcast_in_dim3A_46 = vector.broadcast %broadcast_in_dim3A_45 : i32 to vector<16x64xi32>
    %slice3A_47 = vector.extract_strided_slice %add3A_44 {offsets = [0, 0], sizes = [16, 960], strides = [1, 1]} : vector<16x1024xi32> to vector<16x960xi32>
    %concatenate3A_48 = tpu.concatenate %broadcast_in_dim3A_46, %slice3A_47 in 1 : vector<16x64xi32>, vector<16x960xi32> -> vector<16x1024xi32>
    %add3A_49 = arith.addi %add3A_44, %concatenate3A_48 : vector<16x1024xi32>
    %broadcast_in_dim3A_50 = arith.constant 0 : i32
    %broadcast_in_dim3A_51 = vector.broadcast %broadcast_in_dim3A_50 : i32 to vector<16x128xi32>
    %slice3A_52 = vector.extract_strided_slice %add3A_49 {offsets = [0, 0], sizes = [16, 896], strides = [1, 1]} : vector<16x1024xi32> to vector<16x896xi32>
    %concatenate3A_53 = tpu.concatenate %broadcast_in_dim3A_51, %slice3A_52 in 1 : vector<16x128xi32>, vector<16x896xi32> -> vector<16x1024xi32>
    %add3A_54 = arith.addi %add3A_49, %concatenate3A_53 : vector<16x1024xi32>
    %broadcast_in_dim3A_55 = arith.constant 0 : i32
    %broadcast_in_dim3A_56 = vector.broadcast %broadcast_in_dim3A_55 : i32 to vector<16x256xi32>
    %slice3A_57 = vector.extract_strided_slice %add3A_54 {offsets = [0, 0], sizes = [16, 768], strides = [1, 1]} : vector<16x1024xi32> to vector<16x768xi32>
    %concatenate3A_58 = tpu.concatenate %broadcast_in_dim3A_56, %slice3A_57 in 1 : vector<16x256xi32>, vector<16x768xi32> -> vector<16x1024xi32>
    %add3A_59 = arith.addi %add3A_54, %concatenate3A_58 : vector<16x1024xi32>
    %broadcast_in_dim3A_60 = arith.constant 0 : i32
    %broadcast_in_dim3A_61 = vector.broadcast %broadcast_in_dim3A_60 : i32 to vector<16x512xi32>
    %slice3A_62 = vector.extract_strided_slice %add3A_59 {offsets = [0, 0], sizes = [16, 512], strides = [1, 1]} : vector<16x1024xi32> to vector<16x512xi32>
    %concatenate3A_63 = tpu.concatenate %broadcast_in_dim3A_61, %slice3A_62 in 1 : vector<16x512xi32>, vector<16x512xi32> -> vector<16x1024xi32>
    %add3A_64 = arith.addi %add3A_59, %concatenate3A_63 : vector<16x1024xi32>
    %sub3A_65 = arith.constant 256 : i32
    %sub3A_66 = vector.broadcast %sub3A_65 : i32 to vector<16x1xi32>
    %sub3A_67 = arith.subi %sub3A_66, %broadcast_in_dim3A_16 : vector<16x1xi32>
    %le3A = vector.broadcast %sub3A_67 : vector<16x1xi32> to vector<16x1024xi32>
    %le3A_68 = arith.cmpi sle, %add3A_64, %le3A : vector<16x1024xi32>
    %and3A = arith.andi %eq3A_14, %le3A_68 : vector<16x1024xi1>
    %or3A = arith.ori %gt3A_13, %and3A : vector<16x1024xi1>
    %convert_element_type3A_69 = arith.extui %or3A : vector<16x1024xi1> to vector<16x1024xi32>
    %broadcast_in_dim3A_70 = arith.constant 0 : i32
    %broadcast_in_dim3A_71 = vector.broadcast %broadcast_in_dim3A_70 : i32 to vector<16x1xi32>
    %slice3A_72 = vector.extract_strided_slice %convert_element_type3A_69 {offsets = [0, 0], sizes = [16, 1023], strides = [1, 1]} : vector<16x1024xi32> to vector<16x1023xi32>
    %concatenate3A_73 = tpu.concatenate %broadcast_in_dim3A_71, %slice3A_72 in 1 : vector<16x1xi32>, vector<16x1023xi32> -> vector<16x1024xi32>
    %add3A_74 = arith.addi %convert_element_type3A_69, %concatenate3A_73 : vector<16x1024xi32>
    %broadcast_in_dim3A_75 = arith.constant 0 : i32
    %broadcast_in_dim3A_76 = vector.broadcast %broadcast_in_dim3A_75 : i32 to vector<16x2xi32>
    %slice3A_77 = vector.extract_strided_slice %add3A_74 {offsets = [0, 0], sizes = [16, 1022], strides = [1, 1]} : vector<16x1024xi32> to vector<16x1022xi32>
    %concatenate3A_78 = tpu.concatenate %broadcast_in_dim3A_76, %slice3A_77 in 1 : vector<16x2xi32>, vector<16x1022xi32> -> vector<16x1024xi32>
    %add3A_79 = arith.addi %add3A_74, %concatenate3A_78 : vector<16x1024xi32>
    %broadcast_in_dim3A_80 = arith.constant 0 : i32
    %broadcast_in_dim3A_81 = vector.broadcast %broadcast_in_dim3A_80 : i32 to vector<16x4xi32>
    %slice3A_82 = vector.extract_strided_slice %add3A_79 {offsets = [0, 0], sizes = [16, 1020], strides = [1, 1]} : vector<16x1024xi32> to vector<16x1020xi32>
    %concatenate3A_83 = tpu.concatenate %broadcast_in_dim3A_81, %slice3A_82 in 1 : vector<16x4xi32>, vector<16x1020xi32> -> vector<16x1024xi32>
    %add3A_84 = arith.addi %add3A_79, %concatenate3A_83 : vector<16x1024xi32>
    %broadcast_in_dim3A_85 = arith.constant 0 : i32
    %broadcast_in_dim3A_86 = vector.broadcast %broadcast_in_dim3A_85 : i32 to vector<16x8xi32>
    %slice3A_87 = vector.extract_strided_slice %add3A_84 {offsets = [0, 0], sizes = [16, 1016], strides = [1, 1]} : vector<16x1024xi32> to vector<16x1016xi32>
    %concatenate3A_88 = tpu.concatenate %broadcast_in_dim3A_86, %slice3A_87 in 1 : vector<16x8xi32>, vector<16x1016xi32> -> vector<16x1024xi32>
    %add3A_89 = arith.addi %add3A_84, %concatenate3A_88 : vector<16x1024xi32>
    %broadcast_in_dim3A_90 = arith.constant 0 : i32
    %broadcast_in_dim3A_91 = vector.broadcast %broadcast_in_dim3A_90 : i32 to vector<16x16xi32>
    %slice3A_92 = vector.extract_strided_slice %add3A_89 {offsets = [0, 0], sizes = [16, 1008], strides = [1, 1]} : vector<16x1024xi32> to vector<16x1008xi32>
    %concatenate3A_93 = tpu.concatenate %broadcast_in_dim3A_91, %slice3A_92 in 1 : vector<16x16xi32>, vector<16x1008xi32> -> vector<16x1024xi32>
    %add3A_94 = arith.addi %add3A_89, %concatenate3A_93 : vector<16x1024xi32>
    %broadcast_in_dim3A_95 = arith.constant 0 : i32
    %broadcast_in_dim3A_96 = vector.broadcast %broadcast_in_dim3A_95 : i32 to vector<16x32xi32>
    %slice3A_97 = vector.extract_strided_slice %add3A_94 {offsets = [0, 0], sizes = [16, 992], strides = [1, 1]} : vector<16x1024xi32> to vector<16x992xi32>
    %concatenate3A_98 = tpu.concatenate %broadcast_in_dim3A_96, %slice3A_97 in 1 : vector<16x32xi32>, vector<16x992xi32> -> vector<16x1024xi32>
    %add3A_99 = arith.addi %add3A_94, %concatenate3A_98 : vector<16x1024xi32>
    %broadcast_in_dim3A_100 = arith.constant 0 : i32
    %broadcast_in_dim3A_101 = vector.broadcast %broadcast_in_dim3A_100 : i32 to vector<16x64xi32>
    %slice3A_102 = vector.extract_strided_slice %add3A_99 {offsets = [0, 0], sizes = [16, 960], strides = [1, 1]} : vector<16x1024xi32> to vector<16x960xi32>
    %concatenate3A_103 = tpu.concatenate %broadcast_in_dim3A_101, %slice3A_102 in 1 : vector<16x64xi32>, vector<16x960xi32> -> vector<16x1024xi32>
    %add3A_104 = arith.addi %add3A_99, %concatenate3A_103 : vector<16x1024xi32>
    %broadcast_in_dim3A_105 = arith.constant 0 : i32
    %broadcast_in_dim3A_106 = vector.broadcast %broadcast_in_dim3A_105 : i32 to vector<16x128xi32>
    %slice3A_107 = vector.extract_strided_slice %add3A_104 {offsets = [0, 0], sizes = [16, 896], strides = [1, 1]} : vector<16x1024xi32> to vector<16x896xi32>
    %concatenate3A_108 = tpu.concatenate %broadcast_in_dim3A_106, %slice3A_107 in 1 : vector<16x128xi32>, vector<16x896xi32> -> vector<16x1024xi32>
    %add3A_109 = arith.addi %add3A_104, %concatenate3A_108 : vector<16x1024xi32>
    %broadcast_in_dim3A_110 = arith.constant 0 : i32
    %broadcast_in_dim3A_111 = vector.broadcast %broadcast_in_dim3A_110 : i32 to vector<16x256xi32>
    %slice3A_112 = vector.extract_strided_slice %add3A_109 {offsets = [0, 0], sizes = [16, 768], strides = [1, 1]} : vector<16x1024xi32> to vector<16x768xi32>
    %concatenate3A_113 = tpu.concatenate %broadcast_in_dim3A_111, %slice3A_112 in 1 : vector<16x256xi32>, vector<16x768xi32> -> vector<16x1024xi32>
    %add3A_114 = arith.addi %add3A_109, %concatenate3A_113 : vector<16x1024xi32>
    %broadcast_in_dim3A_115 = arith.constant 0 : i32
    %broadcast_in_dim3A_116 = vector.broadcast %broadcast_in_dim3A_115 : i32 to vector<16x512xi32>
    %slice3A_117 = vector.extract_strided_slice %add3A_114 {offsets = [0, 0], sizes = [16, 512], strides = [1, 1]} : vector<16x1024xi32> to vector<16x512xi32>
    %concatenate3A_118 = tpu.concatenate %broadcast_in_dim3A_116, %slice3A_117 in 1 : vector<16x512xi32>, vector<16x512xi32> -> vector<16x1024xi32>
    %add3A_119 = arith.addi %add3A_114, %concatenate3A_118 : vector<16x1024xi32>
    %sub3A_120 = arith.constant 1 : i32
    %sub3A_121 = vector.broadcast %sub3A_120 : i32 to vector<16x1024xi32>
    %sub3A_122 = arith.subi %add3A_119, %sub3A_121 : vector<16x1024xi32>
    %iota3A = tpu.iota {dimensions = array<i32: 0>} : vector<256x1024xi32>
    %iota3A_123 = tpu.iota {dimensions = array<i32: 1>} : vector<1x1024xi32>
    %convert_element_type3A_124 = arith.sitofp %iota3A_123 : vector<1x1024xi32> to vector<1x1024xf32>
    %iota3A_125 = tpu.iota {dimensions = array<i32: 0>} : vector<256x256xi32>
    %iota3A_126 = tpu.iota {dimensions = array<i32: 1>} : vector<256x256xi32>
    %eq3A_127 = arith.cmpi eq, %iota3A_125, %iota3A_126 : vector<256x256xi32>
    %convert_element_type3A_128 = arith.extui %eq3A_127 : vector<256x256xi1> to vector<256x256xi32>
    %convert_element_type3A_129 = arith.sitofp %convert_element_type3A_128 : vector<256x256xi32> to vector<256x256xf32>
    %iota3A_130 = tpu.iota {dimensions = array<i32: 1>} : vector<1x256xi32>
    %slice3A_131 = vector.extract_strided_slice %sub3A_122 {offsets = [0, 0], sizes = [1, 1024], strides = [1, 1]} : vector<16x1024xi32> to vector<1x1024xi32>
    %slice3A_132 = vector.extract_strided_slice %or3A {offsets = [0, 0], sizes = [1, 1024], strides = [1, 1]} : vector<16x1024xi1> to vector<1x1024xi1>
    %slice3A_133 = vector.extract_strided_slice %get3A_1 {offsets = [0, 0], sizes = [1, 1024], strides = [1, 1]} : vector<16x1024xf32> to vector<1x1024xf32>
    %broadcast_in_dim3A_134 = vector.shape_cast %slice3A_131 : vector<1x1024xi32> to vector<1x1024xi32>
    %broadcast_in_dim3A_135 = vector.broadcast %broadcast_in_dim3A_134 : vector<1x1024xi32> to vector<256x1024xi32>
    %eq3A_136 = arith.cmpi eq, %broadcast_in_dim3A_135, %iota3A : vector<256x1024xi32>
    %broadcast_in_dim3A_137 = vector.shape_cast %slice3A_132 : vector<1x1024xi1> to vector<1x1024xi1>
    %broadcast_in_dim3A_138 = vector.broadcast %broadcast_in_dim3A_137 : vector<1x1024xi1> to vector<256x1024xi1>
    %and3A_139 = arith.andi %eq3A_136, %broadcast_in_dim3A_138 : vector<256x1024xi1>
    %broadcast_in_dim3A_140 = vector.shape_cast %slice3A_133 : vector<1x1024xf32> to vector<1x1024xf32>
    %broadcast_in_dim3A_141 = vector.broadcast %broadcast_in_dim3A_140 : vector<1x1024xf32> to vector<256x1024xf32>
    %jit3A = arith.constant 0.000000e+00 : f32
    %broadcast_in_dim3A_142 = vector.broadcast %jit3A : f32 to vector<256x1024xf32>
    %select_n3A_143 = arith.select %and3A_139, %broadcast_in_dim3A_141, %broadcast_in_dim3A_142 : vector<256x1024xi1>, vector<256x1024xf32>
    %reduce_sum3A_144 = arith.constant dense<0.000000e+00> : vector<256xf32>
    %reduce_sum3A_145 = vector.multi_reduction <add>, %select_n3A_143, %reduce_sum3A_144 [1] : vector<256x1024xf32> to vector<256xf32>
    %broadcast_in_dim3A_146 = vector.shape_cast %reduce_sum3A_145 : vector<256xf32> to vector<256x1xf32>
    %broadcast_in_dim3A_147 = vector.shape_cast %convert_element_type3A_124 : vector<1x1024xf32> to vector<1x1024xf32>
    %broadcast_in_dim3A_148 = vector.broadcast %broadcast_in_dim3A_147 : vector<1x1024xf32> to vector<256x1024xf32>
    %jit3A_149 = arith.constant 0.000000e+00 : f32
    %broadcast_in_dim3A_150 = vector.broadcast %jit3A_149 : f32 to vector<256x1024xf32>
    %select_n3A_151 = arith.select %and3A_139, %broadcast_in_dim3A_148, %broadcast_in_dim3A_150 : vector<256x1024xi1>, vector<256x1024xf32>
    %reduce_sum3A_152 = arith.constant dense<0.000000e+00> : vector<256xf32>
    %reduce_sum3A_153 = vector.multi_reduction <add>, %select_n3A_151, %reduce_sum3A_152 [1] : vector<256x1024xf32> to vector<256xf32>
    %broadcast_in_dim3A_154 = vector.shape_cast %reduce_sum3A_153 : vector<256xf32> to vector<256x1xf32>
    %dot_general3A = arith.constant dense<0.000000e+00> : vector<1x256xf32>
    %dot_general3A_155 = tpu.matmul %broadcast_in_dim3A_146, %convert_element_type3A_129, %dot_general3A {dimension_numbers = #tpu.dot_dimension_numbers<[0], [0], [1], [1], [0, 1, 1, 1], [], []>, precision = #tpu.contract_precision<fp32>, transpose_lhs_hint = false} : vector<256x1xf32>, vector<256x256xf32>, vector<1x256xf32> -> vector<1x256xf32>
    %dot_general3A_156 = arith.constant dense<0.000000e+00> : vector<1x256xf32>
    %dot_general3A_157 = tpu.matmul %broadcast_in_dim3A_154, %convert_element_type3A_129, %dot_general3A_156 {dimension_numbers = #tpu.dot_dimension_numbers<[0], [0], [1], [1], [0, 1, 1, 1], [], []>, precision = #tpu.contract_precision<fp32>, transpose_lhs_hint = false} : vector<256x1xf32>, vector<256x256xf32>, vector<1x256xf32> -> vector<1x256xf32>
    %gt3A_158 = vector.broadcast %dot_general3A_155 : vector<1x256xf32> to vector<256x256xf32>
    %gt3A_159 = vector.broadcast %broadcast_in_dim3A_146 : vector<256x1xf32> to vector<256x256xf32>
    %gt3A_160 = arith.cmpf ogt, %gt3A_158, %gt3A_159 : vector<256x256xf32>
    %eq3A_161 = vector.broadcast %dot_general3A_155 : vector<1x256xf32> to vector<256x256xf32>
    %eq3A_162 = vector.broadcast %broadcast_in_dim3A_146 : vector<256x1xf32> to vector<256x256xf32>
    %eq3A_163 = arith.cmpf oeq, %eq3A_161, %eq3A_162 : vector<256x256xf32>
    %lt3A = vector.broadcast %dot_general3A_157 : vector<1x256xf32> to vector<256x256xf32>
    %lt3A_164 = vector.broadcast %broadcast_in_dim3A_154 : vector<256x1xf32> to vector<256x256xf32>
    %lt3A_165 = arith.cmpf olt, %lt3A, %lt3A_164 : vector<256x256xf32>
    %and3A_166 = arith.andi %eq3A_163, %lt3A_165 : vector<256x256xi1>
    %or3A_167 = arith.ori %gt3A_160, %and3A_166 : vector<256x256xi1>
    %convert_element_type3A_168 = arith.extui %or3A_167 : vector<256x256xi1> to vector<256x256xi32>
    %reduce_sum3A_169 = arith.constant dense<0> : vector<256xi32>
    %reduce_sum3A_170 = vector.multi_reduction <add>, %convert_element_type3A_168, %reduce_sum3A_169 [1] : vector<256x256xi32> to vector<256xi32>
    %broadcast_in_dim3A_171 = vector.shape_cast %reduce_sum3A_170 : vector<256xi32> to vector<256x1xi32>
    %broadcast_in_dim3A_172 = vector.shape_cast %broadcast_in_dim3A_171 : vector<256x1xi32> to vector<256x1xi32>
    %broadcast_in_dim3A_173 = vector.broadcast %broadcast_in_dim3A_172 : vector<256x1xi32> to vector<256x256xi32>
    %eq3A_174 = vector.broadcast %iota3A_130 : vector<1x256xi32> to vector<256x256xi32>
    %eq3A_175 = arith.cmpi eq, %broadcast_in_dim3A_173, %eq3A_174 : vector<256x256xi32>
    %convert_element_type3A_176 = arith.extui %eq3A_175 : vector<256x256xi1> to vector<256x256xi32>
    %convert_element_type3A_177 = arith.sitofp %convert_element_type3A_176 : vector<256x256xi32> to vector<256x256xf32>
    %dot_general3A_178 = arith.constant dense<0.000000e+00> : vector<1x256xf32>
    %dot_general3A_179 = tpu.matmul %broadcast_in_dim3A_154, %convert_element_type3A_177, %dot_general3A_178 {dimension_numbers = #tpu.dot_dimension_numbers<[0], [0], [1], [1], [0, 1, 1, 1], [], []>, precision = #tpu.contract_precision<fp32>, transpose_lhs_hint = false} : vector<256x1xf32>, vector<256x256xf32>, vector<1x256xf32> -> vector<1x256xf32>
    %convert_element_type3A_180 = arith.fptosi %dot_general3A_179 : vector<1x256xf32> to vector<1x256xi32>
    %slice3A_181 = vector.extract_strided_slice %convert_element_type3A_180 {offsets = [0, 0], sizes = [1, 128], strides = [1, 1]} : vector<1x256xi32> to vector<1x128xi32>
    %swap3A = arith.constant 0 : index
    %swap3A_182 = arith.constant 0 : index
    %swap3A_183 = vector.load %arg1[%swap3A, %swap3A_182] : memref<32x128xi32, #tpu.memory_space<vmem>>, vector<1x128xi32>
    tpu.vector_store %arg1[%swap3A, %swap3A_182], %slice3A_181 {strides = array<i32>} : memref<32x128xi32, #tpu.memory_space<vmem>>, vector<1x128xi32>,
    %slice3A_184 = vector.extract_strided_slice %convert_element_type3A_180 {offsets = [0, 128], sizes = [1, 128], strides = [1, 1]} : vector<1x256xi32> to vector<1x128xi32>
    %swap3A_185 = arith.constant 8 : index
    %swap3A_186 = arith.constant 0 : index
    %swap3A_187 = vector.load %arg1[%swap3A_185, %swap3A_186] : memref<32x128xi32, #tpu.memory_space<vmem>>, vector<1x128xi32>
    tpu.vector_store %arg1[%swap3A_185, %swap3A_186], %slice3A_184 {strides = array<i32>} : memref<32x128xi32, #tpu.memory_space<vmem>>, vector<1x128xi32>,
    %slice3A_188 = vector.extract_strided_slice %sub3A_122 {offsets = [1, 0], sizes = [1, 1024], strides = [1, 1]} : vector<16x1024xi32> to vector<1x1024xi32>
    %slice3A_189 = vector.extract_strided_slice %or3A {offsets = [1, 0], sizes = [1, 1024], strides = [1, 1]} : vector<16x1024xi1> to vector<1x1024xi1>
    %slice3A_190 = vector.extract_strided_slice %get3A_1 {offsets = [1, 0], sizes = [1, 1024], strides = [1, 1]} : vector<16x1024xf32> to vector<1x1024xf32>
    %broadcast_in_dim3A_191 = vector.shape_cast %slice3A_188 : vector<1x1024xi32> to vector<1x1024xi32>
    %broadcast_in_dim3A_192 = vector.broadcast %broadcast_in_dim3A_191 : vector<1x1024xi32> to vector<256x1024xi32>
    %eq3A_193 = arith.cmpi eq, %broadcast_in_dim3A_192, %iota3A : vector<256x1024xi32>
    %broadcast_in_dim3A_194 = vector.shape_cast %slice3A_189 : vector<1x1024xi1> to vector<1x1024xi1>
    %broadcast_in_dim3A_195 = vector.broadcast %broadcast_in_dim3A_194 : vector<1x1024xi1> to vector<256x1024xi1>
    %and3A_196 = arith.andi %eq3A_193, %broadcast_in_dim3A_195 : vector<256x1024xi1>
    %broadcast_in_dim3A_197 = vector.shape_cast %slice3A_190 : vector<1x1024xf32> to vector<1x1024xf32>
    %broadcast_in_dim3A_198 = vector.broadcast %broadcast_in_dim3A_197 : vector<1x1024xf32> to vector<256x1024xf32>
    %jit3A_199 = arith.constant 0.000000e+00 : f32
    %broadcast_in_dim3A_200 = vector.broadcast %jit3A_199 : f32 to vector<256x1024xf32>
    %select_n3A_201 = arith.select %and3A_196, %broadcast_in_dim3A_198, %broadcast_in_dim3A_200 : vector<256x1024xi1>, vector<256x1024xf32>
    %reduce_sum3A_202 = arith.constant dense<0.000000e+00> : vector<256xf32>
    %reduce_sum3A_203 = vector.multi_reduction <add>, %select_n3A_201, %reduce_sum3A_202 [1] : vector<256x1024xf32> to vector<256xf32>
    %broadcast_in_dim3A_204 = vector.shape_cast %reduce_sum3A_203 : vector<256xf32> to vector<256x1xf32>
    %broadcast_in_dim3A_205 = vector.shape_cast %convert_element_type3A_124 : vector<1x1024xf32> to vector<1x1024xf32>
    %broadcast_in_dim3A_206 = vector.broadcast %broadcast_in_dim3A_205 : vector<1x1024xf32> to vector<256x1024xf32>
    %jit3A_207 = arith.constant 0.000000e+00 : f32
    %broadcast_in_dim3A_208 = vector.broadcast %jit3A_207 : f32 to vector<256x1024xf32>
    %select_n3A_209 = arith.select %and3A_196, %broadcast_in_dim3A_206, %broadcast_in_dim3A_208 : vector<256x1024xi1>, vector<256x1024xf32>
    %reduce_sum3A_210 = arith.constant dense<0.000000e+00> : vector<256xf32>
    %reduce_sum3A_211 = vector.multi_reduction <add>, %select_n3A_209, %reduce_sum3A_210 [1] : vector<256x1024xf32> to vector<256xf32>
    %broadcast_in_dim3A_212 = vector.shape_cast %reduce_sum3A_211 : vector<256xf32> to vector<256x1xf32>
    %dot_general3A_213 = arith.constant dense<0.000000e+00> : vector<1x256xf32>
    %dot_general3A_214 = tpu.matmul %broadcast_in_dim3A_204, %convert_element_type3A_129, %dot_general3A_213 {dimension_numbers = #tpu.dot_dimension_numbers<[0], [0], [1], [1], [0, 1, 1, 1], [], []>, precision = #tpu.contract_precision<fp32>, transpose_lhs_hint = false} : vector<256x1xf32>, vector<256x256xf32>, vector<1x256xf32> -> vector<1x256xf32>
    %dot_general3A_215 = arith.constant dense<0.000000e+00> : vector<1x256xf32>
    %dot_general3A_216 = tpu.matmul %broadcast_in_dim3A_212, %convert_element_type3A_129, %dot_general3A_215 {dimension_numbers = #tpu.dot_dimension_numbers<[0], [0], [1], [1], [0, 1, 1, 1], [], []>, precision = #tpu.contract_precision<fp32>, transpose_lhs_hint = false} : vector<256x1xf32>, vector<256x256xf32>, vector<1x256xf32> -> vector<1x256xf32>
    %gt3A_217 = vector.broadcast %dot_general3A_214 : vector<1x256xf32> to vector<256x256xf32>
    %gt3A_218 = vector.broadcast %broadcast_in_dim3A_204 : vector<256x1xf32> to vector<256x256xf32>
    %gt3A_219 = arith.cmpf ogt, %gt3A_217, %gt3A_218 : vector<256x256xf32>
    %eq3A_220 = vector.broadcast %dot_general3A_214 : vector<1x256xf32> to vector<256x256xf32>
    %eq3A_221 = vector.broadcast %broadcast_in_dim3A_204 : vector<256x1xf32> to vector<256x256xf32>
    %eq3A_222 = arith.cmpf oeq, %eq3A_220, %eq3A_221 : vector<256x256xf32>
    %lt3A_223 = vector.broadcast %dot_general3A_216 : vector<1x256xf32> to vector<256x256xf32>
    %lt3A_224 = vector.broadcast %broadcast_in_dim3A_212 : vector<256x1xf32> to vector<256x256xf32>
    %lt3A_225 = arith.cmpf olt, %lt3A_223, %lt3A_224 : vector<256x256xf32>
    %and3A_226 = arith.andi %eq3A_222, %lt3A_225 : vector<256x256xi1>
    %or3A_227 = arith.ori %gt3A_219, %and3A_226 : vector<256x256xi1>
    %convert_element_type3A_228 = arith.extui %or3A_227 : vector<256x256xi1> to vector<256x256xi32>
    %reduce_sum3A_229 = arith.constant dense<0> : vector<256xi32>
    %reduce_sum3A_230 = vector.multi_reduction <add>, %convert_element_type3A_228, %reduce_sum3A_229 [1] : vector<256x256xi32> to vector<256xi32>
    %broadcast_in_dim3A_231 = vector.shape_cast %reduce_sum3A_230 : vector<256xi32> to vector<256x1xi32>
    %broadcast_in_dim3A_232 = vector.shape_cast %broadcast_in_dim3A_231 : vector<256x1xi32> to vector<256x1xi32>
    %broadcast_in_dim3A_233 = vector.broadcast %broadcast_in_dim3A_232 : vector<256x1xi32> to vector<256x256xi32>
    %eq3A_234 = vector.broadcast %iota3A_130 : vector<1x256xi32> to vector<256x256xi32>
    %eq3A_235 = arith.cmpi eq, %broadcast_in_dim3A_233, %eq3A_234 : vector<256x256xi32>
    %convert_element_type3A_236 = arith.extui %eq3A_235 : vector<256x256xi1> to vector<256x256xi32>
    %convert_element_type3A_237 = arith.sitofp %convert_element_type3A_236 : vector<256x256xi32> to vector<256x256xf32>
    %dot_general3A_238 = arith.constant dense<0.000000e+00> : vector<1x256xf32>
    %dot_general3A_239 = tpu.matmul %broadcast_in_dim3A_212, %convert_element_type3A_237, %dot_general3A_238 {dimension_numbers = #tpu.dot_dimension_numbers<[0], [0], [1], [1], [0, 1, 1, 1], [], []>, precision = #tpu.contract_precision<fp32>, transpose_lhs_hint = false} : vector<256x1xf32>, vector<256x256xf32>, vector<1x256xf32> -> vector<1x256xf32>
    %convert_element_type3A_240 = arith.fptosi %dot_general3A_239 : vector<1x256xf32> to vector<1x256xi32>
    %slice3A_241 = vector.extract_strided_slice %convert_element_type3A_240 {offsets = [0, 0], sizes = [1, 128], strides = [1, 1]} : vector<1x256xi32> to vector<1x128xi32>
    %swap3A_242 = arith.constant 1 : index
    %swap3A_243 = arith.constant 0 : index
    %swap3A_244 = vector.load %arg1[%swap3A_242, %swap3A_243] : memref<32x128xi32, #tpu.memory_space<vmem>>, vector<1x128xi32>
    tpu.vector_store %arg1[%swap3A_242, %swap3A_243], %slice3A_241 {strides = array<i32>} : memref<32x128xi32, #tpu.memory_space<vmem>>, vector<1x128xi32>,
    %slice3A_245 = vector.extract_strided_slice %convert_element_type3A_240 {offsets = [0, 128], sizes = [1, 128], strides = [1, 1]} : vector<1x256xi32> to vector<1x128xi32>
    %swap3A_246 = arith.constant 9 : index
    %swap3A_247 = arith.constant 0 : index
    %swap3A_248 = vector.load %arg1[%swap3A_246, %swap3A_247] : memref<32x128xi32, #tpu.memory_space<vmem>>, vector<1x128xi32>
    tpu.vector_store %arg1[%swap3A_246, %swap3A_247], %slice3A_245 {strides = array<i32>} : memref<32x128xi32, #tpu.memory_space<vmem>>, vector<1x128xi32>,
    %slice3A_249 = vector.extract_strided_slice %sub3A_122 {offsets = [2, 0], sizes = [1, 1024], strides = [1, 1]} : vector<16x1024xi32> to vector<1x1024xi32>
    %slice3A_250 = vector.extract_strided_slice %or3A {offsets = [2, 0], sizes = [1, 1024], strides = [1, 1]} : vector<16x1024xi1> to vector<1x1024xi1>
    %slice3A_251 = vector.extract_strided_slice %get3A_1 {offsets = [2, 0], sizes = [1, 1024], strides = [1, 1]} : vector<16x1024xf32> to vector<1x1024xf32>
    %broadcast_in_dim3A_252 = vector.shape_cast %slice3A_249 : vector<1x1024xi32> to vector<1x1024xi32>
    %broadcast_in_dim3A_253 = vector.broadcast %broadcast_in_dim3A_252 : vector<1x1024xi32> to vector<256x1024xi32>
    %eq3A_254 = arith.cmpi eq, %broadcast_in_dim3A_253, %iota3A : vector<256x1024xi32>
    %broadcast_in_dim3A_255 = vector.shape_cast %slice3A_250 : vector<1x1024xi1> to vector<1x1024xi1>
    %broadcast_in_dim3A_256 = vector.broadcast %broadcast_in_dim3A_255 : vector<1x1024xi1> to vector<256x1024xi1>
    %and3A_257 = arith.andi %eq3A_254, %broadcast_in_dim3A_256 : vector<256x1024xi1>
    %broadcast_in_dim3A_258 = vector.shape_cast %slice3A_251 : vector<1x1024xf32> to vector<1x1024xf32>
    %broadcast_in_dim3A_259 = vector.broadcast %broadcast_in_dim3A_258 : vector<1x1024xf32> to vector<256x1024xf32>
    %jit3A_260 = arith.constant 0.000000e+00 : f32
    %broadcast_in_dim3A_261 = vector.broadcast %jit3A_260 : f32 to vector<256x1024xf32>
    %select_n3A_262 = arith.select %and3A_257, %broadcast_in_dim3A_259, %broadcast_in_dim3A_261 : vector<256x1024xi1>, vector<256x1024xf32>
    %reduce_sum3A_263 = arith.constant dense<0.000000e+00> : vector<256xf32>
    %reduce_sum3A_264 = vector.multi_reduction <add>, %select_n3A_262, %reduce_sum3A_263 [1] : vector<256x1024xf32> to vector<256xf32>
    %broadcast_in_dim3A_265 = vector.shape_cast %reduce_sum3A_264 : vector<256xf32> to vector<256x1xf32>
    %broadcast_in_dim3A_266 = vector.shape_cast %convert_element_type3A_124 : vector<1x1024xf32> to vector<1x1024xf32>
    %broadcast_in_dim3A_267 = vector.broadcast %broadcast_in_dim3A_266 : vector<1x1024xf32> to vector<256x1024xf32>
    %jit3A_268 = arith.constant 0.000000e+00 : f32
    %broadcast_in_dim3A_269 = vector.broadcast %jit3A_268 : f32 to vector<256x1024xf32>
    %select_n3A_270 = arith.select %and3A_257, %broadcast_in_dim3A_267, %broadcast_in_dim3A_269 : vector<256x1024xi1>, vector<256x1024xf32>
    %reduce_sum3A_271 = arith.constant dense<0.000000e+00> : vector<256xf32>
    %reduce_sum3A_272 = vector.multi_reduction <add>, %select_n3A_270, %reduce_sum3A_271 [1] : vector<256x1024xf32> to vector<256xf32>
    %broadcast_in_dim3A_273 = vector.shape_cast %reduce_sum3A_272 : vector<256xf32> to vector<256x1xf32>
    %dot_general3A_274 = arith.constant dense<0.000000e+00> : vector<1x256xf32>
    %dot_general3A_275 = tpu.matmul %broadcast_in_dim3A_265, %convert_element_type3A_129, %dot_general3A_274 {dimension_numbers = #tpu.dot_dimension_numbers<[0], [0], [1], [1], [0, 1, 1, 1], [], []>, precision = #tpu.contract_precision<fp32>, transpose_lhs_hint = false} : vector<256x1xf32>, vector<256x256xf32>, vector<1x256xf32> -> vector<1x256xf32>
    %dot_general3A_276 = arith.constant dense<0.000000e+00> : vector<1x256xf32>
    %dot_general3A_277 = tpu.matmul %broadcast_in_dim3A_273, %convert_element_type3A_129, %dot_general3A_276 {dimension_numbers = #tpu.dot_dimension_numbers<[0], [0], [1], [1], [0, 1, 1, 1], [], []>, precision = #tpu.contract_precision<fp32>, transpose_lhs_hint = false} : vector<256x1xf32>, vector<256x256xf32>, vector<1x256xf32> -> vector<1x256xf32>
    %gt3A_278 = vector.broadcast %dot_general3A_275 : vector<1x256xf32> to vector<256x256xf32>
    %gt3A_279 = vector.broadcast %broadcast_in_dim3A_265 : vector<256x1xf32> to vector<256x256xf32>
    %gt3A_280 = arith.cmpf ogt, %gt3A_278, %gt3A_279 : vector<256x256xf32>
    %eq3A_281 = vector.broadcast %dot_general3A_275 : vector<1x256xf32> to vector<256x256xf32>
    %eq3A_282 = vector.broadcast %broadcast_in_dim3A_265 : vector<256x1xf32> to vector<256x256xf32>
    %eq3A_283 = arith.cmpf oeq, %eq3A_281, %eq3A_282 : vector<256x256xf32>
    %lt3A_284 = vector.broadcast %dot_general3A_277 : vector<1x256xf32> to vector<256x256xf32>
    %lt3A_285 = vector.broadcast %broadcast_in_dim3A_273 : vector<256x1xf32> to vector<256x256xf32>
    %lt3A_286 = arith.cmpf olt, %lt3A_284, %lt3A_285 : vector<256x256xf32>
    %and3A_287 = arith.andi %eq3A_283, %lt3A_286 : vector<256x256xi1>
    %or3A_288 = arith.ori %gt3A_280, %and3A_287 : vector<256x256xi1>
    %convert_element_type3A_289 = arith.extui %or3A_288 : vector<256x256xi1> to vector<256x256xi32>
    %reduce_sum3A_290 = arith.constant dense<0> : vector<256xi32>
    %reduce_sum3A_291 = vector.multi_reduction <add>, %convert_element_type3A_289, %reduce_sum3A_290 [1] : vector<256x256xi32> to vector<256xi32>
    %broadcast_in_dim3A_292 = vector.shape_cast %reduce_sum3A_291 : vector<256xi32> to vector<256x1xi32>
    %broadcast_in_dim3A_293 = vector.shape_cast %broadcast_in_dim3A_292 : vector<256x1xi32> to vector<256x1xi32>
    %broadcast_in_dim3A_294 = vector.broadcast %broadcast_in_dim3A_293 : vector<256x1xi32> to vector<256x256xi32>
    %eq3A_295 = vector.broadcast %iota3A_130 : vector<1x256xi32> to vector<256x256xi32>
    %eq3A_296 = arith.cmpi eq, %broadcast_in_dim3A_294, %eq3A_295 : vector<256x256xi32>
    %convert_element_type3A_297 = arith.extui %eq3A_296 : vector<256x256xi1> to vector<256x256xi32>
    %convert_element_type3A_298 = arith.sitofp %convert_element_type3A_297 : vector<256x256xi32> to vector<256x256xf32>
    %dot_general3A_299 = arith.constant dense<0.000000e+00> : vector<1x256xf32>
    %dot_general3A_300 = tpu.matmul %broadcast_in_dim3A_273, %convert_element_type3A_298, %dot_general3A_299 {dimension_numbers = #tpu.dot_dimension_numbers<[0], [0], [1], [1], [0, 1, 1, 1], [], []>, precision = #tpu.contract_precision<fp32>, transpose_lhs_hint = false} : vector<256x1xf32>, vector<256x256xf32>, vector<1x256xf32> -> vector<1x256xf32>
    %convert_element_type3A_301 = arith.fptosi %dot_general3A_300 : vector<1x256xf32> to vector<1x256xi32>
    %slice3A_302 = vector.extract_strided_slice %convert_element_type3A_301 {offsets = [0, 0], sizes = [1, 128], strides = [1, 1]} : vector<1x256xi32> to vector<1x128xi32>
    %swap3A_303 = arith.constant 2 : index
    %swap3A_304 = arith.constant 0 : index
    %swap3A_305 = vector.load %arg1[%swap3A_303, %swap3A_304] : memref<32x128xi32, #tpu.memory_space<vmem>>, vector<1x128xi32>
    tpu.vector_store %arg1[%swap3A_303, %swap3A_304], %slice3A_302 {strides = array<i32>} : memref<32x128xi32, #tpu.memory_space<vmem>>, vector<1x128xi32>,
    %slice3A_306 = vector.extract_strided_slice %convert_element_type3A_301 {offsets = [0, 128], sizes = [1, 128], strides = [1, 1]} : vector<1x256xi32> to vector<1x128xi32>
    %swap3A_307 = arith.constant 10 : index
    %swap3A_308 = arith.constant 0 : index
    %swap3A_309 = vector.load %arg1[%swap3A_307, %swap3A_308] : memref<32x128xi32, #tpu.memory_space<vmem>>, vector<1x128xi32>
    tpu.vector_store %arg1[%swap3A_307, %swap3A_308], %slice3A_306 {strides = array<i32>} : memref<32x128xi32, #tpu.memory_space<vmem>>, vector<1x128xi32>,
    %slice3A_310 = vector.extract_strided_slice %sub3A_122 {offsets = [3, 0], sizes = [1, 1024], strides = [1, 1]} : vector<16x1024xi32> to vector<1x1024xi32>
    %slice3A_311 = vector.extract_strided_slice %or3A {offsets = [3, 0], sizes = [1, 1024], strides = [1, 1]} : vector<16x1024xi1> to vector<1x1024xi1>
    %slice3A_312 = vector.extract_strided_slice %get3A_1 {offsets = [3, 0], sizes = [1, 1024], strides = [1, 1]} : vector<16x1024xf32> to vector<1x1024xf32>
    %broadcast_in_dim3A_313 = vector.shape_cast %slice3A_310 : vector<1x1024xi32> to vector<1x1024xi32>
    %broadcast_in_dim3A_314 = vector.broadcast %broadcast_in_dim3A_313 : vector<1x1024xi32> to vector<256x1024xi32>
    %eq3A_315 = arith.cmpi eq, %broadcast_in_dim3A_314, %iota3A : vector<256x1024xi32>
    %broadcast_in_dim3A_316 = vector.shape_cast %slice3A_311 : vector<1x1024xi1> to vector<1x1024xi1>
    %broadcast_in_dim3A_317 = vector.broadcast %broadcast_in_dim3A_316 : vector<1x1024xi1> to vector<256x1024xi1>
    %and3A_318 = arith.andi %eq3A_315, %broadcast_in_dim3A_317 : vector<256x1024xi1>
    %broadcast_in_dim3A_319 = vector.shape_cast %slice3A_312 : vector<1x1024xf32> to vector<1x1024xf32>
    %broadcast_in_dim3A_320 = vector.broadcast %broadcast_in_dim3A_319 : vector<1x1024xf32> to vector<256x1024xf32>
    %jit3A_321 = arith.constant 0.000000e+00 : f32
    %broadcast_in_dim3A_322 = vector.broadcast %jit3A_321 : f32 to vector<256x1024xf32>
    %select_n3A_323 = arith.select %and3A_318, %broadcast_in_dim3A_320, %broadcast_in_dim3A_322 : vector<256x1024xi1>, vector<256x1024xf32>
    %reduce_sum3A_324 = arith.constant dense<0.000000e+00> : vector<256xf32>
    %reduce_sum3A_325 = vector.multi_reduction <add>, %select_n3A_323, %reduce_sum3A_324 [1] : vector<256x1024xf32> to vector<256xf32>
    %broadcast_in_dim3A_326 = vector.shape_cast %reduce_sum3A_325 : vector<256xf32> to vector<256x1xf32>
    %broadcast_in_dim3A_327 = vector.shape_cast %convert_element_type3A_124 : vector<1x1024xf32> to vector<1x1024xf32>
    %broadcast_in_dim3A_328 = vector.broadcast %broadcast_in_dim3A_327 : vector<1x1024xf32> to vector<256x1024xf32>
    %jit3A_329 = arith.constant 0.000000e+00 : f32
    %broadcast_in_dim3A_330 = vector.broadcast %jit3A_329 : f32 to vector<256x1024xf32>
    %select_n3A_331 = arith.select %and3A_318, %broadcast_in_dim3A_328, %broadcast_in_dim3A_330 : vector<256x1024xi1>, vector<256x1024xf32>
    %reduce_sum3A_332 = arith.constant dense<0.000000e+00> : vector<256xf32>
    %reduce_sum3A_333 = vector.multi_reduction <add>, %select_n3A_331, %reduce_sum3A_332 [1] : vector<256x1024xf32> to vector<256xf32>
    %broadcast_in_dim3A_334 = vector.shape_cast %reduce_sum3A_333 : vector<256xf32> to vector<256x1xf32>
    %dot_general3A_335 = arith.constant dense<0.000000e+00> : vector<1x256xf32>
    %dot_general3A_336 = tpu.matmul %broadcast_in_dim3A_326, %convert_element_type3A_129, %dot_general3A_335 {dimension_numbers = #tpu.dot_dimension_numbers<[0], [0], [1], [1], [0, 1, 1, 1], [], []>, precision = #tpu.contract_precision<fp32>, transpose_lhs_hint = false} : vector<256x1xf32>, vector<256x256xf32>, vector<1x256xf32> -> vector<1x256xf32>
    %dot_general3A_337 = arith.constant dense<0.000000e+00> : vector<1x256xf32>
    %dot_general3A_338 = tpu.matmul %broadcast_in_dim3A_334, %convert_element_type3A_129, %dot_general3A_337 {dimension_numbers = #tpu.dot_dimension_numbers<[0], [0], [1], [1], [0, 1, 1, 1], [], []>, precision = #tpu.contract_precision<fp32>, transpose_lhs_hint = false} : vector<256x1xf32>, vector<256x256xf32>, vector<1x256xf32> -> vector<1x256xf32>
    %gt3A_339 = vector.broadcast %dot_general3A_336 : vector<1x256xf32> to vector<256x256xf32>
    %gt3A_340 = vector.broadcast %broadcast_in_dim3A_326 : vector<256x1xf32> to vector<256x256xf32>
    %gt3A_341 = arith.cmpf ogt, %gt3A_339, %gt3A_340 : vector<256x256xf32>
    %eq3A_342 = vector.broadcast %dot_general3A_336 : vector<1x256xf32> to vector<256x256xf32>
    %eq3A_343 = vector.broadcast %broadcast_in_dim3A_326 : vector<256x1xf32> to vector<256x256xf32>
    %eq3A_344 = arith.cmpf oeq, %eq3A_342, %eq3A_343 : vector<256x256xf32>
    %lt3A_345 = vector.broadcast %dot_general3A_338 : vector<1x256xf32> to vector<256x256xf32>
    %lt3A_346 = vector.broadcast %broadcast_in_dim3A_334 : vector<256x1xf32> to vector<256x256xf32>
    %lt3A_347 = arith.cmpf olt, %lt3A_345, %lt3A_346 : vector<256x256xf32>
    %and3A_348 = arith.andi %eq3A_344, %lt3A_347 : vector<256x256xi1>
    %or3A_349 = arith.ori %gt3A_341, %and3A_348 : vector<256x256xi1>
    %convert_element_type3A_350 = arith.extui %or3A_349 : vector<256x256xi1> to vector<256x256xi32>
    %reduce_sum3A_351 = arith.constant dense<0> : vector<256xi32>
    %reduce_sum3A_352 = vector.multi_reduction <add>, %convert_element_type3A_350, %reduce_sum3A_351 [1] : vector<256x256xi32> to vector<256xi32>
    %broadcast_in_dim3A_353 = vector.shape_cast %reduce_sum3A_352 : vector<256xi32> to vector<256x1xi32>
    %broadcast_in_dim3A_354 = vector.shape_cast %broadcast_in_dim3A_353 : vector<256x1xi32> to vector<256x1xi32>
    %broadcast_in_dim3A_355 = vector.broadcast %broadcast_in_dim3A_354 : vector<256x1xi32> to vector<256x256xi32>
    %eq3A_356 = vector.broadcast %iota3A_130 : vector<1x256xi32> to vector<256x256xi32>
    %eq3A_357 = arith.cmpi eq, %broadcast_in_dim3A_355, %eq3A_356 : vector<256x256xi32>
    %convert_element_type3A_358 = arith.extui %eq3A_357 : vector<256x256xi1> to vector<256x256xi32>
    %convert_element_type3A_359 = arith.sitofp %convert_element_type3A_358 : vector<256x256xi32> to vector<256x256xf32>
    %dot_general3A_360 = arith.constant dense<0.000000e+00> : vector<1x256xf32>
    %dot_general3A_361 = tpu.matmul %broadcast_in_dim3A_334, %convert_element_type3A_359, %dot_general3A_360 {dimension_numbers = #tpu.dot_dimension_numbers<[0], [0], [1], [1], [0, 1, 1, 1], [], []>, precision = #tpu.contract_precision<fp32>, transpose_lhs_hint = false} : vector<256x1xf32>, vector<256x256xf32>, vector<1x256xf32> -> vector<1x256xf32>
    %convert_element_type3A_362 = arith.fptosi %dot_general3A_361 : vector<1x256xf32> to vector<1x256xi32>
    %slice3A_363 = vector.extract_strided_slice %convert_element_type3A_362 {offsets = [0, 0], sizes = [1, 128], strides = [1, 1]} : vector<1x256xi32> to vector<1x128xi32>
    %swap3A_364 = arith.constant 3 : index
    %swap3A_365 = arith.constant 0 : index
    %swap3A_366 = vector.load %arg1[%swap3A_364, %swap3A_365] : memref<32x128xi32, #tpu.memory_space<vmem>>, vector<1x128xi32>
    tpu.vector_store %arg1[%swap3A_364, %swap3A_365], %slice3A_363 {strides = array<i32>} : memref<32x128xi32, #tpu.memory_space<vmem>>, vector<1x128xi32>,
    %slice3A_367 = vector.extract_strided_slice %convert_element_type3A_362 {offsets = [0, 128], sizes = [1, 128], strides = [1, 1]} : vector<1x256xi32> to vector<1x128xi32>
    %swap3A_368 = arith.constant 11 : index
    %swap3A_369 = arith.constant 0 : index
    %swap3A_370 = vector.load %arg1[%swap3A_368, %swap3A_369] : memref<32x128xi32, #tpu.memory_space<vmem>>, vector<1x128xi32>
    tpu.vector_store %arg1[%swap3A_368, %swap3A_369], %slice3A_367 {strides = array<i32>} : memref<32x128xi32, #tpu.memory_space<vmem>>, vector<1x128xi32>,
    %slice3A_371 = vector.extract_strided_slice %sub3A_122 {offsets = [4, 0], sizes = [1, 1024], strides = [1, 1]} : vector<16x1024xi32> to vector<1x1024xi32>
    %slice3A_372 = vector.extract_strided_slice %or3A {offsets = [4, 0], sizes = [1, 1024], strides = [1, 1]} : vector<16x1024xi1> to vector<1x1024xi1>
    %slice3A_373 = vector.extract_strided_slice %get3A_1 {offsets = [4, 0], sizes = [1, 1024], strides = [1, 1]} : vector<16x1024xf32> to vector<1x1024xf32>
    %broadcast_in_dim3A_374 = vector.shape_cast %slice3A_371 : vector<1x1024xi32> to vector<1x1024xi32>
    %broadcast_in_dim3A_375 = vector.broadcast %broadcast_in_dim3A_374 : vector<1x1024xi32> to vector<256x1024xi32>
    %eq3A_376 = arith.cmpi eq, %broadcast_in_dim3A_375, %iota3A : vector<256x1024xi32>
    %broadcast_in_dim3A_377 = vector.shape_cast %slice3A_372 : vector<1x1024xi1> to vector<1x1024xi1>
    %broadcast_in_dim3A_378 = vector.broadcast %broadcast_in_dim3A_377 : vector<1x1024xi1> to vector<256x1024xi1>
    %and3A_379 = arith.andi %eq3A_376, %broadcast_in_dim3A_378 : vector<256x1024xi1>
    %broadcast_in_dim3A_380 = vector.shape_cast %slice3A_373 : vector<1x1024xf32> to vector<1x1024xf32>
    %broadcast_in_dim3A_381 = vector.broadcast %broadcast_in_dim3A_380 : vector<1x1024xf32> to vector<256x1024xf32>
    %jit3A_382 = arith.constant 0.000000e+00 : f32
    %broadcast_in_dim3A_383 = vector.broadcast %jit3A_382 : f32 to vector<256x1024xf32>
    %select_n3A_384 = arith.select %and3A_379, %broadcast_in_dim3A_381, %broadcast_in_dim3A_383 : vector<256x1024xi1>, vector<256x1024xf32>
    %reduce_sum3A_385 = arith.constant dense<0.000000e+00> : vector<256xf32>
    %reduce_sum3A_386 = vector.multi_reduction <add>, %select_n3A_384, %reduce_sum3A_385 [1] : vector<256x1024xf32> to vector<256xf32>
    %broadcast_in_dim3A_387 = vector.shape_cast %reduce_sum3A_386 : vector<256xf32> to vector<256x1xf32>
    %broadcast_in_dim3A_388 = vector.shape_cast %convert_element_type3A_124 : vector<1x1024xf32> to vector<1x1024xf32>
    %broadcast_in_dim3A_389 = vector.broadcast %broadcast_in_dim3A_388 : vector<1x1024xf32> to vector<256x1024xf32>
    %jit3A_390 = arith.constant 0.000000e+00 : f32
    %broadcast_in_dim3A_391 = vector.broadcast %jit3A_390 : f32 to vector<256x1024xf32>
    %select_n3A_392 = arith.select %and3A_379, %broadcast_in_dim3A_389, %broadcast_in_dim3A_391 : vector<256x1024xi1>, vector<256x1024xf32>
    %reduce_sum3A_393 = arith.constant dense<0.000000e+00> : vector<256xf32>
    %reduce_sum3A_394 = vector.multi_reduction <add>, %select_n3A_392, %reduce_sum3A_393 [1] : vector<256x1024xf32> to vector<256xf32>
    %broadcast_in_dim3A_395 = vector.shape_cast %reduce_sum3A_394 : vector<256xf32> to vector<256x1xf32>
    %dot_general3A_396 = arith.constant dense<0.000000e+00> : vector<1x256xf32>
    %dot_general3A_397 = tpu.matmul %broadcast_in_dim3A_387, %convert_element_type3A_129, %dot_general3A_396 {dimension_numbers = #tpu.dot_dimension_numbers<[0], [0], [1], [1], [0, 1, 1, 1], [], []>, precision = #tpu.contract_precision<fp32>, transpose_lhs_hint = false} : vector<256x1xf32>, vector<256x256xf32>, vector<1x256xf32> -> vector<1x256xf32>
    %dot_general3A_398 = arith.constant dense<0.000000e+00> : vector<1x256xf32>
    %dot_general3A_399 = tpu.matmul %broadcast_in_dim3A_395, %convert_element_type3A_129, %dot_general3A_398 {dimension_numbers = #tpu.dot_dimension_numbers<[0], [0], [1], [1], [0, 1, 1, 1], [], []>, precision = #tpu.contract_precision<fp32>, transpose_lhs_hint = false} : vector<256x1xf32>, vector<256x256xf32>, vector<1x256xf32> -> vector<1x256xf32>
    %gt3A_400 = vector.broadcast %dot_general3A_397 : vector<1x256xf32> to vector<256x256xf32>
    %gt3A_401 = vector.broadcast %broadcast_in_dim3A_387 : vector<256x1xf32> to vector<256x256xf32>
    %gt3A_402 = arith.cmpf ogt, %gt3A_400, %gt3A_401 : vector<256x256xf32>
    %eq3A_403 = vector.broadcast %dot_general3A_397 : vector<1x256xf32> to vector<256x256xf32>
    %eq3A_404 = vector.broadcast %broadcast_in_dim3A_387 : vector<256x1xf32> to vector<256x256xf32>
    %eq3A_405 = arith.cmpf oeq, %eq3A_403, %eq3A_404 : vector<256x256xf32>
    %lt3A_406 = vector.broadcast %dot_general3A_399 : vector<1x256xf32> to vector<256x256xf32>
    %lt3A_407 = vector.broadcast %broadcast_in_dim3A_395 : vector<256x1xf32> to vector<256x256xf32>
    %lt3A_408 = arith.cmpf olt, %lt3A_406, %lt3A_407 : vector<256x256xf32>
    %and3A_409 = arith.andi %eq3A_405, %lt3A_408 : vector<256x256xi1>
    %or3A_410 = arith.ori %gt3A_402, %and3A_409 : vector<256x256xi1>
    %convert_element_type3A_411 = arith.extui %or3A_410 : vector<256x256xi1> to vector<256x256xi32>
    %reduce_sum3A_412 = arith.constant dense<0> : vector<256xi32>
    %reduce_sum3A_413 = vector.multi_reduction <add>, %convert_element_type3A_411, %reduce_sum3A_412 [1] : vector<256x256xi32> to vector<256xi32>
    %broadcast_in_dim3A_414 = vector.shape_cast %reduce_sum3A_413 : vector<256xi32> to vector<256x1xi32>
    %broadcast_in_dim3A_415 = vector.shape_cast %broadcast_in_dim3A_414 : vector<256x1xi32> to vector<256x1xi32>
    %broadcast_in_dim3A_416 = vector.broadcast %broadcast_in_dim3A_415 : vector<256x1xi32> to vector<256x256xi32>
    %eq3A_417 = vector.broadcast %iota3A_130 : vector<1x256xi32> to vector<256x256xi32>
    %eq3A_418 = arith.cmpi eq, %broadcast_in_dim3A_416, %eq3A_417 : vector<256x256xi32>
    %convert_element_type3A_419 = arith.extui %eq3A_418 : vector<256x256xi1> to vector<256x256xi32>
    %convert_element_type3A_420 = arith.sitofp %convert_element_type3A_419 : vector<256x256xi32> to vector<256x256xf32>
    %dot_general3A_421 = arith.constant dense<0.000000e+00> : vector<1x256xf32>
    %dot_general3A_422 = tpu.matmul %broadcast_in_dim3A_395, %convert_element_type3A_420, %dot_general3A_421 {dimension_numbers = #tpu.dot_dimension_numbers<[0], [0], [1], [1], [0, 1, 1, 1], [], []>, precision = #tpu.contract_precision<fp32>, transpose_lhs_hint = false} : vector<256x1xf32>, vector<256x256xf32>, vector<1x256xf32> -> vector<1x256xf32>
    %convert_element_type3A_423 = arith.fptosi %dot_general3A_422 : vector<1x256xf32> to vector<1x256xi32>
    %slice3A_424 = vector.extract_strided_slice %convert_element_type3A_423 {offsets = [0, 0], sizes = [1, 128], strides = [1, 1]} : vector<1x256xi32> to vector<1x128xi32>
    %swap3A_425 = arith.constant 4 : index
    %swap3A_426 = arith.constant 0 : index
    %swap3A_427 = vector.load %arg1[%swap3A_425, %swap3A_426] : memref<32x128xi32, #tpu.memory_space<vmem>>, vector<1x128xi32>
    tpu.vector_store %arg1[%swap3A_425, %swap3A_426], %slice3A_424 {strides = array<i32>} : memref<32x128xi32, #tpu.memory_space<vmem>>, vector<1x128xi32>,
    %slice3A_428 = vector.extract_strided_slice %convert_element_type3A_423 {offsets = [0, 128], sizes = [1, 128], strides = [1, 1]} : vector<1x256xi32> to vector<1x128xi32>
    %swap3A_429 = arith.constant 12 : index
    %swap3A_430 = arith.constant 0 : index
    %swap3A_431 = vector.load %arg1[%swap3A_429, %swap3A_430] : memref<32x128xi32, #tpu.memory_space<vmem>>, vector<1x128xi32>
    tpu.vector_store %arg1[%swap3A_429, %swap3A_430], %slice3A_428 {strides = array<i32>} : memref<32x128xi32, #tpu.memory_space<vmem>>, vector<1x128xi32>,
    %slice3A_432 = vector.extract_strided_slice %sub3A_122 {offsets = [5, 0], sizes = [1, 1024], strides = [1, 1]} : vector<16x1024xi32> to vector<1x1024xi32>
    %slice3A_433 = vector.extract_strided_slice %or3A {offsets = [5, 0], sizes = [1, 1024], strides = [1, 1]} : vector<16x1024xi1> to vector<1x1024xi1>
    %slice3A_434 = vector.extract_strided_slice %get3A_1 {offsets = [5, 0], sizes = [1, 1024], strides = [1, 1]} : vector<16x1024xf32> to vector<1x1024xf32>
    %broadcast_in_dim3A_435 = vector.shape_cast %slice3A_432 : vector<1x1024xi32> to vector<1x1024xi32>
    %broadcast_in_dim3A_436 = vector.broadcast %broadcast_in_dim3A_435 : vector<1x1024xi32> to vector<256x1024xi32>
    %eq3A_437 = arith.cmpi eq, %broadcast_in_dim3A_436, %iota3A : vector<256x1024xi32>
    %broadcast_in_dim3A_438 = vector.shape_cast %slice3A_433 : vector<1x1024xi1> to vector<1x1024xi1>
    %broadcast_in_dim3A_439 = vector.broadcast %broadcast_in_dim3A_438 : vector<1x1024xi1> to vector<256x1024xi1>
    %and3A_440 = arith.andi %eq3A_437, %broadcast_in_dim3A_439 : vector<256x1024xi1>
    %broadcast_in_dim3A_441 = vector.shape_cast %slice3A_434 : vector<1x1024xf32> to vector<1x1024xf32>
    %broadcast_in_dim3A_442 = vector.broadcast %broadcast_in_dim3A_441 : vector<1x1024xf32> to vector<256x1024xf32>
    %jit3A_443 = arith.constant 0.000000e+00 : f32
    %broadcast_in_dim3A_444 = vector.broadcast %jit3A_443 : f32 to vector<256x1024xf32>
    %select_n3A_445 = arith.select %and3A_440, %broadcast_in_dim3A_442, %broadcast_in_dim3A_444 : vector<256x1024xi1>, vector<256x1024xf32>
    %reduce_sum3A_446 = arith.constant dense<0.000000e+00> : vector<256xf32>
    %reduce_sum3A_447 = vector.multi_reduction <add>, %select_n3A_445, %reduce_sum3A_446 [1] : vector<256x1024xf32> to vector<256xf32>
    %broadcast_in_dim3A_448 = vector.shape_cast %reduce_sum3A_447 : vector<256xf32> to vector<256x1xf32>
    %broadcast_in_dim3A_449 = vector.shape_cast %convert_element_type3A_124 : vector<1x1024xf32> to vector<1x1024xf32>
    %broadcast_in_dim3A_450 = vector.broadcast %broadcast_in_dim3A_449 : vector<1x1024xf32> to vector<256x1024xf32>
    %jit3A_451 = arith.constant 0.000000e+00 : f32
    %broadcast_in_dim3A_452 = vector.broadcast %jit3A_451 : f32 to vector<256x1024xf32>
    %select_n3A_453 = arith.select %and3A_440, %broadcast_in_dim3A_450, %broadcast_in_dim3A_452 : vector<256x1024xi1>, vector<256x1024xf32>
    %reduce_sum3A_454 = arith.constant dense<0.000000e+00> : vector<256xf32>
    %reduce_sum3A_455 = vector.multi_reduction <add>, %select_n3A_453, %reduce_sum3A_454 [1] : vector<256x1024xf32> to vector<256xf32>
    %broadcast_in_dim3A_456 = vector.shape_cast %reduce_sum3A_455 : vector<256xf32> to vector<256x1xf32>
    %dot_general3A_457 = arith.constant dense<0.000000e+00> : vector<1x256xf32>
    %dot_general3A_458 = tpu.matmul %broadcast_in_dim3A_448, %convert_element_type3A_129, %dot_general3A_457 {dimension_numbers = #tpu.dot_dimension_numbers<[0], [0], [1], [1], [0, 1, 1, 1], [], []>, precision = #tpu.contract_precision<fp32>, transpose_lhs_hint = false} : vector<256x1xf32>, vector<256x256xf32>, vector<1x256xf32> -> vector<1x256xf32>
    %dot_general3A_459 = arith.constant dense<0.000000e+00> : vector<1x256xf32>
    %dot_general3A_460 = tpu.matmul %broadcast_in_dim3A_456, %convert_element_type3A_129, %dot_general3A_459 {dimension_numbers = #tpu.dot_dimension_numbers<[0], [0], [1], [1], [0, 1, 1, 1], [], []>, precision = #tpu.contract_precision<fp32>, transpose_lhs_hint = false} : vector<256x1xf32>, vector<256x256xf32>, vector<1x256xf32> -> vector<1x256xf32>
    %gt3A_461 = vector.broadcast %dot_general3A_458 : vector<1x256xf32> to vector<256x256xf32>
    %gt3A_462 = vector.broadcast %broadcast_in_dim3A_448 : vector<256x1xf32> to vector<256x256xf32>
    %gt3A_463 = arith.cmpf ogt, %gt3A_461, %gt3A_462 : vector<256x256xf32>
    %eq3A_464 = vector.broadcast %dot_general3A_458 : vector<1x256xf32> to vector<256x256xf32>
    %eq3A_465 = vector.broadcast %broadcast_in_dim3A_448 : vector<256x1xf32> to vector<256x256xf32>
    %eq3A_466 = arith.cmpf oeq, %eq3A_464, %eq3A_465 : vector<256x256xf32>
    %lt3A_467 = vector.broadcast %dot_general3A_460 : vector<1x256xf32> to vector<256x256xf32>
    %lt3A_468 = vector.broadcast %broadcast_in_dim3A_456 : vector<256x1xf32> to vector<256x256xf32>
    %lt3A_469 = arith.cmpf olt, %lt3A_467, %lt3A_468 : vector<256x256xf32>
    %and3A_470 = arith.andi %eq3A_466, %lt3A_469 : vector<256x256xi1>
    %or3A_471 = arith.ori %gt3A_463, %and3A_470 : vector<256x256xi1>
    %convert_element_type3A_472 = arith.extui %or3A_471 : vector<256x256xi1> to vector<256x256xi32>
    %reduce_sum3A_473 = arith.constant dense<0> : vector<256xi32>
    %reduce_sum3A_474 = vector.multi_reduction <add>, %convert_element_type3A_472, %reduce_sum3A_473 [1] : vector<256x256xi32> to vector<256xi32>
    %broadcast_in_dim3A_475 = vector.shape_cast %reduce_sum3A_474 : vector<256xi32> to vector<256x1xi32>
    %broadcast_in_dim3A_476 = vector.shape_cast %broadcast_in_dim3A_475 : vector<256x1xi32> to vector<256x1xi32>
    %broadcast_in_dim3A_477 = vector.broadcast %broadcast_in_dim3A_476 : vector<256x1xi32> to vector<256x256xi32>
    %eq3A_478 = vector.broadcast %iota3A_130 : vector<1x256xi32> to vector<256x256xi32>
    %eq3A_479 = arith.cmpi eq, %broadcast_in_dim3A_477, %eq3A_478 : vector<256x256xi32>
    %convert_element_type3A_480 = arith.extui %eq3A_479 : vector<256x256xi1> to vector<256x256xi32>
    %convert_element_type3A_481 = arith.sitofp %convert_element_type3A_480 : vector<256x256xi32> to vector<256x256xf32>
    %dot_general3A_482 = arith.constant dense<0.000000e+00> : vector<1x256xf32>
    %dot_general3A_483 = tpu.matmul %broadcast_in_dim3A_456, %convert_element_type3A_481, %dot_general3A_482 {dimension_numbers = #tpu.dot_dimension_numbers<[0], [0], [1], [1], [0, 1, 1, 1], [], []>, precision = #tpu.contract_precision<fp32>, transpose_lhs_hint = false} : vector<256x1xf32>, vector<256x256xf32>, vector<1x256xf32> -> vector<1x256xf32>
    %convert_element_type3A_484 = arith.fptosi %dot_general3A_483 : vector<1x256xf32> to vector<1x256xi32>
    %slice3A_485 = vector.extract_strided_slice %convert_element_type3A_484 {offsets = [0, 0], sizes = [1, 128], strides = [1, 1]} : vector<1x256xi32> to vector<1x128xi32>
    %swap3A_486 = arith.constant 5 : index
    %swap3A_487 = arith.constant 0 : index
    %swap3A_488 = vector.load %arg1[%swap3A_486, %swap3A_487] : memref<32x128xi32, #tpu.memory_space<vmem>>, vector<1x128xi32>
    tpu.vector_store %arg1[%swap3A_486, %swap3A_487], %slice3A_485 {strides = array<i32>} : memref<32x128xi32, #tpu.memory_space<vmem>>, vector<1x128xi32>,
    %slice3A_489 = vector.extract_strided_slice %convert_element_type3A_484 {offsets = [0, 128], sizes = [1, 128], strides = [1, 1]} : vector<1x256xi32> to vector<1x128xi32>
    %swap3A_490 = arith.constant 13 : index
    %swap3A_491 = arith.constant 0 : index
    %swap3A_492 = vector.load %arg1[%swap3A_490, %swap3A_491] : memref<32x128xi32, #tpu.memory_space<vmem>>, vector<1x128xi32>
    tpu.vector_store %arg1[%swap3A_490, %swap3A_491], %slice3A_489 {strides = array<i32>} : memref<32x128xi32, #tpu.memory_space<vmem>>, vector<1x128xi32>,
    %slice3A_493 = vector.extract_strided_slice %sub3A_122 {offsets = [6, 0], sizes = [1, 1024], strides = [1, 1]} : vector<16x1024xi32> to vector<1x1024xi32>
    %slice3A_494 = vector.extract_strided_slice %or3A {offsets = [6, 0], sizes = [1, 1024], strides = [1, 1]} : vector<16x1024xi1> to vector<1x1024xi1>
    %slice3A_495 = vector.extract_strided_slice %get3A_1 {offsets = [6, 0], sizes = [1, 1024], strides = [1, 1]} : vector<16x1024xf32> to vector<1x1024xf32>
    %broadcast_in_dim3A_496 = vector.shape_cast %slice3A_493 : vector<1x1024xi32> to vector<1x1024xi32>
    %broadcast_in_dim3A_497 = vector.broadcast %broadcast_in_dim3A_496 : vector<1x1024xi32> to vector<256x1024xi32>
    %eq3A_498 = arith.cmpi eq, %broadcast_in_dim3A_497, %iota3A : vector<256x1024xi32>
    %broadcast_in_dim3A_499 = vector.shape_cast %slice3A_494 : vector<1x1024xi1> to vector<1x1024xi1>
    %broadcast_in_dim3A_500 = vector.broadcast %broadcast_in_dim3A_499 : vector<1x1024xi1> to vector<256x1024xi1>
    %and3A_501 = arith.andi %eq3A_498, %broadcast_in_dim3A_500 : vector<256x1024xi1>
    %broadcast_in_dim3A_502 = vector.shape_cast %slice3A_495 : vector<1x1024xf32> to vector<1x1024xf32>
    %broadcast_in_dim3A_503 = vector.broadcast %broadcast_in_dim3A_502 : vector<1x1024xf32> to vector<256x1024xf32>
    %jit3A_504 = arith.constant 0.000000e+00 : f32
    %broadcast_in_dim3A_505 = vector.broadcast %jit3A_504 : f32 to vector<256x1024xf32>
    %select_n3A_506 = arith.select %and3A_501, %broadcast_in_dim3A_503, %broadcast_in_dim3A_505 : vector<256x1024xi1>, vector<256x1024xf32>
    %reduce_sum3A_507 = arith.constant dense<0.000000e+00> : vector<256xf32>
    %reduce_sum3A_508 = vector.multi_reduction <add>, %select_n3A_506, %reduce_sum3A_507 [1] : vector<256x1024xf32> to vector<256xf32>
    %broadcast_in_dim3A_509 = vector.shape_cast %reduce_sum3A_508 : vector<256xf32> to vector<256x1xf32>
    %broadcast_in_dim3A_510 = vector.shape_cast %convert_element_type3A_124 : vector<1x1024xf32> to vector<1x1024xf32>
    %broadcast_in_dim3A_511 = vector.broadcast %broadcast_in_dim3A_510 : vector<1x1024xf32> to vector<256x1024xf32>
    %jit3A_512 = arith.constant 0.000000e+00 : f32
    %broadcast_in_dim3A_513 = vector.broadcast %jit3A_512 : f32 to vector<256x1024xf32>
    %select_n3A_514 = arith.select %and3A_501, %broadcast_in_dim3A_511, %broadcast_in_dim3A_513 : vector<256x1024xi1>, vector<256x1024xf32>
    %reduce_sum3A_515 = arith.constant dense<0.000000e+00> : vector<256xf32>
    %reduce_sum3A_516 = vector.multi_reduction <add>, %select_n3A_514, %reduce_sum3A_515 [1] : vector<256x1024xf32> to vector<256xf32>
    %broadcast_in_dim3A_517 = vector.shape_cast %reduce_sum3A_516 : vector<256xf32> to vector<256x1xf32>
    %dot_general3A_518 = arith.constant dense<0.000000e+00> : vector<1x256xf32>
    %dot_general3A_519 = tpu.matmul %broadcast_in_dim3A_509, %convert_element_type3A_129, %dot_general3A_518 {dimension_numbers = #tpu.dot_dimension_numbers<[0], [0], [1], [1], [0, 1, 1, 1], [], []>, precision = #tpu.contract_precision<fp32>, transpose_lhs_hint = false} : vector<256x1xf32>, vector<256x256xf32>, vector<1x256xf32> -> vector<1x256xf32>
    %dot_general3A_520 = arith.constant dense<0.000000e+00> : vector<1x256xf32>
    %dot_general3A_521 = tpu.matmul %broadcast_in_dim3A_517, %convert_element_type3A_129, %dot_general3A_520 {dimension_numbers = #tpu.dot_dimension_numbers<[0], [0], [1], [1], [0, 1, 1, 1], [], []>, precision = #tpu.contract_precision<fp32>, transpose_lhs_hint = false} : vector<256x1xf32>, vector<256x256xf32>, vector<1x256xf32> -> vector<1x256xf32>
    %gt3A_522 = vector.broadcast %dot_general3A_519 : vector<1x256xf32> to vector<256x256xf32>
    %gt3A_523 = vector.broadcast %broadcast_in_dim3A_509 : vector<256x1xf32> to vector<256x256xf32>
    %gt3A_524 = arith.cmpf ogt, %gt3A_522, %gt3A_523 : vector<256x256xf32>
    %eq3A_525 = vector.broadcast %dot_general3A_519 : vector<1x256xf32> to vector<256x256xf32>
    %eq3A_526 = vector.broadcast %broadcast_in_dim3A_509 : vector<256x1xf32> to vector<256x256xf32>
    %eq3A_527 = arith.cmpf oeq, %eq3A_525, %eq3A_526 : vector<256x256xf32>
    %lt3A_528 = vector.broadcast %dot_general3A_521 : vector<1x256xf32> to vector<256x256xf32>
    %lt3A_529 = vector.broadcast %broadcast_in_dim3A_517 : vector<256x1xf32> to vector<256x256xf32>
    %lt3A_530 = arith.cmpf olt, %lt3A_528, %lt3A_529 : vector<256x256xf32>
    %and3A_531 = arith.andi %eq3A_527, %lt3A_530 : vector<256x256xi1>
    %or3A_532 = arith.ori %gt3A_524, %and3A_531 : vector<256x256xi1>
    %convert_element_type3A_533 = arith.extui %or3A_532 : vector<256x256xi1> to vector<256x256xi32>
    %reduce_sum3A_534 = arith.constant dense<0> : vector<256xi32>
    %reduce_sum3A_535 = vector.multi_reduction <add>, %convert_element_type3A_533, %reduce_sum3A_534 [1] : vector<256x256xi32> to vector<256xi32>
    %broadcast_in_dim3A_536 = vector.shape_cast %reduce_sum3A_535 : vector<256xi32> to vector<256x1xi32>
    %broadcast_in_dim3A_537 = vector.shape_cast %broadcast_in_dim3A_536 : vector<256x1xi32> to vector<256x1xi32>
    %broadcast_in_dim3A_538 = vector.broadcast %broadcast_in_dim3A_537 : vector<256x1xi32> to vector<256x256xi32>
    %eq3A_539 = vector.broadcast %iota3A_130 : vector<1x256xi32> to vector<256x256xi32>
    %eq3A_540 = arith.cmpi eq, %broadcast_in_dim3A_538, %eq3A_539 : vector<256x256xi32>
    %convert_element_type3A_541 = arith.extui %eq3A_540 : vector<256x256xi1> to vector<256x256xi32>
    %convert_element_type3A_542 = arith.sitofp %convert_element_type3A_541 : vector<256x256xi32> to vector<256x256xf32>
    %dot_general3A_543 = arith.constant dense<0.000000e+00> : vector<1x256xf32>
    %dot_general3A_544 = tpu.matmul %broadcast_in_dim3A_517, %convert_element_type3A_542, %dot_general3A_543 {dimension_numbers = #tpu.dot_dimension_numbers<[0], [0], [1], [1], [0, 1, 1, 1], [], []>, precision = #tpu.contract_precision<fp32>, transpose_lhs_hint = false} : vector<256x1xf32>, vector<256x256xf32>, vector<1x256xf32> -> vector<1x256xf32>
    %convert_element_type3A_545 = arith.fptosi %dot_general3A_544 : vector<1x256xf32> to vector<1x256xi32>
    %slice3A_546 = vector.extract_strided_slice %convert_element_type3A_545 {offsets = [0, 0], sizes = [1, 128], strides = [1, 1]} : vector<1x256xi32> to vector<1x128xi32>
    %swap3A_547 = arith.constant 6 : index
    %swap3A_548 = arith.constant 0 : index
    %swap3A_549 = vector.load %arg1[%swap3A_547, %swap3A_548] : memref<32x128xi32, #tpu.memory_space<vmem>>, vector<1x128xi32>
    tpu.vector_store %arg1[%swap3A_547, %swap3A_548], %slice3A_546 {strides = array<i32>} : memref<32x128xi32, #tpu.memory_space<vmem>>, vector<1x128xi32>,
    %slice3A_550 = vector.extract_strided_slice %convert_element_type3A_545 {offsets = [0, 128], sizes = [1, 128], strides = [1, 1]} : vector<1x256xi32> to vector<1x128xi32>
    %swap3A_551 = arith.constant 14 : index
    %swap3A_552 = arith.constant 0 : index
    %swap3A_553 = vector.load %arg1[%swap3A_551, %swap3A_552] : memref<32x128xi32, #tpu.memory_space<vmem>>, vector<1x128xi32>
    tpu.vector_store %arg1[%swap3A_551, %swap3A_552], %slice3A_550 {strides = array<i32>} : memref<32x128xi32, #tpu.memory_space<vmem>>, vector<1x128xi32>,
    %slice3A_554 = vector.extract_strided_slice %sub3A_122 {offsets = [7, 0], sizes = [1, 1024], strides = [1, 1]} : vector<16x1024xi32> to vector<1x1024xi32>
    %slice3A_555 = vector.extract_strided_slice %or3A {offsets = [7, 0], sizes = [1, 1024], strides = [1, 1]} : vector<16x1024xi1> to vector<1x1024xi1>
    %slice3A_556 = vector.extract_strided_slice %get3A_1 {offsets = [7, 0], sizes = [1, 1024], strides = [1, 1]} : vector<16x1024xf32> to vector<1x1024xf32>
    %broadcast_in_dim3A_557 = vector.shape_cast %slice3A_554 : vector<1x1024xi32> to vector<1x1024xi32>
    %broadcast_in_dim3A_558 = vector.broadcast %broadcast_in_dim3A_557 : vector<1x1024xi32> to vector<256x1024xi32>
    %eq3A_559 = arith.cmpi eq, %broadcast_in_dim3A_558, %iota3A : vector<256x1024xi32>
    %broadcast_in_dim3A_560 = vector.shape_cast %slice3A_555 : vector<1x1024xi1> to vector<1x1024xi1>
    %broadcast_in_dim3A_561 = vector.broadcast %broadcast_in_dim3A_560 : vector<1x1024xi1> to vector<256x1024xi1>
    %and3A_562 = arith.andi %eq3A_559, %broadcast_in_dim3A_561 : vector<256x1024xi1>
    %broadcast_in_dim3A_563 = vector.shape_cast %slice3A_556 : vector<1x1024xf32> to vector<1x1024xf32>
    %broadcast_in_dim3A_564 = vector.broadcast %broadcast_in_dim3A_563 : vector<1x1024xf32> to vector<256x1024xf32>
    %jit3A_565 = arith.constant 0.000000e+00 : f32
    %broadcast_in_dim3A_566 = vector.broadcast %jit3A_565 : f32 to vector<256x1024xf32>
    %select_n3A_567 = arith.select %and3A_562, %broadcast_in_dim3A_564, %broadcast_in_dim3A_566 : vector<256x1024xi1>, vector<256x1024xf32>
    %reduce_sum3A_568 = arith.constant dense<0.000000e+00> : vector<256xf32>
    %reduce_sum3A_569 = vector.multi_reduction <add>, %select_n3A_567, %reduce_sum3A_568 [1] : vector<256x1024xf32> to vector<256xf32>
    %broadcast_in_dim3A_570 = vector.shape_cast %reduce_sum3A_569 : vector<256xf32> to vector<256x1xf32>
    %broadcast_in_dim3A_571 = vector.shape_cast %convert_element_type3A_124 : vector<1x1024xf32> to vector<1x1024xf32>
    %broadcast_in_dim3A_572 = vector.broadcast %broadcast_in_dim3A_571 : vector<1x1024xf32> to vector<256x1024xf32>
    %jit3A_573 = arith.constant 0.000000e+00 : f32
    %broadcast_in_dim3A_574 = vector.broadcast %jit3A_573 : f32 to vector<256x1024xf32>
    %select_n3A_575 = arith.select %and3A_562, %broadcast_in_dim3A_572, %broadcast_in_dim3A_574 : vector<256x1024xi1>, vector<256x1024xf32>
    %reduce_sum3A_576 = arith.constant dense<0.000000e+00> : vector<256xf32>
    %reduce_sum3A_577 = vector.multi_reduction <add>, %select_n3A_575, %reduce_sum3A_576 [1] : vector<256x1024xf32> to vector<256xf32>
    %broadcast_in_dim3A_578 = vector.shape_cast %reduce_sum3A_577 : vector<256xf32> to vector<256x1xf32>
    %dot_general3A_579 = arith.constant dense<0.000000e+00> : vector<1x256xf32>
    %dot_general3A_580 = tpu.matmul %broadcast_in_dim3A_570, %convert_element_type3A_129, %dot_general3A_579 {dimension_numbers = #tpu.dot_dimension_numbers<[0], [0], [1], [1], [0, 1, 1, 1], [], []>, precision = #tpu.contract_precision<fp32>, transpose_lhs_hint = false} : vector<256x1xf32>, vector<256x256xf32>, vector<1x256xf32> -> vector<1x256xf32>
    %dot_general3A_581 = arith.constant dense<0.000000e+00> : vector<1x256xf32>
    %dot_general3A_582 = tpu.matmul %broadcast_in_dim3A_578, %convert_element_type3A_129, %dot_general3A_581 {dimension_numbers = #tpu.dot_dimension_numbers<[0], [0], [1], [1], [0, 1, 1, 1], [], []>, precision = #tpu.contract_precision<fp32>, transpose_lhs_hint = false} : vector<256x1xf32>, vector<256x256xf32>, vector<1x256xf32> -> vector<1x256xf32>
    %gt3A_583 = vector.broadcast %dot_general3A_580 : vector<1x256xf32> to vector<256x256xf32>
    %gt3A_584 = vector.broadcast %broadcast_in_dim3A_570 : vector<256x1xf32> to vector<256x256xf32>
    %gt3A_585 = arith.cmpf ogt, %gt3A_583, %gt3A_584 : vector<256x256xf32>
    %eq3A_586 = vector.broadcast %dot_general3A_580 : vector<1x256xf32> to vector<256x256xf32>
    %eq3A_587 = vector.broadcast %broadcast_in_dim3A_570 : vector<256x1xf32> to vector<256x256xf32>
    %eq3A_588 = arith.cmpf oeq, %eq3A_586, %eq3A_587 : vector<256x256xf32>
    %lt3A_589 = vector.broadcast %dot_general3A_582 : vector<1x256xf32> to vector<256x256xf32>
    %lt3A_590 = vector.broadcast %broadcast_in_dim3A_578 : vector<256x1xf32> to vector<256x256xf32>
    %lt3A_591 = arith.cmpf olt, %lt3A_589, %lt3A_590 : vector<256x256xf32>
    %and3A_592 = arith.andi %eq3A_588, %lt3A_591 : vector<256x256xi1>
    %or3A_593 = arith.ori %gt3A_585, %and3A_592 : vector<256x256xi1>
    %convert_element_type3A_594 = arith.extui %or3A_593 : vector<256x256xi1> to vector<256x256xi32>
    %reduce_sum3A_595 = arith.constant dense<0> : vector<256xi32>
    %reduce_sum3A_596 = vector.multi_reduction <add>, %convert_element_type3A_594, %reduce_sum3A_595 [1] : vector<256x256xi32> to vector<256xi32>
    %broadcast_in_dim3A_597 = vector.shape_cast %reduce_sum3A_596 : vector<256xi32> to vector<256x1xi32>
    %broadcast_in_dim3A_598 = vector.shape_cast %broadcast_in_dim3A_597 : vector<256x1xi32> to vector<256x1xi32>
    %broadcast_in_dim3A_599 = vector.broadcast %broadcast_in_dim3A_598 : vector<256x1xi32> to vector<256x256xi32>
    %eq3A_600 = vector.broadcast %iota3A_130 : vector<1x256xi32> to vector<256x256xi32>
    %eq3A_601 = arith.cmpi eq, %broadcast_in_dim3A_599, %eq3A_600 : vector<256x256xi32>
    %convert_element_type3A_602 = arith.extui %eq3A_601 : vector<256x256xi1> to vector<256x256xi32>
    %convert_element_type3A_603 = arith.sitofp %convert_element_type3A_602 : vector<256x256xi32> to vector<256x256xf32>
    %dot_general3A_604 = arith.constant dense<0.000000e+00> : vector<1x256xf32>
    %dot_general3A_605 = tpu.matmul %broadcast_in_dim3A_578, %convert_element_type3A_603, %dot_general3A_604 {dimension_numbers = #tpu.dot_dimension_numbers<[0], [0], [1], [1], [0, 1, 1, 1], [], []>, precision = #tpu.contract_precision<fp32>, transpose_lhs_hint = false} : vector<256x1xf32>, vector<256x256xf32>, vector<1x256xf32> -> vector<1x256xf32>
    %convert_element_type3A_606 = arith.fptosi %dot_general3A_605 : vector<1x256xf32> to vector<1x256xi32>
    %slice3A_607 = vector.extract_strided_slice %convert_element_type3A_606 {offsets = [0, 0], sizes = [1, 128], strides = [1, 1]} : vector<1x256xi32> to vector<1x128xi32>
    %swap3A_608 = arith.constant 7 : index
    %swap3A_609 = arith.constant 0 : index
    %swap3A_610 = vector.load %arg1[%swap3A_608, %swap3A_609] : memref<32x128xi32, #tpu.memory_space<vmem>>, vector<1x128xi32>
    tpu.vector_store %arg1[%swap3A_608, %swap3A_609], %slice3A_607 {strides = array<i32>} : memref<32x128xi32, #tpu.memory_space<vmem>>, vector<1x128xi32>,
    %slice3A_611 = vector.extract_strided_slice %convert_element_type3A_606 {offsets = [0, 128], sizes = [1, 128], strides = [1, 1]} : vector<1x256xi32> to vector<1x128xi32>
    %swap3A_612 = arith.constant 15 : index
    %swap3A_613 = arith.constant 0 : index
    %swap3A_614 = vector.load %arg1[%swap3A_612, %swap3A_613] : memref<32x128xi32, #tpu.memory_space<vmem>>, vector<1x128xi32>
    tpu.vector_store %arg1[%swap3A_612, %swap3A_613], %slice3A_611 {strides = array<i32>} : memref<32x128xi32, #tpu.memory_space<vmem>>, vector<1x128xi32>,
    %slice3A_615 = vector.extract_strided_slice %sub3A_122 {offsets = [8, 0], sizes = [1, 1024], strides = [1, 1]} : vector<16x1024xi32> to vector<1x1024xi32>
    %slice3A_616 = vector.extract_strided_slice %or3A {offsets = [8, 0], sizes = [1, 1024], strides = [1, 1]} : vector<16x1024xi1> to vector<1x1024xi1>
    %slice3A_617 = vector.extract_strided_slice %get3A_1 {offsets = [8, 0], sizes = [1, 1024], strides = [1, 1]} : vector<16x1024xf32> to vector<1x1024xf32>
    %broadcast_in_dim3A_618 = vector.shape_cast %slice3A_615 : vector<1x1024xi32> to vector<1x1024xi32>
    %broadcast_in_dim3A_619 = vector.broadcast %broadcast_in_dim3A_618 : vector<1x1024xi32> to vector<256x1024xi32>
    %eq3A_620 = arith.cmpi eq, %broadcast_in_dim3A_619, %iota3A : vector<256x1024xi32>
    %broadcast_in_dim3A_621 = vector.shape_cast %slice3A_616 : vector<1x1024xi1> to vector<1x1024xi1>
    %broadcast_in_dim3A_622 = vector.broadcast %broadcast_in_dim3A_621 : vector<1x1024xi1> to vector<256x1024xi1>
    %and3A_623 = arith.andi %eq3A_620, %broadcast_in_dim3A_622 : vector<256x1024xi1>
    %broadcast_in_dim3A_624 = vector.shape_cast %slice3A_617 : vector<1x1024xf32> to vector<1x1024xf32>
    %broadcast_in_dim3A_625 = vector.broadcast %broadcast_in_dim3A_624 : vector<1x1024xf32> to vector<256x1024xf32>
    %jit3A_626 = arith.constant 0.000000e+00 : f32
    %broadcast_in_dim3A_627 = vector.broadcast %jit3A_626 : f32 to vector<256x1024xf32>
    %select_n3A_628 = arith.select %and3A_623, %broadcast_in_dim3A_625, %broadcast_in_dim3A_627 : vector<256x1024xi1>, vector<256x1024xf32>
    %reduce_sum3A_629 = arith.constant dense<0.000000e+00> : vector<256xf32>
    %reduce_sum3A_630 = vector.multi_reduction <add>, %select_n3A_628, %reduce_sum3A_629 [1] : vector<256x1024xf32> to vector<256xf32>
    %broadcast_in_dim3A_631 = vector.shape_cast %reduce_sum3A_630 : vector<256xf32> to vector<256x1xf32>
    %broadcast_in_dim3A_632 = vector.shape_cast %convert_element_type3A_124 : vector<1x1024xf32> to vector<1x1024xf32>
    %broadcast_in_dim3A_633 = vector.broadcast %broadcast_in_dim3A_632 : vector<1x1024xf32> to vector<256x1024xf32>
    %jit3A_634 = arith.constant 0.000000e+00 : f32
    %broadcast_in_dim3A_635 = vector.broadcast %jit3A_634 : f32 to vector<256x1024xf32>
    %select_n3A_636 = arith.select %and3A_623, %broadcast_in_dim3A_633, %broadcast_in_dim3A_635 : vector<256x1024xi1>, vector<256x1024xf32>
    %reduce_sum3A_637 = arith.constant dense<0.000000e+00> : vector<256xf32>
    %reduce_sum3A_638 = vector.multi_reduction <add>, %select_n3A_636, %reduce_sum3A_637 [1] : vector<256x1024xf32> to vector<256xf32>
    %broadcast_in_dim3A_639 = vector.shape_cast %reduce_sum3A_638 : vector<256xf32> to vector<256x1xf32>
    %dot_general3A_640 = arith.constant dense<0.000000e+00> : vector<1x256xf32>
    %dot_general3A_641 = tpu.matmul %broadcast_in_dim3A_631, %convert_element_type3A_129, %dot_general3A_640 {dimension_numbers = #tpu.dot_dimension_numbers<[0], [0], [1], [1], [0, 1, 1, 1], [], []>, precision = #tpu.contract_precision<fp32>, transpose_lhs_hint = false} : vector<256x1xf32>, vector<256x256xf32>, vector<1x256xf32> -> vector<1x256xf32>
    %dot_general3A_642 = arith.constant dense<0.000000e+00> : vector<1x256xf32>
    %dot_general3A_643 = tpu.matmul %broadcast_in_dim3A_639, %convert_element_type3A_129, %dot_general3A_642 {dimension_numbers = #tpu.dot_dimension_numbers<[0], [0], [1], [1], [0, 1, 1, 1], [], []>, precision = #tpu.contract_precision<fp32>, transpose_lhs_hint = false} : vector<256x1xf32>, vector<256x256xf32>, vector<1x256xf32> -> vector<1x256xf32>
    %gt3A_644 = vector.broadcast %dot_general3A_641 : vector<1x256xf32> to vector<256x256xf32>
    %gt3A_645 = vector.broadcast %broadcast_in_dim3A_631 : vector<256x1xf32> to vector<256x256xf32>
    %gt3A_646 = arith.cmpf ogt, %gt3A_644, %gt3A_645 : vector<256x256xf32>
    %eq3A_647 = vector.broadcast %dot_general3A_641 : vector<1x256xf32> to vector<256x256xf32>
    %eq3A_648 = vector.broadcast %broadcast_in_dim3A_631 : vector<256x1xf32> to vector<256x256xf32>
    %eq3A_649 = arith.cmpf oeq, %eq3A_647, %eq3A_648 : vector<256x256xf32>
    %lt3A_650 = vector.broadcast %dot_general3A_643 : vector<1x256xf32> to vector<256x256xf32>
    %lt3A_651 = vector.broadcast %broadcast_in_dim3A_639 : vector<256x1xf32> to vector<256x256xf32>
    %lt3A_652 = arith.cmpf olt, %lt3A_650, %lt3A_651 : vector<256x256xf32>
    %and3A_653 = arith.andi %eq3A_649, %lt3A_652 : vector<256x256xi1>
    %or3A_654 = arith.ori %gt3A_646, %and3A_653 : vector<256x256xi1>
    %convert_element_type3A_655 = arith.extui %or3A_654 : vector<256x256xi1> to vector<256x256xi32>
    %reduce_sum3A_656 = arith.constant dense<0> : vector<256xi32>
    %reduce_sum3A_657 = vector.multi_reduction <add>, %convert_element_type3A_655, %reduce_sum3A_656 [1] : vector<256x256xi32> to vector<256xi32>
    %broadcast_in_dim3A_658 = vector.shape_cast %reduce_sum3A_657 : vector<256xi32> to vector<256x1xi32>
    %broadcast_in_dim3A_659 = vector.shape_cast %broadcast_in_dim3A_658 : vector<256x1xi32> to vector<256x1xi32>
    %broadcast_in_dim3A_660 = vector.broadcast %broadcast_in_dim3A_659 : vector<256x1xi32> to vector<256x256xi32>
    %eq3A_661 = vector.broadcast %iota3A_130 : vector<1x256xi32> to vector<256x256xi32>
    %eq3A_662 = arith.cmpi eq, %broadcast_in_dim3A_660, %eq3A_661 : vector<256x256xi32>
    %convert_element_type3A_663 = arith.extui %eq3A_662 : vector<256x256xi1> to vector<256x256xi32>
    %convert_element_type3A_664 = arith.sitofp %convert_element_type3A_663 : vector<256x256xi32> to vector<256x256xf32>
    %dot_general3A_665 = arith.constant dense<0.000000e+00> : vector<1x256xf32>
    %dot_general3A_666 = tpu.matmul %broadcast_in_dim3A_639, %convert_element_type3A_664, %dot_general3A_665 {dimension_numbers = #tpu.dot_dimension_numbers<[0], [0], [1], [1], [0, 1, 1, 1], [], []>, precision = #tpu.contract_precision<fp32>, transpose_lhs_hint = false} : vector<256x1xf32>, vector<256x256xf32>, vector<1x256xf32> -> vector<1x256xf32>
    %convert_element_type3A_667 = arith.fptosi %dot_general3A_666 : vector<1x256xf32> to vector<1x256xi32>
    %slice3A_668 = vector.extract_strided_slice %convert_element_type3A_667 {offsets = [0, 0], sizes = [1, 128], strides = [1, 1]} : vector<1x256xi32> to vector<1x128xi32>
    %swap3A_669 = arith.constant 16 : index
    %swap3A_670 = arith.constant 0 : index
    %swap3A_671 = vector.load %arg1[%swap3A_669, %swap3A_670] : memref<32x128xi32, #tpu.memory_space<vmem>>, vector<1x128xi32>
    tpu.vector_store %arg1[%swap3A_669, %swap3A_670], %slice3A_668 {strides = array<i32>} : memref<32x128xi32, #tpu.memory_space<vmem>>, vector<1x128xi32>,
    %slice3A_672 = vector.extract_strided_slice %convert_element_type3A_667 {offsets = [0, 128], sizes = [1, 128], strides = [1, 1]} : vector<1x256xi32> to vector<1x128xi32>
    %swap3A_673 = arith.constant 24 : index
    %swap3A_674 = arith.constant 0 : index
    %swap3A_675 = vector.load %arg1[%swap3A_673, %swap3A_674] : memref<32x128xi32, #tpu.memory_space<vmem>>, vector<1x128xi32>
    tpu.vector_store %arg1[%swap3A_673, %swap3A_674], %slice3A_672 {strides = array<i32>} : memref<32x128xi32, #tpu.memory_space<vmem>>, vector<1x128xi32>,
    %slice3A_676 = vector.extract_strided_slice %sub3A_122 {offsets = [9, 0], sizes = [1, 1024], strides = [1, 1]} : vector<16x1024xi32> to vector<1x1024xi32>
    %slice3A_677 = vector.extract_strided_slice %or3A {offsets = [9, 0], sizes = [1, 1024], strides = [1, 1]} : vector<16x1024xi1> to vector<1x1024xi1>
    %slice3A_678 = vector.extract_strided_slice %get3A_1 {offsets = [9, 0], sizes = [1, 1024], strides = [1, 1]} : vector<16x1024xf32> to vector<1x1024xf32>
    %broadcast_in_dim3A_679 = vector.shape_cast %slice3A_676 : vector<1x1024xi32> to vector<1x1024xi32>
    %broadcast_in_dim3A_680 = vector.broadcast %broadcast_in_dim3A_679 : vector<1x1024xi32> to vector<256x1024xi32>
    %eq3A_681 = arith.cmpi eq, %broadcast_in_dim3A_680, %iota3A : vector<256x1024xi32>
    %broadcast_in_dim3A_682 = vector.shape_cast %slice3A_677 : vector<1x1024xi1> to vector<1x1024xi1>
    %broadcast_in_dim3A_683 = vector.broadcast %broadcast_in_dim3A_682 : vector<1x1024xi1> to vector<256x1024xi1>
    %and3A_684 = arith.andi %eq3A_681, %broadcast_in_dim3A_683 : vector<256x1024xi1>
    %broadcast_in_dim3A_685 = vector.shape_cast %slice3A_678 : vector<1x1024xf32> to vector<1x1024xf32>
    %broadcast_in_dim3A_686 = vector.broadcast %broadcast_in_dim3A_685 : vector<1x1024xf32> to vector<256x1024xf32>
    %jit3A_687 = arith.constant 0.000000e+00 : f32
    %broadcast_in_dim3A_688 = vector.broadcast %jit3A_687 : f32 to vector<256x1024xf32>
    %select_n3A_689 = arith.select %and3A_684, %broadcast_in_dim3A_686, %broadcast_in_dim3A_688 : vector<256x1024xi1>, vector<256x1024xf32>
    %reduce_sum3A_690 = arith.constant dense<0.000000e+00> : vector<256xf32>
    %reduce_sum3A_691 = vector.multi_reduction <add>, %select_n3A_689, %reduce_sum3A_690 [1] : vector<256x1024xf32> to vector<256xf32>
    %broadcast_in_dim3A_692 = vector.shape_cast %reduce_sum3A_691 : vector<256xf32> to vector<256x1xf32>
    %broadcast_in_dim3A_693 = vector.shape_cast %convert_element_type3A_124 : vector<1x1024xf32> to vector<1x1024xf32>
    %broadcast_in_dim3A_694 = vector.broadcast %broadcast_in_dim3A_693 : vector<1x1024xf32> to vector<256x1024xf32>
    %jit3A_695 = arith.constant 0.000000e+00 : f32
    %broadcast_in_dim3A_696 = vector.broadcast %jit3A_695 : f32 to vector<256x1024xf32>
    %select_n3A_697 = arith.select %and3A_684, %broadcast_in_dim3A_694, %broadcast_in_dim3A_696 : vector<256x1024xi1>, vector<256x1024xf32>
    %reduce_sum3A_698 = arith.constant dense<0.000000e+00> : vector<256xf32>
    %reduce_sum3A_699 = vector.multi_reduction <add>, %select_n3A_697, %reduce_sum3A_698 [1] : vector<256x1024xf32> to vector<256xf32>
    %broadcast_in_dim3A_700 = vector.shape_cast %reduce_sum3A_699 : vector<256xf32> to vector<256x1xf32>
    %dot_general3A_701 = arith.constant dense<0.000000e+00> : vector<1x256xf32>
    %dot_general3A_702 = tpu.matmul %broadcast_in_dim3A_692, %convert_element_type3A_129, %dot_general3A_701 {dimension_numbers = #tpu.dot_dimension_numbers<[0], [0], [1], [1], [0, 1, 1, 1], [], []>, precision = #tpu.contract_precision<fp32>, transpose_lhs_hint = false} : vector<256x1xf32>, vector<256x256xf32>, vector<1x256xf32> -> vector<1x256xf32>
    %dot_general3A_703 = arith.constant dense<0.000000e+00> : vector<1x256xf32>
    %dot_general3A_704 = tpu.matmul %broadcast_in_dim3A_700, %convert_element_type3A_129, %dot_general3A_703 {dimension_numbers = #tpu.dot_dimension_numbers<[0], [0], [1], [1], [0, 1, 1, 1], [], []>, precision = #tpu.contract_precision<fp32>, transpose_lhs_hint = false} : vector<256x1xf32>, vector<256x256xf32>, vector<1x256xf32> -> vector<1x256xf32>
    %gt3A_705 = vector.broadcast %dot_general3A_702 : vector<1x256xf32> to vector<256x256xf32>
    %gt3A_706 = vector.broadcast %broadcast_in_dim3A_692 : vector<256x1xf32> to vector<256x256xf32>
    %gt3A_707 = arith.cmpf ogt, %gt3A_705, %gt3A_706 : vector<256x256xf32>
    %eq3A_708 = vector.broadcast %dot_general3A_702 : vector<1x256xf32> to vector<256x256xf32>
    %eq3A_709 = vector.broadcast %broadcast_in_dim3A_692 : vector<256x1xf32> to vector<256x256xf32>
    %eq3A_710 = arith.cmpf oeq, %eq3A_708, %eq3A_709 : vector<256x256xf32>
    %lt3A_711 = vector.broadcast %dot_general3A_704 : vector<1x256xf32> to vector<256x256xf32>
    %lt3A_712 = vector.broadcast %broadcast_in_dim3A_700 : vector<256x1xf32> to vector<256x256xf32>
    %lt3A_713 = arith.cmpf olt, %lt3A_711, %lt3A_712 : vector<256x256xf32>
    %and3A_714 = arith.andi %eq3A_710, %lt3A_713 : vector<256x256xi1>
    %or3A_715 = arith.ori %gt3A_707, %and3A_714 : vector<256x256xi1>
    %convert_element_type3A_716 = arith.extui %or3A_715 : vector<256x256xi1> to vector<256x256xi32>
    %reduce_sum3A_717 = arith.constant dense<0> : vector<256xi32>
    %reduce_sum3A_718 = vector.multi_reduction <add>, %convert_element_type3A_716, %reduce_sum3A_717 [1] : vector<256x256xi32> to vector<256xi32>
    %broadcast_in_dim3A_719 = vector.shape_cast %reduce_sum3A_718 : vector<256xi32> to vector<256x1xi32>
    %broadcast_in_dim3A_720 = vector.shape_cast %broadcast_in_dim3A_719 : vector<256x1xi32> to vector<256x1xi32>
    %broadcast_in_dim3A_721 = vector.broadcast %broadcast_in_dim3A_720 : vector<256x1xi32> to vector<256x256xi32>
    %eq3A_722 = vector.broadcast %iota3A_130 : vector<1x256xi32> to vector<256x256xi32>
    %eq3A_723 = arith.cmpi eq, %broadcast_in_dim3A_721, %eq3A_722 : vector<256x256xi32>
    %convert_element_type3A_724 = arith.extui %eq3A_723 : vector<256x256xi1> to vector<256x256xi32>
    %convert_element_type3A_725 = arith.sitofp %convert_element_type3A_724 : vector<256x256xi32> to vector<256x256xf32>
    %dot_general3A_726 = arith.constant dense<0.000000e+00> : vector<1x256xf32>
    %dot_general3A_727 = tpu.matmul %broadcast_in_dim3A_700, %convert_element_type3A_725, %dot_general3A_726 {dimension_numbers = #tpu.dot_dimension_numbers<[0], [0], [1], [1], [0, 1, 1, 1], [], []>, precision = #tpu.contract_precision<fp32>, transpose_lhs_hint = false} : vector<256x1xf32>, vector<256x256xf32>, vector<1x256xf32> -> vector<1x256xf32>
    %convert_element_type3A_728 = arith.fptosi %dot_general3A_727 : vector<1x256xf32> to vector<1x256xi32>
    %slice3A_729 = vector.extract_strided_slice %convert_element_type3A_728 {offsets = [0, 0], sizes = [1, 128], strides = [1, 1]} : vector<1x256xi32> to vector<1x128xi32>
    %swap3A_730 = arith.constant 17 : index
    %swap3A_731 = arith.constant 0 : index
    %swap3A_732 = vector.load %arg1[%swap3A_730, %swap3A_731] : memref<32x128xi32, #tpu.memory_space<vmem>>, vector<1x128xi32>
    tpu.vector_store %arg1[%swap3A_730, %swap3A_731], %slice3A_729 {strides = array<i32>} : memref<32x128xi32, #tpu.memory_space<vmem>>, vector<1x128xi32>,
    %slice3A_733 = vector.extract_strided_slice %convert_element_type3A_728 {offsets = [0, 128], sizes = [1, 128], strides = [1, 1]} : vector<1x256xi32> to vector<1x128xi32>
    %swap3A_734 = arith.constant 25 : index
    %swap3A_735 = arith.constant 0 : index
    %swap3A_736 = vector.load %arg1[%swap3A_734, %swap3A_735] : memref<32x128xi32, #tpu.memory_space<vmem>>, vector<1x128xi32>
    tpu.vector_store %arg1[%swap3A_734, %swap3A_735], %slice3A_733 {strides = array<i32>} : memref<32x128xi32, #tpu.memory_space<vmem>>, vector<1x128xi32>,
    %slice3A_737 = vector.extract_strided_slice %sub3A_122 {offsets = [10, 0], sizes = [1, 1024], strides = [1, 1]} : vector<16x1024xi32> to vector<1x1024xi32>
    %slice3A_738 = vector.extract_strided_slice %or3A {offsets = [10, 0], sizes = [1, 1024], strides = [1, 1]} : vector<16x1024xi1> to vector<1x1024xi1>
    %slice3A_739 = vector.extract_strided_slice %get3A_1 {offsets = [10, 0], sizes = [1, 1024], strides = [1, 1]} : vector<16x1024xf32> to vector<1x1024xf32>
    %broadcast_in_dim3A_740 = vector.shape_cast %slice3A_737 : vector<1x1024xi32> to vector<1x1024xi32>
    %broadcast_in_dim3A_741 = vector.broadcast %broadcast_in_dim3A_740 : vector<1x1024xi32> to vector<256x1024xi32>
    %eq3A_742 = arith.cmpi eq, %broadcast_in_dim3A_741, %iota3A : vector<256x1024xi32>
    %broadcast_in_dim3A_743 = vector.shape_cast %slice3A_738 : vector<1x1024xi1> to vector<1x1024xi1>
    %broadcast_in_dim3A_744 = vector.broadcast %broadcast_in_dim3A_743 : vector<1x1024xi1> to vector<256x1024xi1>
    %and3A_745 = arith.andi %eq3A_742, %broadcast_in_dim3A_744 : vector<256x1024xi1>
    %broadcast_in_dim3A_746 = vector.shape_cast %slice3A_739 : vector<1x1024xf32> to vector<1x1024xf32>
    %broadcast_in_dim3A_747 = vector.broadcast %broadcast_in_dim3A_746 : vector<1x1024xf32> to vector<256x1024xf32>
    %jit3A_748 = arith.constant 0.000000e+00 : f32
    %broadcast_in_dim3A_749 = vector.broadcast %jit3A_748 : f32 to vector<256x1024xf32>
    %select_n3A_750 = arith.select %and3A_745, %broadcast_in_dim3A_747, %broadcast_in_dim3A_749 : vector<256x1024xi1>, vector<256x1024xf32>
    %reduce_sum3A_751 = arith.constant dense<0.000000e+00> : vector<256xf32>
    %reduce_sum3A_752 = vector.multi_reduction <add>, %select_n3A_750, %reduce_sum3A_751 [1] : vector<256x1024xf32> to vector<256xf32>
    %broadcast_in_dim3A_753 = vector.shape_cast %reduce_sum3A_752 : vector<256xf32> to vector<256x1xf32>
    %broadcast_in_dim3A_754 = vector.shape_cast %convert_element_type3A_124 : vector<1x1024xf32> to vector<1x1024xf32>
    %broadcast_in_dim3A_755 = vector.broadcast %broadcast_in_dim3A_754 : vector<1x1024xf32> to vector<256x1024xf32>
    %jit3A_756 = arith.constant 0.000000e+00 : f32
    %broadcast_in_dim3A_757 = vector.broadcast %jit3A_756 : f32 to vector<256x1024xf32>
    %select_n3A_758 = arith.select %and3A_745, %broadcast_in_dim3A_755, %broadcast_in_dim3A_757 : vector<256x1024xi1>, vector<256x1024xf32>
    %reduce_sum3A_759 = arith.constant dense<0.000000e+00> : vector<256xf32>
    %reduce_sum3A_760 = vector.multi_reduction <add>, %select_n3A_758, %reduce_sum3A_759 [1] : vector<256x1024xf32> to vector<256xf32>
    %broadcast_in_dim3A_761 = vector.shape_cast %reduce_sum3A_760 : vector<256xf32> to vector<256x1xf32>
    %dot_general3A_762 = arith.constant dense<0.000000e+00> : vector<1x256xf32>
    %dot_general3A_763 = tpu.matmul %broadcast_in_dim3A_753, %convert_element_type3A_129, %dot_general3A_762 {dimension_numbers = #tpu.dot_dimension_numbers<[0], [0], [1], [1], [0, 1, 1, 1], [], []>, precision = #tpu.contract_precision<fp32>, transpose_lhs_hint = false} : vector<256x1xf32>, vector<256x256xf32>, vector<1x256xf32> -> vector<1x256xf32>
    %dot_general3A_764 = arith.constant dense<0.000000e+00> : vector<1x256xf32>
    %dot_general3A_765 = tpu.matmul %broadcast_in_dim3A_761, %convert_element_type3A_129, %dot_general3A_764 {dimension_numbers = #tpu.dot_dimension_numbers<[0], [0], [1], [1], [0, 1, 1, 1], [], []>, precision = #tpu.contract_precision<fp32>, transpose_lhs_hint = false} : vector<256x1xf32>, vector<256x256xf32>, vector<1x256xf32> -> vector<1x256xf32>
    %gt3A_766 = vector.broadcast %dot_general3A_763 : vector<1x256xf32> to vector<256x256xf32>
    %gt3A_767 = vector.broadcast %broadcast_in_dim3A_753 : vector<256x1xf32> to vector<256x256xf32>
    %gt3A_768 = arith.cmpf ogt, %gt3A_766, %gt3A_767 : vector<256x256xf32>
    %eq3A_769 = vector.broadcast %dot_general3A_763 : vector<1x256xf32> to vector<256x256xf32>
    %eq3A_770 = vector.broadcast %broadcast_in_dim3A_753 : vector<256x1xf32> to vector<256x256xf32>
    %eq3A_771 = arith.cmpf oeq, %eq3A_769, %eq3A_770 : vector<256x256xf32>
    %lt3A_772 = vector.broadcast %dot_general3A_765 : vector<1x256xf32> to vector<256x256xf32>
    %lt3A_773 = vector.broadcast %broadcast_in_dim3A_761 : vector<256x1xf32> to vector<256x256xf32>
    %lt3A_774 = arith.cmpf olt, %lt3A_772, %lt3A_773 : vector<256x256xf32>
    %and3A_775 = arith.andi %eq3A_771, %lt3A_774 : vector<256x256xi1>
    %or3A_776 = arith.ori %gt3A_768, %and3A_775 : vector<256x256xi1>
    %convert_element_type3A_777 = arith.extui %or3A_776 : vector<256x256xi1> to vector<256x256xi32>
    %reduce_sum3A_778 = arith.constant dense<0> : vector<256xi32>
    %reduce_sum3A_779 = vector.multi_reduction <add>, %convert_element_type3A_777, %reduce_sum3A_778 [1] : vector<256x256xi32> to vector<256xi32>
    %broadcast_in_dim3A_780 = vector.shape_cast %reduce_sum3A_779 : vector<256xi32> to vector<256x1xi32>
    %broadcast_in_dim3A_781 = vector.shape_cast %broadcast_in_dim3A_780 : vector<256x1xi32> to vector<256x1xi32>
    %broadcast_in_dim3A_782 = vector.broadcast %broadcast_in_dim3A_781 : vector<256x1xi32> to vector<256x256xi32>
    %eq3A_783 = vector.broadcast %iota3A_130 : vector<1x256xi32> to vector<256x256xi32>
    %eq3A_784 = arith.cmpi eq, %broadcast_in_dim3A_782, %eq3A_783 : vector<256x256xi32>
    %convert_element_type3A_785 = arith.extui %eq3A_784 : vector<256x256xi1> to vector<256x256xi32>
    %convert_element_type3A_786 = arith.sitofp %convert_element_type3A_785 : vector<256x256xi32> to vector<256x256xf32>
    %dot_general3A_787 = arith.constant dense<0.000000e+00> : vector<1x256xf32>
    %dot_general3A_788 = tpu.matmul %broadcast_in_dim3A_761, %convert_element_type3A_786, %dot_general3A_787 {dimension_numbers = #tpu.dot_dimension_numbers<[0], [0], [1], [1], [0, 1, 1, 1], [], []>, precision = #tpu.contract_precision<fp32>, transpose_lhs_hint = false} : vector<256x1xf32>, vector<256x256xf32>, vector<1x256xf32> -> vector<1x256xf32>
    %convert_element_type3A_789 = arith.fptosi %dot_general3A_788 : vector<1x256xf32> to vector<1x256xi32>
    %slice3A_790 = vector.extract_strided_slice %convert_element_type3A_789 {offsets = [0, 0], sizes = [1, 128], strides = [1, 1]} : vector<1x256xi32> to vector<1x128xi32>
    %swap3A_791 = arith.constant 18 : index
    %swap3A_792 = arith.constant 0 : index
    %swap3A_793 = vector.load %arg1[%swap3A_791, %swap3A_792] : memref<32x128xi32, #tpu.memory_space<vmem>>, vector<1x128xi32>
    tpu.vector_store %arg1[%swap3A_791, %swap3A_792], %slice3A_790 {strides = array<i32>} : memref<32x128xi32, #tpu.memory_space<vmem>>, vector<1x128xi32>,
    %slice3A_794 = vector.extract_strided_slice %convert_element_type3A_789 {offsets = [0, 128], sizes = [1, 128], strides = [1, 1]} : vector<1x256xi32> to vector<1x128xi32>
    %swap3A_795 = arith.constant 26 : index
    %swap3A_796 = arith.constant 0 : index
    %swap3A_797 = vector.load %arg1[%swap3A_795, %swap3A_796] : memref<32x128xi32, #tpu.memory_space<vmem>>, vector<1x128xi32>
    tpu.vector_store %arg1[%swap3A_795, %swap3A_796], %slice3A_794 {strides = array<i32>} : memref<32x128xi32, #tpu.memory_space<vmem>>, vector<1x128xi32>,
    %slice3A_798 = vector.extract_strided_slice %sub3A_122 {offsets = [11, 0], sizes = [1, 1024], strides = [1, 1]} : vector<16x1024xi32> to vector<1x1024xi32>
    %slice3A_799 = vector.extract_strided_slice %or3A {offsets = [11, 0], sizes = [1, 1024], strides = [1, 1]} : vector<16x1024xi1> to vector<1x1024xi1>
    %slice3A_800 = vector.extract_strided_slice %get3A_1 {offsets = [11, 0], sizes = [1, 1024], strides = [1, 1]} : vector<16x1024xf32> to vector<1x1024xf32>
    %broadcast_in_dim3A_801 = vector.shape_cast %slice3A_798 : vector<1x1024xi32> to vector<1x1024xi32>
    %broadcast_in_dim3A_802 = vector.broadcast %broadcast_in_dim3A_801 : vector<1x1024xi32> to vector<256x1024xi32>
    %eq3A_803 = arith.cmpi eq, %broadcast_in_dim3A_802, %iota3A : vector<256x1024xi32>
    %broadcast_in_dim3A_804 = vector.shape_cast %slice3A_799 : vector<1x1024xi1> to vector<1x1024xi1>
    %broadcast_in_dim3A_805 = vector.broadcast %broadcast_in_dim3A_804 : vector<1x1024xi1> to vector<256x1024xi1>
    %and3A_806 = arith.andi %eq3A_803, %broadcast_in_dim3A_805 : vector<256x1024xi1>
    %broadcast_in_dim3A_807 = vector.shape_cast %slice3A_800 : vector<1x1024xf32> to vector<1x1024xf32>
    %broadcast_in_dim3A_808 = vector.broadcast %broadcast_in_dim3A_807 : vector<1x1024xf32> to vector<256x1024xf32>
    %jit3A_809 = arith.constant 0.000000e+00 : f32
    %broadcast_in_dim3A_810 = vector.broadcast %jit3A_809 : f32 to vector<256x1024xf32>
    %select_n3A_811 = arith.select %and3A_806, %broadcast_in_dim3A_808, %broadcast_in_dim3A_810 : vector<256x1024xi1>, vector<256x1024xf32>
    %reduce_sum3A_812 = arith.constant dense<0.000000e+00> : vector<256xf32>
    %reduce_sum3A_813 = vector.multi_reduction <add>, %select_n3A_811, %reduce_sum3A_812 [1] : vector<256x1024xf32> to vector<256xf32>
    %broadcast_in_dim3A_814 = vector.shape_cast %reduce_sum3A_813 : vector<256xf32> to vector<256x1xf32>
    %broadcast_in_dim3A_815 = vector.shape_cast %convert_element_type3A_124 : vector<1x1024xf32> to vector<1x1024xf32>
    %broadcast_in_dim3A_816 = vector.broadcast %broadcast_in_dim3A_815 : vector<1x1024xf32> to vector<256x1024xf32>
    %jit3A_817 = arith.constant 0.000000e+00 : f32
    %broadcast_in_dim3A_818 = vector.broadcast %jit3A_817 : f32 to vector<256x1024xf32>
    %select_n3A_819 = arith.select %and3A_806, %broadcast_in_dim3A_816, %broadcast_in_dim3A_818 : vector<256x1024xi1>, vector<256x1024xf32>
    %reduce_sum3A_820 = arith.constant dense<0.000000e+00> : vector<256xf32>
    %reduce_sum3A_821 = vector.multi_reduction <add>, %select_n3A_819, %reduce_sum3A_820 [1] : vector<256x1024xf32> to vector<256xf32>
    %broadcast_in_dim3A_822 = vector.shape_cast %reduce_sum3A_821 : vector<256xf32> to vector<256x1xf32>
    %dot_general3A_823 = arith.constant dense<0.000000e+00> : vector<1x256xf32>
    %dot_general3A_824 = tpu.matmul %broadcast_in_dim3A_814, %convert_element_type3A_129, %dot_general3A_823 {dimension_numbers = #tpu.dot_dimension_numbers<[0], [0], [1], [1], [0, 1, 1, 1], [], []>, precision = #tpu.contract_precision<fp32>, transpose_lhs_hint = false} : vector<256x1xf32>, vector<256x256xf32>, vector<1x256xf32> -> vector<1x256xf32>
    %dot_general3A_825 = arith.constant dense<0.000000e+00> : vector<1x256xf32>
    %dot_general3A_826 = tpu.matmul %broadcast_in_dim3A_822, %convert_element_type3A_129, %dot_general3A_825 {dimension_numbers = #tpu.dot_dimension_numbers<[0], [0], [1], [1], [0, 1, 1, 1], [], []>, precision = #tpu.contract_precision<fp32>, transpose_lhs_hint = false} : vector<256x1xf32>, vector<256x256xf32>, vector<1x256xf32> -> vector<1x256xf32>
    %gt3A_827 = vector.broadcast %dot_general3A_824 : vector<1x256xf32> to vector<256x256xf32>
    %gt3A_828 = vector.broadcast %broadcast_in_dim3A_814 : vector<256x1xf32> to vector<256x256xf32>
    %gt3A_829 = arith.cmpf ogt, %gt3A_827, %gt3A_828 : vector<256x256xf32>
    %eq3A_830 = vector.broadcast %dot_general3A_824 : vector<1x256xf32> to vector<256x256xf32>
    %eq3A_831 = vector.broadcast %broadcast_in_dim3A_814 : vector<256x1xf32> to vector<256x256xf32>
    %eq3A_832 = arith.cmpf oeq, %eq3A_830, %eq3A_831 : vector<256x256xf32>
    %lt3A_833 = vector.broadcast %dot_general3A_826 : vector<1x256xf32> to vector<256x256xf32>
    %lt3A_834 = vector.broadcast %broadcast_in_dim3A_822 : vector<256x1xf32> to vector<256x256xf32>
    %lt3A_835 = arith.cmpf olt, %lt3A_833, %lt3A_834 : vector<256x256xf32>
    %and3A_836 = arith.andi %eq3A_832, %lt3A_835 : vector<256x256xi1>
    %or3A_837 = arith.ori %gt3A_829, %and3A_836 : vector<256x256xi1>
    %convert_element_type3A_838 = arith.extui %or3A_837 : vector<256x256xi1> to vector<256x256xi32>
    %reduce_sum3A_839 = arith.constant dense<0> : vector<256xi32>
    %reduce_sum3A_840 = vector.multi_reduction <add>, %convert_element_type3A_838, %reduce_sum3A_839 [1] : vector<256x256xi32> to vector<256xi32>
    %broadcast_in_dim3A_841 = vector.shape_cast %reduce_sum3A_840 : vector<256xi32> to vector<256x1xi32>
    %broadcast_in_dim3A_842 = vector.shape_cast %broadcast_in_dim3A_841 : vector<256x1xi32> to vector<256x1xi32>
    %broadcast_in_dim3A_843 = vector.broadcast %broadcast_in_dim3A_842 : vector<256x1xi32> to vector<256x256xi32>
    %eq3A_844 = vector.broadcast %iota3A_130 : vector<1x256xi32> to vector<256x256xi32>
    %eq3A_845 = arith.cmpi eq, %broadcast_in_dim3A_843, %eq3A_844 : vector<256x256xi32>
    %convert_element_type3A_846 = arith.extui %eq3A_845 : vector<256x256xi1> to vector<256x256xi32>
    %convert_element_type3A_847 = arith.sitofp %convert_element_type3A_846 : vector<256x256xi32> to vector<256x256xf32>
    %dot_general3A_848 = arith.constant dense<0.000000e+00> : vector<1x256xf32>
    %dot_general3A_849 = tpu.matmul %broadcast_in_dim3A_822, %convert_element_type3A_847, %dot_general3A_848 {dimension_numbers = #tpu.dot_dimension_numbers<[0], [0], [1], [1], [0, 1, 1, 1], [], []>, precision = #tpu.contract_precision<fp32>, transpose_lhs_hint = false} : vector<256x1xf32>, vector<256x256xf32>, vector<1x256xf32> -> vector<1x256xf32>
    %convert_element_type3A_850 = arith.fptosi %dot_general3A_849 : vector<1x256xf32> to vector<1x256xi32>
    %slice3A_851 = vector.extract_strided_slice %convert_element_type3A_850 {offsets = [0, 0], sizes = [1, 128], strides = [1, 1]} : vector<1x256xi32> to vector<1x128xi32>
    %swap3A_852 = arith.constant 19 : index
    %swap3A_853 = arith.constant 0 : index
    %swap3A_854 = vector.load %arg1[%swap3A_852, %swap3A_853] : memref<32x128xi32, #tpu.memory_space<vmem>>, vector<1x128xi32>
    tpu.vector_store %arg1[%swap3A_852, %swap3A_853], %slice3A_851 {strides = array<i32>} : memref<32x128xi32, #tpu.memory_space<vmem>>, vector<1x128xi32>,
    %slice3A_855 = vector.extract_strided_slice %convert_element_type3A_850 {offsets = [0, 128], sizes = [1, 128], strides = [1, 1]} : vector<1x256xi32> to vector<1x128xi32>
    %swap3A_856 = arith.constant 27 : index
    %swap3A_857 = arith.constant 0 : index
    %swap3A_858 = vector.load %arg1[%swap3A_856, %swap3A_857] : memref<32x128xi32, #tpu.memory_space<vmem>>, vector<1x128xi32>
    tpu.vector_store %arg1[%swap3A_856, %swap3A_857], %slice3A_855 {strides = array<i32>} : memref<32x128xi32, #tpu.memory_space<vmem>>, vector<1x128xi32>,
    %slice3A_859 = vector.extract_strided_slice %sub3A_122 {offsets = [12, 0], sizes = [1, 1024], strides = [1, 1]} : vector<16x1024xi32> to vector<1x1024xi32>
    %slice3A_860 = vector.extract_strided_slice %or3A {offsets = [12, 0], sizes = [1, 1024], strides = [1, 1]} : vector<16x1024xi1> to vector<1x1024xi1>
    %slice3A_861 = vector.extract_strided_slice %get3A_1 {offsets = [12, 0], sizes = [1, 1024], strides = [1, 1]} : vector<16x1024xf32> to vector<1x1024xf32>
    %broadcast_in_dim3A_862 = vector.shape_cast %slice3A_859 : vector<1x1024xi32> to vector<1x1024xi32>
    %broadcast_in_dim3A_863 = vector.broadcast %broadcast_in_dim3A_862 : vector<1x1024xi32> to vector<256x1024xi32>
    %eq3A_864 = arith.cmpi eq, %broadcast_in_dim3A_863, %iota3A : vector<256x1024xi32>
    %broadcast_in_dim3A_865 = vector.shape_cast %slice3A_860 : vector<1x1024xi1> to vector<1x1024xi1>
    %broadcast_in_dim3A_866 = vector.broadcast %broadcast_in_dim3A_865 : vector<1x1024xi1> to vector<256x1024xi1>
    %and3A_867 = arith.andi %eq3A_864, %broadcast_in_dim3A_866 : vector<256x1024xi1>
    %broadcast_in_dim3A_868 = vector.shape_cast %slice3A_861 : vector<1x1024xf32> to vector<1x1024xf32>
    %broadcast_in_dim3A_869 = vector.broadcast %broadcast_in_dim3A_868 : vector<1x1024xf32> to vector<256x1024xf32>
    %jit3A_870 = arith.constant 0.000000e+00 : f32
    %broadcast_in_dim3A_871 = vector.broadcast %jit3A_870 : f32 to vector<256x1024xf32>
    %select_n3A_872 = arith.select %and3A_867, %broadcast_in_dim3A_869, %broadcast_in_dim3A_871 : vector<256x1024xi1>, vector<256x1024xf32>
    %reduce_sum3A_873 = arith.constant dense<0.000000e+00> : vector<256xf32>
    %reduce_sum3A_874 = vector.multi_reduction <add>, %select_n3A_872, %reduce_sum3A_873 [1] : vector<256x1024xf32> to vector<256xf32>
    %broadcast_in_dim3A_875 = vector.shape_cast %reduce_sum3A_874 : vector<256xf32> to vector<256x1xf32>
    %broadcast_in_dim3A_876 = vector.shape_cast %convert_element_type3A_124 : vector<1x1024xf32> to vector<1x1024xf32>
    %broadcast_in_dim3A_877 = vector.broadcast %broadcast_in_dim3A_876 : vector<1x1024xf32> to vector<256x1024xf32>
    %jit3A_878 = arith.constant 0.000000e+00 : f32
    %broadcast_in_dim3A_879 = vector.broadcast %jit3A_878 : f32 to vector<256x1024xf32>
    %select_n3A_880 = arith.select %and3A_867, %broadcast_in_dim3A_877, %broadcast_in_dim3A_879 : vector<256x1024xi1>, vector<256x1024xf32>
    %reduce_sum3A_881 = arith.constant dense<0.000000e+00> : vector<256xf32>
    %reduce_sum3A_882 = vector.multi_reduction <add>, %select_n3A_880, %reduce_sum3A_881 [1] : vector<256x1024xf32> to vector<256xf32>
    %broadcast_in_dim3A_883 = vector.shape_cast %reduce_sum3A_882 : vector<256xf32> to vector<256x1xf32>
    %dot_general3A_884 = arith.constant dense<0.000000e+00> : vector<1x256xf32>
    %dot_general3A_885 = tpu.matmul %broadcast_in_dim3A_875, %convert_element_type3A_129, %dot_general3A_884 {dimension_numbers = #tpu.dot_dimension_numbers<[0], [0], [1], [1], [0, 1, 1, 1], [], []>, precision = #tpu.contract_precision<fp32>, transpose_lhs_hint = false} : vector<256x1xf32>, vector<256x256xf32>, vector<1x256xf32> -> vector<1x256xf32>
    %dot_general3A_886 = arith.constant dense<0.000000e+00> : vector<1x256xf32>
    %dot_general3A_887 = tpu.matmul %broadcast_in_dim3A_883, %convert_element_type3A_129, %dot_general3A_886 {dimension_numbers = #tpu.dot_dimension_numbers<[0], [0], [1], [1], [0, 1, 1, 1], [], []>, precision = #tpu.contract_precision<fp32>, transpose_lhs_hint = false} : vector<256x1xf32>, vector<256x256xf32>, vector<1x256xf32> -> vector<1x256xf32>
    %gt3A_888 = vector.broadcast %dot_general3A_885 : vector<1x256xf32> to vector<256x256xf32>
    %gt3A_889 = vector.broadcast %broadcast_in_dim3A_875 : vector<256x1xf32> to vector<256x256xf32>
    %gt3A_890 = arith.cmpf ogt, %gt3A_888, %gt3A_889 : vector<256x256xf32>
    %eq3A_891 = vector.broadcast %dot_general3A_885 : vector<1x256xf32> to vector<256x256xf32>
    %eq3A_892 = vector.broadcast %broadcast_in_dim3A_875 : vector<256x1xf32> to vector<256x256xf32>
    %eq3A_893 = arith.cmpf oeq, %eq3A_891, %eq3A_892 : vector<256x256xf32>
    %lt3A_894 = vector.broadcast %dot_general3A_887 : vector<1x256xf32> to vector<256x256xf32>
    %lt3A_895 = vector.broadcast %broadcast_in_dim3A_883 : vector<256x1xf32> to vector<256x256xf32>
    %lt3A_896 = arith.cmpf olt, %lt3A_894, %lt3A_895 : vector<256x256xf32>
    %and3A_897 = arith.andi %eq3A_893, %lt3A_896 : vector<256x256xi1>
    %or3A_898 = arith.ori %gt3A_890, %and3A_897 : vector<256x256xi1>
    %convert_element_type3A_899 = arith.extui %or3A_898 : vector<256x256xi1> to vector<256x256xi32>
    %reduce_sum3A_900 = arith.constant dense<0> : vector<256xi32>
    %reduce_sum3A_901 = vector.multi_reduction <add>, %convert_element_type3A_899, %reduce_sum3A_900 [1] : vector<256x256xi32> to vector<256xi32>
    %broadcast_in_dim3A_902 = vector.shape_cast %reduce_sum3A_901 : vector<256xi32> to vector<256x1xi32>
    %broadcast_in_dim3A_903 = vector.shape_cast %broadcast_in_dim3A_902 : vector<256x1xi32> to vector<256x1xi32>
    %broadcast_in_dim3A_904 = vector.broadcast %broadcast_in_dim3A_903 : vector<256x1xi32> to vector<256x256xi32>
    %eq3A_905 = vector.broadcast %iota3A_130 : vector<1x256xi32> to vector<256x256xi32>
    %eq3A_906 = arith.cmpi eq, %broadcast_in_dim3A_904, %eq3A_905 : vector<256x256xi32>
    %convert_element_type3A_907 = arith.extui %eq3A_906 : vector<256x256xi1> to vector<256x256xi32>
    %convert_element_type3A_908 = arith.sitofp %convert_element_type3A_907 : vector<256x256xi32> to vector<256x256xf32>
    %dot_general3A_909 = arith.constant dense<0.000000e+00> : vector<1x256xf32>
    %dot_general3A_910 = tpu.matmul %broadcast_in_dim3A_883, %convert_element_type3A_908, %dot_general3A_909 {dimension_numbers = #tpu.dot_dimension_numbers<[0], [0], [1], [1], [0, 1, 1, 1], [], []>, precision = #tpu.contract_precision<fp32>, transpose_lhs_hint = false} : vector<256x1xf32>, vector<256x256xf32>, vector<1x256xf32> -> vector<1x256xf32>
    %convert_element_type3A_911 = arith.fptosi %dot_general3A_910 : vector<1x256xf32> to vector<1x256xi32>
    %slice3A_912 = vector.extract_strided_slice %convert_element_type3A_911 {offsets = [0, 0], sizes = [1, 128], strides = [1, 1]} : vector<1x256xi32> to vector<1x128xi32>
    %swap3A_913 = arith.constant 20 : index
    %swap3A_914 = arith.constant 0 : index
    %swap3A_915 = vector.load %arg1[%swap3A_913, %swap3A_914] : memref<32x128xi32, #tpu.memory_space<vmem>>, vector<1x128xi32>
    tpu.vector_store %arg1[%swap3A_913, %swap3A_914], %slice3A_912 {strides = array<i32>} : memref<32x128xi32, #tpu.memory_space<vmem>>, vector<1x128xi32>,
    %slice3A_916 = vector.extract_strided_slice %convert_element_type3A_911 {offsets = [0, 128], sizes = [1, 128], strides = [1, 1]} : vector<1x256xi32> to vector<1x128xi32>
    %swap3A_917 = arith.constant 28 : index
    %swap3A_918 = arith.constant 0 : index
    %swap3A_919 = vector.load %arg1[%swap3A_917, %swap3A_918] : memref<32x128xi32, #tpu.memory_space<vmem>>, vector<1x128xi32>
    tpu.vector_store %arg1[%swap3A_917, %swap3A_918], %slice3A_916 {strides = array<i32>} : memref<32x128xi32, #tpu.memory_space<vmem>>, vector<1x128xi32>,
    %slice3A_920 = vector.extract_strided_slice %sub3A_122 {offsets = [13, 0], sizes = [1, 1024], strides = [1, 1]} : vector<16x1024xi32> to vector<1x1024xi32>
    %slice3A_921 = vector.extract_strided_slice %or3A {offsets = [13, 0], sizes = [1, 1024], strides = [1, 1]} : vector<16x1024xi1> to vector<1x1024xi1>
    %slice3A_922 = vector.extract_strided_slice %get3A_1 {offsets = [13, 0], sizes = [1, 1024], strides = [1, 1]} : vector<16x1024xf32> to vector<1x1024xf32>
    %broadcast_in_dim3A_923 = vector.shape_cast %slice3A_920 : vector<1x1024xi32> to vector<1x1024xi32>
    %broadcast_in_dim3A_924 = vector.broadcast %broadcast_in_dim3A_923 : vector<1x1024xi32> to vector<256x1024xi32>
    %eq3A_925 = arith.cmpi eq, %broadcast_in_dim3A_924, %iota3A : vector<256x1024xi32>
    %broadcast_in_dim3A_926 = vector.shape_cast %slice3A_921 : vector<1x1024xi1> to vector<1x1024xi1>
    %broadcast_in_dim3A_927 = vector.broadcast %broadcast_in_dim3A_926 : vector<1x1024xi1> to vector<256x1024xi1>
    %and3A_928 = arith.andi %eq3A_925, %broadcast_in_dim3A_927 : vector<256x1024xi1>
    %broadcast_in_dim3A_929 = vector.shape_cast %slice3A_922 : vector<1x1024xf32> to vector<1x1024xf32>
    %broadcast_in_dim3A_930 = vector.broadcast %broadcast_in_dim3A_929 : vector<1x1024xf32> to vector<256x1024xf32>
    %jit3A_931 = arith.constant 0.000000e+00 : f32
    %broadcast_in_dim3A_932 = vector.broadcast %jit3A_931 : f32 to vector<256x1024xf32>
    %select_n3A_933 = arith.select %and3A_928, %broadcast_in_dim3A_930, %broadcast_in_dim3A_932 : vector<256x1024xi1>, vector<256x1024xf32>
    %reduce_sum3A_934 = arith.constant dense<0.000000e+00> : vector<256xf32>
    %reduce_sum3A_935 = vector.multi_reduction <add>, %select_n3A_933, %reduce_sum3A_934 [1] : vector<256x1024xf32> to vector<256xf32>
    %broadcast_in_dim3A_936 = vector.shape_cast %reduce_sum3A_935 : vector<256xf32> to vector<256x1xf32>
    %broadcast_in_dim3A_937 = vector.shape_cast %convert_element_type3A_124 : vector<1x1024xf32> to vector<1x1024xf32>
    %broadcast_in_dim3A_938 = vector.broadcast %broadcast_in_dim3A_937 : vector<1x1024xf32> to vector<256x1024xf32>
    %jit3A_939 = arith.constant 0.000000e+00 : f32
    %broadcast_in_dim3A_940 = vector.broadcast %jit3A_939 : f32 to vector<256x1024xf32>
    %select_n3A_941 = arith.select %and3A_928, %broadcast_in_dim3A_938, %broadcast_in_dim3A_940 : vector<256x1024xi1>, vector<256x1024xf32>
    %reduce_sum3A_942 = arith.constant dense<0.000000e+00> : vector<256xf32>
    %reduce_sum3A_943 = vector.multi_reduction <add>, %select_n3A_941, %reduce_sum3A_942 [1] : vector<256x1024xf32> to vector<256xf32>
    %broadcast_in_dim3A_944 = vector.shape_cast %reduce_sum3A_943 : vector<256xf32> to vector<256x1xf32>
    %dot_general3A_945 = arith.constant dense<0.000000e+00> : vector<1x256xf32>
    %dot_general3A_946 = tpu.matmul %broadcast_in_dim3A_936, %convert_element_type3A_129, %dot_general3A_945 {dimension_numbers = #tpu.dot_dimension_numbers<[0], [0], [1], [1], [0, 1, 1, 1], [], []>, precision = #tpu.contract_precision<fp32>, transpose_lhs_hint = false} : vector<256x1xf32>, vector<256x256xf32>, vector<1x256xf32> -> vector<1x256xf32>
    %dot_general3A_947 = arith.constant dense<0.000000e+00> : vector<1x256xf32>
    %dot_general3A_948 = tpu.matmul %broadcast_in_dim3A_944, %convert_element_type3A_129, %dot_general3A_947 {dimension_numbers = #tpu.dot_dimension_numbers<[0], [0], [1], [1], [0, 1, 1, 1], [], []>, precision = #tpu.contract_precision<fp32>, transpose_lhs_hint = false} : vector<256x1xf32>, vector<256x256xf32>, vector<1x256xf32> -> vector<1x256xf32>
    %gt3A_949 = vector.broadcast %dot_general3A_946 : vector<1x256xf32> to vector<256x256xf32>
    %gt3A_950 = vector.broadcast %broadcast_in_dim3A_936 : vector<256x1xf32> to vector<256x256xf32>
    %gt3A_951 = arith.cmpf ogt, %gt3A_949, %gt3A_950 : vector<256x256xf32>
    %eq3A_952 = vector.broadcast %dot_general3A_946 : vector<1x256xf32> to vector<256x256xf32>
    %eq3A_953 = vector.broadcast %broadcast_in_dim3A_936 : vector<256x1xf32> to vector<256x256xf32>
    %eq3A_954 = arith.cmpf oeq, %eq3A_952, %eq3A_953 : vector<256x256xf32>
    %lt3A_955 = vector.broadcast %dot_general3A_948 : vector<1x256xf32> to vector<256x256xf32>
    %lt3A_956 = vector.broadcast %broadcast_in_dim3A_944 : vector<256x1xf32> to vector<256x256xf32>
    %lt3A_957 = arith.cmpf olt, %lt3A_955, %lt3A_956 : vector<256x256xf32>
    %and3A_958 = arith.andi %eq3A_954, %lt3A_957 : vector<256x256xi1>
    %or3A_959 = arith.ori %gt3A_951, %and3A_958 : vector<256x256xi1>
    %convert_element_type3A_960 = arith.extui %or3A_959 : vector<256x256xi1> to vector<256x256xi32>
    %reduce_sum3A_961 = arith.constant dense<0> : vector<256xi32>
    %reduce_sum3A_962 = vector.multi_reduction <add>, %convert_element_type3A_960, %reduce_sum3A_961 [1] : vector<256x256xi32> to vector<256xi32>
    %broadcast_in_dim3A_963 = vector.shape_cast %reduce_sum3A_962 : vector<256xi32> to vector<256x1xi32>
    %broadcast_in_dim3A_964 = vector.shape_cast %broadcast_in_dim3A_963 : vector<256x1xi32> to vector<256x1xi32>
    %broadcast_in_dim3A_965 = vector.broadcast %broadcast_in_dim3A_964 : vector<256x1xi32> to vector<256x256xi32>
    %eq3A_966 = vector.broadcast %iota3A_130 : vector<1x256xi32> to vector<256x256xi32>
    %eq3A_967 = arith.cmpi eq, %broadcast_in_dim3A_965, %eq3A_966 : vector<256x256xi32>
    %convert_element_type3A_968 = arith.extui %eq3A_967 : vector<256x256xi1> to vector<256x256xi32>
    %convert_element_type3A_969 = arith.sitofp %convert_element_type3A_968 : vector<256x256xi32> to vector<256x256xf32>
    %dot_general3A_970 = arith.constant dense<0.000000e+00> : vector<1x256xf32>
    %dot_general3A_971 = tpu.matmul %broadcast_in_dim3A_944, %convert_element_type3A_969, %dot_general3A_970 {dimension_numbers = #tpu.dot_dimension_numbers<[0], [0], [1], [1], [0, 1, 1, 1], [], []>, precision = #tpu.contract_precision<fp32>, transpose_lhs_hint = false} : vector<256x1xf32>, vector<256x256xf32>, vector<1x256xf32> -> vector<1x256xf32>
    %convert_element_type3A_972 = arith.fptosi %dot_general3A_971 : vector<1x256xf32> to vector<1x256xi32>
    %slice3A_973 = vector.extract_strided_slice %convert_element_type3A_972 {offsets = [0, 0], sizes = [1, 128], strides = [1, 1]} : vector<1x256xi32> to vector<1x128xi32>
    %swap3A_974 = arith.constant 21 : index
    %swap3A_975 = arith.constant 0 : index
    %swap3A_976 = vector.load %arg1[%swap3A_974, %swap3A_975] : memref<32x128xi32, #tpu.memory_space<vmem>>, vector<1x128xi32>
    tpu.vector_store %arg1[%swap3A_974, %swap3A_975], %slice3A_973 {strides = array<i32>} : memref<32x128xi32, #tpu.memory_space<vmem>>, vector<1x128xi32>,
    %slice3A_977 = vector.extract_strided_slice %convert_element_type3A_972 {offsets = [0, 128], sizes = [1, 128], strides = [1, 1]} : vector<1x256xi32> to vector<1x128xi32>
    %swap3A_978 = arith.constant 29 : index
    %swap3A_979 = arith.constant 0 : index
    %swap3A_980 = vector.load %arg1[%swap3A_978, %swap3A_979] : memref<32x128xi32, #tpu.memory_space<vmem>>, vector<1x128xi32>
    tpu.vector_store %arg1[%swap3A_978, %swap3A_979], %slice3A_977 {strides = array<i32>} : memref<32x128xi32, #tpu.memory_space<vmem>>, vector<1x128xi32>,
    %slice3A_981 = vector.extract_strided_slice %sub3A_122 {offsets = [14, 0], sizes = [1, 1024], strides = [1, 1]} : vector<16x1024xi32> to vector<1x1024xi32>
    %slice3A_982 = vector.extract_strided_slice %or3A {offsets = [14, 0], sizes = [1, 1024], strides = [1, 1]} : vector<16x1024xi1> to vector<1x1024xi1>
    %slice3A_983 = vector.extract_strided_slice %get3A_1 {offsets = [14, 0], sizes = [1, 1024], strides = [1, 1]} : vector<16x1024xf32> to vector<1x1024xf32>
    %broadcast_in_dim3A_984 = vector.shape_cast %slice3A_981 : vector<1x1024xi32> to vector<1x1024xi32>
    %broadcast_in_dim3A_985 = vector.broadcast %broadcast_in_dim3A_984 : vector<1x1024xi32> to vector<256x1024xi32>
    %eq3A_986 = arith.cmpi eq, %broadcast_in_dim3A_985, %iota3A : vector<256x1024xi32>
    %broadcast_in_dim3A_987 = vector.shape_cast %slice3A_982 : vector<1x1024xi1> to vector<1x1024xi1>
    %broadcast_in_dim3A_988 = vector.broadcast %broadcast_in_dim3A_987 : vector<1x1024xi1> to vector<256x1024xi1>
    %and3A_989 = arith.andi %eq3A_986, %broadcast_in_dim3A_988 : vector<256x1024xi1>
    %broadcast_in_dim3A_990 = vector.shape_cast %slice3A_983 : vector<1x1024xf32> to vector<1x1024xf32>
    %broadcast_in_dim3A_991 = vector.broadcast %broadcast_in_dim3A_990 : vector<1x1024xf32> to vector<256x1024xf32>
    %jit3A_992 = arith.constant 0.000000e+00 : f32
    %broadcast_in_dim3A_993 = vector.broadcast %jit3A_992 : f32 to vector<256x1024xf32>
    %select_n3A_994 = arith.select %and3A_989, %broadcast_in_dim3A_991, %broadcast_in_dim3A_993 : vector<256x1024xi1>, vector<256x1024xf32>
    %reduce_sum3A_995 = arith.constant dense<0.000000e+00> : vector<256xf32>
    %reduce_sum3A_996 = vector.multi_reduction <add>, %select_n3A_994, %reduce_sum3A_995 [1] : vector<256x1024xf32> to vector<256xf32>
    %broadcast_in_dim3A_997 = vector.shape_cast %reduce_sum3A_996 : vector<256xf32> to vector<256x1xf32>
    %broadcast_in_dim3A_998 = vector.shape_cast %convert_element_type3A_124 : vector<1x1024xf32> to vector<1x1024xf32>
    %broadcast_in_dim3A_999 = vector.broadcast %broadcast_in_dim3A_998 : vector<1x1024xf32> to vector<256x1024xf32>
    %jit3A_1000 = arith.constant 0.000000e+00 : f32
    %broadcast_in_dim3A_1001 = vector.broadcast %jit3A_1000 : f32 to vector<256x1024xf32>
    %select_n3A_1002 = arith.select %and3A_989, %broadcast_in_dim3A_999, %broadcast_in_dim3A_1001 : vector<256x1024xi1>, vector<256x1024xf32>
    %reduce_sum3A_1003 = arith.constant dense<0.000000e+00> : vector<256xf32>
    %reduce_sum3A_1004 = vector.multi_reduction <add>, %select_n3A_1002, %reduce_sum3A_1003 [1] : vector<256x1024xf32> to vector<256xf32>
    %broadcast_in_dim3A_1005 = vector.shape_cast %reduce_sum3A_1004 : vector<256xf32> to vector<256x1xf32>
    %dot_general3A_1006 = arith.constant dense<0.000000e+00> : vector<1x256xf32>
    %dot_general3A_1007 = tpu.matmul %broadcast_in_dim3A_997, %convert_element_type3A_129, %dot_general3A_1006 {dimension_numbers = #tpu.dot_dimension_numbers<[0], [0], [1], [1], [0, 1, 1, 1], [], []>, precision = #tpu.contract_precision<fp32>, transpose_lhs_hint = false} : vector<256x1xf32>, vector<256x256xf32>, vector<1x256xf32> -> vector<1x256xf32>
    %dot_general3A_1008 = arith.constant dense<0.000000e+00> : vector<1x256xf32>
    %dot_general3A_1009 = tpu.matmul %broadcast_in_dim3A_1005, %convert_element_type3A_129, %dot_general3A_1008 {dimension_numbers = #tpu.dot_dimension_numbers<[0], [0], [1], [1], [0, 1, 1, 1], [], []>, precision = #tpu.contract_precision<fp32>, transpose_lhs_hint = false} : vector<256x1xf32>, vector<256x256xf32>, vector<1x256xf32> -> vector<1x256xf32>
    %gt3A_1010 = vector.broadcast %dot_general3A_1007 : vector<1x256xf32> to vector<256x256xf32>
    %gt3A_1011 = vector.broadcast %broadcast_in_dim3A_997 : vector<256x1xf32> to vector<256x256xf32>
    %gt3A_1012 = arith.cmpf ogt, %gt3A_1010, %gt3A_1011 : vector<256x256xf32>
    %eq3A_1013 = vector.broadcast %dot_general3A_1007 : vector<1x256xf32> to vector<256x256xf32>
    %eq3A_1014 = vector.broadcast %broadcast_in_dim3A_997 : vector<256x1xf32> to vector<256x256xf32>
    %eq3A_1015 = arith.cmpf oeq, %eq3A_1013, %eq3A_1014 : vector<256x256xf32>
    %lt3A_1016 = vector.broadcast %dot_general3A_1009 : vector<1x256xf32> to vector<256x256xf32>
    %lt3A_1017 = vector.broadcast %broadcast_in_dim3A_1005 : vector<256x1xf32> to vector<256x256xf32>
    %lt3A_1018 = arith.cmpf olt, %lt3A_1016, %lt3A_1017 : vector<256x256xf32>
    %and3A_1019 = arith.andi %eq3A_1015, %lt3A_1018 : vector<256x256xi1>
    %or3A_1020 = arith.ori %gt3A_1012, %and3A_1019 : vector<256x256xi1>
    %convert_element_type3A_1021 = arith.extui %or3A_1020 : vector<256x256xi1> to vector<256x256xi32>
    %reduce_sum3A_1022 = arith.constant dense<0> : vector<256xi32>
    %reduce_sum3A_1023 = vector.multi_reduction <add>, %convert_element_type3A_1021, %reduce_sum3A_1022 [1] : vector<256x256xi32> to vector<256xi32>
    %broadcast_in_dim3A_1024 = vector.shape_cast %reduce_sum3A_1023 : vector<256xi32> to vector<256x1xi32>
    %broadcast_in_dim3A_1025 = vector.shape_cast %broadcast_in_dim3A_1024 : vector<256x1xi32> to vector<256x1xi32>
    %broadcast_in_dim3A_1026 = vector.broadcast %broadcast_in_dim3A_1025 : vector<256x1xi32> to vector<256x256xi32>
    %eq3A_1027 = vector.broadcast %iota3A_130 : vector<1x256xi32> to vector<256x256xi32>
    %eq3A_1028 = arith.cmpi eq, %broadcast_in_dim3A_1026, %eq3A_1027 : vector<256x256xi32>
    %convert_element_type3A_1029 = arith.extui %eq3A_1028 : vector<256x256xi1> to vector<256x256xi32>
    %convert_element_type3A_1030 = arith.sitofp %convert_element_type3A_1029 : vector<256x256xi32> to vector<256x256xf32>
    %dot_general3A_1031 = arith.constant dense<0.000000e+00> : vector<1x256xf32>
    %dot_general3A_1032 = tpu.matmul %broadcast_in_dim3A_1005, %convert_element_type3A_1030, %dot_general3A_1031 {dimension_numbers = #tpu.dot_dimension_numbers<[0], [0], [1], [1], [0, 1, 1, 1], [], []>, precision = #tpu.contract_precision<fp32>, transpose_lhs_hint = false} : vector<256x1xf32>, vector<256x256xf32>, vector<1x256xf32> -> vector<1x256xf32>
    %convert_element_type3A_1033 = arith.fptosi %dot_general3A_1032 : vector<1x256xf32> to vector<1x256xi32>
    %slice3A_1034 = vector.extract_strided_slice %convert_element_type3A_1033 {offsets = [0, 0], sizes = [1, 128], strides = [1, 1]} : vector<1x256xi32> to vector<1x128xi32>
    %swap3A_1035 = arith.constant 22 : index
    %swap3A_1036 = arith.constant 0 : index
    %swap3A_1037 = vector.load %arg1[%swap3A_1035, %swap3A_1036] : memref<32x128xi32, #tpu.memory_space<vmem>>, vector<1x128xi32>
    tpu.vector_store %arg1[%swap3A_1035, %swap3A_1036], %slice3A_1034 {strides = array<i32>} : memref<32x128xi32, #tpu.memory_space<vmem>>, vector<1x128xi32>,
    %slice3A_1038 = vector.extract_strided_slice %convert_element_type3A_1033 {offsets = [0, 128], sizes = [1, 128], strides = [1, 1]} : vector<1x256xi32> to vector<1x128xi32>
    %swap3A_1039 = arith.constant 30 : index
    %swap3A_1040 = arith.constant 0 : index
    %swap3A_1041 = vector.load %arg1[%swap3A_1039, %swap3A_1040] : memref<32x128xi32, #tpu.memory_space<vmem>>, vector<1x128xi32>
    tpu.vector_store %arg1[%swap3A_1039, %swap3A_1040], %slice3A_1038 {strides = array<i32>} : memref<32x128xi32, #tpu.memory_space<vmem>>, vector<1x128xi32>,
    %slice3A_1042 = vector.extract_strided_slice %sub3A_122 {offsets = [15, 0], sizes = [1, 1024], strides = [1, 1]} : vector<16x1024xi32> to vector<1x1024xi32>
    %slice3A_1043 = vector.extract_strided_slice %or3A {offsets = [15, 0], sizes = [1, 1024], strides = [1, 1]} : vector<16x1024xi1> to vector<1x1024xi1>
    %slice3A_1044 = vector.extract_strided_slice %get3A_1 {offsets = [15, 0], sizes = [1, 1024], strides = [1, 1]} : vector<16x1024xf32> to vector<1x1024xf32>
    %broadcast_in_dim3A_1045 = vector.shape_cast %slice3A_1042 : vector<1x1024xi32> to vector<1x1024xi32>
    %broadcast_in_dim3A_1046 = vector.broadcast %broadcast_in_dim3A_1045 : vector<1x1024xi32> to vector<256x1024xi32>
    %eq3A_1047 = arith.cmpi eq, %broadcast_in_dim3A_1046, %iota3A : vector<256x1024xi32>
    %broadcast_in_dim3A_1048 = vector.shape_cast %slice3A_1043 : vector<1x1024xi1> to vector<1x1024xi1>
    %broadcast_in_dim3A_1049 = vector.broadcast %broadcast_in_dim3A_1048 : vector<1x1024xi1> to vector<256x1024xi1>
    %and3A_1050 = arith.andi %eq3A_1047, %broadcast_in_dim3A_1049 : vector<256x1024xi1>
    %broadcast_in_dim3A_1051 = vector.shape_cast %slice3A_1044 : vector<1x1024xf32> to vector<1x1024xf32>
    %broadcast_in_dim3A_1052 = vector.broadcast %broadcast_in_dim3A_1051 : vector<1x1024xf32> to vector<256x1024xf32>
    %jit3A_1053 = arith.constant 0.000000e+00 : f32
    %broadcast_in_dim3A_1054 = vector.broadcast %jit3A_1053 : f32 to vector<256x1024xf32>
    %select_n3A_1055 = arith.select %and3A_1050, %broadcast_in_dim3A_1052, %broadcast_in_dim3A_1054 : vector<256x1024xi1>, vector<256x1024xf32>
    %reduce_sum3A_1056 = arith.constant dense<0.000000e+00> : vector<256xf32>
    %reduce_sum3A_1057 = vector.multi_reduction <add>, %select_n3A_1055, %reduce_sum3A_1056 [1] : vector<256x1024xf32> to vector<256xf32>
    %broadcast_in_dim3A_1058 = vector.shape_cast %reduce_sum3A_1057 : vector<256xf32> to vector<256x1xf32>
    %broadcast_in_dim3A_1059 = vector.shape_cast %convert_element_type3A_124 : vector<1x1024xf32> to vector<1x1024xf32>
    %broadcast_in_dim3A_1060 = vector.broadcast %broadcast_in_dim3A_1059 : vector<1x1024xf32> to vector<256x1024xf32>
    %jit3A_1061 = arith.constant 0.000000e+00 : f32
    %broadcast_in_dim3A_1062 = vector.broadcast %jit3A_1061 : f32 to vector<256x1024xf32>
    %select_n3A_1063 = arith.select %and3A_1050, %broadcast_in_dim3A_1060, %broadcast_in_dim3A_1062 : vector<256x1024xi1>, vector<256x1024xf32>
    %reduce_sum3A_1064 = arith.constant dense<0.000000e+00> : vector<256xf32>
    %reduce_sum3A_1065 = vector.multi_reduction <add>, %select_n3A_1063, %reduce_sum3A_1064 [1] : vector<256x1024xf32> to vector<256xf32>
    %broadcast_in_dim3A_1066 = vector.shape_cast %reduce_sum3A_1065 : vector<256xf32> to vector<256x1xf32>
    %dot_general3A_1067 = arith.constant dense<0.000000e+00> : vector<1x256xf32>
    %dot_general3A_1068 = tpu.matmul %broadcast_in_dim3A_1058, %convert_element_type3A_129, %dot_general3A_1067 {dimension_numbers = #tpu.dot_dimension_numbers<[0], [0], [1], [1], [0, 1, 1, 1], [], []>, precision = #tpu.contract_precision<fp32>, transpose_lhs_hint = false} : vector<256x1xf32>, vector<256x256xf32>, vector<1x256xf32> -> vector<1x256xf32>
    %dot_general3A_1069 = arith.constant dense<0.000000e+00> : vector<1x256xf32>
    %dot_general3A_1070 = tpu.matmul %broadcast_in_dim3A_1066, %convert_element_type3A_129, %dot_general3A_1069 {dimension_numbers = #tpu.dot_dimension_numbers<[0], [0], [1], [1], [0, 1, 1, 1], [], []>, precision = #tpu.contract_precision<fp32>, transpose_lhs_hint = false} : vector<256x1xf32>, vector<256x256xf32>, vector<1x256xf32> -> vector<1x256xf32>
    %gt3A_1071 = vector.broadcast %dot_general3A_1068 : vector<1x256xf32> to vector<256x256xf32>
    %gt3A_1072 = vector.broadcast %broadcast_in_dim3A_1058 : vector<256x1xf32> to vector<256x256xf32>
    %gt3A_1073 = arith.cmpf ogt, %gt3A_1071, %gt3A_1072 : vector<256x256xf32>
    %eq3A_1074 = vector.broadcast %dot_general3A_1068 : vector<1x256xf32> to vector<256x256xf32>
    %eq3A_1075 = vector.broadcast %broadcast_in_dim3A_1058 : vector<256x1xf32> to vector<256x256xf32>
    %eq3A_1076 = arith.cmpf oeq, %eq3A_1074, %eq3A_1075 : vector<256x256xf32>
    %lt3A_1077 = vector.broadcast %dot_general3A_1070 : vector<1x256xf32> to vector<256x256xf32>
    %lt3A_1078 = vector.broadcast %broadcast_in_dim3A_1066 : vector<256x1xf32> to vector<256x256xf32>
    %lt3A_1079 = arith.cmpf olt, %lt3A_1077, %lt3A_1078 : vector<256x256xf32>
    %and3A_1080 = arith.andi %eq3A_1076, %lt3A_1079 : vector<256x256xi1>
    %or3A_1081 = arith.ori %gt3A_1073, %and3A_1080 : vector<256x256xi1>
    %convert_element_type3A_1082 = arith.extui %or3A_1081 : vector<256x256xi1> to vector<256x256xi32>
    %reduce_sum3A_1083 = arith.constant dense<0> : vector<256xi32>
    %reduce_sum3A_1084 = vector.multi_reduction <add>, %convert_element_type3A_1082, %reduce_sum3A_1083 [1] : vector<256x256xi32> to vector<256xi32>
    %broadcast_in_dim3A_1085 = vector.shape_cast %reduce_sum3A_1084 : vector<256xi32> to vector<256x1xi32>
    %broadcast_in_dim3A_1086 = vector.shape_cast %broadcast_in_dim3A_1085 : vector<256x1xi32> to vector<256x1xi32>
    %broadcast_in_dim3A_1087 = vector.broadcast %broadcast_in_dim3A_1086 : vector<256x1xi32> to vector<256x256xi32>
    %eq3A_1088 = vector.broadcast %iota3A_130 : vector<1x256xi32> to vector<256x256xi32>
    %eq3A_1089 = arith.cmpi eq, %broadcast_in_dim3A_1087, %eq3A_1088 : vector<256x256xi32>
    %convert_element_type3A_1090 = arith.extui %eq3A_1089 : vector<256x256xi1> to vector<256x256xi32>
    %convert_element_type3A_1091 = arith.sitofp %convert_element_type3A_1090 : vector<256x256xi32> to vector<256x256xf32>
    %dot_general3A_1092 = arith.constant dense<0.000000e+00> : vector<1x256xf32>
    %dot_general3A_1093 = tpu.matmul %broadcast_in_dim3A_1066, %convert_element_type3A_1091, %dot_general3A_1092 {dimension_numbers = #tpu.dot_dimension_numbers<[0], [0], [1], [1], [0, 1, 1, 1], [], []>, precision = #tpu.contract_precision<fp32>, transpose_lhs_hint = false} : vector<256x1xf32>, vector<256x256xf32>, vector<1x256xf32> -> vector<1x256xf32>
    %convert_element_type3A_1094 = arith.fptosi %dot_general3A_1093 : vector<1x256xf32> to vector<1x256xi32>
    %slice3A_1095 = vector.extract_strided_slice %convert_element_type3A_1094 {offsets = [0, 0], sizes = [1, 128], strides = [1, 1]} : vector<1x256xi32> to vector<1x128xi32>
    %swap3A_1096 = arith.constant 23 : index
    %swap3A_1097 = arith.constant 0 : index
    %swap3A_1098 = vector.load %arg1[%swap3A_1096, %swap3A_1097] : memref<32x128xi32, #tpu.memory_space<vmem>>, vector<1x128xi32>
    tpu.vector_store %arg1[%swap3A_1096, %swap3A_1097], %slice3A_1095 {strides = array<i32>} : memref<32x128xi32, #tpu.memory_space<vmem>>, vector<1x128xi32>,
    %slice3A_1099 = vector.extract_strided_slice %convert_element_type3A_1094 {offsets = [0, 128], sizes = [1, 128], strides = [1, 1]} : vector<1x256xi32> to vector<1x128xi32>
    %swap3A_1100 = arith.constant 31 : index
    %swap3A_1101 = arith.constant 0 : index
    %swap3A_1102 = vector.load %arg1[%swap3A_1100, %swap3A_1101] : memref<32x128xi32, #tpu.memory_space<vmem>>, vector<1x128xi32>
    tpu.vector_store %arg1[%swap3A_1100, %swap3A_1101], %slice3A_1099 {strides = array<i32>} : memref<32x128xi32, #tpu.memory_space<vmem>>, vector<1x128xi32>,
    return
  }
}

</mosaic_0001>

<sc_bundles>
// kernel: kernel.5.cloned.1.call-start
scs
__scs_entry_jumppad:
0x0: {  	(pc) =	sbr.rel $0x88, $3  }
0x1: {  	(tag) =	ssettag $0x0;
	lr =	simm.s32 $0x1  }
0x2: {  	[smem:$0x3F9C] =	sst lr;
	_ =	strace $0xD0000000  }
0x3: {  	_ = 	snop  }
0x4: {  	_ = 	snop  }
0x5: {  	_ = 	snop  }
0x6: {  	_ = 	snop  }
0x7: {  	_ = 	snop  }
__scs_overlays_trampoline_lowered:
0x8: {  	[smem:$0x3FAB] =	sst s0  }
0x9: {  	[smem:$0x3FAC] =	sst s1  }
0xa: {  	[smem:$0x3FAD] =	sst s2  }
0xb: {  	[smem:$0x3FAE] =	sst s3  }
0xc: {  	[smem:$0x3FAF] =	sst s4  }
0xd: {  	[smem:$0x3FB0] =	sst s5  }
0xe: {  	[smem:$0x3FB1] =	sst s6  }
0xf: {  	[smem:$0x3FB2] =	sst s7  }
0x10: {  	[smem:$0x3FB3] =	sst s8  }
0x11: {  	[smem:$0x3FB4] =	sst s9;
	s0 =	simm.s32 @!p0 $0x0  }
0x12: {  	s1 =	sld [smem:$0x3F9A];
	s0 =	simm.s32 @p0 $0x1  }
0x13: {  	[smem:$0x3FB5] =	sst s0;
	s0 =	simm.s32 @!p1 $0x0  }
0x14: {  	s2 =	sld [smem:$0x3F99];
	s0 =	simm.s32 @p1 $0x1  }
0x15: {  	[smem:$0x3FB6] =	sst s0;
	s0 =	simm.s32 @!p2 $0x0  }
0x16: {  	s3 =	sld [smem:$0x3FDB];
	s0 =	simm.s32 @p2 $0x1  }
0x17: {  	s4 =	simm.s32 $0x1BF5;
	[smem:$0x3FB8] =	sst s0  }
0x18: {  	s0 =	sld [smem:$0x3F9B];
	_ =	swait.ge [sflag:s4], $0x0  }
0x19: {  	s7 =	sld [smem:$0x3F9C]  }
0x1a: {  	s8 =	sadd.s32 $0xFFFFE003, lr  }
0x1b: {  	s9 =	sadd.s32 $0xFFFFFEF7, lr;
	s5 =	simm.s32 $0xFFFFFFFF;
	p2 =	slt.u32 s8, $0xFFFFF086  }
0x1c: {  	p1 =	slt.u32 s9, $0xF7A;
	s5 =	simm.s32 @!p2 $0x0  }
0x1d: {  	s5 =	simm.s32 @p1 $0x1;
	p0 =	seq.s32 s7, s2  }
0x1e: {  	s7 =	smul.u32 @!p0 $0xF7A, s2;
	p2 =	seq.s32 @!p0 s5, $0x0  }
0x1f: {  	s9 =	smul.u32 $0xF7A, s1;
	s8 =	simm.s32 @!p0 $0x1BF5;
	p2 =	por !p2, p0  }
0x20: {  	[sflag:s8] =	ssyncset.s32 @!p0 $0xFFFFF086;
	s6 =	sadd.s32 @!p0 s3, s7;
	s7 =	simm.s32 @!p0 $0x108  }
0x21: {  	s3 =	sadd.s32 s3, s9;
	s6 =	sadd.s32 @!p0 $0x88, s6;
	s7 =	simm.s32 @p2 $0x1082  }
0x22: {  	[simem:s7], [sflag:s8] =	dma.local @!p0 [hbm:s6], $0xF7A  }
0x23: {  	s9 =	sor.u32 $0xD0000000, s2;
	s6 =	simm.s32 $0x108;
	_ =	swait.ge @!p0 [sflag:s8], $0x0  }
0x24: {  	s3 =	sadd.s32 $0x88, s3;
	s6 =	simm.s32 @!p1 $0x1082;
	[sflag:s4] =	ssyncset.s32 $0xFFFFF086  }
0x25: {  	[simem:s6], [sflag:s4] =	dma.local [hbm:s3], $0xF7A  }
0x26: {  	[smem:$0x3F9C] =	sst s1;
	(tag) =	ssettag s2;
	_ =	strace s9  }
0x27: {  	s1 =	sld [smem:$0x3FAC]  }
0x28: {  	s2 =	sld [smem:$0x3FAD]  }
0x29: {  	s4 =	sld [smem:$0x3FAF]  }
0x2a: {  	p0 =	seq.s32 s5, $0x0;
	s5 =	sld [smem:$0x3FB0]  }
0x2b: {  	s6 =	sld [smem:$0x3FB1]  }
0x2c: {  	s7 =	sld [smem:$0x3FB2]  }
0x2d: {  	s3 =	simm.s32 $0x108;
	s8 =	sld [smem:$0x3FB3]  }
0x2e: {  	s3 =	simm.s32 @!p0 $0x1082;
	s9 =	sld [smem:$0x3FB4]  }
0x2f: {  	lr =	sadd.s32 s0, s3;
	s0 =	sld [smem:$0x3FAB]  }
0x30: {  	s3 =	sld [smem:$0x3FAE]  }
0x31: {  	[smem:$0x3FB7] =	sst s10  }
0x32: {  	s10 =	sld [smem:$0x3FB5];
	_ =	sdelay $0x3  }
0x33: {  	p0 =	seq.s32 s10, $0x1;
	s10 =	sld [smem:$0x3FB7];
	_ =	sdelay $0x3  }
0x34: {  	[smem:$0x3FB7] =	sst s10  }
0x35: {  	s10 =	sld [smem:$0x3FB6];
	_ =	sdelay $0x3  }
0x36: {  	p1 =	seq.s32 s10, $0x1;
	s10 =	sld [smem:$0x3FB7];
	_ =	sdelay $0x3  }
0x37: {  	[smem:$0x3FB7] =	sst s10  }
0x38: {  	s10 =	sld [smem:$0x3FB8]  }
0x39: {  	_ = 	snop;
	(pc) =	sbr.ind lr, $3  }
0x3a: {  	_ = 	snop  }
0x3b: {  	_ = 	snop  }
0x3c: {  	p2 =	seq.s32 s10, $0x1;
	s10 =	sld [smem:$0x3FB7]  }
0x3d: {  	_ =	shalt  }
0x3e: {  	_ =	shalt  }
0x3f: {  	_ =	shalt  }
0x40: {  	_ =	shalt  }
0x41: {  	_ =	shalt  }
0x42: {  	_ =	shalt  }
0x43: {  	_ =	shalt  }
0x44: {  	_ =	shalt  }
0x45: {  	_ =	shalt  }
0x46: {  	_ =	shalt  }
0x47: {  	_ =	shalt  }
0x48: {  	_ =	shalt  }
0x49: {  	_ =	shalt  }
0x4a: {  	_ =	shalt  }
0x4b: {  	_ =	shalt  }
0x4c: {  	_ =	shalt  }
0x4d: {  	_ =	shalt  }
0x4e: {  	_ =	shalt  }
0x4f: {  	_ =	shalt  }
0x50: {  	_ =	shalt  }
0x51: {  	_ =	shalt  }
0x52: {  	_ =	shalt  }
0x53: {  	_ =	shalt  }
0x54: {  	_ =	shalt  }
0x55: {  	_ =	shalt  }
0x56: {  	_ =	shalt  }
0x57: {  	_ =	shalt  }
0x58: {  	_ =	shalt  }
0x59: {  	_ =	shalt  }
0x5a: {  	_ =	shalt  }
0x5b: {  	_ =	shalt  }
0x5c: {  	_ =	shalt  }
0x5d: {  	_ =	shalt  }
0x5e: {  	_ =	shalt  }
0x5f: {  	_ =	shalt  }
0x60: {  	_ =	shalt  }
0x61: {  	_ =	shalt  }
0x62: {  	_ =	shalt  }
0x63: {  	_ =	shalt  }
0x64: {  	_ =	shalt  }
0x65: {  	_ =	shalt  }
0x66: {  	_ =	shalt  }
0x67: {  	_ =	shalt  }
0x68: {  	_ =	shalt  }
0x69: {  	_ =	shalt  }
0x6a: {  	_ =	shalt  }
0x6b: {  	_ =	shalt  }
0x6c: {  	_ =	shalt  }
0x6d: {  	_ =	shalt  }
0x6e: {  	_ =	shalt  }
0x6f: {  	_ =	shalt  }
0x70: {  	_ =	shalt  }
0x71: {  	_ =	shalt  }
0x72: {  	_ =	shalt  }
0x73: {  	_ =	shalt  }
0x74: {  	_ =	shalt  }
0x75: {  	_ =	shalt  }
0x76: {  	_ =	shalt  }
0x77: {  	_ =	shalt  }
0x78: {  	_ =	shalt  }
0x79: {  	_ =	shalt  }
0x7a: {  	_ =	shalt  }
0x7b: {  	_ =	shalt  }
0x7c: {  	_ =	shalt  }
0x7d: {  	_ =	shalt  }
0x7e: {  	_ =	shalt  }
0x7f: {  	_ =	shalt  }
0x80: {  	_ =	shalt  }
0x81: {  	_ =	shalt  }
0x82: {  	_ =	shalt  }
0x83: {  	_ =	shalt  }
0x84: {  	_ =	shalt  }
0x85: {  	_ =	shalt  }
0x86: {  	_ =	shalt  }
0x87: {  	_ =	shalt  }
.Lfunc_end0:
.L_simem_size_0:
called_computation_lowered:
.L_overlay_start_0:
0x88: {  	s2 =	sld [smem:$0x3FD9]  }
0x89: {  	s3 =	sld [smem:$0x3FFE];
	_ =	sdelay $0x1  }
0x8a: {  	s1 =	srdreg.scid  }
0x8b: {  	s0 =	sand.u32 $0x1, s1  }
0x8c: {  	s17 =	sshll.u32 s0, $0xA;
	s2 =	sadd.s32 s3, s2  }
0x8d: {  	s2 =	sadd.s32 s2, s17  }
0x8e: {  	[smem:$0x3FC3] =	sst s2  }
0x8f: {  	_ = 	snop  }
0x90: {  	s2 =	sld [smem:$0x3FD0];
	(tm) =	ssettm $0x1  }
0x91: {  	s18 =	sld [smem:$0x3FFB];
	_ =	sdelay $0x3  }
0x92: {  	_ =	strace s18  }
0x93: {  	s3 =	sld [smem:$0x3FFC];
	_ =	sdelay $0x3  }
0x94: {  	_ =	strace s3  }
0x95: {  	s3 =	sld [smem:$0x3FFD];
	_ =	sdelay $0x3  }
0x96: {  	_ =	strace s3  }
0x97: {  	_ =	strace $0x8FFFFFFF  }
0x98: {  	s19 =	sld [smem:$0x3FDB];
	_ =	sdelay $0x1  }
0x99: {  	s4 =	simm.s32 $_scs_section_size  }
0x9a: {  	s5 =	simm.s32 $_size__tile_overlayer_lowered;
	s6 =	simm.s32 $_tile_overlayer_lowered  }
0x9b: {  	s22 =	simm.s32 $0x1BFF;
	s21 =	sshll.u32 s6, $0x1;
	s3 =	sadd.s32 s4, s19  }
0x9c: {  	s7 =	simm.s32 $0x0;
	s20 =	sshll.u32 s5, $0x1;
	s5 =	sadd.s32 s21, s3  }
0x9d: {  	[timem:s7], [sflag:s22] =	dma.local [hbm:s5], s20  }
0x9e: {  	_ =	swait.ge [sflag:s22], s20  }
0x9f: {  	s4 =	ssub.s32 $0x0, s20;
	[sflag:s22] =	ssyncset.done $0x0  }
0xa0: {  	[sflag:s22] =	ssyncadd.s32 s4;
	_ =	sdelay $0x1  }
0xa1: {  	s23 =	simm.s32 $0x1B8B  }
0xa2: {  	_ =	swait.ge [sflag:s23], $0x1  }
0xa3: {  	[sflag:s23] =	ssyncset.done $0x0  }
0xa4: {  	s25 =	simm.s32 $0x1B8E;
	s24 =	sld [smem:$0x3FFE];
	[sflag:s23] =	ssyncadd.s32 $0xFFFFFFFF  }
0xa5: {  	s26 =	simm.s32 $execute0_lowered;
	[smem:$0x3FD2] =	sst s25  }
0xa6: {  	s5 =	sshll.u32 s26, $0x1;
	_ =	strace $0x80000046;
	[dreg:$0x1] =	wrdreg $0xFFFFFFFF  }
0xa7: {  	s28 =	simm.s32 $_size_execute0_lowered;
	s3 =	sadd.s32 s3, s5;
	[dreg:$0x0] =	wrdreg $0x0  }
0xa8: {  	s5 =	sshll.u32 s28, $0x1;
	[dreg:$0x2] =	wrdreg s3  }
0xa9: {  	[dreg:$0x3] =	wrdreg s5  }
0xaa: {  	[dreg:$0x4] =	wrdreg $0xC0  }
0xab: {  	_ =	task [dreg:s7], $0x5FFFF  }
0xac: {  	[dreg:$0x1] =	wrdreg $0xFFFFFFFF  }
0xad: {  	[dreg:$0x0] =	wrdreg $0x60  }
0xae: {  	[dreg:$0x2] =	wrdreg s24  }
0xaf: {  	[dreg:$0x3] =	wrdreg s2  }
0xb0: {  	[dreg:$0x4] =	wrdreg $0x9  }
0xb1: {  	_ =	task.clear_ibuf [dreg:s7], $0x5FFFF;
	_ =	strace $0x90000046  }
0xb2: {  	s29 =	simm.s32 $0x9;
	_ =	strace $0x80000048  }
0xb3: {  	_ =	swait.ge [sflag:s29], $0x1  }
0xb4: {  	[sflag:s29] =	ssyncadd.s32 $0xFFFFFFFF  }
0xb5: {  	_ =	strace $0x90000048  }
0xb6: {  	_ =	sfence  }
0xb7: {  	s30 =	sld [smem:$0x0];
	_ =	sdelay $0x2  }
0xb8: {  	s31 =	sshll.u32 s1, $0xD;
	s1 =	sshrl.u32 s1, $0x2  }
0xb9: {  	s3 =	sand.u32 $0x4000, s31;
	s1 =	sadd.s32 s1, s30  }
0xba: {  	s0 =	sor.u32 s3, s0;
	s1 =	sshll.u32 s1, $0x11  }
0xbb: {  	s0 =	sor.u32 s1, s0  }
0xbc: {  	s0 =	sadd.s32 $0x8F2B, s0  }
0xbd: {  	[sflag:s0] =	ssyncadd.remote.s32 $0x1  }
0xbe: {  	_ =	sfence.sel $0xFFFF  }
0xbf: {  	[dreg:$0x0] =	wrdreg $0xFFFFFFFF;
	(pc) =	sbr.abs _section_cstart, $3  }
0xc0: {  	[dreg:$0x1] =	wrdreg $0xFFFFFFFF  }
0xc1: {  	_ =	task.clear_ibuf [dreg:s7], $0x2FFFF;
	_ =	strace $0x9FFFFFFF  }
0xc2: {  	(tm) =	ssettm $0x7FFFFFFF  }
0xc3: {  	_ =	shalt  }
tec
execute0_lowered:
.L_overlay_start_1:
0x0: {  	(tag) =	ssettag $0x1  }
0x1: {  	s0 =	srdreg.scid  }
0x2: {  	s2 =	stileid.u32;
	s5 =	rddreg [dreg:$0x0];
	s9 =	simm.s32 $0xC0  }
0x3: {  	s10 =	simm.s32 $0x1;
	s15 =	simm.s32 $0x5;
	s0 =	sand.u32 $0x1, s0  }
0x4: {  	s16 =	simm.s32 $0x1100;
	s17 =	simm.s32 $0x9100;
	s1 =	sor.u32 s0, s2  }
0x5: {  	s18 =	simm.s32 $0x11100;
	p0 =	seq.s32 s0, $0x1;
	p1 =	seq.s32 s1, $0x0  }
0x6: {  	s19 =	simm.s32 $0x2;
	s21 =	simm.s32 $0x13100;
	p1 =	por !p1, !p0  }
0x7: {  	s28 =	simm.s32 $0x4;
	s1 =	simm.s32 $0x1;
	p1 =	por !p1, !p1  }
0x8: {  	s29 =	simm.s32 $0x0;
	s0 =	ssub.s32 $0x2, s0;
	s1 =	simm.s32 @!p1 $0x0  }
0x9: {  	s13 =	sadd.s32 $0xC00, s5;
	s22 =	sshrl.u32 s0, $0x1;
	s1 =	ssub.s32 s2, s1  }
0xa: {  	s9 =	simm.s32 @!p0 $0x0;
	s0 =	ssub.s32 s0, s22;
	s2 =	sand.u32 $0xE0, s1  }
0xb: {  	s14 =	smax.u32 s0, $0x1;
	s8 =	smul.u32 $0x18000, s1;
	s3 =	sshrl.u32 s2, $0x5  }
0xc: {  	p6 =	slt.s32 s1, $0x1;
	s6 =	sadd.s32 s3, s1;
	s3 =	simm.s32 $0x0  }
0xd: {  	s8 =	sshrl.u32 s8, $0x3;
	s4 =	sand.u32 $0xFFFFFFF8, s6;
	[smem:$0x7FF] =	sst s3  }
0xe: {  	s8 =	sadd.s32 s8, s5;
	s6 =	sshrl.u32 s6, $0x3;
	s7 =	ssub.s32 s1, s4  }
0xf: {  	_ =	strace $0x80000047;
	s4 =	simm.s32 $0x1;
	s1 =	smul.u32 $0x180, s1  }
0x10: {  	s8 =	sadd.s32 $0xC0C00, s8;
	p2 =	sne.s32 s7, $0x0;
	s24 =	sshll.u32 s7, $0x7  }
0x11: {  	p1 =	por !p6, !p2;
	s1 =	sadd.s32 s9, s1;
	s9 =	sshll.u32 s9, $0x5  }
0x12: {  	p1 =	por !p1, !p1;
	s25 =	sshll.u32 s1, $0x7;
	s1 =	sshll.u32 s1, $0xA  }
0x13: {  	s20 =	sor.u32 $0x400, s9;
	s22 =	sadd.s32 $0x800, s9;
	s31 =	sadd.s32 $0x1000, s9  }
0x14: {  	s10 =	simm.s32 @!p1 $0x0;
	s26 =	sand.u32 $0x1FFFE000, s25;
	s30 =	sadd.s32 $0x10000, s1  }
0x15: {  	s11 =	sadd.s32 $0x18000, s1;
	s12 =	sadd.s32 $0x20000, s1;
	s1 =	sadd.s32 $0x28000, s1  }
0x16: {  	s20 =	sadd.s32 s20, s8;
	s22 =	sadd.s32 s22, s8;
	s23 =	ssub.s32 s6, s10  }
0x17: {  	s6 =	sand.u32 $0x380, s24;
	s10 =	sadd.s32 s26, s13;
	s11 =	sshrl.u32 s11, $0x3  }
0x18: {  	s12 =	sshrl.u32 s12, $0x3;
	s1 =	sshrl.u32 s1, $0x3;
	s24 =	sadd.s32 s31, s8  }
0x19: {  	s26 =	simm.s32 $0x3;
	s5 =	sshll.u32 s23, $0xD;
	s7 =	sadd.s32 $0x1000, s10  }
0x1a: {  	s10 =	sshrl.u32 s30, $0x3;
	s11 =	sadd.s32 s13, s11;
	s12 =	sadd.s32 s13, s12  }
0x1b: {  	s23 =	sadd.s32 $0xC00, s9;
	s5 =	sshra.s32 s5, $0x2;
	s10 =	sadd.s32 s13, s10  }
0x1c: {  	s5 =	sor.u32 s6, s5;
	s6 =	sadd.s32 s13, s25;
	s25 =	sadd.s32 $0x1400, s9  }
0x1d: {  	s23 =	sadd.s32 s23, s8;
	s13 =	sadd.s32 s13, s1;
	s25 =	sadd.s32 s25, s8  }
.LBB2_1:
0x1e: {  	s0 =	rddreg [dreg:$0x1]  }
0x1f: {  	[tilespmem:s3], [sflag:$0x5] =	stream.linear.gather [hbm4b:s0+s3], $0x1000, $0x38;
	[tilespmem:$0x15100] =	vst v63  }
0x20: {  	_ =	swait.ge [sflag:s15], $0x1000  }
0x21: {  	[sflag:s15] =	ssyncset.done $0x0  }
0x22: {  	[sflag:s15] =	ssyncadd.s32 $0xFFFFF000  }
0x23: {  	v0 =	vld [tilespmem:s5+$0x0];
	_ =	sdelay $0x4  }
0x24: {  	[tilespmem:$0x1000] =	vst v0  }
0x25: {  	v0 =	vld [tilespmem:s5+$0x10];
	_ =	sdelay $0x4  }
0x26: {  	[tilespmem:$0x1010] =	vst v0  }
0x27: {  	v0 =	vld [tilespmem:s5+$0x20];
	_ =	sdelay $0x4  }
0x28: {  	[tilespmem:$0x1020] =	vst v0  }
0x29: {  	v0 =	vld [tilespmem:s5+$0x30];
	_ =	sdelay $0x4  }
0x2a: {  	[tilespmem:$0x1030] =	vst v0  }
0x2b: {  	v0 =	vld [tilespmem:s5+$0x40];
	_ =	sdelay $0x4  }
0x2c: {  	[tilespmem:$0x1040] =	vst v0  }
0x2d: {  	v0 =	vld [tilespmem:s5+$0x50];
	_ =	sdelay $0x4  }
0x2e: {  	[tilespmem:$0x1050] =	vst v0  }
0x2f: {  	v0 =	vld [tilespmem:s5+$0x60];
	_ =	sdelay $0x4  }
0x30: {  	[tilespmem:$0x1060] =	vst v0  }
0x31: {  	v0 =	vld [tilespmem:s5+$0x70];
	_ =	sdelay $0x4  }
0x32: {  	[tilespmem:$0x1070] =	vst v0  }
0x33: {  	v0 =	vld [tilespmem:s5+$0x400];
	_ =	sdelay $0x4  }
0x34: {  	[tilespmem:$0x1080] =	vst v0  }
0x35: {  	v0 =	vld [tilespmem:s5+$0x410];
	_ =	sdelay $0x4  }
0x36: {  	[tilespmem:$0x1090] =	vst v0  }
0x37: {  	v0 =	vld [tilespmem:s5+$0x420];
	_ =	sdelay $0x4  }
0x38: {  	[tilespmem:$0x10A0] =	vst v0  }
0x39: {  	v0 =	vld [tilespmem:s5+$0x430];
	_ =	sdelay $0x4  }
0x3a: {  	[tilespmem:$0x10B0] =	vst v0  }
0x3b: {  	v0 =	vld [tilespmem:s5+$0x440];
	_ =	sdelay $0x4  }
0x3c: {  	[tilespmem:$0x10C0] =	vst v0  }
0x3d: {  	v0 =	vld [tilespmem:s5+$0x450];
	_ =	sdelay $0x4  }
0x3e: {  	[tilespmem:$0x10D0] =	vst v0  }
0x3f: {  	v0 =	vld [tilespmem:s5+$0x460];
	_ =	sdelay $0x4  }
0x40: {  	[tilespmem:$0x10E0] =	vst v0  }
0x41: {  	v0 =	vld [tilespmem:s5+$0x470];
	_ =	sdelay $0x4  }
0x42: {  	[tilespmem:$0x10F0] =	vst v0  }
0x43: {  	[tilespmem:s16], [sflag:$0x1] =	stream.linear.gather [hbm4b:s6+s3], $0x8000, $0x38;
	[tilespmem:$0x15100] =	vst v63  }
0x44: {  	_ = 	snop  }
0x45: {  	[tilespmem:s17], [sflag:$0x2] =	stream.linear.gather [hbm4b:s7+s3], $0x8000, $0x38;
	[tilespmem:$0x15100] =	vst v63  }
0x46: {  	_ =	swait.ge [sflag:s4], $0x8000  }
0x47: {  	s30 =	simm.s32 $0x0;
	[sflag:s4] =	ssyncset.done $0x0  }
0x48: {  	s31 =	simm.s32 $0x0;
	s1 =	simm.s32 $0x0;
	[sflag:s4] =	ssyncadd.s32 $0xFFFF8000  }
.LBB2_2:
0x49: {  	v1 =	vld [tilespmem:$0x1000];
	_ =	sdelay $0x3  }
0x4a: {  	v2 =	vmov s1  }
0x4b: {  	v0 =	vshll.u32 v2, $0xA;
	v3 =	vshll.u32 v1, $0x3  }
0x4c: {  	v0 =	vand.u32 $0x6000, v0;
	v3 =	vand.u32 $0xFFFFFC00, v3  }
0x4d: {  	v47 =	vshll.u32 v2, $0x7;
	v4 =	vand.u32 $0x7F, v1;
	v3 =	vadd.s32 v0, v3  }
0x4e: {  	v1 =	vand.u32 $0x380, v47;
	v48 =	vor.u32 v4, v3  }
0x4f: {  	v2 =	vor.u32 v1, v48;
	_ =	sdelay $0x4  }
0x50: {  	v2 =	vld.idx.msk [tilespmem:v2+s16+$0x0], $0xffff;
	_ =	sdelay $0x2  }
0x51: {  	s0 =	sand.u32 $0x1800, s30;
	s2 =	sand.u32 $0x380, s31  }
0x52: {  	s0 =	sor.u32 s2, s0  }
0x53: {  	[tilespmem:s0+$0x11100] =	vst v2  }
0x54: {  	v2 =	vld [tilespmem:$0x1010];
	_ =	sdelay $0x4  }
0x55: {  	v49 =	vshll.u32 v2, $0x3  }
0x56: {  	v3 =	vand.u32 $0xFFFFFC00, v49  }
0x57: {  	v2 =	vand.u32 $0x7F, v2;
	v3 =	vadd.s32 v0, v3  }
0x58: {  	v2 =	vor.u32 v2, v3  }
0x59: {  	v2 =	vor.u32 v1, v2;
	_ =	sdelay $0x4  }
0x5a: {  	v2 =	vld.idx.msk [tilespmem:v2+s16+$0x0], $0xffff;
	_ =	sdelay $0x3  }
0x5b: {  	s0 =	sadd.s32 $0x11100, s0  }
0x5c: {  	[tilespmem:s0+$0x10] =	vst v2  }
0x5d: {  	v2 =	vld [tilespmem:$0x1020];
	_ =	sdelay $0x4  }
0x5e: {  	v50 =	vshll.u32 v2, $0x3  }
0x5f: {  	v3 =	vand.u32 $0xFFFFFC00, v50  }
0x60: {  	v2 =	vand.u32 $0x7F, v2;
	v3 =	vadd.s32 v0, v3  }
0x61: {  	v2 =	vor.u32 v2, v3  }
0x62: {  	v2 =	vor.u32 v1, v2;
	_ =	sdelay $0x4  }
0x63: {  	v2 =	vld.idx.msk [tilespmem:v2+s16+$0x0], $0xffff;
	_ =	sdelay $0x4  }
0x64: {  	[tilespmem:s0+$0x20] =	vst v2  }
0x65: {  	v2 =	vld [tilespmem:$0x1030];
	_ =	sdelay $0x4  }
0x66: {  	v51 =	vshll.u32 v2, $0x3  }
0x67: {  	v3 =	vand.u32 $0xFFFFFC00, v51  }
0x68: {  	v2 =	vand.u32 $0x7F, v2;
	v3 =	vadd.s32 v0, v3  }
0x69: {  	v2 =	vor.u32 v2, v3  }
0x6a: {  	v2 =	vor.u32 v1, v2;
	_ =	sdelay $0x4  }
0x6b: {  	v2 =	vld.idx.msk [tilespmem:v2+s16+$0x0], $0xffff;
	_ =	sdelay $0x4  }
0x6c: {  	[tilespmem:s0+$0x30] =	vst v2  }
0x6d: {  	v2 =	vld [tilespmem:$0x1040];
	_ =	sdelay $0x4  }
0x6e: {  	v52 =	vshll.u32 v2, $0x3  }
0x6f: {  	v3 =	vand.u32 $0xFFFFFC00, v52  }
0x70: {  	v2 =	vand.u32 $0x7F, v2;
	v3 =	vadd.s32 v0, v3  }
0x71: {  	v2 =	vor.u32 v2, v3  }
0x72: {  	v2 =	vor.u32 v1, v2;
	_ =	sdelay $0x4  }
0x73: {  	v2 =	vld.idx.msk [tilespmem:v2+s16+$0x0], $0xffff;
	_ =	sdelay $0x4  }
0x74: {  	[tilespmem:s0+$0x40] =	vst v2  }
0x75: {  	v2 =	vld [tilespmem:$0x1050];
	_ =	sdelay $0x4  }
0x76: {  	v53 =	vshll.u32 v2, $0x3  }
0x77: {  	v3 =	vand.u32 $0xFFFFFC00, v53  }
0x78: {  	v2 =	vand.u32 $0x7F, v2;
	v3 =	vadd.s32 v0, v3  }
0x79: {  	v2 =	vor.u32 v2, v3  }
0x7a: {  	v2 =	vor.u32 v1, v2;
	_ =	sdelay $0x4  }
0x7b: {  	v2 =	vld.idx.msk [tilespmem:v2+s16+$0x0], $0xffff;
	_ =	sdelay $0x4  }
0x7c: {  	[tilespmem:s0+$0x50] =	vst v2  }
0x7d: {  	v2 =	vld [tilespmem:$0x1060];
	_ =	sdelay $0x4  }
0x7e: {  	v54 =	vshll.u32 v2, $0x3  }
0x7f: {  	v3 =	vand.u32 $0xFFFFFC00, v54  }
0x80: {  	v2 =	vand.u32 $0x7F, v2;
	v3 =	vadd.s32 v0, v3  }
0x81: {  	v2 =	vor.u32 v2, v3  }
0x82: {  	v2 =	vor.u32 v1, v2;
	_ =	sdelay $0x4  }
0x83: {  	v2 =	vld.idx.msk [tilespmem:v2+s16+$0x0], $0xffff;
	_ =	sdelay $0x4  }
0x84: {  	[tilespmem:s0+$0x60] =	vst v2  }
0x85: {  	v2 =	vld [tilespmem:$0x1070];
	_ =	sdelay $0x4  }
0x86: {  	v55 =	vshll.u32 v2, $0x3  }
0x87: {  	v3 =	vand.u32 $0xFFFFFC00, v55  }
0x88: {  	v2 =	vand.u32 $0x7F, v2;
	v3 =	vadd.s32 v0, v3  }
0x89: {  	v2 =	vor.u32 v2, v3  }
0x8a: {  	v2 =	vor.u32 v1, v2;
	_ =	sdelay $0x4  }
0x8b: {  	v2 =	vld.idx.msk [tilespmem:v2+s16+$0x0], $0xffff;
	_ =	sdelay $0x4  }
0x8c: {  	[tilespmem:s0+$0x70] =	vst v2  }
0x8d: {  	v2 =	vld [tilespmem:$0x1080];
	_ =	sdelay $0x4  }
0x8e: {  	v56 =	vshll.u32 v2, $0x3  }
0x8f: {  	v3 =	vand.u32 $0xFFFFFC00, v56  }
0x90: {  	v2 =	vand.u32 $0x7F, v2;
	v3 =	vadd.s32 v0, v3  }
0x91: {  	v2 =	vor.u32 v2, v3  }
0x92: {  	v2 =	vor.u32 v1, v2;
	_ =	sdelay $0x4  }
0x93: {  	v2 =	vld.idx.msk [tilespmem:v2+s16+$0x0], $0xffff;
	_ =	sdelay $0x4  }
0x94: {  	[tilespmem:s0+$0x400] =	vst v2  }
0x95: {  	v2 =	vld [tilespmem:$0x1090];
	_ =	sdelay $0x4  }
0x96: {  	v57 =	vshll.u32 v2, $0x3  }
0x97: {  	v3 =	vand.u32 $0xFFFFFC00, v57  }
0x98: {  	v2 =	vand.u32 $0x7F, v2;
	v3 =	vadd.s32 v0, v3  }
0x99: {  	v2 =	vor.u32 v2, v3  }
0x9a: {  	v2 =	vor.u32 v1, v2;
	_ =	sdelay $0x4  }
0x9b: {  	v2 =	vld.idx.msk [tilespmem:v2+s16+$0x0], $0xffff;
	_ =	sdelay $0x4  }
0x9c: {  	[tilespmem:s0+$0x410] =	vst v2  }
0x9d: {  	v2 =	vld [tilespmem:$0x10A0];
	_ =	sdelay $0x4  }
0x9e: {  	v58 =	vshll.u32 v2, $0x3  }
0x9f: {  	v3 =	vand.u32 $0xFFFFFC00, v58  }
0xa0: {  	v2 =	vand.u32 $0x7F, v2;
	v3 =	vadd.s32 v0, v3  }
0xa1: {  	v2 =	vor.u32 v2, v3  }
0xa2: {  	v2 =	vor.u32 v1, v2;
	_ =	sdelay $0x4  }
0xa3: {  	v2 =	vld.idx.msk [tilespmem:v2+s16+$0x0], $0xffff;
	_ =	sdelay $0x4  }
0xa4: {  	[tilespmem:s0+$0x420] =	vst v2  }
0xa5: {  	v2 =	vld [tilespmem:$0x10B0];
	_ =	sdelay $0x4  }
0xa6: {  	v59 =	vshll.u32 v2, $0x3  }
0xa7: {  	v3 =	vand.u32 $0xFFFFFC00, v59  }
0xa8: {  	v2 =	vand.u32 $0x7F, v2;
	v3 =	vadd.s32 v0, v3  }
0xa9: {  	v2 =	vor.u32 v2, v3  }
0xaa: {  	v2 =	vor.u32 v1, v2;
	_ =	sdelay $0x4  }
0xab: {  	v2 =	vld.idx.msk [tilespmem:v2+s16+$0x0], $0xffff;
	_ =	sdelay $0x4  }
0xac: {  	[tilespmem:s0+$0x430] =	vst v2  }
0xad: {  	v2 =	vld [tilespmem:$0x10C0];
	_ =	sdelay $0x4  }
0xae: {  	v60 =	vshll.u32 v2, $0x3  }
0xaf: {  	v3 =	vand.u32 $0xFFFFFC00, v60  }
0xb0: {  	v2 =	vand.u32 $0x7F, v2;
	v3 =	vadd.s32 v0, v3  }
0xb1: {  	v2 =	vor.u32 v2, v3  }
0xb2: {  	v2 =	vor.u32 v1, v2;
	_ =	sdelay $0x4  }
0xb3: {  	v2 =	vld.idx.msk [tilespmem:v2+s16+$0x0], $0xffff;
	_ =	sdelay $0x4  }
0xb4: {  	[tilespmem:s0+$0x440] =	vst v2  }
0xb5: {  	v2 =	vld [tilespmem:$0x10D0];
	_ =	sdelay $0x4  }
0xb6: {  	v61 =	vshll.u32 v2, $0x3  }
0xb7: {  	v3 =	vand.u32 $0xFFFFFC00, v61  }
0xb8: {  	v2 =	vand.u32 $0x7F, v2;
	v3 =	vadd.s32 v0, v3  }
0xb9: {  	v2 =	vor.u32 v2, v3  }
0xba: {  	v2 =	vor.u32 v1, v2;
	_ =	sdelay $0x4  }
0xbb: {  	v2 =	vld.idx.msk [tilespmem:v2+s16+$0x0], $0xffff;
	_ =	sdelay $0x4  }
0xbc: {  	[tilespmem:s0+$0x450] =	vst v2  }
0xbd: {  	v2 =	vld [tilespmem:$0x10E0];
	_ =	sdelay $0x4  }
0xbe: {  	v62 =	vshll.u32 v2, $0x3  }
0xbf: {  	v3 =	vand.u32 $0xFFFFFC00, v62  }
0xc0: {  	v2 =	vand.u32 $0x7F, v2;
	v3 =	vadd.s32 v0, v3  }
0xc1: {  	v2 =	vor.u32 v2, v3  }
0xc2: {  	v2 =	vor.u32 v1, v2;
	_ =	sdelay $0x4  }
0xc3: {  	v2 =	vld.idx.msk [tilespmem:v2+s16+$0x0], $0xffff;
	_ =	sdelay $0x4  }
0xc4: {  	[tilespmem:s0+$0x460] =	vst v2  }
0xc5: {  	v2 =	vld [tilespmem:$0x10F0];
	_ =	sdelay $0x4  }
0xc6: {  	v63 =	vshll.u32 v2, $0x3  }
0xc7: {  	v3 =	vand.u32 $0xFFFFFC00, v63  }
0xc8: {  	v2 =	vand.u32 $0x7F, v2;
	v0 =	vadd.s32 v0, v3  }
0xc9: {  	v0 =	vor.u32 v2, v0  }
0xca: {  	v0 =	vor.u32 v1, v0;
	_ =	sdelay $0x4  }
0xcb: {  	p0 =	sne.s32 s1, $0x1F;
	v0 =	vld.idx.msk [tilespmem:v0+s16+$0x0], $0xffff  }
.Ltmp0:
0xcc: {  	_ = 	snop;
	(pc) =	sbr.rel @p0 .LBB2_2-.Ltmp0, $2  }
0xcd: {  	_ =	sdelay $0x2  }
0xce: {  	s31 =	sadd.s32 $0x80, s31;
	s30 =	sadd.s32 $0x100, s30;
	s1 =	sadd.s32 $0x1, s1;
	[tilespmem:s0+$0x470] =	vst v0  }
0xcf: {  	s0 =	sadd.s32 s9, s8;
	s30 =	simm.s32 $0x0  }
0xd0: {  	[hbm4b:s0+s30] =	stream.linear.scatter [tilespmem:s18], [sflag:$0x3], $0x2000, $0x38;
	[tilespmem:$0x15100] =	vst v63  }
0xd1: {  	_ = 	snop  }
0xd2: {  	[tilespmem:s16], [sflag:$0x1] =	stream.linear.gather [hbm4b:s10+s30], $0x8000, $0x38;
	[tilespmem:$0x15100] =	vst v63  }
0xd3: {  	_ =	swait.ge [sflag:s19], $0x8000  }
0xd4: {  	[sflag:s19] =	ssyncset.done $0x0  }
0xd5: {  	s31 =	simm.s32 $0x0;
	s1 =	simm.s32 $0x0;
	[sflag:s19] =	ssyncadd.s32 $0xFFFF8000  }
.LBB2_4:
0xd6: {  	v1 =	vld [tilespmem:$0x1000];
	_ =	sdelay $0x3  }
0xd7: {  	v2 =	vmov s1  }
0xd8: {  	v0 =	vshll.u32 v2, $0xA;
	v3 =	vshll.u32 v1, $0x3  }
0xd9: {  	v0 =	vand.u32 $0x6000, v0;
	v3 =	vand.u32 $0xFFFFFC00, v3  }
0xda: {  	v47 =	vshll.u32 v2, $0x7;
	v4 =	vand.u32 $0x7F, v1;
	v3 =	vadd.s32 v0, v3  }
0xdb: {  	v1 =	vand.u32 $0x380, v47;
	v48 =	vor.u32 v4, v3  }
0xdc: {  	v2 =	vor.u32 v1, v48;
	_ =	sdelay $0x4  }
0xdd: {  	v2 =	vld.idx.msk [tilespmem:v2+s17+$0x0], $0xffff;
	_ =	sdelay $0x2  }
0xde: {  	s0 =	sand.u32 $0x1800, s30;
	s2 =	sand.u32 $0x380, s31  }
0xdf: {  	s0 =	sor.u32 s2, s0  }
0xe0: {  	[tilespmem:s0+$0x13100] =	vst v2  }
0xe1: {  	v2 =	vld [tilespmem:$0x1010];
	_ =	sdelay $0x4  }
0xe2: {  	v49 =	vshll.u32 v2, $0x3  }
0xe3: {  	v3 =	vand.u32 $0xFFFFFC00, v49  }
0xe4: {  	v2 =	vand.u32 $0x7F, v2;
	v3 =	vadd.s32 v0, v3  }
0xe5: {  	v2 =	vor.u32 v2, v3  }
0xe6: {  	v2 =	vor.u32 v1, v2;
	_ =	sdelay $0x4  }
0xe7: {  	v2 =	vld.idx.msk [tilespmem:v2+s17+$0x0], $0xffff;
	_ =	sdelay $0x3  }
0xe8: {  	s0 =	sadd.s32 $0x13100, s0  }
0xe9: {  	[tilespmem:s0+$0x10] =	vst v2  }
0xea: {  	v2 =	vld [tilespmem:$0x1020];
	_ =	sdelay $0x4  }
0xeb: {  	v50 =	vshll.u32 v2, $0x3  }
0xec: {  	v3 =	vand.u32 $0xFFFFFC00, v50  }
0xed: {  	v2 =	vand.u32 $0x7F, v2;
	v3 =	vadd.s32 v0, v3  }
0xee: {  	v2 =	vor.u32 v2, v3  }
0xef: {  	v2 =	vor.u32 v1, v2;
	_ =	sdelay $0x4  }
0xf0: {  	v2 =	vld.idx.msk [tilespmem:v2+s17+$0x0], $0xffff;
	_ =	sdelay $0x4  }
0xf1: {  	[tilespmem:s0+$0x20] =	vst v2  }
0xf2: {  	v2 =	vld [tilespmem:$0x1030];
	_ =	sdelay $0x4  }
0xf3: {  	v51 =	vshll.u32 v2, $0x3  }
0xf4: {  	v3 =	vand.u32 $0xFFFFFC00, v51  }
0xf5: {  	v2 =	vand.u32 $0x7F, v2;
	v3 =	vadd.s32 v0, v3  }
0xf6: {  	v2 =	vor.u32 v2, v3  }
0xf7: {  	v2 =	vor.u32 v1, v2;
	_ =	sdelay $0x4  }
0xf8: {  	v2 =	vld.idx.msk [tilespmem:v2+s17+$0x0], $0xffff;
	_ =	sdelay $0x4  }
0xf9: {  	[tilespmem:s0+$0x30] =	vst v2  }
0xfa: {  	v2 =	vld [tilespmem:$0x1040];
	_ =	sdelay $0x4  }
0xfb: {  	v52 =	vshll.u32 v2, $0x3  }
0xfc: {  	v3 =	vand.u32 $0xFFFFFC00, v52  }
0xfd: {  	v2 =	vand.u32 $0x7F, v2;
	v3 =	vadd.s32 v0, v3  }
0xfe: {  	v2 =	vor.u32 v2, v3  }
0xff: {  	v2 =	vor.u32 v1, v2;
	_ =	sdelay $0x4  }
0x100: {  	v2 =	vld.idx.msk [tilespmem:v2+s17+$0x0], $0xffff;
	_ =	sdelay $0x4  }
0x101: {  	[tilespmem:s0+$0x40] =	vst v2  }
0x102: {  	v2 =	vld [tilespmem:$0x1050];
	_ =	sdelay $0x4  }
0x103: {  	v53 =	vshll.u32 v2, $0x3  }
0x104: {  	v3 =	vand.u32 $0xFFFFFC00, v53  }
0x105: {  	v2 =	vand.u32 $0x7F, v2;
	v3 =	vadd.s32 v0, v3  }
0x106: {  	v2 =	vor.u32 v2, v3  }
0x107: {  	v2 =	vor.u32 v1, v2;
	_ =	sdelay $0x4  }
0x108: {  	v2 =	vld.idx.msk [tilespmem:v2+s17+$0x0], $0xffff;
	_ =	sdelay $0x4  }
0x109: {  	[tilespmem:s0+$0x50] =	vst v2  }
0x10a: {  	v2 =	vld [tilespmem:$0x1060];
	_ =	sdelay $0x4  }
0x10b: {  	v54 =	vshll.u32 v2, $0x3  }
0x10c: {  	v3 =	vand.u32 $0xFFFFFC00, v54  }
0x10d: {  	v2 =	vand.u32 $0x7F, v2;
	v3 =	vadd.s32 v0, v3  }
0x10e: {  	v2 =	vor.u32 v2, v3  }
0x10f: {  	v2 =	vor.u32 v1, v2;
	_ =	sdelay $0x4  }
0x110: {  	v2 =	vld.idx.msk [tilespmem:v2+s17+$0x0], $0xffff;
	_ =	sdelay $0x4  }
0x111: {  	[tilespmem:s0+$0x60] =	vst v2  }
0x112: {  	v2 =	vld [tilespmem:$0x1070];
	_ =	sdelay $0x4  }
0x113: {  	v55 =	vshll.u32 v2, $0x3  }
0x114: {  	v3 =	vand.u32 $0xFFFFFC00, v55  }
0x115: {  	v2 =	vand.u32 $0x7F, v2;
	v3 =	vadd.s32 v0, v3  }
0x116: {  	v2 =	vor.u32 v2, v3  }
0x117: {  	v2 =	vor.u32 v1, v2;
	_ =	sdelay $0x4  }
0x118: {  	v2 =	vld.idx.msk [tilespmem:v2+s17+$0x0], $0xffff;
	_ =	sdelay $0x4  }
0x119: {  	[tilespmem:s0+$0x70] =	vst v2  }
0x11a: {  	v2 =	vld [tilespmem:$0x1080];
	_ =	sdelay $0x4  }
0x11b: {  	v56 =	vshll.u32 v2, $0x3  }
0x11c: {  	v3 =	vand.u32 $0xFFFFFC00, v56  }
0x11d: {  	v2 =	vand.u32 $0x7F, v2;
	v3 =	vadd.s32 v0, v3  }
0x11e: {  	v2 =	vor.u32 v2, v3  }
0x11f: {  	v2 =	vor.u32 v1, v2;
	_ =	sdelay $0x4  }
0x120: {  	v2 =	vld.idx.msk [tilespmem:v2+s17+$0x0], $0xffff;
	_ =	sdelay $0x4  }
0x121: {  	[tilespmem:s0+$0x400] =	vst v2  }
0x122: {  	v2 =	vld [tilespmem:$0x1090];
	_ =	sdelay $0x4  }
0x123: {  	v57 =	vshll.u32 v2, $0x3  }
0x124: {  	v3 =	vand.u32 $0xFFFFFC00, v57  }
0x125: {  	v2 =	vand.u32 $0x7F, v2;
	v3 =	vadd.s32 v0, v3  }
0x126: {  	v2 =	vor.u32 v2, v3  }
0x127: {  	v2 =	vor.u32 v1, v2;
	_ =	sdelay $0x4  }
0x128: {  	v2 =	vld.idx.msk [tilespmem:v2+s17+$0x0], $0xffff;
	_ =	sdelay $0x4  }
0x129: {  	[tilespmem:s0+$0x410] =	vst v2  }
0x12a: {  	v2 =	vld [tilespmem:$0x10A0];
	_ =	sdelay $0x4  }
0x12b: {  	v58 =	vshll.u32 v2, $0x3  }
0x12c: {  	v3 =	vand.u32 $0xFFFFFC00, v58  }
0x12d: {  	v2 =	vand.u32 $0x7F, v2;
	v3 =	vadd.s32 v0, v3  }
0x12e: {  	v2 =	vor.u32 v2, v3  }
0x12f: {  	v2 =	vor.u32 v1, v2;
	_ =	sdelay $0x4  }
0x130: {  	v2 =	vld.idx.msk [tilespmem:v2+s17+$0x0], $0xffff;
	_ =	sdelay $0x4  }
0x131: {  	[tilespmem:s0+$0x420] =	vst v2  }
0x132: {  	v2 =	vld [tilespmem:$0x10B0];
	_ =	sdelay $0x4  }
0x133: {  	v59 =	vshll.u32 v2, $0x3  }
0x134: {  	v3 =	vand.u32 $0xFFFFFC00, v59  }
0x135: {  	v2 =	vand.u32 $0x7F, v2;
	v3 =	vadd.s32 v0, v3  }
0x136: {  	v2 =	vor.u32 v2, v3  }
0x137: {  	v2 =	vor.u32 v1, v2;
	_ =	sdelay $0x4  }
0x138: {  	v2 =	vld.idx.msk [tilespmem:v2+s17+$0x0], $0xffff;
	_ =	sdelay $0x4  }
0x139: {  	[tilespmem:s0+$0x430] =	vst v2  }
0x13a: {  	v2 =	vld [tilespmem:$0x10C0];
	_ =	sdelay $0x4  }
0x13b: {  	v60 =	vshll.u32 v2, $0x3  }
0x13c: {  	v3 =	vand.u32 $0xFFFFFC00, v60  }
0x13d: {  	v2 =	vand.u32 $0x7F, v2;
	v3 =	vadd.s32 v0, v3  }
0x13e: {  	v2 =	vor.u32 v2, v3  }
0x13f: {  	v2 =	vor.u32 v1, v2;
	_ =	sdelay $0x4  }
0x140: {  	v2 =	vld.idx.msk [tilespmem:v2+s17+$0x0], $0xffff;
	_ =	sdelay $0x4  }
0x141: {  	[tilespmem:s0+$0x440] =	vst v2  }
0x142: {  	v2 =	vld [tilespmem:$0x10D0];
	_ =	sdelay $0x4  }
0x143: {  	v61 =	vshll.u32 v2, $0x3  }
0x144: {  	v3 =	vand.u32 $0xFFFFFC00, v61  }
0x145: {  	v2 =	vand.u32 $0x7F, v2;
	v3 =	vadd.s32 v0, v3  }
0x146: {  	v2 =	vor.u32 v2, v3  }
0x147: {  	v2 =	vor.u32 v1, v2;
	_ =	sdelay $0x4  }
0x148: {  	v2 =	vld.idx.msk [tilespmem:v2+s17+$0x0], $0xffff;
	_ =	sdelay $0x4  }
0x149: {  	[tilespmem:s0+$0x450] =	vst v2  }
0x14a: {  	v2 =	vld [tilespmem:$0x10E0];
	_ =	sdelay $0x4  }
0x14b: {  	v62 =	vshll.u32 v2, $0x3  }
0x14c: {  	v3 =	vand.u32 $0xFFFFFC00, v62  }
0x14d: {  	v2 =	vand.u32 $0x7F, v2;
	v3 =	vadd.s32 v0, v3  }
0x14e: {  	v2 =	vor.u32 v2, v3  }
0x14f: {  	v2 =	vor.u32 v1, v2;
	_ =	sdelay $0x4  }
0x150: {  	v2 =	vld.idx.msk [tilespmem:v2+s17+$0x0], $0xffff;
	_ =	sdelay $0x4  }
0x151: {  	[tilespmem:s0+$0x460] =	vst v2  }
0x152: {  	v2 =	vld [tilespmem:$0x10F0];
	_ =	sdelay $0x4  }
0x153: {  	v63 =	vshll.u32 v2, $0x3  }
0x154: {  	v3 =	vand.u32 $0xFFFFFC00, v63  }
0x155: {  	v2 =	vand.u32 $0x7F, v2;
	v0 =	vadd.s32 v0, v3  }
0x156: {  	v0 =	vor.u32 v2, v0  }
0x157: {  	v0 =	vor.u32 v1, v0;
	_ =	sdelay $0x4  }
0x158: {  	p0 =	sne.s32 s1, $0x1F;
	v0 =	vld.idx.msk [tilespmem:v0+s17+$0x0], $0xffff  }
.Ltmp1:
0x159: {  	_ = 	snop;
	(pc) =	sbr.rel @p0 .LBB2_4-.Ltmp1, $2  }
0x15a: {  	_ =	sdelay $0x2  }
0x15b: {  	s31 =	sadd.s32 $0x80, s31;
	s30 =	sadd.s32 $0x100, s30;
	s1 =	sadd.s32 $0x1, s1;
	[tilespmem:s0+$0x470] =	vst v0  }
0x15c: {  	s30 =	simm.s32 $0x0  }
0x15d: {  	[hbm4b:s20+s30] =	stream.linear.scatter [tilespmem:s21], [sflag:$0x4], $0x2000, $0x38;
	[tilespmem:$0x15100] =	vst v63  }
0x15e: {  	_ = 	snop  }
0x15f: {  	[tilespmem:s17], [sflag:$0x2] =	stream.linear.gather [hbm4b:s11+s30], $0x8000, $0x38;
	[tilespmem:$0x15100] =	vst v63  }
0x160: {  	_ =	swait.ge [sflag:s4], $0x8000  }
0x161: {  	[sflag:s4] =	ssyncset.done $0x0  }
0x162: {  	[sflag:s4] =	ssyncadd.s32 $0xFFFF8000  }
0x163: {  	_ =	swait.ge [sflag:s26], $0x2000  }
0x164: {  	[sflag:s26] =	ssyncset.done $0x0  }
0x165: {  	s31 =	simm.s32 $0x0;
	s1 =	simm.s32 $0x0;
	[sflag:s26] =	ssyncadd.s32 $0xFFFFE000  }
.LBB2_6:
0x166: {  	v1 =	vld [tilespmem:$0x1000];
	_ =	sdelay $0x3  }
0x167: {  	v2 =	vmov s1  }
0x168: {  	v0 =	vshll.u32 v2, $0xA;
	v3 =	vshll.u32 v1, $0x3  }
0x169: {  	v0 =	vand.u32 $0x6000, v0;
	v3 =	vand.u32 $0xFFFFFC00, v3  }
0x16a: {  	v47 =	vshll.u32 v2, $0x7;
	v4 =	vand.u32 $0x7F, v1;
	v3 =	vadd.s32 v0, v3  }
0x16b: {  	v1 =	vand.u32 $0x380, v47;
	v48 =	vor.u32 v4, v3  }
0x16c: {  	v2 =	vor.u32 v1, v48;
	_ =	sdelay $0x4  }
0x16d: {  	v2 =	vld.idx.msk [tilespmem:v2+s16+$0x0], $0xffff;
	_ =	sdelay $0x2  }
0x16e: {  	s0 =	sand.u32 $0x1800, s30;
	s2 =	sand.u32 $0x380, s31  }
0x16f: {  	s0 =	sor.u32 s2, s0  }
0x170: {  	[tilespmem:s0+$0x11100] =	vst v2  }
0x171: {  	v2 =	vld [tilespmem:$0x1010];
	_ =	sdelay $0x4  }
0x172: {  	v49 =	vshll.u32 v2, $0x3  }
0x173: {  	v3 =	vand.u32 $0xFFFFFC00, v49  }
0x174: {  	v2 =	vand.u32 $0x7F, v2;
	v3 =	vadd.s32 v0, v3  }
0x175: {  	v2 =	vor.u32 v2, v3  }
0x176: {  	v2 =	vor.u32 v1, v2;
	_ =	sdelay $0x4  }
0x177: {  	v2 =	vld.idx.msk [tilespmem:v2+s16+$0x0], $0xffff;
	_ =	sdelay $0x3  }
0x178: {  	s0 =	sadd.s32 $0x11100, s0  }
0x179: {  	[tilespmem:s0+$0x10] =	vst v2  }
0x17a: {  	v2 =	vld [tilespmem:$0x1020];
	_ =	sdelay $0x4  }
0x17b: {  	v50 =	vshll.u32 v2, $0x3  }
0x17c: {  	v3 =	vand.u32 $0xFFFFFC00, v50  }
0x17d: {  	v2 =	vand.u32 $0x7F, v2;
	v3 =	vadd.s32 v0, v3  }
0x17e: {  	v2 =	vor.u32 v2, v3  }
0x17f: {  	v2 =	vor.u32 v1, v2;
	_ =	sdelay $0x4  }
0x180: {  	v2 =	vld.idx.msk [tilespmem:v2+s16+$0x0], $0xffff;
	_ =	sdelay $0x4  }
0x181: {  	[tilespmem:s0+$0x20] =	vst v2  }
0x182: {  	v2 =	vld [tilespmem:$0x1030];
	_ =	sdelay $0x4  }
0x183: {  	v51 =	vshll.u32 v2, $0x3  }
0x184: {  	v3 =	vand.u32 $0xFFFFFC00, v51  }
0x185: {  	v2 =	vand.u32 $0x7F, v2;
	v3 =	vadd.s32 v0, v3  }
0x186: {  	v2 =	vor.u32 v2, v3  }
0x187: {  	v2 =	vor.u32 v1, v2;
	_ =	sdelay $0x4  }
0x188: {  	v2 =	vld.idx.msk [tilespmem:v2+s16+$0x0], $0xffff;
	_ =	sdelay $0x4  }
0x189: {  	[tilespmem:s0+$0x30] =	vst v2  }
0x18a: {  	v2 =	vld [tilespmem:$0x1040];
	_ =	sdelay $0x4  }
0x18b: {  	v52 =	vshll.u32 v2, $0x3  }
0x18c: {  	v3 =	vand.u32 $0xFFFFFC00, v52  }
0x18d: {  	v2 =	vand.u32 $0x7F, v2;
	v3 =	vadd.s32 v0, v3  }
0x18e: {  	v2 =	vor.u32 v2, v3  }
0x18f: {  	v2 =	vor.u32 v1, v2;
	_ =	sdelay $0x4  }
0x190: {  	v2 =	vld.idx.msk [tilespmem:v2+s16+$0x0], $0xffff;
	_ =	sdelay $0x4  }
0x191: {  	[tilespmem:s0+$0x40] =	vst v2  }
0x192: {  	v2 =	vld [tilespmem:$0x1050];
	_ =	sdelay $0x4  }
0x193: {  	v53 =	vshll.u32 v2, $0x3  }
0x194: {  	v3 =	vand.u32 $0xFFFFFC00, v53  }
0x195: {  	v2 =	vand.u32 $0x7F, v2;
	v3 =	vadd.s32 v0, v3  }
0x196: {  	v2 =	vor.u32 v2, v3  }
0x197: {  	v2 =	vor.u32 v1, v2;
	_ =	sdelay $0x4  }
0x198: {  	v2 =	vld.idx.msk [tilespmem:v2+s16+$0x0], $0xffff;
	_ =	sdelay $0x4  }
0x199: {  	[tilespmem:s0+$0x50] =	vst v2  }
0x19a: {  	v2 =	vld [tilespmem:$0x1060];
	_ =	sdelay $0x4  }
0x19b: {  	v54 =	vshll.u32 v2, $0x3  }
0x19c: {  	v3 =	vand.u32 $0xFFFFFC00, v54  }
0x19d: {  	v2 =	vand.u32 $0x7F, v2;
	v3 =	vadd.s32 v0, v3  }
0x19e: {  	v2 =	vor.u32 v2, v3  }
0x19f: {  	v2 =	vor.u32 v1, v2;
	_ =	sdelay $0x4  }
0x1a0: {  	v2 =	vld.idx.msk [tilespmem:v2+s16+$0x0], $0xffff;
	_ =	sdelay $0x4  }
0x1a1: {  	[tilespmem:s0+$0x60] =	vst v2  }
0x1a2: {  	v2 =	vld [tilespmem:$0x1070];
	_ =	sdelay $0x4  }
0x1a3: {  	v55 =	vshll.u32 v2, $0x3  }
0x1a4: {  	v3 =	vand.u32 $0xFFFFFC00, v55  }
0x1a5: {  	v2 =	vand.u32 $0x7F, v2;
	v3 =	vadd.s32 v0, v3  }
0x1a6: {  	v2 =	vor.u32 v2, v3  }
0x1a7: {  	v2 =	vor.u32 v1, v2;
	_ =	sdelay $0x4  }
0x1a8: {  	v2 =	vld.idx.msk [tilespmem:v2+s16+$0x0], $0xffff;
	_ =	sdelay $0x4  }
0x1a9: {  	[tilespmem:s0+$0x70] =	vst v2  }
0x1aa: {  	v2 =	vld [tilespmem:$0x1080];
	_ =	sdelay $0x4  }
0x1ab: {  	v56 =	vshll.u32 v2, $0x3  }
0x1ac: {  	v3 =	vand.u32 $0xFFFFFC00, v56  }
0x1ad: {  	v2 =	vand.u32 $0x7F, v2;
	v3 =	vadd.s32 v0, v3  }
0x1ae: {  	v2 =	vor.u32 v2, v3  }
0x1af: {  	v2 =	vor.u32 v1, v2;
	_ =	sdelay $0x4  }
0x1b0: {  	v2 =	vld.idx.msk [tilespmem:v2+s16+$0x0], $0xffff;
	_ =	sdelay $0x4  }
0x1b1: {  	[tilespmem:s0+$0x400] =	vst v2  }
0x1b2: {  	v2 =	vld [tilespmem:$0x1090];
	_ =	sdelay $0x4  }
0x1b3: {  	v57 =	vshll.u32 v2, $0x3  }
0x1b4: {  	v3 =	vand.u32 $0xFFFFFC00, v57  }
0x1b5: {  	v2 =	vand.u32 $0x7F, v2;
	v3 =	vadd.s32 v0, v3  }
0x1b6: {  	v2 =	vor.u32 v2, v3  }
0x1b7: {  	v2 =	vor.u32 v1, v2;
	_ =	sdelay $0x4  }
0x1b8: {  	v2 =	vld.idx.msk [tilespmem:v2+s16+$0x0], $0xffff;
	_ =	sdelay $0x4  }
0x1b9: {  	[tilespmem:s0+$0x410] =	vst v2  }
0x1ba: {  	v2 =	vld [tilespmem:$0x10A0];
	_ =	sdelay $0x4  }
0x1bb: {  	v58 =	vshll.u32 v2, $0x3  }
0x1bc: {  	v3 =	vand.u32 $0xFFFFFC00, v58  }
0x1bd: {  	v2 =	vand.u32 $0x7F, v2;
	v3 =	vadd.s32 v0, v3  }
0x1be: {  	v2 =	vor.u32 v2, v3  }
0x1bf: {  	v2 =	vor.u32 v1, v2;
	_ =	sdelay $0x4  }
0x1c0: {  	v2 =	vld.idx.msk [tilespmem:v2+s16+$0x0], $0xffff;
	_ =	sdelay $0x4  }
0x1c1: {  	[tilespmem:s0+$0x420] =	vst v2  }
0x1c2: {  	v2 =	vld [tilespmem:$0x10B0];
	_ =	sdelay $0x4  }
0x1c3: {  	v59 =	vshll.u32 v2, $0x3  }
0x1c4: {  	v3 =	vand.u32 $0xFFFFFC00, v59  }
0x1c5: {  	v2 =	vand.u32 $0x7F, v2;
	v3 =	vadd.s32 v0, v3  }
0x1c6: {  	v2 =	vor.u32 v2, v3  }
0x1c7: {  	v2 =	vor.u32 v1, v2;
	_ =	sdelay $0x4  }
0x1c8: {  	v2 =	vld.idx.msk [tilespmem:v2+s16+$0x0], $0xffff;
	_ =	sdelay $0x4  }
0x1c9: {  	[tilespmem:s0+$0x430] =	vst v2  }
0x1ca: {  	v2 =	vld [tilespmem:$0x10C0];
	_ =	sdelay $0x4  }
0x1cb: {  	v60 =	vshll.u32 v2, $0x3  }
0x1cc: {  	v3 =	vand.u32 $0xFFFFFC00, v60  }
0x1cd: {  	v2 =	vand.u32 $0x7F, v2;
	v3 =	vadd.s32 v0, v3  }
0x1ce: {  	v2 =	vor.u32 v2, v3  }
0x1cf: {  	v2 =	vor.u32 v1, v2;
	_ =	sdelay $0x4  }
0x1d0: {  	v2 =	vld.idx.msk [tilespmem:v2+s16+$0x0], $0xffff;
	_ =	sdelay $0x4  }
0x1d1: {  	[tilespmem:s0+$0x440] =	vst v2  }
0x1d2: {  	v2 =	vld [tilespmem:$0x10D0];
	_ =	sdelay $0x4  }
0x1d3: {  	v61 =	vshll.u32 v2, $0x3  }
0x1d4: {  	v3 =	vand.u32 $0xFFFFFC00, v61  }
0x1d5: {  	v2 =	vand.u32 $0x7F, v2;
	v3 =	vadd.s32 v0, v3  }
0x1d6: {  	v2 =	vor.u32 v2, v3  }
0x1d7: {  	v2 =	vor.u32 v1, v2;
	_ =	sdelay $0x4  }
0x1d8: {  	v2 =	vld.idx.msk [tilespmem:v2+s16+$0x0], $0xffff;
	_ =	sdelay $0x4  }
0x1d9: {  	[tilespmem:s0+$0x450] =	vst v2  }
0x1da: {  	v2 =	vld [tilespmem:$0x10E0];
	_ =	sdelay $0x4  }
0x1db: {  	v62 =	vshll.u32 v2, $0x3  }
0x1dc: {  	v3 =	vand.u32 $0xFFFFFC00, v62  }
0x1dd: {  	v2 =	vand.u32 $0x7F, v2;
	v3 =	vadd.s32 v0, v3  }
0x1de: {  	v2 =	vor.u32 v2, v3  }
0x1df: {  	v2 =	vor.u32 v1, v2;
	_ =	sdelay $0x4  }
0x1e0: {  	v2 =	vld.idx.msk [tilespmem:v2+s16+$0x0], $0xffff;
	_ =	sdelay $0x4  }
0x1e1: {  	[tilespmem:s0+$0x460] =	vst v2  }
0x1e2: {  	v2 =	vld [tilespmem:$0x10F0];
	_ =	sdelay $0x4  }
0x1e3: {  	v63 =	vshll.u32 v2, $0x3  }
0x1e4: {  	v3 =	vand.u32 $0xFFFFFC00, v63  }
0x1e5: {  	v2 =	vand.u32 $0x7F, v2;
	v0 =	vadd.s32 v0, v3  }
0x1e6: {  	v0 =	vor.u32 v2, v0  }
0x1e7: {  	v0 =	vor.u32 v1, v0;
	_ =	sdelay $0x4  }
0x1e8: {  	p0 =	sne.s32 s1, $0x1F;
	v0 =	vld.idx.msk [tilespmem:v0+s16+$0x0], $0xffff  }
.Ltmp2:
0x1e9: {  	_ = 	snop;
	(pc) =	sbr.rel @p0 .LBB2_6-.Ltmp2, $2  }
0x1ea: {  	_ =	sdelay $0x2  }
0x1eb: {  	s31 =	sadd.s32 $0x80, s31;
	s30 =	sadd.s32 $0x100, s30;
	s1 =	sadd.s32 $0x1, s1;
	[tilespmem:s0+$0x470] =	vst v0  }
0x1ec: {  	s30 =	simm.s32 $0x0  }
0x1ed: {  	[hbm4b:s22+s30] =	stream.linear.scatter [tilespmem:s18], [sflag:$0x3], $0x2000, $0x38;
	[tilespmem:$0x15100] =	vst v63  }
0x1ee: {  	_ = 	snop  }
0x1ef: {  	[tilespmem:s16], [sflag:$0x1] =	stream.linear.gather [hbm4b:s12+s30], $0x8000, $0x38;
	[tilespmem:$0x15100] =	vst v63  }
0x1f0: {  	_ =	swait.ge [sflag:s19], $0x8000  }
0x1f1: {  	[sflag:s19] =	ssyncset.done $0x0  }
0x1f2: {  	[sflag:s19] =	ssyncadd.s32 $0xFFFF8000  }
0x1f3: {  	_ =	swait.ge [sflag:s28], $0x2000  }
0x1f4: {  	[sflag:s28] =	ssyncset.done $0x0  }
0x1f5: {  	s31 =	simm.s32 $0x0;
	s1 =	simm.s32 $0x0;
	[sflag:s28] =	ssyncadd.s32 $0xFFFFE000  }
.LBB2_8:
0x1f6: {  	v1 =	vld [tilespmem:$0x1000];
	_ =	sdelay $0x3  }
0x1f7: {  	v2 =	vmov s1  }
0x1f8: {  	v0 =	vshll.u32 v2, $0xA;
	v3 =	vshll.u32 v1, $0x3  }
0x1f9: {  	v0 =	vand.u32 $0x6000, v0;
	v3 =	vand.u32 $0xFFFFFC00, v3  }
0x1fa: {  	v47 =	vshll.u32 v2, $0x7;
	v4 =	vand.u32 $0x7F, v1;
	v3 =	vadd.s32 v0, v3  }
0x1fb: {  	v1 =	vand.u32 $0x380, v47;
	v48 =	vor.u32 v4, v3  }
0x1fc: {  	v2 =	vor.u32 v1, v48;
	_ =	sdelay $0x4  }
0x1fd: {  	v2 =	vld.idx.msk [tilespmem:v2+s17+$0x0], $0xffff;
	_ =	sdelay $0x2  }
0x1fe: {  	s0 =	sand.u32 $0x1800, s30;
	s2 =	sand.u32 $0x380, s31  }
0x1ff: {  	s0 =	sor.u32 s2, s0  }
0x200: {  	[tilespmem:s0+$0x13100] =	vst v2  }
0x201: {  	v2 =	vld [tilespmem:$0x1010];
	_ =	sdelay $0x4  }
0x202: {  	v49 =	vshll.u32 v2, $0x3  }
0x203: {  	v3 =	vand.u32 $0xFFFFFC00, v49  }
0x204: {  	v2 =	vand.u32 $0x7F, v2;
	v3 =	vadd.s32 v0, v3  }
0x205: {  	v2 =	vor.u32 v2, v3  }
0x206: {  	v2 =	vor.u32 v1, v2;
	_ =	sdelay $0x4  }
0x207: {  	v2 =	vld.idx.msk [tilespmem:v2+s17+$0x0], $0xffff;
	_ =	sdelay $0x3  }
0x208: {  	s0 =	sadd.s32 $0x13100, s0  }
0x209: {  	[tilespmem:s0+$0x10] =	vst v2  }
0x20a: {  	v2 =	vld [tilespmem:$0x1020];
	_ =	sdelay $0x4  }
0x20b: {  	v50 =	vshll.u32 v2, $0x3  }
0x20c: {  	v3 =	vand.u32 $0xFFFFFC00, v50  }
0x20d: {  	v2 =	vand.u32 $0x7F, v2;
	v3 =	vadd.s32 v0, v3  }
0x20e: {  	v2 =	vor.u32 v2, v3  }
0x20f: {  	v2 =	vor.u32 v1, v2;
	_ =	sdelay $0x4  }
0x210: {  	v2 =	vld.idx.msk [tilespmem:v2+s17+$0x0], $0xffff;
	_ =	sdelay $0x4  }
0x211: {  	[tilespmem:s0+$0x20] =	vst v2  }
0x212: {  	v2 =	vld [tilespmem:$0x1030];
	_ =	sdelay $0x4  }
0x213: {  	v51 =	vshll.u32 v2, $0x3  }
0x214: {  	v3 =	vand.u32 $0xFFFFFC00, v51  }
0x215: {  	v2 =	vand.u32 $0x7F, v2;
	v3 =	vadd.s32 v0, v3  }
0x216: {  	v2 =	vor.u32 v2, v3  }
0x217: {  	v2 =	vor.u32 v1, v2;
	_ =	sdelay $0x4  }
0x218: {  	v2 =	vld.idx.msk [tilespmem:v2+s17+$0x0], $0xffff;
	_ =	sdelay $0x4  }
0x219: {  	[tilespmem:s0+$0x30] =	vst v2  }
0x21a: {  	v2 =	vld [tilespmem:$0x1040];
	_ =	sdelay $0x4  }
0x21b: {  	v52 =	vshll.u32 v2, $0x3  }
0x21c: {  	v3 =	vand.u32 $0xFFFFFC00, v52  }
0x21d: {  	v2 =	vand.u32 $0x7F, v2;
	v3 =	vadd.s32 v0, v3  }
0x21e: {  	v2 =	vor.u32 v2, v3  }
0x21f: {  	v2 =	vor.u32 v1, v2;
	_ =	sdelay $0x4  }
0x220: {  	v2 =	vld.idx.msk [tilespmem:v2+s17+$0x0], $0xffff;
	_ =	sdelay $0x4  }
0x221: {  	[tilespmem:s0+$0x40] =	vst v2  }
0x222: {  	v2 =	vld [tilespmem:$0x1050];
	_ =	sdelay $0x4  }
0x223: {  	v53 =	vshll.u32 v2, $0x3  }
0x224: {  	v3 =	vand.u32 $0xFFFFFC00, v53  }
0x225: {  	v2 =	vand.u32 $0x7F, v2;
	v3 =	vadd.s32 v0, v3  }
0x226: {  	v2 =	vor.u32 v2, v3  }
0x227: {  	v2 =	vor.u32 v1, v2;
	_ =	sdelay $0x4  }
0x228: {  	v2 =	vld.idx.msk [tilespmem:v2+s17+$0x0], $0xffff;
	_ =	sdelay $0x4  }
0x229: {  	[tilespmem:s0+$0x50] =	vst v2  }
0x22a: {  	v2 =	vld [tilespmem:$0x1060];
	_ =	sdelay $0x4  }
0x22b: {  	v54 =	vshll.u32 v2, $0x3  }
0x22c: {  	v3 =	vand.u32 $0xFFFFFC00, v54  }
0x22d: {  	v2 =	vand.u32 $0x7F, v2;
	v3 =	vadd.s32 v0, v3  }
0x22e: {  	v2 =	vor.u32 v2, v3  }
0x22f: {  	v2 =	vor.u32 v1, v2;
	_ =	sdelay $0x4  }
0x230: {  	v2 =	vld.idx.msk [tilespmem:v2+s17+$0x0], $0xffff;
	_ =	sdelay $0x4  }
0x231: {  	[tilespmem:s0+$0x60] =	vst v2  }
0x232: {  	v2 =	vld [tilespmem:$0x1070];
	_ =	sdelay $0x4  }
0x233: {  	v55 =	vshll.u32 v2, $0x3  }
0x234: {  	v3 =	vand.u32 $0xFFFFFC00, v55  }
0x235: {  	v2 =	vand.u32 $0x7F, v2;
	v3 =	vadd.s32 v0, v3  }
0x236: {  	v2 =	vor.u32 v2, v3  }
0x237: {  	v2 =	vor.u32 v1, v2;
	_ =	sdelay $0x4  }
0x238: {  	v2 =	vld.idx.msk [tilespmem:v2+s17+$0x0], $0xffff;
	_ =	sdelay $0x4  }
0x239: {  	[tilespmem:s0+$0x70] =	vst v2  }
0x23a: {  	v2 =	vld [tilespmem:$0x1080];
	_ =	sdelay $0x4  }
0x23b: {  	v56 =	vshll.u32 v2, $0x3  }
0x23c: {  	v3 =	vand.u32 $0xFFFFFC00, v56  }
0x23d: {  	v2 =	vand.u32 $0x7F, v2;
	v3 =	vadd.s32 v0, v3  }
0x23e: {  	v2 =	vor.u32 v2, v3  }
0x23f: {  	v2 =	vor.u32 v1, v2;
	_ =	sdelay $0x4  }
0x240: {  	v2 =	vld.idx.msk [tilespmem:v2+s17+$0x0], $0xffff;
	_ =	sdelay $0x4  }
0x241: {  	[tilespmem:s0+$0x400] =	vst v2  }
0x242: {  	v2 =	vld [tilespmem:$0x1090];
	_ =	sdelay $0x4  }
0x243: {  	v57 =	vshll.u32 v2, $0x3  }
0x244: {  	v3 =	vand.u32 $0xFFFFFC00, v57  }
0x245: {  	v2 =	vand.u32 $0x7F, v2;
	v3 =	vadd.s32 v0, v3  }
0x246: {  	v2 =	vor.u32 v2, v3  }
0x247: {  	v2 =	vor.u32 v1, v2;
	_ =	sdelay $0x4  }
0x248: {  	v2 =	vld.idx.msk [tilespmem:v2+s17+$0x0], $0xffff;
	_ =	sdelay $0x4  }
0x249: {  	[tilespmem:s0+$0x410] =	vst v2  }
0x24a: {  	v2 =	vld [tilespmem:$0x10A0];
	_ =	sdelay $0x4  }
0x24b: {  	v58 =	vshll.u32 v2, $0x3  }
0x24c: {  	v3 =	vand.u32 $0xFFFFFC00, v58  }
0x24d: {  	v2 =	vand.u32 $0x7F, v2;
	v3 =	vadd.s32 v0, v3  }
0x24e: {  	v2 =	vor.u32 v2, v3  }
0x24f: {  	v2 =	vor.u32 v1, v2;
	_ =	sdelay $0x4  }
0x250: {  	v2 =	vld.idx.msk [tilespmem:v2+s17+$0x0], $0xffff;
	_ =	sdelay $0x4  }
0x251: {  	[tilespmem:s0+$0x420] =	vst v2  }
0x252: {  	v2 =	vld [tilespmem:$0x10B0];
	_ =	sdelay $0x4  }
0x253: {  	v59 =	vshll.u32 v2, $0x3  }
0x254: {  	v3 =	vand.u32 $0xFFFFFC00, v59  }
0x255: {  	v2 =	vand.u32 $0x7F, v2;
	v3 =	vadd.s32 v0, v3  }
0x256: {  	v2 =	vor.u32 v2, v3  }
0x257: {  	v2 =	vor.u32 v1, v2;
	_ =	sdelay $0x4  }
0x258: {  	v2 =	vld.idx.msk [tilespmem:v2+s17+$0x0], $0xffff;
	_ =	sdelay $0x4  }
0x259: {  	[tilespmem:s0+$0x430] =	vst v2  }
0x25a: {  	v2 =	vld [tilespmem:$0x10C0];
	_ =	sdelay $0x4  }
0x25b: {  	v60 =	vshll.u32 v2, $0x3  }
0x25c: {  	v3 =	vand.u32 $0xFFFFFC00, v60  }
0x25d: {  	v2 =	vand.u32 $0x7F, v2;
	v3 =	vadd.s32 v0, v3  }
0x25e: {  	v2 =	vor.u32 v2, v3  }
0x25f: {  	v2 =	vor.u32 v1, v2;
	_ =	sdelay $0x4  }
0x260: {  	v2 =	vld.idx.msk [tilespmem:v2+s17+$0x0], $0xffff;
	_ =	sdelay $0x4  }
0x261: {  	[tilespmem:s0+$0x440] =	vst v2  }
0x262: {  	v2 =	vld [tilespmem:$0x10D0];
	_ =	sdelay $0x4  }
0x263: {  	v61 =	vshll.u32 v2, $0x3  }
0x264: {  	v3 =	vand.u32 $0xFFFFFC00, v61  }
0x265: {  	v2 =	vand.u32 $0x7F, v2;
	v3 =	vadd.s32 v0, v3  }
0x266: {  	v2 =	vor.u32 v2, v3  }
0x267: {  	v2 =	vor.u32 v1, v2;
	_ =	sdelay $0x4  }
0x268: {  	v2 =	vld.idx.msk [tilespmem:v2+s17+$0x0], $0xffff;
	_ =	sdelay $0x4  }
0x269: {  	[tilespmem:s0+$0x450] =	vst v2  }
0x26a: {  	v2 =	vld [tilespmem:$0x10E0];
	_ =	sdelay $0x4  }
0x26b: {  	v62 =	vshll.u32 v2, $0x3  }
0x26c: {  	v3 =	vand.u32 $0xFFFFFC00, v62  }
0x26d: {  	v2 =	vand.u32 $0x7F, v2;
	v3 =	vadd.s32 v0, v3  }
0x26e: {  	v2 =	vor.u32 v2, v3  }
0x26f: {  	v2 =	vor.u32 v1, v2;
	_ =	sdelay $0x4  }
0x270: {  	v2 =	vld.idx.msk [tilespmem:v2+s17+$0x0], $0xffff;
	_ =	sdelay $0x4  }
0x271: {  	[tilespmem:s0+$0x460] =	vst v2  }
0x272: {  	v2 =	vld [tilespmem:$0x10F0];
	_ =	sdelay $0x4  }
0x273: {  	v63 =	vshll.u32 v2, $0x3  }
0x274: {  	v3 =	vand.u32 $0xFFFFFC00, v63  }
0x275: {  	v2 =	vand.u32 $0x7F, v2;
	v0 =	vadd.s32 v0, v3  }
0x276: {  	v0 =	vor.u32 v2, v0  }
0x277: {  	v0 =	vor.u32 v1, v0;
	_ =	sdelay $0x4  }
0x278: {  	p0 =	sne.s32 s1, $0x1F;
	v0 =	vld.idx.msk [tilespmem:v0+s17+$0x0], $0xffff  }
.Ltmp3:
0x279: {  	_ = 	snop;
	(pc) =	sbr.rel @p0 .LBB2_8-.Ltmp3, $2  }
0x27a: {  	_ =	sdelay $0x2  }
0x27b: {  	s31 =	sadd.s32 $0x80, s31;
	s30 =	sadd.s32 $0x100, s30;
	s1 =	sadd.s32 $0x1, s1;
	[tilespmem:s0+$0x470] =	vst v0  }
0x27c: {  	s30 =	simm.s32 $0x0  }
0x27d: {  	[hbm4b:s23+s30] =	stream.linear.scatter [tilespmem:s21], [sflag:$0x4], $0x2000, $0x38;
	[tilespmem:$0x15100] =	vst v63  }
0x27e: {  	_ = 	snop  }
0x27f: {  	[tilespmem:s17], [sflag:$0x2] =	stream.linear.gather [hbm4b:s13+s30], $0x8000, $0x38;
	[tilespmem:$0x15100] =	vst v63  }
0x280: {  	_ =	swait.ge [sflag:s4], $0x8000  }
0x281: {  	[sflag:s4] =	ssyncset.done $0x0  }
0x282: {  	[sflag:s4] =	ssyncadd.s32 $0xFFFF8000  }
0x283: {  	_ =	swait.ge [sflag:s26], $0x2000  }
0x284: {  	[sflag:s26] =	ssyncset.done $0x0  }
0x285: {  	s31 =	simm.s32 $0x0;
	s1 =	simm.s32 $0x0;
	[sflag:s26] =	ssyncadd.s32 $0xFFFFE000  }
.LBB2_10:
0x286: {  	v1 =	vld [tilespmem:$0x1000];
	_ =	sdelay $0x3  }
0x287: {  	v2 =	vmov s1  }
0x288: {  	v0 =	vshll.u32 v2, $0xA;
	v3 =	vshll.u32 v1, $0x3  }
0x289: {  	v0 =	vand.u32 $0x6000, v0;
	v3 =	vand.u32 $0xFFFFFC00, v3  }
0x28a: {  	v47 =	vshll.u32 v2, $0x7;
	v4 =	vand.u32 $0x7F, v1;
	v3 =	vadd.s32 v0, v3  }
0x28b: {  	v1 =	vand.u32 $0x380, v47;
	v48 =	vor.u32 v4, v3  }
0x28c: {  	v2 =	vor.u32 v1, v48;
	_ =	sdelay $0x4  }
0x28d: {  	v2 =	vld.idx.msk [tilespmem:v2+s16+$0x0], $0xffff;
	_ =	sdelay $0x2  }
0x28e: {  	s0 =	sand.u32 $0x1800, s30;
	s2 =	sand.u32 $0x380, s31  }
0x28f: {  	s0 =	sor.u32 s2, s0  }
0x290: {  	[tilespmem:s0+$0x11100] =	vst v2  }
0x291: {  	v2 =	vld [tilespmem:$0x1010];
	_ =	sdelay $0x4  }
0x292: {  	v49 =	vshll.u32 v2, $0x3  }
0x293: {  	v3 =	vand.u32 $0xFFFFFC00, v49  }
0x294: {  	v2 =	vand.u32 $0x7F, v2;
	v3 =	vadd.s32 v0, v3  }
0x295: {  	v2 =	vor.u32 v2, v3  }
0x296: {  	v2 =	vor.u32 v1, v2;
	_ =	sdelay $0x4  }
0x297: {  	v2 =	vld.idx.msk [tilespmem:v2+s16+$0x0], $0xffff;
	_ =	sdelay $0x3  }
0x298: {  	s0 =	sadd.s32 $0x11100, s0  }
0x299: {  	[tilespmem:s0+$0x10] =	vst v2  }
0x29a: {  	v2 =	vld [tilespmem:$0x1020];
	_ =	sdelay $0x4  }
0x29b: {  	v50 =	vshll.u32 v2, $0x3  }
0x29c: {  	v3 =	vand.u32 $0xFFFFFC00, v50  }
0x29d: {  	v2 =	vand.u32 $0x7F, v2;
	v3 =	vadd.s32 v0, v3  }
0x29e: {  	v2 =	vor.u32 v2, v3  }
0x29f: {  	v2 =	vor.u32 v1, v2;
	_ =	sdelay $0x4  }
0x2a0: {  	v2 =	vld.idx.msk [tilespmem:v2+s16+$0x0], $0xffff;
	_ =	sdelay $0x4  }
0x2a1: {  	[tilespmem:s0+$0x20] =	vst v2  }
0x2a2: {  	v2 =	vld [tilespmem:$0x1030];
	_ =	sdelay $0x4  }
0x2a3: {  	v51 =	vshll.u32 v2, $0x3  }
0x2a4: {  	v3 =	vand.u32 $0xFFFFFC00, v51  }
0x2a5: {  	v2 =	vand.u32 $0x7F, v2;
	v3 =	vadd.s32 v0, v3  }
0x2a6: {  	v2 =	vor.u32 v2, v3  }
0x2a7: {  	v2 =	vor.u32 v1, v2;
	_ =	sdelay $0x4  }
0x2a8: {  	v2 =	vld.idx.msk [tilespmem:v2+s16+$0x0], $0xffff;
	_ =	sdelay $0x4  }
0x2a9: {  	[tilespmem:s0+$0x30] =	vst v2  }
0x2aa: {  	v2 =	vld [tilespmem:$0x1040];
	_ =	sdelay $0x4  }
0x2ab: {  	v52 =	vshll.u32 v2, $0x3  }
0x2ac: {  	v3 =	vand.u32 $0xFFFFFC00, v52  }
0x2ad: {  	v2 =	vand.u32 $0x7F, v2;
	v3 =	vadd.s32 v0, v3  }
0x2ae: {  	v2 =	vor.u32 v2, v3  }
0x2af: {  	v2 =	vor.u32 v1, v2;
	_ =	sdelay $0x4  }
0x2b0: {  	v2 =	vld.idx.msk [tilespmem:v2+s16+$0x0], $0xffff;
	_ =	sdelay $0x4  }
0x2b1: {  	[tilespmem:s0+$0x40] =	vst v2  }
0x2b2: {  	v2 =	vld [tilespmem:$0x1050];
	_ =	sdelay $0x4  }
0x2b3: {  	v53 =	vshll.u32 v2, $0x3  }
0x2b4: {  	v3 =	vand.u32 $0xFFFFFC00, v53  }
0x2b5: {  	v2 =	vand.u32 $0x7F, v2;
	v3 =	vadd.s32 v0, v3  }
0x2b6: {  	v2 =	vor.u32 v2, v3  }
0x2b7: {  	v2 =	vor.u32 v1, v2;
	_ =	sdelay $0x4  }
0x2b8: {  	v2 =	vld.idx.msk [tilespmem:v2+s16+$0x0], $0xffff;
	_ =	sdelay $0x4  }
0x2b9: {  	[tilespmem:s0+$0x50] =	vst v2  }
0x2ba: {  	v2 =	vld [tilespmem:$0x1060];
	_ =	sdelay $0x4  }
0x2bb: {  	v54 =	vshll.u32 v2, $0x3  }
0x2bc: {  	v3 =	vand.u32 $0xFFFFFC00, v54  }
0x2bd: {  	v2 =	vand.u32 $0x7F, v2;
	v3 =	vadd.s32 v0, v3  }
0x2be: {  	v2 =	vor.u32 v2, v3  }
0x2bf: {  	v2 =	vor.u32 v1, v2;
	_ =	sdelay $0x4  }
0x2c0: {  	v2 =	vld.idx.msk [tilespmem:v2+s16+$0x0], $0xffff;
	_ =	sdelay $0x4  }
0x2c1: {  	[tilespmem:s0+$0x60] =	vst v2  }
0x2c2: {  	v2 =	vld [tilespmem:$0x1070];
	_ =	sdelay $0x4  }
0x2c3: {  	v55 =	vshll.u32 v2, $0x3  }
0x2c4: {  	v3 =	vand.u32 $0xFFFFFC00, v55  }
0x2c5: {  	v2 =	vand.u32 $0x7F, v2;
	v3 =	vadd.s32 v0, v3  }
0x2c6: {  	v2 =	vor.u32 v2, v3  }
0x2c7: {  	v2 =	vor.u32 v1, v2;
	_ =	sdelay $0x4  }
0x2c8: {  	v2 =	vld.idx.msk [tilespmem:v2+s16+$0x0], $0xffff;
	_ =	sdelay $0x4  }
0x2c9: {  	[tilespmem:s0+$0x70] =	vst v2  }
0x2ca: {  	v2 =	vld [tilespmem:$0x1080];
	_ =	sdelay $0x4  }
0x2cb: {  	v56 =	vshll.u32 v2, $0x3  }
0x2cc: {  	v3 =	vand.u32 $0xFFFFFC00, v56  }
0x2cd: {  	v2 =	vand.u32 $0x7F, v2;
	v3 =	vadd.s32 v0, v3  }
0x2ce: {  	v2 =	vor.u32 v2, v3  }
0x2cf: {  	v2 =	vor.u32 v1, v2;
	_ =	sdelay $0x4  }
0x2d0: {  	v2 =	vld.idx.msk [tilespmem:v2+s16+$0x0], $0xffff;
	_ =	sdelay $0x4  }
0x2d1: {  	[tilespmem:s0+$0x400] =	vst v2  }
0x2d2: {  	v2 =	vld [tilespmem:$0x1090];
	_ =	sdelay $0x4  }
0x2d3: {  	v57 =	vshll.u32 v2, $0x3  }
0x2d4: {  	v3 =	vand.u32 $0xFFFFFC00, v57  }
0x2d5: {  	v2 =	vand.u32 $0x7F, v2;
	v3 =	vadd.s32 v0, v3  }
0x2d6: {  	v2 =	vor.u32 v2, v3  }
0x2d7: {  	v2 =	vor.u32 v1, v2;
	_ =	sdelay $0x4  }
0x2d8: {  	v2 =	vld.idx.msk [tilespmem:v2+s16+$0x0], $0xffff;
	_ =	sdelay $0x4  }
0x2d9: {  	[tilespmem:s0+$0x410] =	vst v2  }
0x2da: {  	v2 =	vld [tilespmem:$0x10A0];
	_ =	sdelay $0x4  }
0x2db: {  	v58 =	vshll.u32 v2, $0x3  }
0x2dc: {  	v3 =	vand.u32 $0xFFFFFC00, v58  }
0x2dd: {  	v2 =	vand.u32 $0x7F, v2;
	v3 =	vadd.s32 v0, v3  }
0x2de: {  	v2 =	vor.u32 v2, v3  }
0x2df: {  	v2 =	vor.u32 v1, v2;
	_ =	sdelay $0x4  }
0x2e0: {  	v2 =	vld.idx.msk [tilespmem:v2+s16+$0x0], $0xffff;
	_ =	sdelay $0x4  }
0x2e1: {  	[tilespmem:s0+$0x420] =	vst v2  }
0x2e2: {  	v2 =	vld [tilespmem:$0x10B0];
	_ =	sdelay $0x4  }
0x2e3: {  	v59 =	vshll.u32 v2, $0x3  }
0x2e4: {  	v3 =	vand.u32 $0xFFFFFC00, v59  }
0x2e5: {  	v2 =	vand.u32 $0x7F, v2;
	v3 =	vadd.s32 v0, v3  }
0x2e6: {  	v2 =	vor.u32 v2, v3  }
0x2e7: {  	v2 =	vor.u32 v1, v2;
	_ =	sdelay $0x4  }
0x2e8: {  	v2 =	vld.idx.msk [tilespmem:v2+s16+$0x0], $0xffff;
	_ =	sdelay $0x4  }
0x2e9: {  	[tilespmem:s0+$0x430] =	vst v2  }
0x2ea: {  	v2 =	vld [tilespmem:$0x10C0];
	_ =	sdelay $0x4  }
0x2eb: {  	v60 =	vshll.u32 v2, $0x3  }
0x2ec: {  	v3 =	vand.u32 $0xFFFFFC00, v60  }
0x2ed: {  	v2 =	vand.u32 $0x7F, v2;
	v3 =	vadd.s32 v0, v3  }
0x2ee: {  	v2 =	vor.u32 v2, v3  }
0x2ef: {  	v2 =	vor.u32 v1, v2;
	_ =	sdelay $0x4  }
0x2f0: {  	v2 =	vld.idx.msk [tilespmem:v2+s16+$0x0], $0xffff;
	_ =	sdelay $0x4  }
0x2f1: {  	[tilespmem:s0+$0x440] =	vst v2  }
0x2f2: {  	v2 =	vld [tilespmem:$0x10D0];
	_ =	sdelay $0x4  }
0x2f3: {  	v61 =	vshll.u32 v2, $0x3  }
0x2f4: {  	v3 =	vand.u32 $0xFFFFFC00, v61  }
0x2f5: {  	v2 =	vand.u32 $0x7F, v2;
	v3 =	vadd.s32 v0, v3  }
0x2f6: {  	v2 =	vor.u32 v2, v3  }
0x2f7: {  	v2 =	vor.u32 v1, v2;
	_ =	sdelay $0x4  }
0x2f8: {  	v2 =	vld.idx.msk [tilespmem:v2+s16+$0x0], $0xffff;
	_ =	sdelay $0x4  }
0x2f9: {  	[tilespmem:s0+$0x450] =	vst v2  }
0x2fa: {  	v2 =	vld [tilespmem:$0x10E0];
	_ =	sdelay $0x4  }
0x2fb: {  	v62 =	vshll.u32 v2, $0x3  }
0x2fc: {  	v3 =	vand.u32 $0xFFFFFC00, v62  }
0x2fd: {  	v2 =	vand.u32 $0x7F, v2;
	v3 =	vadd.s32 v0, v3  }
0x2fe: {  	v2 =	vor.u32 v2, v3  }
0x2ff: {  	v2 =	vor.u32 v1, v2;
	_ =	sdelay $0x4  }
0x300: {  	v2 =	vld.idx.msk [tilespmem:v2+s16+$0x0], $0xffff;
	_ =	sdelay $0x4  }
0x301: {  	[tilespmem:s0+$0x460] =	vst v2  }
0x302: {  	v2 =	vld [tilespmem:$0x10F0];
	_ =	sdelay $0x4  }
0x303: {  	v63 =	vshll.u32 v2, $0x3  }
0x304: {  	v3 =	vand.u32 $0xFFFFFC00, v63  }
0x305: {  	v2 =	vand.u32 $0x7F, v2;
	v0 =	vadd.s32 v0, v3  }
0x306: {  	v0 =	vor.u32 v2, v0  }
0x307: {  	v0 =	vor.u32 v1, v0;
	_ =	sdelay $0x4  }
0x308: {  	p0 =	sne.s32 s1, $0x1F;
	v0 =	vld.idx.msk [tilespmem:v0+s16+$0x0], $0xffff  }
.Ltmp4:
0x309: {  	_ = 	snop;
	(pc) =	sbr.rel @p0 .LBB2_10-.Ltmp4, $2  }
0x30a: {  	_ =	sdelay $0x2  }
0x30b: {  	s31 =	sadd.s32 $0x80, s31;
	s30 =	sadd.s32 $0x100, s30;
	s1 =	sadd.s32 $0x1, s1;
	[tilespmem:s0+$0x470] =	vst v0  }
0x30c: {  	s30 =	simm.s32 $0x0  }
0x30d: {  	[hbm4b:s24+s30] =	stream.linear.scatter [tilespmem:s18], [sflag:$0x3], $0x2000, $0x38;
	[tilespmem:$0x15100] =	vst v63  }
0x30e: {  	_ =	swait.ge [sflag:s19], $0x8000  }
0x30f: {  	[sflag:s19] =	ssyncset.done $0x0  }
0x310: {  	[sflag:s19] =	ssyncadd.s32 $0xFFFF8000  }
0x311: {  	_ =	swait.ge [sflag:s28], $0x2000  }
0x312: {  	[sflag:s28] =	ssyncset.done $0x0  }
0x313: {  	s31 =	simm.s32 $0x0;
	s1 =	simm.s32 $0x0;
	[sflag:s28] =	ssyncadd.s32 $0xFFFFE000  }
.LBB2_12:
0x314: {  	v1 =	vld [tilespmem:$0x1000];
	_ =	sdelay $0x3  }
0x315: {  	v2 =	vmov s1  }
0x316: {  	v0 =	vshll.u32 v2, $0xA;
	v3 =	vshll.u32 v1, $0x3  }
0x317: {  	v0 =	vand.u32 $0x6000, v0;
	v3 =	vand.u32 $0xFFFFFC00, v3  }
0x318: {  	v47 =	vshll.u32 v2, $0x7;
	v4 =	vand.u32 $0x7F, v1;
	v3 =	vadd.s32 v0, v3  }
0x319: {  	v1 =	vand.u32 $0x380, v47;
	v48 =	vor.u32 v4, v3  }
0x31a: {  	v2 =	vor.u32 v1, v48;
	_ =	sdelay $0x4  }
0x31b: {  	v2 =	vld.idx.msk [tilespmem:v2+s17+$0x0], $0xffff;
	_ =	sdelay $0x2  }
0x31c: {  	s0 =	sand.u32 $0x1800, s30;
	s2 =	sand.u32 $0x380, s31  }
0x31d: {  	s0 =	sor.u32 s2, s0  }
0x31e: {  	[tilespmem:s0+$0x13100] =	vst v2  }
0x31f: {  	v2 =	vld [tilespmem:$0x1010];
	_ =	sdelay $0x4  }
0x320: {  	v49 =	vshll.u32 v2, $0x3  }
0x321: {  	v3 =	vand.u32 $0xFFFFFC00, v49  }
0x322: {  	v2 =	vand.u32 $0x7F, v2;
	v3 =	vadd.s32 v0, v3  }
0x323: {  	v2 =	vor.u32 v2, v3  }
0x324: {  	v2 =	vor.u32 v1, v2;
	_ =	sdelay $0x4  }
0x325: {  	v2 =	vld.idx.msk [tilespmem:v2+s17+$0x0], $0xffff;
	_ =	sdelay $0x3  }
0x326: {  	s0 =	sadd.s32 $0x13100, s0  }
0x327: {  	[tilespmem:s0+$0x10] =	vst v2  }
0x328: {  	v2 =	vld [tilespmem:$0x1020];
	_ =	sdelay $0x4  }
0x329: {  	v50 =	vshll.u32 v2, $0x3  }
0x32a: {  	v3 =	vand.u32 $0xFFFFFC00, v50  }
0x32b: {  	v2 =	vand.u32 $0x7F, v2;
	v3 =	vadd.s32 v0, v3  }
0x32c: {  	v2 =	vor.u32 v2, v3  }
0x32d: {  	v2 =	vor.u32 v1, v2;
	_ =	sdelay $0x4  }
0x32e: {  	v2 =	vld.idx.msk [tilespmem:v2+s17+$0x0], $0xffff;
	_ =	sdelay $0x4  }
0x32f: {  	[tilespmem:s0+$0x20] =	vst v2  }
0x330: {  	v2 =	vld [tilespmem:$0x1030];
	_ =	sdelay $0x4  }
0x331: {  	v51 =	vshll.u32 v2, $0x3  }
0x332: {  	v3 =	vand.u32 $0xFFFFFC00, v51  }
0x333: {  	v2 =	vand.u32 $0x7F, v2;
	v3 =	vadd.s32 v0, v3  }
0x334: {  	v2 =	vor.u32 v2, v3  }
0x335: {  	v2 =	vor.u32 v1, v2;
	_ =	sdelay $0x4  }
0x336: {  	v2 =	vld.idx.msk [tilespmem:v2+s17+$0x0], $0xffff;
	_ =	sdelay $0x4  }
0x337: {  	[tilespmem:s0+$0x30] =	vst v2  }
0x338: {  	v2 =	vld [tilespmem:$0x1040];
	_ =	sdelay $0x4  }
0x339: {  	v52 =	vshll.u32 v2, $0x3  }
0x33a: {  	v3 =	vand.u32 $0xFFFFFC00, v52  }
0x33b: {  	v2 =	vand.u32 $0x7F, v2;
	v3 =	vadd.s32 v0, v3  }
0x33c: {  	v2 =	vor.u32 v2, v3  }
0x33d: {  	v2 =	vor.u32 v1, v2;
	_ =	sdelay $0x4  }
0x33e: {  	v2 =	vld.idx.msk [tilespmem:v2+s17+$0x0], $0xffff;
	_ =	sdelay $0x4  }
0x33f: {  	[tilespmem:s0+$0x40] =	vst v2  }
0x340: {  	v2 =	vld [tilespmem:$0x1050];
	_ =	sdelay $0x4  }
0x341: {  	v53 =	vshll.u32 v2, $0x3  }
0x342: {  	v3 =	vand.u32 $0xFFFFFC00, v53  }
0x343: {  	v2 =	vand.u32 $0x7F, v2;
	v3 =	vadd.s32 v0, v3  }
0x344: {  	v2 =	vor.u32 v2, v3  }
0x345: {  	v2 =	vor.u32 v1, v2;
	_ =	sdelay $0x4  }
0x346: {  	v2 =	vld.idx.msk [tilespmem:v2+s17+$0x0], $0xffff;
	_ =	sdelay $0x4  }
0x347: {  	[tilespmem:s0+$0x50] =	vst v2  }
0x348: {  	v2 =	vld [tilespmem:$0x1060];
	_ =	sdelay $0x4  }
0x349: {  	v54 =	vshll.u32 v2, $0x3  }
0x34a: {  	v3 =	vand.u32 $0xFFFFFC00, v54  }
0x34b: {  	v2 =	vand.u32 $0x7F, v2;
	v3 =	vadd.s32 v0, v3  }
0x34c: {  	v2 =	vor.u32 v2, v3  }
0x34d: {  	v2 =	vor.u32 v1, v2;
	_ =	sdelay $0x4  }
0x34e: {  	v2 =	vld.idx.msk [tilespmem:v2+s17+$0x0], $0xffff;
	_ =	sdelay $0x4  }
0x34f: {  	[tilespmem:s0+$0x60] =	vst v2  }
0x350: {  	v2 =	vld [tilespmem:$0x1070];
	_ =	sdelay $0x4  }
0x351: {  	v55 =	vshll.u32 v2, $0x3  }
0x352: {  	v3 =	vand.u32 $0xFFFFFC00, v55  }
0x353: {  	v2 =	vand.u32 $0x7F, v2;
	v3 =	vadd.s32 v0, v3  }
0x354: {  	v2 =	vor.u32 v2, v3  }
0x355: {  	v2 =	vor.u32 v1, v2;
	_ =	sdelay $0x4  }
0x356: {  	v2 =	vld.idx.msk [tilespmem:v2+s17+$0x0], $0xffff;
	_ =	sdelay $0x4  }
0x357: {  	[tilespmem:s0+$0x70] =	vst v2  }
0x358: {  	v2 =	vld [tilespmem:$0x1080];
	_ =	sdelay $0x4  }
0x359: {  	v56 =	vshll.u32 v2, $0x3  }
0x35a: {  	v3 =	vand.u32 $0xFFFFFC00, v56  }
0x35b: {  	v2 =	vand.u32 $0x7F, v2;
	v3 =	vadd.s32 v0, v3  }
0x35c: {  	v2 =	vor.u32 v2, v3  }
0x35d: {  	v2 =	vor.u32 v1, v2;
	_ =	sdelay $0x4  }
0x35e: {  	v2 =	vld.idx.msk [tilespmem:v2+s17+$0x0], $0xffff;
	_ =	sdelay $0x4  }
0x35f: {  	[tilespmem:s0+$0x400] =	vst v2  }
0x360: {  	v2 =	vld [tilespmem:$0x1090];
	_ =	sdelay $0x4  }
0x361: {  	v57 =	vshll.u32 v2, $0x3  }
0x362: {  	v3 =	vand.u32 $0xFFFFFC00, v57  }
0x363: {  	v2 =	vand.u32 $0x7F, v2;
	v3 =	vadd.s32 v0, v3  }
0x364: {  	v2 =	vor.u32 v2, v3  }
0x365: {  	v2 =	vor.u32 v1, v2;
	_ =	sdelay $0x4  }
0x366: {  	v2 =	vld.idx.msk [tilespmem:v2+s17+$0x0], $0xffff;
	_ =	sdelay $0x4  }
0x367: {  	[tilespmem:s0+$0x410] =	vst v2  }
0x368: {  	v2 =	vld [tilespmem:$0x10A0];
	_ =	sdelay $0x4  }
0x369: {  	v58 =	vshll.u32 v2, $0x3  }
0x36a: {  	v3 =	vand.u32 $0xFFFFFC00, v58  }
0x36b: {  	v2 =	vand.u32 $0x7F, v2;
	v3 =	vadd.s32 v0, v3  }
0x36c: {  	v2 =	vor.u32 v2, v3  }
0x36d: {  	v2 =	vor.u32 v1, v2;
	_ =	sdelay $0x4  }
0x36e: {  	v2 =	vld.idx.msk [tilespmem:v2+s17+$0x0], $0xffff;
	_ =	sdelay $0x4  }
0x36f: {  	[tilespmem:s0+$0x420] =	vst v2  }
0x370: {  	v2 =	vld [tilespmem:$0x10B0];
	_ =	sdelay $0x4  }
0x371: {  	v59 =	vshll.u32 v2, $0x3  }
0x372: {  	v3 =	vand.u32 $0xFFFFFC00, v59  }
0x373: {  	v2 =	vand.u32 $0x7F, v2;
	v3 =	vadd.s32 v0, v3  }
0x374: {  	v2 =	vor.u32 v2, v3  }
0x375: {  	v2 =	vor.u32 v1, v2;
	_ =	sdelay $0x4  }
0x376: {  	v2 =	vld.idx.msk [tilespmem:v2+s17+$0x0], $0xffff;
	_ =	sdelay $0x4  }
0x377: {  	[tilespmem:s0+$0x430] =	vst v2  }
0x378: {  	v2 =	vld [tilespmem:$0x10C0];
	_ =	sdelay $0x4  }
0x379: {  	v60 =	vshll.u32 v2, $0x3  }
0x37a: {  	v3 =	vand.u32 $0xFFFFFC00, v60  }
0x37b: {  	v2 =	vand.u32 $0x7F, v2;
	v3 =	vadd.s32 v0, v3  }
0x37c: {  	v2 =	vor.u32 v2, v3  }
0x37d: {  	v2 =	vor.u32 v1, v2;
	_ =	sdelay $0x4  }
0x37e: {  	v2 =	vld.idx.msk [tilespmem:v2+s17+$0x0], $0xffff;
	_ =	sdelay $0x4  }
0x37f: {  	[tilespmem:s0+$0x440] =	vst v2  }
0x380: {  	v2 =	vld [tilespmem:$0x10D0];
	_ =	sdelay $0x4  }
0x381: {  	v61 =	vshll.u32 v2, $0x3  }
0x382: {  	v3 =	vand.u32 $0xFFFFFC00, v61  }
0x383: {  	v2 =	vand.u32 $0x7F, v2;
	v3 =	vadd.s32 v0, v3  }
0x384: {  	v2 =	vor.u32 v2, v3  }
0x385: {  	v2 =	vor.u32 v1, v2;
	_ =	sdelay $0x4  }
0x386: {  	v2 =	vld.idx.msk [tilespmem:v2+s17+$0x0], $0xffff;
	_ =	sdelay $0x4  }
0x387: {  	[tilespmem:s0+$0x450] =	vst v2  }
0x388: {  	v2 =	vld [tilespmem:$0x10E0];
	_ =	sdelay $0x4  }
0x389: {  	v62 =	vshll.u32 v2, $0x3  }
0x38a: {  	v3 =	vand.u32 $0xFFFFFC00, v62  }
0x38b: {  	v2 =	vand.u32 $0x7F, v2;
	v3 =	vadd.s32 v0, v3  }
0x38c: {  	v2 =	vor.u32 v2, v3  }
0x38d: {  	v2 =	vor.u32 v1, v2;
	_ =	sdelay $0x4  }
0x38e: {  	v2 =	vld.idx.msk [tilespmem:v2+s17+$0x0], $0xffff;
	_ =	sdelay $0x4  }
0x38f: {  	[tilespmem:s0+$0x460] =	vst v2  }
0x390: {  	v2 =	vld [tilespmem:$0x10F0];
	_ =	sdelay $0x4  }
0x391: {  	v63 =	vshll.u32 v2, $0x3  }
0x392: {  	v3 =	vand.u32 $0xFFFFFC00, v63  }
0x393: {  	v2 =	vand.u32 $0x7F, v2;
	v0 =	vadd.s32 v0, v3  }
0x394: {  	v0 =	vor.u32 v2, v0  }
0x395: {  	v0 =	vor.u32 v1, v0;
	_ =	sdelay $0x4  }
0x396: {  	p0 =	sne.s32 s1, $0x1F;
	v0 =	vld.idx.msk [tilespmem:v0+s17+$0x0], $0xffff  }
.Ltmp5:
0x397: {  	_ = 	snop;
	(pc) =	sbr.rel @p0 .LBB2_12-.Ltmp5, $2  }
0x398: {  	_ =	sdelay $0x2  }
0x399: {  	s31 =	sadd.s32 $0x80, s31;
	s30 =	sadd.s32 $0x100, s30;
	s1 =	sadd.s32 $0x1, s1;
	[tilespmem:s0+$0x470] =	vst v0  }
0x39a: {  	[hbm4b:s25+s3] =	stream.linear.scatter [tilespmem:s21], [sflag:$0x4], $0x2000, $0x38;
	[tilespmem:$0x15100] =	vst v63  }
0x39b: {  	s29 =	sadd.s32 $0x1, s29  }
0x39c: {  	_ =	swait.ge [sflag:s26], $0x2000;
	p0 =	sne.s32 s29, s14  }
.Ltmp6:
0x39d: {  	[sflag:s26] =	ssyncset.done $0x0;
	(pc) =	sbr.rel @p0 .LBB2_1-.Ltmp6, $4  }
0x39e: {  	[sflag:s26] =	ssyncadd.s32 $0xFFFFE000  }
0x39f: {  	_ =	swait.ge [sflag:s28], $0x2000  }
0x3a0: {  	[sflag:s28] =	ssyncset.done $0x0  }
0x3a1: {  	[sflag:s28] =	ssyncadd.s32 $0xFFFFE000  }
0x3a2: {  	_ =	sfence.sel $0x180000  }
0x3a3: {  	[bflag:$0x0] =	sbarrier.arrive $0xFFFF  }
0x3a4: {  	_ =	strace $0x90000047  }
0x3a5: {  	s0 =	stileid.u32;
	[bflag:$0x2] =	sbarrier.arrive $0xFFFF  }
0x3a6: {  	p0 =	sne.s32 s0, $0x0;
	s0 =	rddreg [dreg:$0x2]  }
0x3a7: {  	s0 =	sadd.s32 @!p0 $0x100000, s0  }
0x3a8: {  	[sflag:s0] =	ssyncadd.tile.s32 @!p0 $0x1;
	_ =	shalt  }
.Lfunc_end2:
_tile_overlayer_lowered:
.L_overlay_start_2:
0x3a9: {  	(tag) =	ssettag $0x2  }
0x3aa: {  	s0 =	rddreg [dreg:$0x0];
	s2 =	stileid.u32  }
0x3ab: {  	s1 =	rddreg [dreg:$0x1];
	p0 =	sne.s32 s2, $0x0  }
0x3ac: {  	s3 =	rddreg [dreg:$0x2];
	[bflag:$0x3] =	sbarrier.arrive $0xFFFF;
	s2 =	simm.s32 @!p0 $0x1C05  }
0x3ad: {  	[timem:s3], [sflag:s2] =	dma.local @!p0 [hbm:s0], s1  }
0x3ae: {  	s0 =	simm.s32 @!p0 $0x5  }
0x3af: {  	_ =	swait.ge @!p0 [sflag:s0], s1  }
0x3b0: {  	s1 =	ssub.s32 @!p0 $0x0, s1;
	[sflag:s0] =	ssyncset.done @!p0 $0x0  }
0x3b1: {  	[sflag:s0] =	ssyncadd.s32 @!p0 s1  }
0x3b2: {  	[bflag:$0x3] =	sbarrier.arrive $0xFFFF  }
0x3b3: {  	_ =	shalt  }

</sc_bundles>
